<compile_context>
chip_gen: v7x
topology: tpu7x:2x2x1
jax: 0.10.2.dev20260603
libtpu: 0.0.44.dev20260713+nightly
codegen_flags: <defaults>
</compile_context>

<pallas_src>
import functools

import jax
import jax.numpy as jnp
from jax import lax
from jax.experimental import pallas as pl
from jax.experimental.pallas import tpu as pltpu
from jax.experimental.pallas import tpu_sc as plsc

_N = 10000
_NPAD = 10240
_E = 320000
_D = 128
_CHUNK = 128
_NTILES = 32
_CPT = 80
_EPT = _CHUNK * _CPT
_EPAD = _NTILES * _EPT
_CPT0 = 136
_CPT1 = 24
_SEG = 56
_SEGS0 = (56, 56, 24)
_SEGS1 = (24, 0, 0)
_RPT = _NPAD // 16
_DEGW = 8
_NBUF = 5
_SLACK = 8
_ECHUNKS = _EPAD // _CHUNK + _SLACK

_mesh = plsc.VectorSubcoreMesh(core_axis_name="c", subcore_axis_name="s")


@functools.partial(
    pl.kernel,
    out_type=jax.ShapeDtypeStruct((2 * _NPAD, _D), jnp.float32),
    mesh=_mesh,
    scratch_types=[
        pltpu.VMEM((_SEG, _CHUNK), jnp.int32),
        pltpu.VMEM((_SEG, _CHUNK), jnp.int32),
        [pltpu.VMEM((_CHUNK, _D), jnp.float32)] * 2,
        [pltpu.SemaphoreType.DMA] * 2,
        pltpu.VMEM_SHARED((_NPAD, _D), jnp.float32),
    ],
)
def _sc_spmm(h_hbm, src_hbm, dst_hbm, zeros_hbm, out_hbm, src_all, dst_all,
             rows, gsem, shared_acc):
    c = lax.axis_index("c")
    s = lax.axis_index("s")

    pltpu.sync_copy(zeros_hbm, rows[0])
    for j in range(_RPT // _CHUNK):
        pltpu.sync_copy(rows[0],
                        shared_acc.at[pl.ds(s * _RPT + j * _CHUNK, _CHUNK)])
    plsc.subcore_barrier()

    def body(t, carry):
        i0 = t * 2
        i1 = t * 2 + 1
        pltpu.async_copy(h_hbm.at[src_all.at[i0]], rows[0], gsem[0]).wait()
        pltpu.async_copy(rows[0], shared_acc.at[dst_all.at[i0]], gsem[1],
                         add=True)
        pltpu.async_copy(h_hbm.at[src_all.at[i1]], rows[1], gsem[0]).wait()
        pltpu.make_async_copy(rows[0], shared_acc.at[dst_all.at[i0]],
                              gsem[1]).wait()
        pltpu.sync_copy(rows[1], shared_acc.at[dst_all.at[i1]], add=True)
        return carry

    tile_base = jnp.where(c == 0, s * _CPT0, 16 * _CPT0 + s * _CPT1)
    seg0 = 0
    for k in range(len(_SEGS0)):
        scnt = jnp.where(c == 0, _SEGS0[k], _SEGS1[k])
        off = jnp.where(c == 0, seg0, _SEGS1[:k] and sum(_SEGS1[:k]) or 0)
        base = tile_base + off
        pltpu.sync_copy(src_hbm.at[pl.ds(base, _SEG)], src_all)
        pltpu.sync_copy(dst_hbm.at[pl.ds(base, _SEG)], dst_all)
        lax.fori_loop(0, scnt // 2, body, 0)
        seg0 += _SEGS0[k]
    plsc.subcore_barrier()
    for j in range(_RPT // _CHUNK):
        r0 = s * _RPT + j * _CHUNK
        pltpu.sync_copy(shared_acc.at[pl.ds(r0, _CHUNK)], rows[0])
        pltpu.sync_copy(rows[0], out_hbm.at[pl.ds(c * _NPAD + r0, _CHUNK)])


_BR = 1024


def _dinv_of(d0, d1):
    return lax.rsqrt(d0[:, 0:1] + d1[:, 0:1] + 1.0)


def _mm1_body(x_ref, w_ref, d0_ref, d1_ref, o_ref):
    dinv = _dinv_of(d0_ref[...], d1_ref[...])
    o_ref[...] = dinv * jnp.dot(x_ref[...], w_ref[...],
                                preferred_element_type=jnp.float32)


def _mm2_body(p0_ref, p1_ref, h1s_ref, d0_ref, d1_ref, w_ref, o_ref):
    dinv = _dinv_of(d0_ref[...], d1_ref[...])
    agg = dinv * (p0_ref[...] + p1_ref[...] + h1s_ref[...])
    h = jnp.maximum(agg, 0.0)
    o_ref[...] = dinv * jnp.dot(h, w_ref[...],
                                preferred_element_type=jnp.float32)


def _final_body(q0_ref, q1_ref, h2s_ref, d0_ref, d1_ref, o_ref):
    dinv = _dinv_of(d0_ref[...], d1_ref[...])
    agg = dinv * (q0_ref[...] + q1_ref[...] + h2s_ref[...])
    m = jnp.max(agg, axis=-1, keepdims=True)
    z = agg - m
    lse = jnp.log(jnp.sum(jnp.exp(z), axis=-1, keepdims=True))
    o_ref[...] = z - lse


def _row_spec(w):
    return pl.BlockSpec((_BR, w), lambda i: (i, 0))


def _full_spec(r, c):
    return pl.BlockSpec((r, c), lambda i: (0, 0))


def _mm1(x_pad, W1, d0, d1):
    return pl.pallas_call(
        _mm1_body,
        grid=(_NPAD // _BR,),
        in_specs=[_row_spec(_D), _full_spec(_D, _D), _row_spec(_D),
                  _row_spec(_D)],
        out_specs=_row_spec(_D),
        out_shape=jax.ShapeDtypeStruct((_NPAD, _D), jnp.float32),
    )(x_pad, W1, d0, d1)


def _mm2(p0, p1, h1s, d0, d1, W2):
    return pl.pallas_call(
        _mm2_body,
        grid=(_NPAD // _BR,),
        in_specs=[_row_spec(_D), _row_spec(_D), _row_spec(_D),
                  _row_spec(_D), _row_spec(_D), _full_spec(_D, _D)],
        out_specs=_row_spec(_D),
        out_shape=jax.ShapeDtypeStruct((_NPAD, _D), jnp.float32),
    )(p0, p1, h1s, d0, d1, W2)


def _final(q0, q1, h2s, d0, d1):
    return pl.pallas_call(
        _final_body,
        grid=(_NPAD // _BR,),
        in_specs=[_row_spec(_D), _row_spec(_D), _row_spec(_D),
                  _row_spec(_D), _row_spec(_D)],
        out_specs=_row_spec(_D),
        out_shape=jax.ShapeDtypeStruct((_NPAD, _D), jnp.float32),
    )(q0, q1, h2s, d0, d1)


def kernel(x, edge_index, W1, W2):
    src = edge_index[0]
    dst = edge_index[1]
    npadE = _ECHUNKS * _CHUNK - _E
    srcp = jnp.concatenate([src, jnp.zeros((npadE,), jnp.int32)])
    dst_flat = jnp.concatenate([dst, jnp.full((npadE,), _NPAD - 1, jnp.int32)])
    srcp = srcp.reshape(_ECHUNKS, _CHUNK)
    dstp = dst_flat.reshape(_ECHUNKS, _CHUNK)
    x_pad = jnp.pad(x, ((0, _NPAD - _N), (0, 0)))
    zeros128 = jnp.zeros((_CHUNK, _D), jnp.float32)
    ones_tab = jnp.ones((_NPAD, _D), jnp.float32)

    DP = _sc_spmm(ones_tab, srcp, dstp, zeros128)
    d0 = DP[:_NPAD]
    d1 = DP[_NPAD:]

    h1s = _mm1(x_pad, W1, d0, d1)
    P = _sc_spmm(h1s, srcp, dstp, zeros128)
    h2s = _mm2(P[:_NPAD], P[_NPAD:], h1s, d0, d1, W2)
    Q = _sc_spmm(h2s, srcp, dstp, zeros128)
    out = _final(Q[:_NPAD], Q[_NPAD:], h2s, d0, d1)
    return out[:_N]

# --- scband reference (transcript-rebuilt; emitter-appended) ---
"""Pipeline reference for scband-gcn-36352603193802 (READ-ONLY COPY).

The authoritative reference and input builder live on the scoring server;
editing this copy changes nothing except your own understanding.
"""

import jax, jax.numpy as jnp
import numpy as np

N = 10000
E = 320000
D_IN = 128
D_HID = 128
D_OUT = 128

def _glorot(key, fan_in, fan_out):
    s = np.sqrt(6.0 / (fan_in + fan_out))
    return jax.random.uniform(key, (fan_in, fan_out), minval=-s, maxval=s, dtype=jnp.float32)

def setup_inputs(seed: int = 0) -> dict:
    key = jax.random.key(seed)
    k1, k2, k3, k4 = jax.random.split(key, 4)
    x = jax.random.normal(k1, (N, D_IN), dtype=jnp.float32)
    edge_index = jax.random.randint(k2, (2, E), 0, N, dtype=jnp.int32)
    W1 = _glorot(k3, D_IN, D_HID)
    W2 = _glorot(k4, D_HID, D_OUT)
    return {"x": x, "edge_index": edge_index, "W1": W1, "W2": W2}

def _gcn_norm(edge_index, n):
    # symmetric GCN normalization with self-loops: D^{-1/2} (A + I) D^{-1/2}
    src = edge_index[0]
    dst = edge_index[1]
    loop = jnp.arange(n, dtype=src.dtype)
    src = jnp.concatenate([src, loop])
    dst = jnp.concatenate([dst, loop])
    deg = jnp.zeros((n,), jnp.float32).at[dst].add(1.0)
    dinv = jnp.where(deg > 0, 1.0 / jnp.sqrt(deg), 0.0)
    w = dinv[src] * dinv[dst]
    return src, dst, w

def _spmm(src, dst, w, h, n):
    # scatter-add aggregation: out[dst] += w * h[src]
    msg = w[:, None] * jnp.take(h, src, axis=0)
    return jnp.zeros((n, h.shape[1]), h.dtype).at[dst].add(msg)

def reference(x, edge_index, W1, W2):
    # world_size=1 -> halo exchange is a no-op; dropout inactive under eval/no_grad
    src, dst, w = _gcn_norm(edge_index, N)
    h = x @ W1
    h = _spmm(src, dst, w, h, N)
    h = jax.nn.relu(h)
    h = h @ W2
    h = _spmm(src, dst, w, h, N)
    return jax.nn.log_softmax(h, axis=-1)

if __name__ == "__main__":
    import jax
    _d = setup_inputs()
    print(jax.jit(kernel)(*tuple(_d.values())))

</pallas_src>

<mosaic_0001>
#map = affine_map<(d0, d1) -> (0, 0)>
module attributes {stable_mosaic.version = 14 : i64} {
  func.func @_sc_spmm(%arg0: i32, %arg1: i32, %arg2: memref<10240x128xf32, #tpu.memory_space<hbm>>, %arg3: memref<2568x128xi32, #tpu.memory_space<hbm>>, %arg4: memref<2568x128xi32, #tpu.memory_space<hbm>>, %arg5: memref<128x128xf32, #tpu.memory_space<hbm>>, %arg6: memref<20480x128xf32, #tpu.memory_space<hbm>>, %arg7: memref<56x128xi32, #tpu.memory_space<vmem>>, %arg8: memref<56x128xi32, #tpu.memory_space<vmem>>, %arg9: memref<128x128xf32, #tpu.memory_space<vmem>>, %arg10: memref<128x128xf32, #tpu.memory_space<vmem>>, %arg11: memref<!tpu.dma_semaphore, #tpu.memory_space<semaphore_mem>>, %arg12: memref<!tpu.dma_semaphore, #tpu.memory_space<semaphore_mem>>, %arg13: memref<10240x128xf32, #tpu.memory_space<vmem_shared>>) attributes {dimension_semantics = [#tpu.dimension_semantics<core_parallel>, #tpu.dimension_semantics<subcore_parallel>], iteration_bounds = array<i64: 2, 16>, scalar_prefetch = 0 : i64, scratch_operands = 7 : i64, tpu.core_type = #tpu.core_type<sc_vector_subcore>, window_params = [{transform_indices = #map}, {transform_indices = #map}, {transform_indices = #map}, {transform_indices = #map}, {transform_indices = #map}]} {
    "tpu.region"() ({
      %run_scoped3A = tpu.sem_alloc : memref<!tpu.dma_semaphore, #tpu.memory_space<semaphore_mem>>
      tpu.enqueue_dma source(%arg5 : memref<128x128xf32, #tpu.memory_space<hbm>>) target(%arg9 : memref<128x128xf32, #tpu.memory_space<vmem>>) target_semaphore(%run_scoped3A : memref<!tpu.dma_semaphore, #tpu.memory_space<semaphore_mem>>)
      tpu.wait_dma2 semaphore(%run_scoped3A : memref<!tpu.dma_semaphore, #tpu.memory_space<semaphore_mem>>) src(%arg5 : memref<128x128xf32, #tpu.memory_space<hbm>>) dst(%arg9 : memref<128x128xf32, #tpu.memory_space<vmem>>)
      tpu.yield
    }) : () -> ()
    %mul3A = arith.constant 640 : i32
    %mul3A_0 = arith.muli %arg1, %mul3A : i32
    %add3A = arith.constant 0 : i32
    %add3A_1 = arith.addi %mul3A_0, %add3A : i32
    "tpu.region"() ({
      %run_scoped3A = tpu.sem_alloc : memref<!tpu.dma_semaphore, #tpu.memory_space<semaphore_mem>>
      %dma_start3A = arith.constant 0 : i32
      %dma_start3A_188 = tpu.memref_slice %arg13[%add3A_1, %dma_start3A] : memref<10240x128xf32, #tpu.memory_space<vmem_shared>> -> memref<128x128xf32, #tpu.memory_space<vmem_shared>>
      %dma_start3A_189 = arith.constant 0 : i32
      %dma_start3A_190 = tpu.memref_slice %arg13[%add3A_1, %dma_start3A_189] : memref<10240x128xf32, #tpu.memory_space<vmem_shared>> -> memref<128x128xf32, #tpu.memory_space<vmem_shared>>
      tpu.enqueue_dma source(%arg9 : memref<128x128xf32, #tpu.memory_space<vmem>>) target(%dma_start3A_190 : memref<128x128xf32, #tpu.memory_space<vmem_shared>>) target_semaphore(%run_scoped3A : memref<!tpu.dma_semaphore, #tpu.memory_space<semaphore_mem>>)
      %dma_wait3A = arith.constant 0 : i32
      %dma_wait3A_191 = tpu.memref_slice %arg13[%add3A_1, %dma_wait3A] : memref<10240x128xf32, #tpu.memory_space<vmem_shared>> -> memref<128x128xf32, #tpu.memory_space<vmem_shared>>
      %dma_wait3A_192 = arith.constant 0 : i32
      %dma_wait3A_193 = tpu.memref_slice %arg13[%add3A_1, %dma_wait3A_192] : memref<10240x128xf32, #tpu.memory_space<vmem_shared>> -> memref<128x128xf32, #tpu.memory_space<vmem_shared>>
      tpu.wait_dma2 semaphore(%run_scoped3A : memref<!tpu.dma_semaphore, #tpu.memory_space<semaphore_mem>>) src(%arg9 : memref<128x128xf32, #tpu.memory_space<vmem>>) dst(%dma_wait3A_193 : memref<128x128xf32, #tpu.memory_space<vmem_shared>>)
      tpu.yield
    }) : () -> ()
    %mul3A_2 = arith.constant 640 : i32
    %mul3A_3 = arith.muli %arg1, %mul3A_2 : i32
    %add3A_4 = arith.constant 128 : i32
    %add3A_5 = arith.addi %mul3A_3, %add3A_4 : i32
    "tpu.region"() ({
      %run_scoped3A = tpu.sem_alloc : memref<!tpu.dma_semaphore, #tpu.memory_space<semaphore_mem>>
      %dma_start3A = arith.constant 0 : i32
      %dma_start3A_188 = tpu.memref_slice %arg13[%add3A_5, %dma_start3A] : memref<10240x128xf32, #tpu.memory_space<vmem_shared>> -> memref<128x128xf32, #tpu.memory_space<vmem_shared>>
      %dma_start3A_189 = arith.constant 0 : i32
      %dma_start3A_190 = tpu.memref_slice %arg13[%add3A_5, %dma_start3A_189] : memref<10240x128xf32, #tpu.memory_space<vmem_shared>> -> memref<128x128xf32, #tpu.memory_space<vmem_shared>>
      tpu.enqueue_dma source(%arg9 : memref<128x128xf32, #tpu.memory_space<vmem>>) target(%dma_start3A_190 : memref<128x128xf32, #tpu.memory_space<vmem_shared>>) target_semaphore(%run_scoped3A : memref<!tpu.dma_semaphore, #tpu.memory_space<semaphore_mem>>)
      %dma_wait3A = arith.constant 0 : i32
      %dma_wait3A_191 = tpu.memref_slice %arg13[%add3A_5, %dma_wait3A] : memref<10240x128xf32, #tpu.memory_space<vmem_shared>> -> memref<128x128xf32, #tpu.memory_space<vmem_shared>>
      %dma_wait3A_192 = arith.constant 0 : i32
      %dma_wait3A_193 = tpu.memref_slice %arg13[%add3A_5, %dma_wait3A_192] : memref<10240x128xf32, #tpu.memory_space<vmem_shared>> -> memref<128x128xf32, #tpu.memory_space<vmem_shared>>
      tpu.wait_dma2 semaphore(%run_scoped3A : memref<!tpu.dma_semaphore, #tpu.memory_space<semaphore_mem>>) src(%arg9 : memref<128x128xf32, #tpu.memory_space<vmem>>) dst(%dma_wait3A_193 : memref<128x128xf32, #tpu.memory_space<vmem_shared>>)
      tpu.yield
    }) : () -> ()
    %mul3A_6 = arith.constant 640 : i32
    %mul3A_7 = arith.muli %arg1, %mul3A_6 : i32
    %add3A_8 = arith.constant 256 : i32
    %add3A_9 = arith.addi %mul3A_7, %add3A_8 : i32
    "tpu.region"() ({
      %run_scoped3A = tpu.sem_alloc : memref<!tpu.dma_semaphore, #tpu.memory_space<semaphore_mem>>
      %dma_start3A = arith.constant 0 : i32
      %dma_start3A_188 = tpu.memref_slice %arg13[%add3A_9, %dma_start3A] : memref<10240x128xf32, #tpu.memory_space<vmem_shared>> -> memref<128x128xf32, #tpu.memory_space<vmem_shared>>
      %dma_start3A_189 = arith.constant 0 : i32
      %dma_start3A_190 = tpu.memref_slice %arg13[%add3A_9, %dma_start3A_189] : memref<10240x128xf32, #tpu.memory_space<vmem_shared>> -> memref<128x128xf32, #tpu.memory_space<vmem_shared>>
      tpu.enqueue_dma source(%arg9 : memref<128x128xf32, #tpu.memory_space<vmem>>) target(%dma_start3A_190 : memref<128x128xf32, #tpu.memory_space<vmem_shared>>) target_semaphore(%run_scoped3A : memref<!tpu.dma_semaphore, #tpu.memory_space<semaphore_mem>>)
      %dma_wait3A = arith.constant 0 : i32
      %dma_wait3A_191 = tpu.memref_slice %arg13[%add3A_9, %dma_wait3A] : memref<10240x128xf32, #tpu.memory_space<vmem_shared>> -> memref<128x128xf32, #tpu.memory_space<vmem_shared>>
      %dma_wait3A_192 = arith.constant 0 : i32
      %dma_wait3A_193 = tpu.memref_slice %arg13[%add3A_9, %dma_wait3A_192] : memref<10240x128xf32, #tpu.memory_space<vmem_shared>> -> memref<128x128xf32, #tpu.memory_space<vmem_shared>>
      tpu.wait_dma2 semaphore(%run_scoped3A : memref<!tpu.dma_semaphore, #tpu.memory_space<semaphore_mem>>) src(%arg9 : memref<128x128xf32, #tpu.memory_space<vmem>>) dst(%dma_wait3A_193 : memref<128x128xf32, #tpu.memory_space<vmem_shared>>)
      tpu.yield
    }) : () -> ()
    %mul3A_10 = arith.constant 640 : i32
    %mul3A_11 = arith.muli %arg1, %mul3A_10 : i32
    %add3A_12 = arith.constant 384 : i32
    %add3A_13 = arith.addi %mul3A_11, %add3A_12 : i32
    "tpu.region"() ({
      %run_scoped3A = tpu.sem_alloc : memref<!tpu.dma_semaphore, #tpu.memory_space<semaphore_mem>>
      %dma_start3A = arith.constant 0 : i32
      %dma_start3A_188 = tpu.memref_slice %arg13[%add3A_13, %dma_start3A] : memref<10240x128xf32, #tpu.memory_space<vmem_shared>> -> memref<128x128xf32, #tpu.memory_space<vmem_shared>>
      %dma_start3A_189 = arith.constant 0 : i32
      %dma_start3A_190 = tpu.memref_slice %arg13[%add3A_13, %dma_start3A_189] : memref<10240x128xf32, #tpu.memory_space<vmem_shared>> -> memref<128x128xf32, #tpu.memory_space<vmem_shared>>
      tpu.enqueue_dma source(%arg9 : memref<128x128xf32, #tpu.memory_space<vmem>>) target(%dma_start3A_190 : memref<128x128xf32, #tpu.memory_space<vmem_shared>>) target_semaphore(%run_scoped3A : memref<!tpu.dma_semaphore, #tpu.memory_space<semaphore_mem>>)
      %dma_wait3A = arith.constant 0 : i32
      %dma_wait3A_191 = tpu.memref_slice %arg13[%add3A_13, %dma_wait3A] : memref<10240x128xf32, #tpu.memory_space<vmem_shared>> -> memref<128x128xf32, #tpu.memory_space<vmem_shared>>
      %dma_wait3A_192 = arith.constant 0 : i32
      %dma_wait3A_193 = tpu.memref_slice %arg13[%add3A_13, %dma_wait3A_192] : memref<10240x128xf32, #tpu.memory_space<vmem_shared>> -> memref<128x128xf32, #tpu.memory_space<vmem_shared>>
      tpu.wait_dma2 semaphore(%run_scoped3A : memref<!tpu.dma_semaphore, #tpu.memory_space<semaphore_mem>>) src(%arg9 : memref<128x128xf32, #tpu.memory_space<vmem>>) dst(%dma_wait3A_193 : memref<128x128xf32, #tpu.memory_space<vmem_shared>>)
      tpu.yield
    }) : () -> ()
    %mul3A_14 = arith.constant 640 : i32
    %mul3A_15 = arith.muli %arg1, %mul3A_14 : i32
    %add3A_16 = arith.constant 512 : i32
    %add3A_17 = arith.addi %mul3A_15, %add3A_16 : i32
    "tpu.region"() ({
      %run_scoped3A = tpu.sem_alloc : memref<!tpu.dma_semaphore, #tpu.memory_space<semaphore_mem>>
      %dma_start3A = arith.constant 0 : i32
      %dma_start3A_188 = tpu.memref_slice %arg13[%add3A_17, %dma_start3A] : memref<10240x128xf32, #tpu.memory_space<vmem_shared>> -> memref<128x128xf32, #tpu.memory_space<vmem_shared>>
      %dma_start3A_189 = arith.constant 0 : i32
      %dma_start3A_190 = tpu.memref_slice %arg13[%add3A_17, %dma_start3A_189] : memref<10240x128xf32, #tpu.memory_space<vmem_shared>> -> memref<128x128xf32, #tpu.memory_space<vmem_shared>>
      tpu.enqueue_dma source(%arg9 : memref<128x128xf32, #tpu.memory_space<vmem>>) target(%dma_start3A_190 : memref<128x128xf32, #tpu.memory_space<vmem_shared>>) target_semaphore(%run_scoped3A : memref<!tpu.dma_semaphore, #tpu.memory_space<semaphore_mem>>)
      %dma_wait3A = arith.constant 0 : i32
      %dma_wait3A_191 = tpu.memref_slice %arg13[%add3A_17, %dma_wait3A] : memref<10240x128xf32, #tpu.memory_space<vmem_shared>> -> memref<128x128xf32, #tpu.memory_space<vmem_shared>>
      %dma_wait3A_192 = arith.constant 0 : i32
      %dma_wait3A_193 = tpu.memref_slice %arg13[%add3A_17, %dma_wait3A_192] : memref<10240x128xf32, #tpu.memory_space<vmem_shared>> -> memref<128x128xf32, #tpu.memory_space<vmem_shared>>
      tpu.wait_dma2 semaphore(%run_scoped3A : memref<!tpu.dma_semaphore, #tpu.memory_space<semaphore_mem>>) src(%arg9 : memref<128x128xf32, #tpu.memory_space<vmem>>) dst(%dma_wait3A_193 : memref<128x128xf32, #tpu.memory_space<vmem_shared>>)
      tpu.yield
    }) : () -> ()
    %barrier3A = arith.constant 0 : index
    tpu.barrier barrier_id(%barrier3A)
    %eq3A = arith.constant 0 : i32
    %eq3A_18 = arith.cmpi eq, %arg0, %eq3A : i32
    %mul3A_19 = arith.constant 136 : i32
    %mul3A_20 = arith.muli %arg1, %mul3A_19 : i32
    %mul3A_21 = arith.constant 24 : i32
    %mul3A_22 = arith.muli %arg1, %mul3A_21 : i32
    %add3A_23 = arith.constant 2176 : i32
    %add3A_24 = arith.addi %add3A_23, %mul3A_22 : i32
    %select_n3A = arith.select %eq3A_18, %mul3A_20, %add3A_24 : i32
    %eq3A_25 = arith.constant 0 : i32
    %eq3A_26 = arith.cmpi eq, %arg0, %eq3A_25 : i32
    %jit3A = arith.constant 56 : i32
    %jit3A_27 = arith.constant 24 : i32
    %select_n3A_28 = arith.select %eq3A_26, %jit3A, %jit3A_27 : i32
    %eq3A_29 = arith.constant 0 : i32
    %eq3A_30 = arith.cmpi eq, %arg0, %eq3A_29 : i32
    %jit3A_31 = arith.constant 0 : i32
    %jit3A_32 = arith.constant 0 : i32
    %select_n3A_33 = arith.select %eq3A_30, %jit3A_31, %jit3A_32 : i32
    %add3A_34 = arith.addi %select_n3A, %select_n3A_33 : i32
    "tpu.region"() ({
      %run_scoped3A = tpu.sem_alloc : memref<!tpu.dma_semaphore, #tpu.memory_space<semaphore_mem>>
      %dma_start3A = arith.constant 0 : i32
      %dma_start3A_188 = tpu.memref_slice %arg3[%add3A_34, %dma_start3A] : memref<2568x128xi32, #tpu.memory_space<hbm>> -> memref<56x128xi32, #tpu.memory_space<hbm>>
      %dma_start3A_189 = arith.constant 0 : i32
      %dma_start3A_190 = tpu.memref_slice %arg3[%add3A_34, %dma_start3A_189] : memref<2568x128xi32, #tpu.memory_space<hbm>> -> memref<56x128xi32, #tpu.memory_space<hbm>>
      tpu.enqueue_dma source(%dma_start3A_190 : memref<56x128xi32, #tpu.memory_space<hbm>>) target(%arg7 : memref<56x128xi32, #tpu.memory_space<vmem>>) target_semaphore(%run_scoped3A : memref<!tpu.dma_semaphore, #tpu.memory_space<semaphore_mem>>)
      %dma_wait3A = arith.constant 0 : i32
      %dma_wait3A_191 = tpu.memref_slice %arg3[%add3A_34, %dma_wait3A] : memref<2568x128xi32, #tpu.memory_space<hbm>> -> memref<56x128xi32, #tpu.memory_space<hbm>>
      %dma_wait3A_192 = arith.constant 0 : i32
      %dma_wait3A_193 = tpu.memref_slice %arg3[%add3A_34, %dma_wait3A_192] : memref<2568x128xi32, #tpu.memory_space<hbm>> -> memref<56x128xi32, #tpu.memory_space<hbm>>
      tpu.wait_dma2 semaphore(%run_scoped3A : memref<!tpu.dma_semaphore, #tpu.memory_space<semaphore_mem>>) src(%dma_wait3A_193 : memref<56x128xi32, #tpu.memory_space<hbm>>) dst(%arg7 : memref<56x128xi32, #tpu.memory_space<vmem>>)
      tpu.yield
    }) : () -> ()
    "tpu.region"() ({
      %run_scoped3A = tpu.sem_alloc : memref<!tpu.dma_semaphore, #tpu.memory_space<semaphore_mem>>
      %dma_start3A = arith.constant 0 : i32
      %dma_start3A_188 = tpu.memref_slice %arg4[%add3A_34, %dma_start3A] : memref<2568x128xi32, #tpu.memory_space<hbm>> -> memref<56x128xi32, #tpu.memory_space<hbm>>
      %dma_start3A_189 = arith.constant 0 : i32
      %dma_start3A_190 = tpu.memref_slice %arg4[%add3A_34, %dma_start3A_189] : memref<2568x128xi32, #tpu.memory_space<hbm>> -> memref<56x128xi32, #tpu.memory_space<hbm>>
      tpu.enqueue_dma source(%dma_start3A_190 : memref<56x128xi32, #tpu.memory_space<hbm>>) target(%arg8 : memref<56x128xi32, #tpu.memory_space<vmem>>) target_semaphore(%run_scoped3A : memref<!tpu.dma_semaphore, #tpu.memory_space<semaphore_mem>>)
      %dma_wait3A = arith.constant 0 : i32
      %dma_wait3A_191 = tpu.memref_slice %arg4[%add3A_34, %dma_wait3A] : memref<2568x128xi32, #tpu.memory_space<hbm>> -> memref<56x128xi32, #tpu.memory_space<hbm>>
      %dma_wait3A_192 = arith.constant 0 : i32
      %dma_wait3A_193 = tpu.memref_slice %arg4[%add3A_34, %dma_wait3A_192] : memref<2568x128xi32, #tpu.memory_space<hbm>> -> memref<56x128xi32, #tpu.memory_space<hbm>>
      tpu.wait_dma2 semaphore(%run_scoped3A : memref<!tpu.dma_semaphore, #tpu.memory_space<semaphore_mem>>) src(%dma_wait3A_193 : memref<56x128xi32, #tpu.memory_space<hbm>>) dst(%arg8 : memref<56x128xi32, #tpu.memory_space<vmem>>)
      tpu.yield
    }) : () -> ()
    %jit3A_35 = arith.constant 2 : i32
    %div3A = arith.divsi %select_n3A_28, %jit3A_35 : i32
    %sign3A = arith.constant 0 : i32
    %sign3A_36 = arith.cmpi sgt, %select_n3A_28, %sign3A : i32
    %sign3A_37 = arith.extui %sign3A_36 : i1 to i32
    %sign3A_38 = arith.constant 0 : i32
    %sign3A_39 = arith.cmpi slt, %select_n3A_28, %sign3A_38 : i32
    %sign3A_40 = arith.extui %sign3A_39 : i1 to i32
    %sign3A_41 = arith.subi %sign3A_37, %sign3A_40 : i32
    %sign3A_42 = arith.constant 0 : i32
    %sign3A_43 = arith.cmpi sgt, %jit3A_35, %sign3A_42 : i32
    %sign3A_44 = arith.extui %sign3A_43 : i1 to i32
    %sign3A_45 = arith.constant 0 : i32
    %sign3A_46 = arith.cmpi slt, %jit3A_35, %sign3A_45 : i32
    %sign3A_47 = arith.extui %sign3A_46 : i1 to i32
    %sign3A_48 = arith.subi %sign3A_44, %sign3A_47 : i32
    %ne3A = arith.cmpi ne, %sign3A_41, %sign3A_48 : i32
    %rem3A = arith.remsi %select_n3A_28, %jit3A_35 : i32
    %ne3A_49 = arith.constant 0 : i32
    %ne3A_50 = arith.cmpi ne, %rem3A, %ne3A_49 : i32
    %and3A = arith.andi %ne3A, %ne3A_50 : i1
    %sub3A = arith.constant 1 : i32
    %sub3A_51 = arith.subi %div3A, %sub3A : i32
    %select_n3A_52 = arith.select %and3A, %sub3A_51, %div3A : i32
    %while3A = arith.constant 0 : i32
    %while3A_53 = arith.constant 0 : i32
    %while3A_54 = arith.subi %select_n3A_52, %while3A_53 : i32
    %while3A_55 = arith.addi %while3A_53, %while3A_54 : i32
    %while3A_56 = arith.constant 1 : i32
    %while3A_57 = arith.divsi %while3A_54, %while3A_56 : i32
    %while3A_58 = arith.muli %while3A_57, %while3A_56 : i32
    %while3A_59 = arith.addi %while3A_53, %while3A_58 : i32
    %while3A_60 = arith.constant 1 : i32
    scf.for %while3A_188 = %while3A_53 to %while3A_59 step %while3A_60  : i32 {
      %mul3A_189 = arith.constant 2 : i32
      %mul3A_190 = arith.muli %while3A_188, %mul3A_189 : i32
      %mul3A_191 = arith.constant 2 : i32
      %mul3A_192 = arith.muli %while3A_188, %mul3A_191 : i32
      %add3A_193 = arith.constant 1 : i32
      %add3A_194 = arith.addi %mul3A_192, %add3A_193 : i32
      %dma_start3A = arith.constant 0 : i32
      %dma_start3A_195 = tpu.memref_slice %arg7[%mul3A_190, %dma_start3A] : memref<56x128xi32, #tpu.memory_space<vmem>> -> memref<1x128xi32, #tpu.memory_space<vmem>>
      %dma_start3A_196 = tpu.memref_squeeze %dma_start3A_195 : memref<1x128xi32, #tpu.memory_space<vmem>> -> memref<128xi32, #tpu.memory_space<vmem>>
      %dma_start3A_197 = arith.constant 0 : i32
      %dma_start3A_198 = arith.constant 0 : i32
      %dma_start3A_199 = tpu.memref_slice %arg2[%dma_start3A_197, %dma_start3A_198] : memref<10240x128xf32, #tpu.memory_space<hbm>> -> memref<10240x128xf32, #tpu.memory_space<hbm>>
      tpu.enqueue_indirect_dma source(%dma_start3A_199 : memref<10240x128xf32, #tpu.memory_space<hbm>>) target(%arg9 : memref<128x128xf32, #tpu.memory_space<vmem>>) offsets(%dma_start3A_196 : memref<128xi32, #tpu.memory_space<vmem>>) semaphore(%arg11 : memref<!tpu.dma_semaphore, #tpu.memory_space<semaphore_mem>>)
      %dma_wait3A = arith.constant 0 : i32
      %dma_wait3A_200 = tpu.memref_slice %arg7[%mul3A_190, %dma_wait3A] : memref<56x128xi32, #tpu.memory_space<vmem>> -> memref<1x128xi32, #tpu.memory_space<vmem>>
      %dma_wait3A_201 = tpu.memref_squeeze %dma_wait3A_200 : memref<1x128xi32, #tpu.memory_space<vmem>> -> memref<128xi32, #tpu.memory_space<vmem>>
      %dma_wait3A_202 = arith.constant 0 : i32
      %dma_wait3A_203 = arith.constant 0 : i32
      %dma_wait3A_204 = tpu.memref_slice %arg2[%dma_wait3A_202, %dma_wait3A_203] : memref<10240x128xf32, #tpu.memory_space<hbm>> -> memref<10240x128xf32, #tpu.memory_space<hbm>>
      tpu.wait_indirect_dma semaphore(%arg11 : memref<!tpu.dma_semaphore, #tpu.memory_space<semaphore_mem>>) src(%dma_wait3A_204 : memref<10240x128xf32, #tpu.memory_space<hbm>>) dst(%arg9 : memref<128x128xf32, #tpu.memory_space<vmem>>)
      %dma_start3A_205 = arith.constant 0 : i32
      %dma_start3A_206 = tpu.memref_slice %arg8[%mul3A_190, %dma_start3A_205] : memref<56x128xi32, #tpu.memory_space<vmem>> -> memref<1x128xi32, #tpu.memory_space<vmem>>
      %dma_start3A_207 = tpu.memref_squeeze %dma_start3A_206 : memref<1x128xi32, #tpu.memory_space<vmem>> -> memref<128xi32, #tpu.memory_space<vmem>>
      %dma_start3A_208 = arith.constant 0 : i32
      %dma_start3A_209 = arith.constant 0 : i32
      %dma_start3A_210 = tpu.memref_slice %arg13[%dma_start3A_208, %dma_start3A_209] : memref<10240x128xf32, #tpu.memory_space<vmem_shared>> -> memref<10240x128xf32, #tpu.memory_space<vmem_shared>>
      tpu.enqueue_indirect_dma source(%arg9 : memref<128x128xf32, #tpu.memory_space<vmem>>) target(%dma_start3A_210 : memref<10240x128xf32, #tpu.memory_space<vmem_shared>>) offsets(%dma_start3A_207 : memref<128xi32, #tpu.memory_space<vmem>>) semaphore(%arg12 : memref<!tpu.dma_semaphore, #tpu.memory_space<semaphore_mem>>) {add = true}
      %dma_start3A_211 = arith.constant 0 : i32
      %dma_start3A_212 = tpu.memref_slice %arg7[%add3A_194, %dma_start3A_211] : memref<56x128xi32, #tpu.memory_space<vmem>> -> memref<1x128xi32, #tpu.memory_space<vmem>>
      %dma_start3A_213 = tpu.memref_squeeze %dma_start3A_212 : memref<1x128xi32, #tpu.memory_space<vmem>> -> memref<128xi32, #tpu.memory_space<vmem>>
      %dma_start3A_214 = arith.constant 0 : i32
      %dma_start3A_215 = arith.constant 0 : i32
      %dma_start3A_216 = tpu.memref_slice %arg2[%dma_start3A_214, %dma_start3A_215] : memref<10240x128xf32, #tpu.memory_space<hbm>> -> memref<10240x128xf32, #tpu.memory_space<hbm>>
      tpu.enqueue_indirect_dma source(%dma_start3A_216 : memref<10240x128xf32, #tpu.memory_space<hbm>>) target(%arg10 : memref<128x128xf32, #tpu.memory_space<vmem>>) offsets(%dma_start3A_213 : memref<128xi32, #tpu.memory_space<vmem>>) semaphore(%arg11 : memref<!tpu.dma_semaphore, #tpu.memory_space<semaphore_mem>>)
      %dma_wait3A_217 = arith.constant 0 : i32
      %dma_wait3A_218 = tpu.memref_slice %arg7[%add3A_194, %dma_wait3A_217] : memref<56x128xi32, #tpu.memory_space<vmem>> -> memref<1x128xi32, #tpu.memory_space<vmem>>
      %dma_wait3A_219 = tpu.memref_squeeze %dma_wait3A_218 : memref<1x128xi32, #tpu.memory_space<vmem>> -> memref<128xi32, #tpu.memory_space<vmem>>
      %dma_wait3A_220 = arith.constant 0 : i32
      %dma_wait3A_221 = arith.constant 0 : i32
      %dma_wait3A_222 = tpu.memref_slice %arg2[%dma_wait3A_220, %dma_wait3A_221] : memref<10240x128xf32, #tpu.memory_space<hbm>> -> memref<10240x128xf32, #tpu.memory_space<hbm>>
      tpu.wait_indirect_dma semaphore(%arg11 : memref<!tpu.dma_semaphore, #tpu.memory_space<semaphore_mem>>) src(%dma_wait3A_222 : memref<10240x128xf32, #tpu.memory_space<hbm>>) dst(%arg10 : memref<128x128xf32, #tpu.memory_space<vmem>>)
      %dma_wait3A_223 = arith.constant 0 : i32
      %dma_wait3A_224 = tpu.memref_slice %arg8[%mul3A_190, %dma_wait3A_223] : memref<56x128xi32, #tpu.memory_space<vmem>> -> memref<1x128xi32, #tpu.memory_space<vmem>>
      %dma_wait3A_225 = tpu.memref_squeeze %dma_wait3A_224 : memref<1x128xi32, #tpu.memory_space<vmem>> -> memref<128xi32, #tpu.memory_space<vmem>>
      %dma_wait3A_226 = arith.constant 0 : i32
      %dma_wait3A_227 = arith.constant 0 : i32
      %dma_wait3A_228 = tpu.memref_slice %arg13[%dma_wait3A_226, %dma_wait3A_227] : memref<10240x128xf32, #tpu.memory_space<vmem_shared>> -> memref<10240x128xf32, #tpu.memory_space<vmem_shared>>
      tpu.wait_indirect_dma semaphore(%arg12 : memref<!tpu.dma_semaphore, #tpu.memory_space<semaphore_mem>>) src(%arg9 : memref<128x128xf32, #tpu.memory_space<vmem>>) dst(%dma_wait3A_228 : memref<10240x128xf32, #tpu.memory_space<vmem_shared>>)
      "tpu.region"() ({
        %run_scoped3A = tpu.sem_alloc : memref<!tpu.dma_semaphore, #tpu.memory_space<semaphore_mem>>
        %dma_start3A_229 = arith.constant 0 : i32
        %dma_start3A_230 = tpu.memref_slice %arg8[%add3A_194, %dma_start3A_229] : memref<56x128xi32, #tpu.memory_space<vmem>> -> memref<1x128xi32, #tpu.memory_space<vmem>>
        %dma_start3A_231 = tpu.memref_squeeze %dma_start3A_230 : memref<1x128xi32, #tpu.memory_space<vmem>> -> memref<128xi32, #tpu.memory_space<vmem>>
        %dma_start3A_232 = arith.constant 0 : i32
        %dma_start3A_233 = arith.constant 0 : i32
        %dma_start3A_234 = tpu.memref_slice %arg13[%dma_start3A_232, %dma_start3A_233] : memref<10240x128xf32, #tpu.memory_space<vmem_shared>> -> memref<10240x128xf32, #tpu.memory_space<vmem_shared>>
        tpu.enqueue_indirect_dma source(%arg10 : memref<128x128xf32, #tpu.memory_space<vmem>>) target(%dma_start3A_234 : memref<10240x128xf32, #tpu.memory_space<vmem_shared>>) offsets(%dma_start3A_231 : memref<128xi32, #tpu.memory_space<vmem>>) semaphore(%run_scoped3A : memref<!tpu.dma_semaphore, #tpu.memory_space<semaphore_mem>>) {add = true}
        %dma_wait3A_235 = arith.constant 0 : i32
        %dma_wait3A_236 = tpu.memref_slice %arg8[%add3A_194, %dma_wait3A_235] : memref<56x128xi32, #tpu.memory_space<vmem>> -> memref<1x128xi32, #tpu.memory_space<vmem>>
        %dma_wait3A_237 = tpu.memref_squeeze %dma_wait3A_236 : memref<1x128xi32, #tpu.memory_space<vmem>> -> memref<128xi32, #tpu.memory_space<vmem>>
        %dma_wait3A_238 = arith.constant 0 : i32
        %dma_wait3A_239 = arith.constant 0 : i32
        %dma_wait3A_240 = tpu.memref_slice %arg13[%dma_wait3A_238, %dma_wait3A_239] : memref<10240x128xf32, #tpu.memory_space<vmem_shared>> -> memref<10240x128xf32, #tpu.memory_space<vmem_shared>>
        tpu.wait_indirect_dma semaphore(%run_scoped3A : memref<!tpu.dma_semaphore, #tpu.memory_space<semaphore_mem>>) src(%arg10 : memref<128x128xf32, #tpu.memory_space<vmem>>) dst(%dma_wait3A_240 : memref<10240x128xf32, #tpu.memory_space<vmem_shared>>)
        tpu.yield
      }) : () -> ()
    }
    %while3A_61 = arith.constant 1 : i32
    scf.for %while3A_188 = %while3A_59 to %while3A_55 step %while3A_61  : i32 {
      %mul3A_189 = arith.constant 2 : i32
      %mul3A_190 = arith.muli %while3A_188, %mul3A_189 : i32
      %mul3A_191 = arith.constant 2 : i32
      %mul3A_192 = arith.muli %while3A_188, %mul3A_191 : i32
      %add3A_193 = arith.constant 1 : i32
      %add3A_194 = arith.addi %mul3A_192, %add3A_193 : i32
      %dma_start3A = arith.constant 0 : i32
      %dma_start3A_195 = tpu.memref_slice %arg7[%mul3A_190, %dma_start3A] : memref<56x128xi32, #tpu.memory_space<vmem>> -> memref<1x128xi32, #tpu.memory_space<vmem>>
      %dma_start3A_196 = tpu.memref_squeeze %dma_start3A_195 : memref<1x128xi32, #tpu.memory_space<vmem>> -> memref<128xi32, #tpu.memory_space<vmem>>
      %dma_start3A_197 = arith.constant 0 : i32
      %dma_start3A_198 = arith.constant 0 : i32
      %dma_start3A_199 = tpu.memref_slice %arg2[%dma_start3A_197, %dma_start3A_198] : memref<10240x128xf32, #tpu.memory_space<hbm>> -> memref<10240x128xf32, #tpu.memory_space<hbm>>
      tpu.enqueue_indirect_dma source(%dma_start3A_199 : memref<10240x128xf32, #tpu.memory_space<hbm>>) target(%arg9 : memref<128x128xf32, #tpu.memory_space<vmem>>) offsets(%dma_start3A_196 : memref<128xi32, #tpu.memory_space<vmem>>) semaphore(%arg11 : memref<!tpu.dma_semaphore, #tpu.memory_space<semaphore_mem>>)
      %dma_wait3A = arith.constant 0 : i32
      %dma_wait3A_200 = tpu.memref_slice %arg7[%mul3A_190, %dma_wait3A] : memref<56x128xi32, #tpu.memory_space<vmem>> -> memref<1x128xi32, #tpu.memory_space<vmem>>
      %dma_wait3A_201 = tpu.memref_squeeze %dma_wait3A_200 : memref<1x128xi32, #tpu.memory_space<vmem>> -> memref<128xi32, #tpu.memory_space<vmem>>
      %dma_wait3A_202 = arith.constant 0 : i32
      %dma_wait3A_203 = arith.constant 0 : i32
      %dma_wait3A_204 = tpu.memref_slice %arg2[%dma_wait3A_202, %dma_wait3A_203] : memref<10240x128xf32, #tpu.memory_space<hbm>> -> memref<10240x128xf32, #tpu.memory_space<hbm>>
      tpu.wait_indirect_dma semaphore(%arg11 : memref<!tpu.dma_semaphore, #tpu.memory_space<semaphore_mem>>) src(%dma_wait3A_204 : memref<10240x128xf32, #tpu.memory_space<hbm>>) dst(%arg9 : memref<128x128xf32, #tpu.memory_space<vmem>>)
      %dma_start3A_205 = arith.constant 0 : i32
      %dma_start3A_206 = tpu.memref_slice %arg8[%mul3A_190, %dma_start3A_205] : memref<56x128xi32, #tpu.memory_space<vmem>> -> memref<1x128xi32, #tpu.memory_space<vmem>>
      %dma_start3A_207 = tpu.memref_squeeze %dma_start3A_206 : memref<1x128xi32, #tpu.memory_space<vmem>> -> memref<128xi32, #tpu.memory_space<vmem>>
      %dma_start3A_208 = arith.constant 0 : i32
      %dma_start3A_209 = arith.constant 0 : i32
      %dma_start3A_210 = tpu.memref_slice %arg13[%dma_start3A_208, %dma_start3A_209] : memref<10240x128xf32, #tpu.memory_space<vmem_shared>> -> memref<10240x128xf32, #tpu.memory_space<vmem_shared>>
      tpu.enqueue_indirect_dma source(%arg9 : memref<128x128xf32, #tpu.memory_space<vmem>>) target(%dma_start3A_210 : memref<10240x128xf32, #tpu.memory_space<vmem_shared>>) offsets(%dma_start3A_207 : memref<128xi32, #tpu.memory_space<vmem>>) semaphore(%arg12 : memref<!tpu.dma_semaphore, #tpu.memory_space<semaphore_mem>>) {add = true}
      %dma_start3A_211 = arith.constant 0 : i32
      %dma_start3A_212 = tpu.memref_slice %arg7[%add3A_194, %dma_start3A_211] : memref<56x128xi32, #tpu.memory_space<vmem>> -> memref<1x128xi32, #tpu.memory_space<vmem>>
      %dma_start3A_213 = tpu.memref_squeeze %dma_start3A_212 : memref<1x128xi32, #tpu.memory_space<vmem>> -> memref<128xi32, #tpu.memory_space<vmem>>
      %dma_start3A_214 = arith.constant 0 : i32
      %dma_start3A_215 = arith.constant 0 : i32
      %dma_start3A_216 = tpu.memref_slice %arg2[%dma_start3A_214, %dma_start3A_215] : memref<10240x128xf32, #tpu.memory_space<hbm>> -> memref<10240x128xf32, #tpu.memory_space<hbm>>
      tpu.enqueue_indirect_dma source(%dma_start3A_216 : memref<10240x128xf32, #tpu.memory_space<hbm>>) target(%arg10 : memref<128x128xf32, #tpu.memory_space<vmem>>) offsets(%dma_start3A_213 : memref<128xi32, #tpu.memory_space<vmem>>) semaphore(%arg11 : memref<!tpu.dma_semaphore, #tpu.memory_space<semaphore_mem>>)
      %dma_wait3A_217 = arith.constant 0 : i32
      %dma_wait3A_218 = tpu.memref_slice %arg7[%add3A_194, %dma_wait3A_217] : memref<56x128xi32, #tpu.memory_space<vmem>> -> memref<1x128xi32, #tpu.memory_space<vmem>>
      %dma_wait3A_219 = tpu.memref_squeeze %dma_wait3A_218 : memref<1x128xi32, #tpu.memory_space<vmem>> -> memref<128xi32, #tpu.memory_space<vmem>>
      %dma_wait3A_220 = arith.constant 0 : i32
      %dma_wait3A_221 = arith.constant 0 : i32
      %dma_wait3A_222 = tpu.memref_slice %arg2[%dma_wait3A_220, %dma_wait3A_221] : memref<10240x128xf32, #tpu.memory_space<hbm>> -> memref<10240x128xf32, #tpu.memory_space<hbm>>
      tpu.wait_indirect_dma semaphore(%arg11 : memref<!tpu.dma_semaphore, #tpu.memory_space<semaphore_mem>>) src(%dma_wait3A_222 : memref<10240x128xf32, #tpu.memory_space<hbm>>) dst(%arg10 : memref<128x128xf32, #tpu.memory_space<vmem>>)
      %dma_wait3A_223 = arith.constant 0 : i32
      %dma_wait3A_224 = tpu.memref_slice %arg8[%mul3A_190, %dma_wait3A_223] : memref<56x128xi32, #tpu.memory_space<vmem>> -> memref<1x128xi32, #tpu.memory_space<vmem>>
      %dma_wait3A_225 = tpu.memref_squeeze %dma_wait3A_224 : memref<1x128xi32, #tpu.memory_space<vmem>> -> memref<128xi32, #tpu.memory_space<vmem>>
      %dma_wait3A_226 = arith.constant 0 : i32
      %dma_wait3A_227 = arith.constant 0 : i32
      %dma_wait3A_228 = tpu.memref_slice %arg13[%dma_wait3A_226, %dma_wait3A_227] : memref<10240x128xf32, #tpu.memory_space<vmem_shared>> -> memref<10240x128xf32, #tpu.memory_space<vmem_shared>>
      tpu.wait_indirect_dma semaphore(%arg12 : memref<!tpu.dma_semaphore, #tpu.memory_space<semaphore_mem>>) src(%arg9 : memref<128x128xf32, #tpu.memory_space<vmem>>) dst(%dma_wait3A_228 : memref<10240x128xf32, #tpu.memory_space<vmem_shared>>)
      "tpu.region"() ({
        %run_scoped3A = tpu.sem_alloc : memref<!tpu.dma_semaphore, #tpu.memory_space<semaphore_mem>>
        %dma_start3A_229 = arith.constant 0 : i32
        %dma_start3A_230 = tpu.memref_slice %arg8[%add3A_194, %dma_start3A_229] : memref<56x128xi32, #tpu.memory_space<vmem>> -> memref<1x128xi32, #tpu.memory_space<vmem>>
        %dma_start3A_231 = tpu.memref_squeeze %dma_start3A_230 : memref<1x128xi32, #tpu.memory_space<vmem>> -> memref<128xi32, #tpu.memory_space<vmem>>
        %dma_start3A_232 = arith.constant 0 : i32
        %dma_start3A_233 = arith.constant 0 : i32
        %dma_start3A_234 = tpu.memref_slice %arg13[%dma_start3A_232, %dma_start3A_233] : memref<10240x128xf32, #tpu.memory_space<vmem_shared>> -> memref<10240x128xf32, #tpu.memory_space<vmem_shared>>
        tpu.enqueue_indirect_dma source(%arg10 : memref<128x128xf32, #tpu.memory_space<vmem>>) target(%dma_start3A_234 : memref<10240x128xf32, #tpu.memory_space<vmem_shared>>) offsets(%dma_start3A_231 : memref<128xi32, #tpu.memory_space<vmem>>) semaphore(%run_scoped3A : memref<!tpu.dma_semaphore, #tpu.memory_space<semaphore_mem>>) {add = true}
        %dma_wait3A_235 = arith.constant 0 : i32
        %dma_wait3A_236 = tpu.memref_slice %arg8[%add3A_194, %dma_wait3A_235] : memref<56x128xi32, #tpu.memory_space<vmem>> -> memref<1x128xi32, #tpu.memory_space<vmem>>
        %dma_wait3A_237 = tpu.memref_squeeze %dma_wait3A_236 : memref<1x128xi32, #tpu.memory_space<vmem>> -> memref<128xi32, #tpu.memory_space<vmem>>
        %dma_wait3A_238 = arith.constant 0 : i32
        %dma_wait3A_239 = arith.constant 0 : i32
        %dma_wait3A_240 = tpu.memref_slice %arg13[%dma_wait3A_238, %dma_wait3A_239] : memref<10240x128xf32, #tpu.memory_space<vmem_shared>> -> memref<10240x128xf32, #tpu.memory_space<vmem_shared>>
        tpu.wait_indirect_dma semaphore(%run_scoped3A : memref<!tpu.dma_semaphore, #tpu.memory_space<semaphore_mem>>) src(%arg10 : memref<128x128xf32, #tpu.memory_space<vmem>>) dst(%dma_wait3A_240 : memref<10240x128xf32, #tpu.memory_space<vmem_shared>>)
        tpu.yield
      }) : () -> ()
    }
    %eq3A_62 = arith.constant 0 : i32
    %eq3A_63 = arith.cmpi eq, %arg0, %eq3A_62 : i32
    %jit3A_64 = arith.constant 56 : i32
    %jit3A_65 = arith.constant 0 : i32
    %select_n3A_66 = arith.select %eq3A_63, %jit3A_64, %jit3A_65 : i32
    %eq3A_67 = arith.constant 0 : i32
    %eq3A_68 = arith.cmpi eq, %arg0, %eq3A_67 : i32
    %jit3A_69 = arith.constant 56 : i32
    %jit3A_70 = arith.constant 24 : i32
    %select_n3A_71 = arith.select %eq3A_68, %jit3A_69, %jit3A_70 : i32
    %add3A_72 = arith.addi %select_n3A, %select_n3A_71 : i32
    "tpu.region"() ({
      %run_scoped3A = tpu.sem_alloc : memref<!tpu.dma_semaphore, #tpu.memory_space<semaphore_mem>>
      %dma_start3A = arith.constant 0 : i32
      %dma_start3A_188 = tpu.memref_slice %arg3[%add3A_72, %dma_start3A] : memref<2568x128xi32, #tpu.memory_space<hbm>> -> memref<56x128xi32, #tpu.memory_space<hbm>>
      %dma_start3A_189 = arith.constant 0 : i32
      %dma_start3A_190 = tpu.memref_slice %arg3[%add3A_72, %dma_start3A_189] : memref<2568x128xi32, #tpu.memory_space<hbm>> -> memref<56x128xi32, #tpu.memory_space<hbm>>
      tpu.enqueue_dma source(%dma_start3A_190 : memref<56x128xi32, #tpu.memory_space<hbm>>) target(%arg7 : memref<56x128xi32, #tpu.memory_space<vmem>>) target_semaphore(%run_scoped3A : memref<!tpu.dma_semaphore, #tpu.memory_space<semaphore_mem>>)
      %dma_wait3A = arith.constant 0 : i32
      %dma_wait3A_191 = tpu.memref_slice %arg3[%add3A_72, %dma_wait3A] : memref<2568x128xi32, #tpu.memory_space<hbm>> -> memref<56x128xi32, #tpu.memory_space<hbm>>
      %dma_wait3A_192 = arith.constant 0 : i32
      %dma_wait3A_193 = tpu.memref_slice %arg3[%add3A_72, %dma_wait3A_192] : memref<2568x128xi32, #tpu.memory_space<hbm>> -> memref<56x128xi32, #tpu.memory_space<hbm>>
      tpu.wait_dma2 semaphore(%run_scoped3A : memref<!tpu.dma_semaphore, #tpu.memory_space<semaphore_mem>>) src(%dma_wait3A_193 : memref<56x128xi32, #tpu.memory_space<hbm>>) dst(%arg7 : memref<56x128xi32, #tpu.memory_space<vmem>>)
      tpu.yield
    }) : () -> ()
    "tpu.region"() ({
      %run_scoped3A = tpu.sem_alloc : memref<!tpu.dma_semaphore, #tpu.memory_space<semaphore_mem>>
      %dma_start3A = arith.constant 0 : i32
      %dma_start3A_188 = tpu.memref_slice %arg4[%add3A_72, %dma_start3A] : memref<2568x128xi32, #tpu.memory_space<hbm>> -> memref<56x128xi32, #tpu.memory_space<hbm>>
      %dma_start3A_189 = arith.constant 0 : i32
      %dma_start3A_190 = tpu.memref_slice %arg4[%add3A_72, %dma_start3A_189] : memref<2568x128xi32, #tpu.memory_space<hbm>> -> memref<56x128xi32, #tpu.memory_space<hbm>>
      tpu.enqueue_dma source(%dma_start3A_190 : memref<56x128xi32, #tpu.memory_space<hbm>>) target(%arg8 : memref<56x128xi32, #tpu.memory_space<vmem>>) target_semaphore(%run_scoped3A : memref<!tpu.dma_semaphore, #tpu.memory_space<semaphore_mem>>)
      %dma_wait3A = arith.constant 0 : i32
      %dma_wait3A_191 = tpu.memref_slice %arg4[%add3A_72, %dma_wait3A] : memref<2568x128xi32, #tpu.memory_space<hbm>> -> memref<56x128xi32, #tpu.memory_space<hbm>>
      %dma_wait3A_192 = arith.constant 0 : i32
      %dma_wait3A_193 = tpu.memref_slice %arg4[%add3A_72, %dma_wait3A_192] : memref<2568x128xi32, #tpu.memory_space<hbm>> -> memref<56x128xi32, #tpu.memory_space<hbm>>
      tpu.wait_dma2 semaphore(%run_scoped3A : memref<!tpu.dma_semaphore, #tpu.memory_space<semaphore_mem>>) src(%dma_wait3A_193 : memref<56x128xi32, #tpu.memory_space<hbm>>) dst(%arg8 : memref<56x128xi32, #tpu.memory_space<vmem>>)
      tpu.yield
    }) : () -> ()
    %jit3A_73 = arith.constant 2 : i32
    %div3A_74 = arith.divsi %select_n3A_66, %jit3A_73 : i32
    %sign3A_75 = arith.constant 0 : i32
    %sign3A_76 = arith.cmpi sgt, %select_n3A_66, %sign3A_75 : i32
    %sign3A_77 = arith.extui %sign3A_76 : i1 to i32
    %sign3A_78 = arith.constant 0 : i32
    %sign3A_79 = arith.cmpi slt, %select_n3A_66, %sign3A_78 : i32
    %sign3A_80 = arith.extui %sign3A_79 : i1 to i32
    %sign3A_81 = arith.subi %sign3A_77, %sign3A_80 : i32
    %sign3A_82 = arith.constant 0 : i32
    %sign3A_83 = arith.cmpi sgt, %jit3A_73, %sign3A_82 : i32
    %sign3A_84 = arith.extui %sign3A_83 : i1 to i32
    %sign3A_85 = arith.constant 0 : i32
    %sign3A_86 = arith.cmpi slt, %jit3A_73, %sign3A_85 : i32
    %sign3A_87 = arith.extui %sign3A_86 : i1 to i32
    %sign3A_88 = arith.subi %sign3A_84, %sign3A_87 : i32
    %ne3A_89 = arith.cmpi ne, %sign3A_81, %sign3A_88 : i32
    %rem3A_90 = arith.remsi %select_n3A_66, %jit3A_73 : i32
    %ne3A_91 = arith.constant 0 : i32
    %ne3A_92 = arith.cmpi ne, %rem3A_90, %ne3A_91 : i32
    %and3A_93 = arith.andi %ne3A_89, %ne3A_92 : i1
    %sub3A_94 = arith.constant 1 : i32
    %sub3A_95 = arith.subi %div3A_74, %sub3A_94 : i32
    %select_n3A_96 = arith.select %and3A_93, %sub3A_95, %div3A_74 : i32
    %while3A_97 = arith.constant 0 : i32
    %while3A_98 = arith.constant 0 : i32
    %while3A_99 = arith.subi %select_n3A_96, %while3A_98 : i32
    %while3A_100 = arith.addi %while3A_98, %while3A_99 : i32
    %while3A_101 = arith.constant 1 : i32
    %while3A_102 = arith.divsi %while3A_99, %while3A_101 : i32
    %while3A_103 = arith.muli %while3A_102, %while3A_101 : i32
    %while3A_104 = arith.addi %while3A_98, %while3A_103 : i32
    %while3A_105 = arith.constant 1 : i32
    scf.for %while3A_188 = %while3A_98 to %while3A_104 step %while3A_105  : i32 {
      %mul3A_189 = arith.constant 2 : i32
      %mul3A_190 = arith.muli %while3A_188, %mul3A_189 : i32
      %mul3A_191 = arith.constant 2 : i32
      %mul3A_192 = arith.muli %while3A_188, %mul3A_191 : i32
      %add3A_193 = arith.constant 1 : i32
      %add3A_194 = arith.addi %mul3A_192, %add3A_193 : i32
      %dma_start3A = arith.constant 0 : i32
      %dma_start3A_195 = tpu.memref_slice %arg7[%mul3A_190, %dma_start3A] : memref<56x128xi32, #tpu.memory_space<vmem>> -> memref<1x128xi32, #tpu.memory_space<vmem>>
      %dma_start3A_196 = tpu.memref_squeeze %dma_start3A_195 : memref<1x128xi32, #tpu.memory_space<vmem>> -> memref<128xi32, #tpu.memory_space<vmem>>
      %dma_start3A_197 = arith.constant 0 : i32
      %dma_start3A_198 = arith.constant 0 : i32
      %dma_start3A_199 = tpu.memref_slice %arg2[%dma_start3A_197, %dma_start3A_198] : memref<10240x128xf32, #tpu.memory_space<hbm>> -> memref<10240x128xf32, #tpu.memory_space<hbm>>
      tpu.enqueue_indirect_dma source(%dma_start3A_199 : memref<10240x128xf32, #tpu.memory_space<hbm>>) target(%arg9 : memref<128x128xf32, #tpu.memory_space<vmem>>) offsets(%dma_start3A_196 : memref<128xi32, #tpu.memory_space<vmem>>) semaphore(%arg11 : memref<!tpu.dma_semaphore, #tpu.memory_space<semaphore_mem>>)
      %dma_wait3A = arith.constant 0 : i32
      %dma_wait3A_200 = tpu.memref_slice %arg7[%mul3A_190, %dma_wait3A] : memref<56x128xi32, #tpu.memory_space<vmem>> -> memref<1x128xi32, #tpu.memory_space<vmem>>
      %dma_wait3A_201 = tpu.memref_squeeze %dma_wait3A_200 : memref<1x128xi32, #tpu.memory_space<vmem>> -> memref<128xi32, #tpu.memory_space<vmem>>
      %dma_wait3A_202 = arith.constant 0 : i32
      %dma_wait3A_203 = arith.constant 0 : i32
      %dma_wait3A_204 = tpu.memref_slice %arg2[%dma_wait3A_202, %dma_wait3A_203] : memref<10240x128xf32, #tpu.memory_space<hbm>> -> memref<10240x128xf32, #tpu.memory_space<hbm>>
      tpu.wait_indirect_dma semaphore(%arg11 : memref<!tpu.dma_semaphore, #tpu.memory_space<semaphore_mem>>) src(%dma_wait3A_204 : memref<10240x128xf32, #tpu.memory_space<hbm>>) dst(%arg9 : memref<128x128xf32, #tpu.memory_space<vmem>>)
      %dma_start3A_205 = arith.constant 0 : i32
      %dma_start3A_206 = tpu.memref_slice %arg8[%mul3A_190, %dma_start3A_205] : memref<56x128xi32, #tpu.memory_space<vmem>> -> memref<1x128xi32, #tpu.memory_space<vmem>>
      %dma_start3A_207 = tpu.memref_squeeze %dma_start3A_206 : memref<1x128xi32, #tpu.memory_space<vmem>> -> memref<128xi32, #tpu.memory_space<vmem>>
      %dma_start3A_208 = arith.constant 0 : i32
      %dma_start3A_209 = arith.constant 0 : i32
      %dma_start3A_210 = tpu.memref_slice %arg13[%dma_start3A_208, %dma_start3A_209] : memref<10240x128xf32, #tpu.memory_space<vmem_shared>> -> memref<10240x128xf32, #tpu.memory_space<vmem_shared>>
      tpu.enqueue_indirect_dma source(%arg9 : memref<128x128xf32, #tpu.memory_space<vmem>>) target(%dma_start3A_210 : memref<10240x128xf32, #tpu.memory_space<vmem_shared>>) offsets(%dma_start3A_207 : memref<128xi32, #tpu.memory_space<vmem>>) semaphore(%arg12 : memref<!tpu.dma_semaphore, #tpu.memory_space<semaphore_mem>>) {add = true}
      %dma_start3A_211 = arith.constant 0 : i32
      %dma_start3A_212 = tpu.memref_slice %arg7[%add3A_194, %dma_start3A_211] : memref<56x128xi32, #tpu.memory_space<vmem>> -> memref<1x128xi32, #tpu.memory_space<vmem>>
      %dma_start3A_213 = tpu.memref_squeeze %dma_start3A_212 : memref<1x128xi32, #tpu.memory_space<vmem>> -> memref<128xi32, #tpu.memory_space<vmem>>
      %dma_start3A_214 = arith.constant 0 : i32
      %dma_start3A_215 = arith.constant 0 : i32
      %dma_start3A_216 = tpu.memref_slice %arg2[%dma_start3A_214, %dma_start3A_215] : memref<10240x128xf32, #tpu.memory_space<hbm>> -> memref<10240x128xf32, #tpu.memory_space<hbm>>
      tpu.enqueue_indirect_dma source(%dma_start3A_216 : memref<10240x128xf32, #tpu.memory_space<hbm>>) target(%arg10 : memref<128x128xf32, #tpu.memory_space<vmem>>) offsets(%dma_start3A_213 : memref<128xi32, #tpu.memory_space<vmem>>) semaphore(%arg11 : memref<!tpu.dma_semaphore, #tpu.memory_space<semaphore_mem>>)
      %dma_wait3A_217 = arith.constant 0 : i32
      %dma_wait3A_218 = tpu.memref_slice %arg7[%add3A_194, %dma_wait3A_217] : memref<56x128xi32, #tpu.memory_space<vmem>> -> memref<1x128xi32, #tpu.memory_space<vmem>>
      %dma_wait3A_219 = tpu.memref_squeeze %dma_wait3A_218 : memref<1x128xi32, #tpu.memory_space<vmem>> -> memref<128xi32, #tpu.memory_space<vmem>>
      %dma_wait3A_220 = arith.constant 0 : i32
      %dma_wait3A_221 = arith.constant 0 : i32
      %dma_wait3A_222 = tpu.memref_slice %arg2[%dma_wait3A_220, %dma_wait3A_221] : memref<10240x128xf32, #tpu.memory_space<hbm>> -> memref<10240x128xf32, #tpu.memory_space<hbm>>
      tpu.wait_indirect_dma semaphore(%arg11 : memref<!tpu.dma_semaphore, #tpu.memory_space<semaphore_mem>>) src(%dma_wait3A_222 : memref<10240x128xf32, #tpu.memory_space<hbm>>) dst(%arg10 : memref<128x128xf32, #tpu.memory_space<vmem>>)
      %dma_wait3A_223 = arith.constant 0 : i32
      %dma_wait3A_224 = tpu.memref_slice %arg8[%mul3A_190, %dma_wait3A_223] : memref<56x128xi32, #tpu.memory_space<vmem>> -> memref<1x128xi32, #tpu.memory_space<vmem>>
      %dma_wait3A_225 = tpu.memref_squeeze %dma_wait3A_224 : memref<1x128xi32, #tpu.memory_space<vmem>> -> memref<128xi32, #tpu.memory_space<vmem>>
      %dma_wait3A_226 = arith.constant 0 : i32
      %dma_wait3A_227 = arith.constant 0 : i32
      %dma_wait3A_228 = tpu.memref_slice %arg13[%dma_wait3A_226, %dma_wait3A_227] : memref<10240x128xf32, #tpu.memory_space<vmem_shared>> -> memref<10240x128xf32, #tpu.memory_space<vmem_shared>>
      tpu.wait_indirect_dma semaphore(%arg12 : memref<!tpu.dma_semaphore, #tpu.memory_space<semaphore_mem>>) src(%arg9 : memref<128x128xf32, #tpu.memory_space<vmem>>) dst(%dma_wait3A_228 : memref<10240x128xf32, #tpu.memory_space<vmem_shared>>)
      "tpu.region"() ({
        %run_scoped3A = tpu.sem_alloc : memref<!tpu.dma_semaphore, #tpu.memory_space<semaphore_mem>>
        %dma_start3A_229 = arith.constant 0 : i32
        %dma_start3A_230 = tpu.memref_slice %arg8[%add3A_194, %dma_start3A_229] : memref<56x128xi32, #tpu.memory_space<vmem>> -> memref<1x128xi32, #tpu.memory_space<vmem>>
        %dma_start3A_231 = tpu.memref_squeeze %dma_start3A_230 : memref<1x128xi32, #tpu.memory_space<vmem>> -> memref<128xi32, #tpu.memory_space<vmem>>
        %dma_start3A_232 = arith.constant 0 : i32
        %dma_start3A_233 = arith.constant 0 : i32
        %dma_start3A_234 = tpu.memref_slice %arg13[%dma_start3A_232, %dma_start3A_233] : memref<10240x128xf32, #tpu.memory_space<vmem_shared>> -> memref<10240x128xf32, #tpu.memory_space<vmem_shared>>
        tpu.enqueue_indirect_dma source(%arg10 : memref<128x128xf32, #tpu.memory_space<vmem>>) target(%dma_start3A_234 : memref<10240x128xf32, #tpu.memory_space<vmem_shared>>) offsets(%dma_start3A_231 : memref<128xi32, #tpu.memory_space<vmem>>) semaphore(%run_scoped3A : memref<!tpu.dma_semaphore, #tpu.memory_space<semaphore_mem>>) {add = true}
        %dma_wait3A_235 = arith.constant 0 : i32
        %dma_wait3A_236 = tpu.memref_slice %arg8[%add3A_194, %dma_wait3A_235] : memref<56x128xi32, #tpu.memory_space<vmem>> -> memref<1x128xi32, #tpu.memory_space<vmem>>
        %dma_wait3A_237 = tpu.memref_squeeze %dma_wait3A_236 : memref<1x128xi32, #tpu.memory_space<vmem>> -> memref<128xi32, #tpu.memory_space<vmem>>
        %dma_wait3A_238 = arith.constant 0 : i32
        %dma_wait3A_239 = arith.constant 0 : i32
        %dma_wait3A_240 = tpu.memref_slice %arg13[%dma_wait3A_238, %dma_wait3A_239] : memref<10240x128xf32, #tpu.memory_space<vmem_shared>> -> memref<10240x128xf32, #tpu.memory_space<vmem_shared>>
        tpu.wait_indirect_dma semaphore(%run_scoped3A : memref<!tpu.dma_semaphore, #tpu.memory_space<semaphore_mem>>) src(%arg10 : memref<128x128xf32, #tpu.memory_space<vmem>>) dst(%dma_wait3A_240 : memref<10240x128xf32, #tpu.memory_space<vmem_shared>>)
        tpu.yield
      }) : () -> ()
    }
    %while3A_106 = arith.constant 1 : i32
    scf.for %while3A_188 = %while3A_104 to %while3A_100 step %while3A_106  : i32 {
      %mul3A_189 = arith.constant 2 : i32
      %mul3A_190 = arith.muli %while3A_188, %mul3A_189 : i32
      %mul3A_191 = arith.constant 2 : i32
      %mul3A_192 = arith.muli %while3A_188, %mul3A_191 : i32
      %add3A_193 = arith.constant 1 : i32
      %add3A_194 = arith.addi %mul3A_192, %add3A_193 : i32
      %dma_start3A = arith.constant 0 : i32
      %dma_start3A_195 = tpu.memref_slice %arg7[%mul3A_190, %dma_start3A] : memref<56x128xi32, #tpu.memory_space<vmem>> -> memref<1x128xi32, #tpu.memory_space<vmem>>
      %dma_start3A_196 = tpu.memref_squeeze %dma_start3A_195 : memref<1x128xi32, #tpu.memory_space<vmem>> -> memref<128xi32, #tpu.memory_space<vmem>>
      %dma_start3A_197 = arith.constant 0 : i32
      %dma_start3A_198 = arith.constant 0 : i32
      %dma_start3A_199 = tpu.memref_slice %arg2[%dma_start3A_197, %dma_start3A_198] : memref<10240x128xf32, #tpu.memory_space<hbm>> -> memref<10240x128xf32, #tpu.memory_space<hbm>>
      tpu.enqueue_indirect_dma source(%dma_start3A_199 : memref<10240x128xf32, #tpu.memory_space<hbm>>) target(%arg9 : memref<128x128xf32, #tpu.memory_space<vmem>>) offsets(%dma_start3A_196 : memref<128xi32, #tpu.memory_space<vmem>>) semaphore(%arg11 : memref<!tpu.dma_semaphore, #tpu.memory_space<semaphore_mem>>)
      %dma_wait3A = arith.constant 0 : i32
      %dma_wait3A_200 = tpu.memref_slice %arg7[%mul3A_190, %dma_wait3A] : memref<56x128xi32, #tpu.memory_space<vmem>> -> memref<1x128xi32, #tpu.memory_space<vmem>>
      %dma_wait3A_201 = tpu.memref_squeeze %dma_wait3A_200 : memref<1x128xi32, #tpu.memory_space<vmem>> -> memref<128xi32, #tpu.memory_space<vmem>>
      %dma_wait3A_202 = arith.constant 0 : i32
      %dma_wait3A_203 = arith.constant 0 : i32
      %dma_wait3A_204 = tpu.memref_slice %arg2[%dma_wait3A_202, %dma_wait3A_203] : memref<10240x128xf32, #tpu.memory_space<hbm>> -> memref<10240x128xf32, #tpu.memory_space<hbm>>
      tpu.wait_indirect_dma semaphore(%arg11 : memref<!tpu.dma_semaphore, #tpu.memory_space<semaphore_mem>>) src(%dma_wait3A_204 : memref<10240x128xf32, #tpu.memory_space<hbm>>) dst(%arg9 : memref<128x128xf32, #tpu.memory_space<vmem>>)
      %dma_start3A_205 = arith.constant 0 : i32
      %dma_start3A_206 = tpu.memref_slice %arg8[%mul3A_190, %dma_start3A_205] : memref<56x128xi32, #tpu.memory_space<vmem>> -> memref<1x128xi32, #tpu.memory_space<vmem>>
      %dma_start3A_207 = tpu.memref_squeeze %dma_start3A_206 : memref<1x128xi32, #tpu.memory_space<vmem>> -> memref<128xi32, #tpu.memory_space<vmem>>
      %dma_start3A_208 = arith.constant 0 : i32
      %dma_start3A_209 = arith.constant 0 : i32
      %dma_start3A_210 = tpu.memref_slice %arg13[%dma_start3A_208, %dma_start3A_209] : memref<10240x128xf32, #tpu.memory_space<vmem_shared>> -> memref<10240x128xf32, #tpu.memory_space<vmem_shared>>
      tpu.enqueue_indirect_dma source(%arg9 : memref<128x128xf32, #tpu.memory_space<vmem>>) target(%dma_start3A_210 : memref<10240x128xf32, #tpu.memory_space<vmem_shared>>) offsets(%dma_start3A_207 : memref<128xi32, #tpu.memory_space<vmem>>) semaphore(%arg12 : memref<!tpu.dma_semaphore, #tpu.memory_space<semaphore_mem>>) {add = true}
      %dma_start3A_211 = arith.constant 0 : i32
      %dma_start3A_212 = tpu.memref_slice %arg7[%add3A_194, %dma_start3A_211] : memref<56x128xi32, #tpu.memory_space<vmem>> -> memref<1x128xi32, #tpu.memory_space<vmem>>
      %dma_start3A_213 = tpu.memref_squeeze %dma_start3A_212 : memref<1x128xi32, #tpu.memory_space<vmem>> -> memref<128xi32, #tpu.memory_space<vmem>>
      %dma_start3A_214 = arith.constant 0 : i32
      %dma_start3A_215 = arith.constant 0 : i32
      %dma_start3A_216 = tpu.memref_slice %arg2[%dma_start3A_214, %dma_start3A_215] : memref<10240x128xf32, #tpu.memory_space<hbm>> -> memref<10240x128xf32, #tpu.memory_space<hbm>>
      tpu.enqueue_indirect_dma source(%dma_start3A_216 : memref<10240x128xf32, #tpu.memory_space<hbm>>) target(%arg10 : memref<128x128xf32, #tpu.memory_space<vmem>>) offsets(%dma_start3A_213 : memref<128xi32, #tpu.memory_space<vmem>>) semaphore(%arg11 : memref<!tpu.dma_semaphore, #tpu.memory_space<semaphore_mem>>)
      %dma_wait3A_217 = arith.constant 0 : i32
      %dma_wait3A_218 = tpu.memref_slice %arg7[%add3A_194, %dma_wait3A_217] : memref<56x128xi32, #tpu.memory_space<vmem>> -> memref<1x128xi32, #tpu.memory_space<vmem>>
      %dma_wait3A_219 = tpu.memref_squeeze %dma_wait3A_218 : memref<1x128xi32, #tpu.memory_space<vmem>> -> memref<128xi32, #tpu.memory_space<vmem>>
      %dma_wait3A_220 = arith.constant 0 : i32
      %dma_wait3A_221 = arith.constant 0 : i32
      %dma_wait3A_222 = tpu.memref_slice %arg2[%dma_wait3A_220, %dma_wait3A_221] : memref<10240x128xf32, #tpu.memory_space<hbm>> -> memref<10240x128xf32, #tpu.memory_space<hbm>>
      tpu.wait_indirect_dma semaphore(%arg11 : memref<!tpu.dma_semaphore, #tpu.memory_space<semaphore_mem>>) src(%dma_wait3A_222 : memref<10240x128xf32, #tpu.memory_space<hbm>>) dst(%arg10 : memref<128x128xf32, #tpu.memory_space<vmem>>)
      %dma_wait3A_223 = arith.constant 0 : i32
      %dma_wait3A_224 = tpu.memref_slice %arg8[%mul3A_190, %dma_wait3A_223] : memref<56x128xi32, #tpu.memory_space<vmem>> -> memref<1x128xi32, #tpu.memory_space<vmem>>
      %dma_wait3A_225 = tpu.memref_squeeze %dma_wait3A_224 : memref<1x128xi32, #tpu.memory_space<vmem>> -> memref<128xi32, #tpu.memory_space<vmem>>
      %dma_wait3A_226 = arith.constant 0 : i32
      %dma_wait3A_227 = arith.constant 0 : i32
      %dma_wait3A_228 = tpu.memref_slice %arg13[%dma_wait3A_226, %dma_wait3A_227] : memref<10240x128xf32, #tpu.memory_space<vmem_shared>> -> memref<10240x128xf32, #tpu.memory_space<vmem_shared>>
      tpu.wait_indirect_dma semaphore(%arg12 : memref<!tpu.dma_semaphore, #tpu.memory_space<semaphore_mem>>) src(%arg9 : memref<128x128xf32, #tpu.memory_space<vmem>>) dst(%dma_wait3A_228 : memref<10240x128xf32, #tpu.memory_space<vmem_shared>>)
      "tpu.region"() ({
        %run_scoped3A = tpu.sem_alloc : memref<!tpu.dma_semaphore, #tpu.memory_space<semaphore_mem>>
        %dma_start3A_229 = arith.constant 0 : i32
        %dma_start3A_230 = tpu.memref_slice %arg8[%add3A_194, %dma_start3A_229] : memref<56x128xi32, #tpu.memory_space<vmem>> -> memref<1x128xi32, #tpu.memory_space<vmem>>
        %dma_start3A_231 = tpu.memref_squeeze %dma_start3A_230 : memref<1x128xi32, #tpu.memory_space<vmem>> -> memref<128xi32, #tpu.memory_space<vmem>>
        %dma_start3A_232 = arith.constant 0 : i32
        %dma_start3A_233 = arith.constant 0 : i32
        %dma_start3A_234 = tpu.memref_slice %arg13[%dma_start3A_232, %dma_start3A_233] : memref<10240x128xf32, #tpu.memory_space<vmem_shared>> -> memref<10240x128xf32, #tpu.memory_space<vmem_shared>>
        tpu.enqueue_indirect_dma source(%arg10 : memref<128x128xf32, #tpu.memory_space<vmem>>) target(%dma_start3A_234 : memref<10240x128xf32, #tpu.memory_space<vmem_shared>>) offsets(%dma_start3A_231 : memref<128xi32, #tpu.memory_space<vmem>>) semaphore(%run_scoped3A : memref<!tpu.dma_semaphore, #tpu.memory_space<semaphore_mem>>) {add = true}
        %dma_wait3A_235 = arith.constant 0 : i32
        %dma_wait3A_236 = tpu.memref_slice %arg8[%add3A_194, %dma_wait3A_235] : memref<56x128xi32, #tpu.memory_space<vmem>> -> memref<1x128xi32, #tpu.memory_space<vmem>>
        %dma_wait3A_237 = tpu.memref_squeeze %dma_wait3A_236 : memref<1x128xi32, #tpu.memory_space<vmem>> -> memref<128xi32, #tpu.memory_space<vmem>>
        %dma_wait3A_238 = arith.constant 0 : i32
        %dma_wait3A_239 = arith.constant 0 : i32
        %dma_wait3A_240 = tpu.memref_slice %arg13[%dma_wait3A_238, %dma_wait3A_239] : memref<10240x128xf32, #tpu.memory_space<vmem_shared>> -> memref<10240x128xf32, #tpu.memory_space<vmem_shared>>
        tpu.wait_indirect_dma semaphore(%run_scoped3A : memref<!tpu.dma_semaphore, #tpu.memory_space<semaphore_mem>>) src(%arg10 : memref<128x128xf32, #tpu.memory_space<vmem>>) dst(%dma_wait3A_240 : memref<10240x128xf32, #tpu.memory_space<vmem_shared>>)
        tpu.yield
      }) : () -> ()
    }
    %eq3A_107 = arith.constant 0 : i32
    %eq3A_108 = arith.cmpi eq, %arg0, %eq3A_107 : i32
    %jit3A_109 = arith.constant 24 : i32
    %jit3A_110 = arith.constant 0 : i32
    %select_n3A_111 = arith.select %eq3A_108, %jit3A_109, %jit3A_110 : i32
    %eq3A_112 = arith.constant 0 : i32
    %eq3A_113 = arith.cmpi eq, %arg0, %eq3A_112 : i32
    %jit3A_114 = arith.constant 112 : i32
    %jit3A_115 = arith.constant 24 : i32
    %select_n3A_116 = arith.select %eq3A_113, %jit3A_114, %jit3A_115 : i32
    %add3A_117 = arith.addi %select_n3A, %select_n3A_116 : i32
    "tpu.region"() ({
      %run_scoped3A = tpu.sem_alloc : memref<!tpu.dma_semaphore, #tpu.memory_space<semaphore_mem>>
      %dma_start3A = arith.constant 0 : i32
      %dma_start3A_188 = tpu.memref_slice %arg3[%add3A_117, %dma_start3A] : memref<2568x128xi32, #tpu.memory_space<hbm>> -> memref<56x128xi32, #tpu.memory_space<hbm>>
      %dma_start3A_189 = arith.constant 0 : i32
      %dma_start3A_190 = tpu.memref_slice %arg3[%add3A_117, %dma_start3A_189] : memref<2568x128xi32, #tpu.memory_space<hbm>> -> memref<56x128xi32, #tpu.memory_space<hbm>>
      tpu.enqueue_dma source(%dma_start3A_190 : memref<56x128xi32, #tpu.memory_space<hbm>>) target(%arg7 : memref<56x128xi32, #tpu.memory_space<vmem>>) target_semaphore(%run_scoped3A : memref<!tpu.dma_semaphore, #tpu.memory_space<semaphore_mem>>)
      %dma_wait3A = arith.constant 0 : i32
      %dma_wait3A_191 = tpu.memref_slice %arg3[%add3A_117, %dma_wait3A] : memref<2568x128xi32, #tpu.memory_space<hbm>> -> memref<56x128xi32, #tpu.memory_space<hbm>>
      %dma_wait3A_192 = arith.constant 0 : i32
      %dma_wait3A_193 = tpu.memref_slice %arg3[%add3A_117, %dma_wait3A_192] : memref<2568x128xi32, #tpu.memory_space<hbm>> -> memref<56x128xi32, #tpu.memory_space<hbm>>
      tpu.wait_dma2 semaphore(%run_scoped3A : memref<!tpu.dma_semaphore, #tpu.memory_space<semaphore_mem>>) src(%dma_wait3A_193 : memref<56x128xi32, #tpu.memory_space<hbm>>) dst(%arg7 : memref<56x128xi32, #tpu.memory_space<vmem>>)
      tpu.yield
    }) : () -> ()
    "tpu.region"() ({
      %run_scoped3A = tpu.sem_alloc : memref<!tpu.dma_semaphore, #tpu.memory_space<semaphore_mem>>
      %dma_start3A = arith.constant 0 : i32
      %dma_start3A_188 = tpu.memref_slice %arg4[%add3A_117, %dma_start3A] : memref<2568x128xi32, #tpu.memory_space<hbm>> -> memref<56x128xi32, #tpu.memory_space<hbm>>
      %dma_start3A_189 = arith.constant 0 : i32
      %dma_start3A_190 = tpu.memref_slice %arg4[%add3A_117, %dma_start3A_189] : memref<2568x128xi32, #tpu.memory_space<hbm>> -> memref<56x128xi32, #tpu.memory_space<hbm>>
      tpu.enqueue_dma source(%dma_start3A_190 : memref<56x128xi32, #tpu.memory_space<hbm>>) target(%arg8 : memref<56x128xi32, #tpu.memory_space<vmem>>) target_semaphore(%run_scoped3A : memref<!tpu.dma_semaphore, #tpu.memory_space<semaphore_mem>>)
      %dma_wait3A = arith.constant 0 : i32
      %dma_wait3A_191 = tpu.memref_slice %arg4[%add3A_117, %dma_wait3A] : memref<2568x128xi32, #tpu.memory_space<hbm>> -> memref<56x128xi32, #tpu.memory_space<hbm>>
      %dma_wait3A_192 = arith.constant 0 : i32
      %dma_wait3A_193 = tpu.memref_slice %arg4[%add3A_117, %dma_wait3A_192] : memref<2568x128xi32, #tpu.memory_space<hbm>> -> memref<56x128xi32, #tpu.memory_space<hbm>>
      tpu.wait_dma2 semaphore(%run_scoped3A : memref<!tpu.dma_semaphore, #tpu.memory_space<semaphore_mem>>) src(%dma_wait3A_193 : memref<56x128xi32, #tpu.memory_space<hbm>>) dst(%arg8 : memref<56x128xi32, #tpu.memory_space<vmem>>)
      tpu.yield
    }) : () -> ()
    %jit3A_118 = arith.constant 2 : i32
    %div3A_119 = arith.divsi %select_n3A_111, %jit3A_118 : i32
    %sign3A_120 = arith.constant 0 : i32
    %sign3A_121 = arith.cmpi sgt, %select_n3A_111, %sign3A_120 : i32
    %sign3A_122 = arith.extui %sign3A_121 : i1 to i32
    %sign3A_123 = arith.constant 0 : i32
    %sign3A_124 = arith.cmpi slt, %select_n3A_111, %sign3A_123 : i32
    %sign3A_125 = arith.extui %sign3A_124 : i1 to i32
    %sign3A_126 = arith.subi %sign3A_122, %sign3A_125 : i32
    %sign3A_127 = arith.constant 0 : i32
    %sign3A_128 = arith.cmpi sgt, %jit3A_118, %sign3A_127 : i32
    %sign3A_129 = arith.extui %sign3A_128 : i1 to i32
    %sign3A_130 = arith.constant 0 : i32
    %sign3A_131 = arith.cmpi slt, %jit3A_118, %sign3A_130 : i32
    %sign3A_132 = arith.extui %sign3A_131 : i1 to i32
    %sign3A_133 = arith.subi %sign3A_129, %sign3A_132 : i32
    %ne3A_134 = arith.cmpi ne, %sign3A_126, %sign3A_133 : i32
    %rem3A_135 = arith.remsi %select_n3A_111, %jit3A_118 : i32
    %ne3A_136 = arith.constant 0 : i32
    %ne3A_137 = arith.cmpi ne, %rem3A_135, %ne3A_136 : i32
    %and3A_138 = arith.andi %ne3A_134, %ne3A_137 : i1
    %sub3A_139 = arith.constant 1 : i32
    %sub3A_140 = arith.subi %div3A_119, %sub3A_139 : i32
    %select_n3A_141 = arith.select %and3A_138, %sub3A_140, %div3A_119 : i32
    %while3A_142 = arith.constant 0 : i32
    %while3A_143 = arith.constant 0 : i32
    %while3A_144 = arith.subi %select_n3A_141, %while3A_143 : i32
    %while3A_145 = arith.addi %while3A_143, %while3A_144 : i32
    %while3A_146 = arith.constant 1 : i32
    %while3A_147 = arith.divsi %while3A_144, %while3A_146 : i32
    %while3A_148 = arith.muli %while3A_147, %while3A_146 : i32
    %while3A_149 = arith.addi %while3A_143, %while3A_148 : i32
    %while3A_150 = arith.constant 1 : i32
    scf.for %while3A_188 = %while3A_143 to %while3A_149 step %while3A_150  : i32 {
      %mul3A_189 = arith.constant 2 : i32
      %mul3A_190 = arith.muli %while3A_188, %mul3A_189 : i32
      %mul3A_191 = arith.constant 2 : i32
      %mul3A_192 = arith.muli %while3A_188, %mul3A_191 : i32
      %add3A_193 = arith.constant 1 : i32
      %add3A_194 = arith.addi %mul3A_192, %add3A_193 : i32
      %dma_start3A = arith.constant 0 : i32
      %dma_start3A_195 = tpu.memref_slice %arg7[%mul3A_190, %dma_start3A] : memref<56x128xi32, #tpu.memory_space<vmem>> -> memref<1x128xi32, #tpu.memory_space<vmem>>
      %dma_start3A_196 = tpu.memref_squeeze %dma_start3A_195 : memref<1x128xi32, #tpu.memory_space<vmem>> -> memref<128xi32, #tpu.memory_space<vmem>>
      %dma_start3A_197 = arith.constant 0 : i32
      %dma_start3A_198 = arith.constant 0 : i32
      %dma_start3A_199 = tpu.memref_slice %arg2[%dma_start3A_197, %dma_start3A_198] : memref<10240x128xf32, #tpu.memory_space<hbm>> -> memref<10240x128xf32, #tpu.memory_space<hbm>>
      tpu.enqueue_indirect_dma source(%dma_start3A_199 : memref<10240x128xf32, #tpu.memory_space<hbm>>) target(%arg9 : memref<128x128xf32, #tpu.memory_space<vmem>>) offsets(%dma_start3A_196 : memref<128xi32, #tpu.memory_space<vmem>>) semaphore(%arg11 : memref<!tpu.dma_semaphore, #tpu.memory_space<semaphore_mem>>)
      %dma_wait3A = arith.constant 0 : i32
      %dma_wait3A_200 = tpu.memref_slice %arg7[%mul3A_190, %dma_wait3A] : memref<56x128xi32, #tpu.memory_space<vmem>> -> memref<1x128xi32, #tpu.memory_space<vmem>>
      %dma_wait3A_201 = tpu.memref_squeeze %dma_wait3A_200 : memref<1x128xi32, #tpu.memory_space<vmem>> -> memref<128xi32, #tpu.memory_space<vmem>>
      %dma_wait3A_202 = arith.constant 0 : i32
      %dma_wait3A_203 = arith.constant 0 : i32
      %dma_wait3A_204 = tpu.memref_slice %arg2[%dma_wait3A_202, %dma_wait3A_203] : memref<10240x128xf32, #tpu.memory_space<hbm>> -> memref<10240x128xf32, #tpu.memory_space<hbm>>
      tpu.wait_indirect_dma semaphore(%arg11 : memref<!tpu.dma_semaphore, #tpu.memory_space<semaphore_mem>>) src(%dma_wait3A_204 : memref<10240x128xf32, #tpu.memory_space<hbm>>) dst(%arg9 : memref<128x128xf32, #tpu.memory_space<vmem>>)
      %dma_start3A_205 = arith.constant 0 : i32
      %dma_start3A_206 = tpu.memref_slice %arg8[%mul3A_190, %dma_start3A_205] : memref<56x128xi32, #tpu.memory_space<vmem>> -> memref<1x128xi32, #tpu.memory_space<vmem>>
      %dma_start3A_207 = tpu.memref_squeeze %dma_start3A_206 : memref<1x128xi32, #tpu.memory_space<vmem>> -> memref<128xi32, #tpu.memory_space<vmem>>
      %dma_start3A_208 = arith.constant 0 : i32
      %dma_start3A_209 = arith.constant 0 : i32
      %dma_start3A_210 = tpu.memref_slice %arg13[%dma_start3A_208, %dma_start3A_209] : memref<10240x128xf32, #tpu.memory_space<vmem_shared>> -> memref<10240x128xf32, #tpu.memory_space<vmem_shared>>
      tpu.enqueue_indirect_dma source(%arg9 : memref<128x128xf32, #tpu.memory_space<vmem>>) target(%dma_start3A_210 : memref<10240x128xf32, #tpu.memory_space<vmem_shared>>) offsets(%dma_start3A_207 : memref<128xi32, #tpu.memory_space<vmem>>) semaphore(%arg12 : memref<!tpu.dma_semaphore, #tpu.memory_space<semaphore_mem>>) {add = true}
      %dma_start3A_211 = arith.constant 0 : i32
      %dma_start3A_212 = tpu.memref_slice %arg7[%add3A_194, %dma_start3A_211] : memref<56x128xi32, #tpu.memory_space<vmem>> -> memref<1x128xi32, #tpu.memory_space<vmem>>
      %dma_start3A_213 = tpu.memref_squeeze %dma_start3A_212 : memref<1x128xi32, #tpu.memory_space<vmem>> -> memref<128xi32, #tpu.memory_space<vmem>>
      %dma_start3A_214 = arith.constant 0 : i32
      %dma_start3A_215 = arith.constant 0 : i32
      %dma_start3A_216 = tpu.memref_slice %arg2[%dma_start3A_214, %dma_start3A_215] : memref<10240x128xf32, #tpu.memory_space<hbm>> -> memref<10240x128xf32, #tpu.memory_space<hbm>>
      tpu.enqueue_indirect_dma source(%dma_start3A_216 : memref<10240x128xf32, #tpu.memory_space<hbm>>) target(%arg10 : memref<128x128xf32, #tpu.memory_space<vmem>>) offsets(%dma_start3A_213 : memref<128xi32, #tpu.memory_space<vmem>>) semaphore(%arg11 : memref<!tpu.dma_semaphore, #tpu.memory_space<semaphore_mem>>)
      %dma_wait3A_217 = arith.constant 0 : i32
      %dma_wait3A_218 = tpu.memref_slice %arg7[%add3A_194, %dma_wait3A_217] : memref<56x128xi32, #tpu.memory_space<vmem>> -> memref<1x128xi32, #tpu.memory_space<vmem>>
      %dma_wait3A_219 = tpu.memref_squeeze %dma_wait3A_218 : memref<1x128xi32, #tpu.memory_space<vmem>> -> memref<128xi32, #tpu.memory_space<vmem>>
      %dma_wait3A_220 = arith.constant 0 : i32
      %dma_wait3A_221 = arith.constant 0 : i32
      %dma_wait3A_222 = tpu.memref_slice %arg2[%dma_wait3A_220, %dma_wait3A_221] : memref<10240x128xf32, #tpu.memory_space<hbm>> -> memref<10240x128xf32, #tpu.memory_space<hbm>>
      tpu.wait_indirect_dma semaphore(%arg11 : memref<!tpu.dma_semaphore, #tpu.memory_space<semaphore_mem>>) src(%dma_wait3A_222 : memref<10240x128xf32, #tpu.memory_space<hbm>>) dst(%arg10 : memref<128x128xf32, #tpu.memory_space<vmem>>)
      %dma_wait3A_223 = arith.constant 0 : i32
      %dma_wait3A_224 = tpu.memref_slice %arg8[%mul3A_190, %dma_wait3A_223] : memref<56x128xi32, #tpu.memory_space<vmem>> -> memref<1x128xi32, #tpu.memory_space<vmem>>
      %dma_wait3A_225 = tpu.memref_squeeze %dma_wait3A_224 : memref<1x128xi32, #tpu.memory_space<vmem>> -> memref<128xi32, #tpu.memory_space<vmem>>
      %dma_wait3A_226 = arith.constant 0 : i32
      %dma_wait3A_227 = arith.constant 0 : i32
      %dma_wait3A_228 = tpu.memref_slice %arg13[%dma_wait3A_226, %dma_wait3A_227] : memref<10240x128xf32, #tpu.memory_space<vmem_shared>> -> memref<10240x128xf32, #tpu.memory_space<vmem_shared>>
      tpu.wait_indirect_dma semaphore(%arg12 : memref<!tpu.dma_semaphore, #tpu.memory_space<semaphore_mem>>) src(%arg9 : memref<128x128xf32, #tpu.memory_space<vmem>>) dst(%dma_wait3A_228 : memref<10240x128xf32, #tpu.memory_space<vmem_shared>>)
      "tpu.region"() ({
        %run_scoped3A = tpu.sem_alloc : memref<!tpu.dma_semaphore, #tpu.memory_space<semaphore_mem>>
        %dma_start3A_229 = arith.constant 0 : i32
        %dma_start3A_230 = tpu.memref_slice %arg8[%add3A_194, %dma_start3A_229] : memref<56x128xi32, #tpu.memory_space<vmem>> -> memref<1x128xi32, #tpu.memory_space<vmem>>
        %dma_start3A_231 = tpu.memref_squeeze %dma_start3A_230 : memref<1x128xi32, #tpu.memory_space<vmem>> -> memref<128xi32, #tpu.memory_space<vmem>>
        %dma_start3A_232 = arith.constant 0 : i32
        %dma_start3A_233 = arith.constant 0 : i32
        %dma_start3A_234 = tpu.memref_slice %arg13[%dma_start3A_232, %dma_start3A_233] : memref<10240x128xf32, #tpu.memory_space<vmem_shared>> -> memref<10240x128xf32, #tpu.memory_space<vmem_shared>>
        tpu.enqueue_indirect_dma source(%arg10 : memref<128x128xf32, #tpu.memory_space<vmem>>) target(%dma_start3A_234 : memref<10240x128xf32, #tpu.memory_space<vmem_shared>>) offsets(%dma_start3A_231 : memref<128xi32, #tpu.memory_space<vmem>>) semaphore(%run_scoped3A : memref<!tpu.dma_semaphore, #tpu.memory_space<semaphore_mem>>) {add = true}
        %dma_wait3A_235 = arith.constant 0 : i32
        %dma_wait3A_236 = tpu.memref_slice %arg8[%add3A_194, %dma_wait3A_235] : memref<56x128xi32, #tpu.memory_space<vmem>> -> memref<1x128xi32, #tpu.memory_space<vmem>>
        %dma_wait3A_237 = tpu.memref_squeeze %dma_wait3A_236 : memref<1x128xi32, #tpu.memory_space<vmem>> -> memref<128xi32, #tpu.memory_space<vmem>>
        %dma_wait3A_238 = arith.constant 0 : i32
        %dma_wait3A_239 = arith.constant 0 : i32
        %dma_wait3A_240 = tpu.memref_slice %arg13[%dma_wait3A_238, %dma_wait3A_239] : memref<10240x128xf32, #tpu.memory_space<vmem_shared>> -> memref<10240x128xf32, #tpu.memory_space<vmem_shared>>
        tpu.wait_indirect_dma semaphore(%run_scoped3A : memref<!tpu.dma_semaphore, #tpu.memory_space<semaphore_mem>>) src(%arg10 : memref<128x128xf32, #tpu.memory_space<vmem>>) dst(%dma_wait3A_240 : memref<10240x128xf32, #tpu.memory_space<vmem_shared>>)
        tpu.yield
      }) : () -> ()
    }
    %while3A_151 = arith.constant 1 : i32
    scf.for %while3A_188 = %while3A_149 to %while3A_145 step %while3A_151  : i32 {
      %mul3A_189 = arith.constant 2 : i32
      %mul3A_190 = arith.muli %while3A_188, %mul3A_189 : i32
      %mul3A_191 = arith.constant 2 : i32
      %mul3A_192 = arith.muli %while3A_188, %mul3A_191 : i32
      %add3A_193 = arith.constant 1 : i32
      %add3A_194 = arith.addi %mul3A_192, %add3A_193 : i32
      %dma_start3A = arith.constant 0 : i32
      %dma_start3A_195 = tpu.memref_slice %arg7[%mul3A_190, %dma_start3A] : memref<56x128xi32, #tpu.memory_space<vmem>> -> memref<1x128xi32, #tpu.memory_space<vmem>>
      %dma_start3A_196 = tpu.memref_squeeze %dma_start3A_195 : memref<1x128xi32, #tpu.memory_space<vmem>> -> memref<128xi32, #tpu.memory_space<vmem>>
      %dma_start3A_197 = arith.constant 0 : i32
      %dma_start3A_198 = arith.constant 0 : i32
      %dma_start3A_199 = tpu.memref_slice %arg2[%dma_start3A_197, %dma_start3A_198] : memref<10240x128xf32, #tpu.memory_space<hbm>> -> memref<10240x128xf32, #tpu.memory_space<hbm>>
      tpu.enqueue_indirect_dma source(%dma_start3A_199 : memref<10240x128xf32, #tpu.memory_space<hbm>>) target(%arg9 : memref<128x128xf32, #tpu.memory_space<vmem>>) offsets(%dma_start3A_196 : memref<128xi32, #tpu.memory_space<vmem>>) semaphore(%arg11 : memref<!tpu.dma_semaphore, #tpu.memory_space<semaphore_mem>>)
      %dma_wait3A = arith.constant 0 : i32
      %dma_wait3A_200 = tpu.memref_slice %arg7[%mul3A_190, %dma_wait3A] : memref<56x128xi32, #tpu.memory_space<vmem>> -> memref<1x128xi32, #tpu.memory_space<vmem>>
      %dma_wait3A_201 = tpu.memref_squeeze %dma_wait3A_200 : memref<1x128xi32, #tpu.memory_space<vmem>> -> memref<128xi32, #tpu.memory_space<vmem>>
      %dma_wait3A_202 = arith.constant 0 : i32
      %dma_wait3A_203 = arith.constant 0 : i32
      %dma_wait3A_204 = tpu.memref_slice %arg2[%dma_wait3A_202, %dma_wait3A_203] : memref<10240x128xf32, #tpu.memory_space<hbm>> -> memref<10240x128xf32, #tpu.memory_space<hbm>>
      tpu.wait_indirect_dma semaphore(%arg11 : memref<!tpu.dma_semaphore, #tpu.memory_space<semaphore_mem>>) src(%dma_wait3A_204 : memref<10240x128xf32, #tpu.memory_space<hbm>>) dst(%arg9 : memref<128x128xf32, #tpu.memory_space<vmem>>)
      %dma_start3A_205 = arith.constant 0 : i32
      %dma_start3A_206 = tpu.memref_slice %arg8[%mul3A_190, %dma_start3A_205] : memref<56x128xi32, #tpu.memory_space<vmem>> -> memref<1x128xi32, #tpu.memory_space<vmem>>
      %dma_start3A_207 = tpu.memref_squeeze %dma_start3A_206 : memref<1x128xi32, #tpu.memory_space<vmem>> -> memref<128xi32, #tpu.memory_space<vmem>>
      %dma_start3A_208 = arith.constant 0 : i32
      %dma_start3A_209 = arith.constant 0 : i32
      %dma_start3A_210 = tpu.memref_slice %arg13[%dma_start3A_208, %dma_start3A_209] : memref<10240x128xf32, #tpu.memory_space<vmem_shared>> -> memref<10240x128xf32, #tpu.memory_space<vmem_shared>>
      tpu.enqueue_indirect_dma source(%arg9 : memref<128x128xf32, #tpu.memory_space<vmem>>) target(%dma_start3A_210 : memref<10240x128xf32, #tpu.memory_space<vmem_shared>>) offsets(%dma_start3A_207 : memref<128xi32, #tpu.memory_space<vmem>>) semaphore(%arg12 : memref<!tpu.dma_semaphore, #tpu.memory_space<semaphore_mem>>) {add = true}
      %dma_start3A_211 = arith.constant 0 : i32
      %dma_start3A_212 = tpu.memref_slice %arg7[%add3A_194, %dma_start3A_211] : memref<56x128xi32, #tpu.memory_space<vmem>> -> memref<1x128xi32, #tpu.memory_space<vmem>>
      %dma_start3A_213 = tpu.memref_squeeze %dma_start3A_212 : memref<1x128xi32, #tpu.memory_space<vmem>> -> memref<128xi32, #tpu.memory_space<vmem>>
      %dma_start3A_214 = arith.constant 0 : i32
      %dma_start3A_215 = arith.constant 0 : i32
      %dma_start3A_216 = tpu.memref_slice %arg2[%dma_start3A_214, %dma_start3A_215] : memref<10240x128xf32, #tpu.memory_space<hbm>> -> memref<10240x128xf32, #tpu.memory_space<hbm>>
      tpu.enqueue_indirect_dma source(%dma_start3A_216 : memref<10240x128xf32, #tpu.memory_space<hbm>>) target(%arg10 : memref<128x128xf32, #tpu.memory_space<vmem>>) offsets(%dma_start3A_213 : memref<128xi32, #tpu.memory_space<vmem>>) semaphore(%arg11 : memref<!tpu.dma_semaphore, #tpu.memory_space<semaphore_mem>>)
      %dma_wait3A_217 = arith.constant 0 : i32
      %dma_wait3A_218 = tpu.memref_slice %arg7[%add3A_194, %dma_wait3A_217] : memref<56x128xi32, #tpu.memory_space<vmem>> -> memref<1x128xi32, #tpu.memory_space<vmem>>
      %dma_wait3A_219 = tpu.memref_squeeze %dma_wait3A_218 : memref<1x128xi32, #tpu.memory_space<vmem>> -> memref<128xi32, #tpu.memory_space<vmem>>
      %dma_wait3A_220 = arith.constant 0 : i32
      %dma_wait3A_221 = arith.constant 0 : i32
      %dma_wait3A_222 = tpu.memref_slice %arg2[%dma_wait3A_220, %dma_wait3A_221] : memref<10240x128xf32, #tpu.memory_space<hbm>> -> memref<10240x128xf32, #tpu.memory_space<hbm>>
      tpu.wait_indirect_dma semaphore(%arg11 : memref<!tpu.dma_semaphore, #tpu.memory_space<semaphore_mem>>) src(%dma_wait3A_222 : memref<10240x128xf32, #tpu.memory_space<hbm>>) dst(%arg10 : memref<128x128xf32, #tpu.memory_space<vmem>>)
      %dma_wait3A_223 = arith.constant 0 : i32
      %dma_wait3A_224 = tpu.memref_slice %arg8[%mul3A_190, %dma_wait3A_223] : memref<56x128xi32, #tpu.memory_space<vmem>> -> memref<1x128xi32, #tpu.memory_space<vmem>>
      %dma_wait3A_225 = tpu.memref_squeeze %dma_wait3A_224 : memref<1x128xi32, #tpu.memory_space<vmem>> -> memref<128xi32, #tpu.memory_space<vmem>>
      %dma_wait3A_226 = arith.constant 0 : i32
      %dma_wait3A_227 = arith.constant 0 : i32
      %dma_wait3A_228 = tpu.memref_slice %arg13[%dma_wait3A_226, %dma_wait3A_227] : memref<10240x128xf32, #tpu.memory_space<vmem_shared>> -> memref<10240x128xf32, #tpu.memory_space<vmem_shared>>
      tpu.wait_indirect_dma semaphore(%arg12 : memref<!tpu.dma_semaphore, #tpu.memory_space<semaphore_mem>>) src(%arg9 : memref<128x128xf32, #tpu.memory_space<vmem>>) dst(%dma_wait3A_228 : memref<10240x128xf32, #tpu.memory_space<vmem_shared>>)
      "tpu.region"() ({
        %run_scoped3A = tpu.sem_alloc : memref<!tpu.dma_semaphore, #tpu.memory_space<semaphore_mem>>
        %dma_start3A_229 = arith.constant 0 : i32
        %dma_start3A_230 = tpu.memref_slice %arg8[%add3A_194, %dma_start3A_229] : memref<56x128xi32, #tpu.memory_space<vmem>> -> memref<1x128xi32, #tpu.memory_space<vmem>>
        %dma_start3A_231 = tpu.memref_squeeze %dma_start3A_230 : memref<1x128xi32, #tpu.memory_space<vmem>> -> memref<128xi32, #tpu.memory_space<vmem>>
        %dma_start3A_232 = arith.constant 0 : i32
        %dma_start3A_233 = arith.constant 0 : i32
        %dma_start3A_234 = tpu.memref_slice %arg13[%dma_start3A_232, %dma_start3A_233] : memref<10240x128xf32, #tpu.memory_space<vmem_shared>> -> memref<10240x128xf32, #tpu.memory_space<vmem_shared>>
        tpu.enqueue_indirect_dma source(%arg10 : memref<128x128xf32, #tpu.memory_space<vmem>>) target(%dma_start3A_234 : memref<10240x128xf32, #tpu.memory_space<vmem_shared>>) offsets(%dma_start3A_231 : memref<128xi32, #tpu.memory_space<vmem>>) semaphore(%run_scoped3A : memref<!tpu.dma_semaphore, #tpu.memory_space<semaphore_mem>>) {add = true}
        %dma_wait3A_235 = arith.constant 0 : i32
        %dma_wait3A_236 = tpu.memref_slice %arg8[%add3A_194, %dma_wait3A_235] : memref<56x128xi32, #tpu.memory_space<vmem>> -> memref<1x128xi32, #tpu.memory_space<vmem>>
        %dma_wait3A_237 = tpu.memref_squeeze %dma_wait3A_236 : memref<1x128xi32, #tpu.memory_space<vmem>> -> memref<128xi32, #tpu.memory_space<vmem>>
        %dma_wait3A_238 = arith.constant 0 : i32
        %dma_wait3A_239 = arith.constant 0 : i32
        %dma_wait3A_240 = tpu.memref_slice %arg13[%dma_wait3A_238, %dma_wait3A_239] : memref<10240x128xf32, #tpu.memory_space<vmem_shared>> -> memref<10240x128xf32, #tpu.memory_space<vmem_shared>>
        tpu.wait_indirect_dma semaphore(%run_scoped3A : memref<!tpu.dma_semaphore, #tpu.memory_space<semaphore_mem>>) src(%arg10 : memref<128x128xf32, #tpu.memory_space<vmem>>) dst(%dma_wait3A_240 : memref<10240x128xf32, #tpu.memory_space<vmem_shared>>)
        tpu.yield
      }) : () -> ()
    }
    %barrier3A_152 = arith.constant 0 : index
    tpu.barrier barrier_id(%barrier3A_152)
    %mul3A_153 = arith.constant 640 : i32
    %mul3A_154 = arith.muli %arg1, %mul3A_153 : i32
    %add3A_155 = arith.constant 0 : i32
    %add3A_156 = arith.addi %mul3A_154, %add3A_155 : i32
    "tpu.region"() ({
      %run_scoped3A = tpu.sem_alloc : memref<!tpu.dma_semaphore, #tpu.memory_space<semaphore_mem>>
      %dma_start3A = arith.constant 0 : i32
      %dma_start3A_188 = tpu.memref_slice %arg13[%add3A_156, %dma_start3A] : memref<10240x128xf32, #tpu.memory_space<vmem_shared>> -> memref<128x128xf32, #tpu.memory_space<vmem_shared>>
      %dma_start3A_189 = arith.constant 0 : i32
      %dma_start3A_190 = tpu.memref_slice %arg13[%add3A_156, %dma_start3A_189] : memref<10240x128xf32, #tpu.memory_space<vmem_shared>> -> memref<128x128xf32, #tpu.memory_space<vmem_shared>>
      tpu.enqueue_dma source(%dma_start3A_190 : memref<128x128xf32, #tpu.memory_space<vmem_shared>>) target(%arg9 : memref<128x128xf32, #tpu.memory_space<vmem>>) target_semaphore(%run_scoped3A : memref<!tpu.dma_semaphore, #tpu.memory_space<semaphore_mem>>)
      %dma_wait3A = arith.constant 0 : i32
      %dma_wait3A_191 = tpu.memref_slice %arg13[%add3A_156, %dma_wait3A] : memref<10240x128xf32, #tpu.memory_space<vmem_shared>> -> memref<128x128xf32, #tpu.memory_space<vmem_shared>>
      %dma_wait3A_192 = arith.constant 0 : i32
      %dma_wait3A_193 = tpu.memref_slice %arg13[%add3A_156, %dma_wait3A_192] : memref<10240x128xf32, #tpu.memory_space<vmem_shared>> -> memref<128x128xf32, #tpu.memory_space<vmem_shared>>
      tpu.wait_dma2 semaphore(%run_scoped3A : memref<!tpu.dma_semaphore, #tpu.memory_space<semaphore_mem>>) src(%dma_wait3A_193 : memref<128x128xf32, #tpu.memory_space<vmem_shared>>) dst(%arg9 : memref<128x128xf32, #tpu.memory_space<vmem>>)
      tpu.yield
    }) : () -> ()
    %mul3A_157 = arith.constant 10240 : i32
    %mul3A_158 = arith.muli %arg0, %mul3A_157 : i32
    %add3A_159 = arith.addi %mul3A_158, %add3A_156 : i32
    "tpu.region"() ({
      %run_scoped3A = tpu.sem_alloc : memref<!tpu.dma_semaphore, #tpu.memory_space<semaphore_mem>>
      %dma_start3A = arith.constant 0 : i32
      %dma_start3A_188 = tpu.memref_slice %arg6[%add3A_159, %dma_start3A] : memref<20480x128xf32, #tpu.memory_space<hbm>> -> memref<128x128xf32, #tpu.memory_space<hbm>>
      %dma_start3A_189 = arith.constant 0 : i32
      %dma_start3A_190 = tpu.memref_slice %arg6[%add3A_159, %dma_start3A_189] : memref<20480x128xf32, #tpu.memory_space<hbm>> -> memref<128x128xf32, #tpu.memory_space<hbm>>
      tpu.enqueue_dma source(%arg9 : memref<128x128xf32, #tpu.memory_space<vmem>>) target(%dma_start3A_190 : memref<128x128xf32, #tpu.memory_space<hbm>>) target_semaphore(%run_scoped3A : memref<!tpu.dma_semaphore, #tpu.memory_space<semaphore_mem>>)
      %dma_wait3A = arith.constant 0 : i32
      %dma_wait3A_191 = tpu.memref_slice %arg6[%add3A_159, %dma_wait3A] : memref<20480x128xf32, #tpu.memory_space<hbm>> -> memref<128x128xf32, #tpu.memory_space<hbm>>
      %dma_wait3A_192 = arith.constant 0 : i32
      %dma_wait3A_193 = tpu.memref_slice %arg6[%add3A_159, %dma_wait3A_192] : memref<20480x128xf32, #tpu.memory_space<hbm>> -> memref<128x128xf32, #tpu.memory_space<hbm>>
      tpu.wait_dma2 semaphore(%run_scoped3A : memref<!tpu.dma_semaphore, #tpu.memory_space<semaphore_mem>>) src(%arg9 : memref<128x128xf32, #tpu.memory_space<vmem>>) dst(%dma_wait3A_193 : memref<128x128xf32, #tpu.memory_space<hbm>>)
      tpu.yield
    }) : () -> ()
    %mul3A_160 = arith.constant 640 : i32
    %mul3A_161 = arith.muli %arg1, %mul3A_160 : i32
    %add3A_162 = arith.constant 128 : i32
    %add3A_163 = arith.addi %mul3A_161, %add3A_162 : i32
    "tpu.region"() ({
      %run_scoped3A = tpu.sem_alloc : memref<!tpu.dma_semaphore, #tpu.memory_space<semaphore_mem>>
      %dma_start3A = arith.constant 0 : i32
      %dma_start3A_188 = tpu.memref_slice %arg13[%add3A_163, %dma_start3A] : memref<10240x128xf32, #tpu.memory_space<vmem_shared>> -> memref<128x128xf32, #tpu.memory_space<vmem_shared>>
      %dma_start3A_189 = arith.constant 0 : i32
      %dma_start3A_190 = tpu.memref_slice %arg13[%add3A_163, %dma_start3A_189] : memref<10240x128xf32, #tpu.memory_space<vmem_shared>> -> memref<128x128xf32, #tpu.memory_space<vmem_shared>>
      tpu.enqueue_dma source(%dma_start3A_190 : memref<128x128xf32, #tpu.memory_space<vmem_shared>>) target(%arg9 : memref<128x128xf32, #tpu.memory_space<vmem>>) target_semaphore(%run_scoped3A : memref<!tpu.dma_semaphore, #tpu.memory_space<semaphore_mem>>)
      %dma_wait3A = arith.constant 0 : i32
      %dma_wait3A_191 = tpu.memref_slice %arg13[%add3A_163, %dma_wait3A] : memref<10240x128xf32, #tpu.memory_space<vmem_shared>> -> memref<128x128xf32, #tpu.memory_space<vmem_shared>>
      %dma_wait3A_192 = arith.constant 0 : i32
      %dma_wait3A_193 = tpu.memref_slice %arg13[%add3A_163, %dma_wait3A_192] : memref<10240x128xf32, #tpu.memory_space<vmem_shared>> -> memref<128x128xf32, #tpu.memory_space<vmem_shared>>
      tpu.wait_dma2 semaphore(%run_scoped3A : memref<!tpu.dma_semaphore, #tpu.memory_space<semaphore_mem>>) src(%dma_wait3A_193 : memref<128x128xf32, #tpu.memory_space<vmem_shared>>) dst(%arg9 : memref<128x128xf32, #tpu.memory_space<vmem>>)
      tpu.yield
    }) : () -> ()
    %mul3A_164 = arith.constant 10240 : i32
    %mul3A_165 = arith.muli %arg0, %mul3A_164 : i32
    %add3A_166 = arith.addi %mul3A_165, %add3A_163 : i32
    "tpu.region"() ({
      %run_scoped3A = tpu.sem_alloc : memref<!tpu.dma_semaphore, #tpu.memory_space<semaphore_mem>>
      %dma_start3A = arith.constant 0 : i32
      %dma_start3A_188 = tpu.memref_slice %arg6[%add3A_166, %dma_start3A] : memref<20480x128xf32, #tpu.memory_space<hbm>> -> memref<128x128xf32, #tpu.memory_space<hbm>>
      %dma_start3A_189 = arith.constant 0 : i32
      %dma_start3A_190 = tpu.memref_slice %arg6[%add3A_166, %dma_start3A_189] : memref<20480x128xf32, #tpu.memory_space<hbm>> -> memref<128x128xf32, #tpu.memory_space<hbm>>
      tpu.enqueue_dma source(%arg9 : memref<128x128xf32, #tpu.memory_space<vmem>>) target(%dma_start3A_190 : memref<128x128xf32, #tpu.memory_space<hbm>>) target_semaphore(%run_scoped3A : memref<!tpu.dma_semaphore, #tpu.memory_space<semaphore_mem>>)
      %dma_wait3A = arith.constant 0 : i32
      %dma_wait3A_191 = tpu.memref_slice %arg6[%add3A_166, %dma_wait3A] : memref<20480x128xf32, #tpu.memory_space<hbm>> -> memref<128x128xf32, #tpu.memory_space<hbm>>
      %dma_wait3A_192 = arith.constant 0 : i32
      %dma_wait3A_193 = tpu.memref_slice %arg6[%add3A_166, %dma_wait3A_192] : memref<20480x128xf32, #tpu.memory_space<hbm>> -> memref<128x128xf32, #tpu.memory_space<hbm>>
      tpu.wait_dma2 semaphore(%run_scoped3A : memref<!tpu.dma_semaphore, #tpu.memory_space<semaphore_mem>>) src(%arg9 : memref<128x128xf32, #tpu.memory_space<vmem>>) dst(%dma_wait3A_193 : memref<128x128xf32, #tpu.memory_space<hbm>>)
      tpu.yield
    }) : () -> ()
    %mul3A_167 = arith.constant 640 : i32
    %mul3A_168 = arith.muli %arg1, %mul3A_167 : i32
    %add3A_169 = arith.constant 256 : i32
    %add3A_170 = arith.addi %mul3A_168, %add3A_169 : i32
    "tpu.region"() ({
      %run_scoped3A = tpu.sem_alloc : memref<!tpu.dma_semaphore, #tpu.memory_space<semaphore_mem>>
      %dma_start3A = arith.constant 0 : i32
      %dma_start3A_188 = tpu.memref_slice %arg13[%add3A_170, %dma_start3A] : memref<10240x128xf32, #tpu.memory_space<vmem_shared>> -> memref<128x128xf32, #tpu.memory_space<vmem_shared>>
      %dma_start3A_189 = arith.constant 0 : i32
      %dma_start3A_190 = tpu.memref_slice %arg13[%add3A_170, %dma_start3A_189] : memref<10240x128xf32, #tpu.memory_space<vmem_shared>> -> memref<128x128xf32, #tpu.memory_space<vmem_shared>>
      tpu.enqueue_dma source(%dma_start3A_190 : memref<128x128xf32, #tpu.memory_space<vmem_shared>>) target(%arg9 : memref<128x128xf32, #tpu.memory_space<vmem>>) target_semaphore(%run_scoped3A : memref<!tpu.dma_semaphore, #tpu.memory_space<semaphore_mem>>)
      %dma_wait3A = arith.constant 0 : i32
      %dma_wait3A_191 = tpu.memref_slice %arg13[%add3A_170, %dma_wait3A] : memref<10240x128xf32, #tpu.memory_space<vmem_shared>> -> memref<128x128xf32, #tpu.memory_space<vmem_shared>>
      %dma_wait3A_192 = arith.constant 0 : i32
      %dma_wait3A_193 = tpu.memref_slice %arg13[%add3A_170, %dma_wait3A_192] : memref<10240x128xf32, #tpu.memory_space<vmem_shared>> -> memref<128x128xf32, #tpu.memory_space<vmem_shared>>
      tpu.wait_dma2 semaphore(%run_scoped3A : memref<!tpu.dma_semaphore, #tpu.memory_space<semaphore_mem>>) src(%dma_wait3A_193 : memref<128x128xf32, #tpu.memory_space<vmem_shared>>) dst(%arg9 : memref<128x128xf32, #tpu.memory_space<vmem>>)
      tpu.yield
    }) : () -> ()
    %mul3A_171 = arith.constant 10240 : i32
    %mul3A_172 = arith.muli %arg0, %mul3A_171 : i32
    %add3A_173 = arith.addi %mul3A_172, %add3A_170 : i32
    "tpu.region"() ({
      %run_scoped3A = tpu.sem_alloc : memref<!tpu.dma_semaphore, #tpu.memory_space<semaphore_mem>>
      %dma_start3A = arith.constant 0 : i32
      %dma_start3A_188 = tpu.memref_slice %arg6[%add3A_173, %dma_start3A] : memref<20480x128xf32, #tpu.memory_space<hbm>> -> memref<128x128xf32, #tpu.memory_space<hbm>>
      %dma_start3A_189 = arith.constant 0 : i32
      %dma_start3A_190 = tpu.memref_slice %arg6[%add3A_173, %dma_start3A_189] : memref<20480x128xf32, #tpu.memory_space<hbm>> -> memref<128x128xf32, #tpu.memory_space<hbm>>
      tpu.enqueue_dma source(%arg9 : memref<128x128xf32, #tpu.memory_space<vmem>>) target(%dma_start3A_190 : memref<128x128xf32, #tpu.memory_space<hbm>>) target_semaphore(%run_scoped3A : memref<!tpu.dma_semaphore, #tpu.memory_space<semaphore_mem>>)
      %dma_wait3A = arith.constant 0 : i32
      %dma_wait3A_191 = tpu.memref_slice %arg6[%add3A_173, %dma_wait3A] : memref<20480x128xf32, #tpu.memory_space<hbm>> -> memref<128x128xf32, #tpu.memory_space<hbm>>
      %dma_wait3A_192 = arith.constant 0 : i32
      %dma_wait3A_193 = tpu.memref_slice %arg6[%add3A_173, %dma_wait3A_192] : memref<20480x128xf32, #tpu.memory_space<hbm>> -> memref<128x128xf32, #tpu.memory_space<hbm>>
      tpu.wait_dma2 semaphore(%run_scoped3A : memref<!tpu.dma_semaphore, #tpu.memory_space<semaphore_mem>>) src(%arg9 : memref<128x128xf32, #tpu.memory_space<vmem>>) dst(%dma_wait3A_193 : memref<128x128xf32, #tpu.memory_space<hbm>>)
      tpu.yield
    }) : () -> ()
    %mul3A_174 = arith.constant 640 : i32
    %mul3A_175 = arith.muli %arg1, %mul3A_174 : i32
    %add3A_176 = arith.constant 384 : i32
    %add3A_177 = arith.addi %mul3A_175, %add3A_176 : i32
    "tpu.region"() ({
      %run_scoped3A = tpu.sem_alloc : memref<!tpu.dma_semaphore, #tpu.memory_space<semaphore_mem>>
      %dma_start3A = arith.constant 0 : i32
      %dma_start3A_188 = tpu.memref_slice %arg13[%add3A_177, %dma_start3A] : memref<10240x128xf32, #tpu.memory_space<vmem_shared>> -> memref<128x128xf32, #tpu.memory_space<vmem_shared>>
      %dma_start3A_189 = arith.constant 0 : i32
      %dma_start3A_190 = tpu.memref_slice %arg13[%add3A_177, %dma_start3A_189] : memref<10240x128xf32, #tpu.memory_space<vmem_shared>> -> memref<128x128xf32, #tpu.memory_space<vmem_shared>>
      tpu.enqueue_dma source(%dma_start3A_190 : memref<128x128xf32, #tpu.memory_space<vmem_shared>>) target(%arg9 : memref<128x128xf32, #tpu.memory_space<vmem>>) target_semaphore(%run_scoped3A : memref<!tpu.dma_semaphore, #tpu.memory_space<semaphore_mem>>)
      %dma_wait3A = arith.constant 0 : i32
      %dma_wait3A_191 = tpu.memref_slice %arg13[%add3A_177, %dma_wait3A] : memref<10240x128xf32, #tpu.memory_space<vmem_shared>> -> memref<128x128xf32, #tpu.memory_space<vmem_shared>>
      %dma_wait3A_192 = arith.constant 0 : i32
      %dma_wait3A_193 = tpu.memref_slice %arg13[%add3A_177, %dma_wait3A_192] : memref<10240x128xf32, #tpu.memory_space<vmem_shared>> -> memref<128x128xf32, #tpu.memory_space<vmem_shared>>
      tpu.wait_dma2 semaphore(%run_scoped3A : memref<!tpu.dma_semaphore, #tpu.memory_space<semaphore_mem>>) src(%dma_wait3A_193 : memref<128x128xf32, #tpu.memory_space<vmem_shared>>) dst(%arg9 : memref<128x128xf32, #tpu.memory_space<vmem>>)
      tpu.yield
    }) : () -> ()
    %mul3A_178 = arith.constant 10240 : i32
    %mul3A_179 = arith.muli %arg0, %mul3A_178 : i32
    %add3A_180 = arith.addi %mul3A_179, %add3A_177 : i32
    "tpu.region"() ({
      %run_scoped3A = tpu.sem_alloc : memref<!tpu.dma_semaphore, #tpu.memory_space<semaphore_mem>>
      %dma_start3A = arith.constant 0 : i32
      %dma_start3A_188 = tpu.memref_slice %arg6[%add3A_180, %dma_start3A] : memref<20480x128xf32, #tpu.memory_space<hbm>> -> memref<128x128xf32, #tpu.memory_space<hbm>>
      %dma_start3A_189 = arith.constant 0 : i32
      %dma_start3A_190 = tpu.memref_slice %arg6[%add3A_180, %dma_start3A_189] : memref<20480x128xf32, #tpu.memory_space<hbm>> -> memref<128x128xf32, #tpu.memory_space<hbm>>
      tpu.enqueue_dma source(%arg9 : memref<128x128xf32, #tpu.memory_space<vmem>>) target(%dma_start3A_190 : memref<128x128xf32, #tpu.memory_space<hbm>>) target_semaphore(%run_scoped3A : memref<!tpu.dma_semaphore, #tpu.memory_space<semaphore_mem>>)
      %dma_wait3A = arith.constant 0 : i32
      %dma_wait3A_191 = tpu.memref_slice %arg6[%add3A_180, %dma_wait3A] : memref<20480x128xf32, #tpu.memory_space<hbm>> -> memref<128x128xf32, #tpu.memory_space<hbm>>
      %dma_wait3A_192 = arith.constant 0 : i32
      %dma_wait3A_193 = tpu.memref_slice %arg6[%add3A_180, %dma_wait3A_192] : memref<20480x128xf32, #tpu.memory_space<hbm>> -> memref<128x128xf32, #tpu.memory_space<hbm>>
      tpu.wait_dma2 semaphore(%run_scoped3A : memref<!tpu.dma_semaphore, #tpu.memory_space<semaphore_mem>>) src(%arg9 : memref<128x128xf32, #tpu.memory_space<vmem>>) dst(%dma_wait3A_193 : memref<128x128xf32, #tpu.memory_space<hbm>>)
      tpu.yield
    }) : () -> ()
    %mul3A_181 = arith.constant 640 : i32
    %mul3A_182 = arith.muli %arg1, %mul3A_181 : i32
    %add3A_183 = arith.constant 512 : i32
    %add3A_184 = arith.addi %mul3A_182, %add3A_183 : i32
    "tpu.region"() ({
      %run_scoped3A = tpu.sem_alloc : memref<!tpu.dma_semaphore, #tpu.memory_space<semaphore_mem>>
      %dma_start3A = arith.constant 0 : i32
      %dma_start3A_188 = tpu.memref_slice %arg13[%add3A_184, %dma_start3A] : memref<10240x128xf32, #tpu.memory_space<vmem_shared>> -> memref<128x128xf32, #tpu.memory_space<vmem_shared>>
      %dma_start3A_189 = arith.constant 0 : i32
      %dma_start3A_190 = tpu.memref_slice %arg13[%add3A_184, %dma_start3A_189] : memref<10240x128xf32, #tpu.memory_space<vmem_shared>> -> memref<128x128xf32, #tpu.memory_space<vmem_shared>>
      tpu.enqueue_dma source(%dma_start3A_190 : memref<128x128xf32, #tpu.memory_space<vmem_shared>>) target(%arg9 : memref<128x128xf32, #tpu.memory_space<vmem>>) target_semaphore(%run_scoped3A : memref<!tpu.dma_semaphore, #tpu.memory_space<semaphore_mem>>)
      %dma_wait3A = arith.constant 0 : i32
      %dma_wait3A_191 = tpu.memref_slice %arg13[%add3A_184, %dma_wait3A] : memref<10240x128xf32, #tpu.memory_space<vmem_shared>> -> memref<128x128xf32, #tpu.memory_space<vmem_shared>>
      %dma_wait3A_192 = arith.constant 0 : i32
      %dma_wait3A_193 = tpu.memref_slice %arg13[%add3A_184, %dma_wait3A_192] : memref<10240x128xf32, #tpu.memory_space<vmem_shared>> -> memref<128x128xf32, #tpu.memory_space<vmem_shared>>
      tpu.wait_dma2 semaphore(%run_scoped3A : memref<!tpu.dma_semaphore, #tpu.memory_space<semaphore_mem>>) src(%dma_wait3A_193 : memref<128x128xf32, #tpu.memory_space<vmem_shared>>) dst(%arg9 : memref<128x128xf32, #tpu.memory_space<vmem>>)
      tpu.yield
    }) : () -> ()
    %mul3A_185 = arith.constant 10240 : i32
    %mul3A_186 = arith.muli %arg0, %mul3A_185 : i32
    %add3A_187 = arith.addi %mul3A_186, %add3A_184 : i32
    "tpu.region"() ({
      %run_scoped3A = tpu.sem_alloc : memref<!tpu.dma_semaphore, #tpu.memory_space<semaphore_mem>>
      %dma_start3A = arith.constant 0 : i32
      %dma_start3A_188 = tpu.memref_slice %arg6[%add3A_187, %dma_start3A] : memref<20480x128xf32, #tpu.memory_space<hbm>> -> memref<128x128xf32, #tpu.memory_space<hbm>>
      %dma_start3A_189 = arith.constant 0 : i32
      %dma_start3A_190 = tpu.memref_slice %arg6[%add3A_187, %dma_start3A_189] : memref<20480x128xf32, #tpu.memory_space<hbm>> -> memref<128x128xf32, #tpu.memory_space<hbm>>
      tpu.enqueue_dma source(%arg9 : memref<128x128xf32, #tpu.memory_space<vmem>>) target(%dma_start3A_190 : memref<128x128xf32, #tpu.memory_space<hbm>>) target_semaphore(%run_scoped3A : memref<!tpu.dma_semaphore, #tpu.memory_space<semaphore_mem>>)
      %dma_wait3A = arith.constant 0 : i32
      %dma_wait3A_191 = tpu.memref_slice %arg6[%add3A_187, %dma_wait3A] : memref<20480x128xf32, #tpu.memory_space<hbm>> -> memref<128x128xf32, #tpu.memory_space<hbm>>
      %dma_wait3A_192 = arith.constant 0 : i32
      %dma_wait3A_193 = tpu.memref_slice %arg6[%add3A_187, %dma_wait3A_192] : memref<20480x128xf32, #tpu.memory_space<hbm>> -> memref<128x128xf32, #tpu.memory_space<hbm>>
      tpu.wait_dma2 semaphore(%run_scoped3A : memref<!tpu.dma_semaphore, #tpu.memory_space<semaphore_mem>>) src(%arg9 : memref<128x128xf32, #tpu.memory_space<vmem>>) dst(%dma_wait3A_193 : memref<128x128xf32, #tpu.memory_space<hbm>>)
      tpu.yield
    }) : () -> ()
    return
  }
}

#map = affine_map<(d0, d1) -> (0, 0)>
module attributes {stable_mosaic.version = 14 : i64} {
  func.func @_sc_spmm(%arg0: i32, %arg1: i32, %arg2: memref<10240x128xf32, #tpu.memory_space<hbm>>, %arg3: memref<2568x128xi32, #tpu.memory_space<hbm>>, %arg4: memref<2568x128xi32, #tpu.memory_space<hbm>>, %arg5: memref<128x128xf32, #tpu.memory_space<hbm>>, %arg6: memref<20480x128xf32, #tpu.memory_space<hbm>>, %arg7: memref<56x128xi32, #tpu.memory_space<vmem>>, %arg8: memref<56x128xi32, #tpu.memory_space<vmem>>, %arg9: memref<128x128xf32, #tpu.memory_space<vmem>>, %arg10: memref<128x128xf32, #tpu.memory_space<vmem>>, %arg11: memref<!tpu.dma_semaphore, #tpu.memory_space<semaphore_mem>>, %arg12: memref<!tpu.dma_semaphore, #tpu.memory_space<semaphore_mem>>, %arg13: memref<10240x128xf32, #tpu.memory_space<vmem_shared>>) attributes {dimension_semantics = [#tpu.dimension_semantics<core_parallel>, #tpu.dimension_semantics<subcore_parallel>], iteration_bounds = array<i64: 2, 16>, scalar_prefetch = 0 : i64, scratch_operands = 7 : i64, tpu.core_type = #tpu.core_type<sc_vector_subcore>, window_params = [{transform_indices = #map}, {transform_indices = #map}, {transform_indices = #map}, {transform_indices = #map}, {transform_indices = #map}]} {
    "tpu.region"() ({
      %run_scoped3A = tpu.sem_alloc : memref<!tpu.dma_semaphore, #tpu.memory_space<semaphore_mem>>
      tpu.enqueue_dma source(%arg5 : memref<128x128xf32, #tpu.memory_space<hbm>>) target(%arg9 : memref<128x128xf32, #tpu.memory_space<vmem>>) target_semaphore(%run_scoped3A : memref<!tpu.dma_semaphore, #tpu.memory_space<semaphore_mem>>)
      tpu.wait_dma2 semaphore(%run_scoped3A : memref<!tpu.dma_semaphore, #tpu.memory_space<semaphore_mem>>) src(%arg5 : memref<128x128xf32, #tpu.memory_space<hbm>>) dst(%arg9 : memref<128x128xf32, #tpu.memory_space<vmem>>)
      tpu.yield
    }) : () -> ()
    %mul3A = arith.constant 640 : i32
    %mul3A_0 = arith.muli %arg1, %mul3A : i32
    %add3A = arith.constant 0 : i32
    %add3A_1 = arith.addi %mul3A_0, %add3A : i32
    "tpu.region"() ({
      %run_scoped3A = tpu.sem_alloc : memref<!tpu.dma_semaphore, #tpu.memory_space<semaphore_mem>>
      %dma_start3A = arith.constant 0 : i32
      %dma_start3A_188 = tpu.memref_slice %arg13[%add3A_1, %dma_start3A] : memref<10240x128xf32, #tpu.memory_space<vmem_shared>> -> memref<128x128xf32, #tpu.memory_space<vmem_shared>>
      %dma_start3A_189 = arith.constant 0 : i32
      %dma_start3A_190 = tpu.memref_slice %arg13[%add3A_1, %dma_start3A_189] : memref<10240x128xf32, #tpu.memory_space<vmem_shared>> -> memref<128x128xf32, #tpu.memory_space<vmem_shared>>
      tpu.enqueue_dma source(%arg9 : memref<128x128xf32, #tpu.memory_space<vmem>>) target(%dma_start3A_190 : memref<128x128xf32, #tpu.memory_space<vmem_shared>>) target_semaphore(%run_scoped3A : memref<!tpu.dma_semaphore, #tpu.memory_space<semaphore_mem>>)
      %dma_wait3A = arith.constant 0 : i32
      %dma_wait3A_191 = tpu.memref_slice %arg13[%add3A_1, %dma_wait3A] : memref<10240x128xf32, #tpu.memory_space<vmem_shared>> -> memref<128x128xf32, #tpu.memory_space<vmem_shared>>
      %dma_wait3A_192 = arith.constant 0 : i32
      %dma_wait3A_193 = tpu.memref_slice %arg13[%add3A_1, %dma_wait3A_192] : memref<10240x128xf32, #tpu.memory_space<vmem_shared>> -> memref<128x128xf32, #tpu.memory_space<vmem_shared>>
      tpu.wait_dma2 semaphore(%run_scoped3A : memref<!tpu.dma_semaphore, #tpu.memory_space<semaphore_mem>>) src(%arg9 : memref<128x128xf32, #tpu.memory_space<vmem>>) dst(%dma_wait3A_193 : memref<128x128xf32, #tpu.memory_space<vmem_shared>>)
      tpu.yield
    }) : () -> ()
    %mul3A_2 = arith.constant 640 : i32
    %mul3A_3 = arith.muli %arg1, %mul3A_2 : i32
    %add3A_4 = arith.constant 128 : i32
    %add3A_5 = arith.addi %mul3A_3, %add3A_4 : i32
    "tpu.region"() ({
      %run_scoped3A = tpu.sem_alloc : memref<!tpu.dma_semaphore, #tpu.memory_space<semaphore_mem>>
      %dma_start3A = arith.constant 0 : i32
      %dma_start3A_188 = tpu.memref_slice %arg13[%add3A_5, %dma_start3A] : memref<10240x128xf32, #tpu.memory_space<vmem_shared>> -> memref<128x128xf32, #tpu.memory_space<vmem_shared>>
      %dma_start3A_189 = arith.constant 0 : i32
      %dma_start3A_190 = tpu.memref_slice %arg13[%add3A_5, %dma_start3A_189] : memref<10240x128xf32, #tpu.memory_space<vmem_shared>> -> memref<128x128xf32, #tpu.memory_space<vmem_shared>>
      tpu.enqueue_dma source(%arg9 : memref<128x128xf32, #tpu.memory_space<vmem>>) target(%dma_start3A_190 : memref<128x128xf32, #tpu.memory_space<vmem_shared>>) target_semaphore(%run_scoped3A : memref<!tpu.dma_semaphore, #tpu.memory_space<semaphore_mem>>)
      %dma_wait3A = arith.constant 0 : i32
      %dma_wait3A_191 = tpu.memref_slice %arg13[%add3A_5, %dma_wait3A] : memref<10240x128xf32, #tpu.memory_space<vmem_shared>> -> memref<128x128xf32, #tpu.memory_space<vmem_shared>>
      %dma_wait3A_192 = arith.constant 0 : i32
      %dma_wait3A_193 = tpu.memref_slice %arg13[%add3A_5, %dma_wait3A_192] : memref<10240x128xf32, #tpu.memory_space<vmem_shared>> -> memref<128x128xf32, #tpu.memory_space<vmem_shared>>
      tpu.wait_dma2 semaphore(%run_scoped3A : memref<!tpu.dma_semaphore, #tpu.memory_space<semaphore_mem>>) src(%arg9 : memref<128x128xf32, #tpu.memory_space<vmem>>) dst(%dma_wait3A_193 : memref<128x128xf32, #tpu.memory_space<vmem_shared>>)
      tpu.yield
    }) : () -> ()
    %mul3A_6 = arith.constant 640 : i32
    %mul3A_7 = arith.muli %arg1, %mul3A_6 : i32
    %add3A_8 = arith.constant 256 : i32
    %add3A_9 = arith.addi %mul3A_7, %add3A_8 : i32
    "tpu.region"() ({
      %run_scoped3A = tpu.sem_alloc : memref<!tpu.dma_semaphore, #tpu.memory_space<semaphore_mem>>
      %dma_start3A = arith.constant 0 : i32
      %dma_start3A_188 = tpu.memref_slice %arg13[%add3A_9, %dma_start3A] : memref<10240x128xf32, #tpu.memory_space<vmem_shared>> -> memref<128x128xf32, #tpu.memory_space<vmem_shared>>
      %dma_start3A_189 = arith.constant 0 : i32
      %dma_start3A_190 = tpu.memref_slice %arg13[%add3A_9, %dma_start3A_189] : memref<10240x128xf32, #tpu.memory_space<vmem_shared>> -> memref<128x128xf32, #tpu.memory_space<vmem_shared>>
      tpu.enqueue_dma source(%arg9 : memref<128x128xf32, #tpu.memory_space<vmem>>) target(%dma_start3A_190 : memref<128x128xf32, #tpu.memory_space<vmem_shared>>) target_semaphore(%run_scoped3A : memref<!tpu.dma_semaphore, #tpu.memory_space<semaphore_mem>>)
      %dma_wait3A = arith.constant 0 : i32
      %dma_wait3A_191 = tpu.memref_slice %arg13[%add3A_9, %dma_wait3A] : memref<10240x128xf32, #tpu.memory_space<vmem_shared>> -> memref<128x128xf32, #tpu.memory_space<vmem_shared>>
      %dma_wait3A_192 = arith.constant 0 : i32
      %dma_wait3A_193 = tpu.memref_slice %arg13[%add3A_9, %dma_wait3A_192] : memref<10240x128xf32, #tpu.memory_space<vmem_shared>> -> memref<128x128xf32, #tpu.memory_space<vmem_shared>>
      tpu.wait_dma2 semaphore(%run_scoped3A : memref<!tpu.dma_semaphore, #tpu.memory_space<semaphore_mem>>) src(%arg9 : memref<128x128xf32, #tpu.memory_space<vmem>>) dst(%dma_wait3A_193 : memref<128x128xf32, #tpu.memory_space<vmem_shared>>)
      tpu.yield
    }) : () -> ()
    %mul3A_10 = arith.constant 640 : i32
    %mul3A_11 = arith.muli %arg1, %mul3A_10 : i32
    %add3A_12 = arith.constant 384 : i32
    %add3A_13 = arith.addi %mul3A_11, %add3A_12 : i32
    "tpu.region"() ({
      %run_scoped3A = tpu.sem_alloc : memref<!tpu.dma_semaphore, #tpu.memory_space<semaphore_mem>>
      %dma_start3A = arith.constant 0 : i32
      %dma_start3A_188 = tpu.memref_slice %arg13[%add3A_13, %dma_start3A] : memref<10240x128xf32, #tpu.memory_space<vmem_shared>> -> memref<128x128xf32, #tpu.memory_space<vmem_shared>>
      %dma_start3A_189 = arith.constant 0 : i32
      %dma_start3A_190 = tpu.memref_slice %arg13[%add3A_13, %dma_start3A_189] : memref<10240x128xf32, #tpu.memory_space<vmem_shared>> -> memref<128x128xf32, #tpu.memory_space<vmem_shared>>
      tpu.enqueue_dma source(%arg9 : memref<128x128xf32, #tpu.memory_space<vmem>>) target(%dma_start3A_190 : memref<128x128xf32, #tpu.memory_space<vmem_shared>>) target_semaphore(%run_scoped3A : memref<!tpu.dma_semaphore, #tpu.memory_space<semaphore_mem>>)
      %dma_wait3A = arith.constant 0 : i32
      %dma_wait3A_191 = tpu.memref_slice %arg13[%add3A_13, %dma_wait3A] : memref<10240x128xf32, #tpu.memory_space<vmem_shared>> -> memref<128x128xf32, #tpu.memory_space<vmem_shared>>
      %dma_wait3A_192 = arith.constant 0 : i32
      %dma_wait3A_193 = tpu.memref_slice %arg13[%add3A_13, %dma_wait3A_192] : memref<10240x128xf32, #tpu.memory_space<vmem_shared>> -> memref<128x128xf32, #tpu.memory_space<vmem_shared>>
      tpu.wait_dma2 semaphore(%run_scoped3A : memref<!tpu.dma_semaphore, #tpu.memory_space<semaphore_mem>>) src(%arg9 : memref<128x128xf32, #tpu.memory_space<vmem>>) dst(%dma_wait3A_193 : memref<128x128xf32, #tpu.memory_space<vmem_shared>>)
      tpu.yield
    }) : () -> ()
    %mul3A_14 = arith.constant 640 : i32
    %mul3A_15 = arith.muli %arg1, %mul3A_14 : i32
    %add3A_16 = arith.constant 512 : i32
    %add3A_17 = arith.addi %mul3A_15, %add3A_16 : i32
    "tpu.region"() ({
      %run_scoped3A = tpu.sem_alloc : memref<!tpu.dma_semaphore, #tpu.memory_space<semaphore_mem>>
      %dma_start3A = arith.constant 0 : i32
      %dma_start3A_188 = tpu.memref_slice %arg13[%add3A_17, %dma_start3A] : memref<10240x128xf32, #tpu.memory_space<vmem_shared>> -> memref<128x128xf32, #tpu.memory_space<vmem_shared>>
      %dma_start3A_189 = arith.constant 0 : i32
      %dma_start3A_190 = tpu.memref_slice %arg13[%add3A_17, %dma_start3A_189] : memref<10240x128xf32, #tpu.memory_space<vmem_shared>> -> memref<128x128xf32, #tpu.memory_space<vmem_shared>>
      tpu.enqueue_dma source(%arg9 : memref<128x128xf32, #tpu.memory_space<vmem>>) target(%dma_start3A_190 : memref<128x128xf32, #tpu.memory_space<vmem_shared>>) target_semaphore(%run_scoped3A : memref<!tpu.dma_semaphore, #tpu.memory_space<semaphore_mem>>)
      %dma_wait3A = arith.constant 0 : i32
      %dma_wait3A_191 = tpu.memref_slice %arg13[%add3A_17, %dma_wait3A] : memref<10240x128xf32, #tpu.memory_space<vmem_shared>> -> memref<128x128xf32, #tpu.memory_space<vmem_shared>>
      %dma_wait3A_192 = arith.constant 0 : i32
      %dma_wait3A_193 = tpu.memref_slice %arg13[%add3A_17, %dma_wait3A_192] : memref<10240x128xf32, #tpu.memory_space<vmem_shared>> -> memref<128x128xf32, #tpu.memory_space<vmem_shared>>
      tpu.wait_dma2 semaphore(%run_scoped3A : memref<!tpu.dma_semaphore, #tpu.memory_space<semaphore_mem>>) src(%arg9 : memref<128x128xf32, #tpu.memory_space<vmem>>) dst(%dma_wait3A_193 : memref<128x128xf32, #tpu.memory_space<vmem_shared>>)
      tpu.yield
    }) : () -> ()
    %barrier3A = arith.constant 0 : index
    tpu.barrier barrier_id(%barrier3A)
    %eq3A = arith.constant 0 : i32
    %eq3A_18 = arith.cmpi eq, %arg0, %eq3A : i32
    %mul3A_19 = arith.constant 136 : i32
    %mul3A_20 = arith.muli %arg1, %mul3A_19 : i32
    %mul3A_21 = arith.constant 24 : i32
    %mul3A_22 = arith.muli %arg1, %mul3A_21 : i32
    %add3A_23 = arith.constant 2176 : i32
    %add3A_24 = arith.addi %add3A_23, %mul3A_22 : i32
    %select_n3A = arith.select %eq3A_18, %mul3A_20, %add3A_24 : i32
    %eq3A_25 = arith.constant 0 : i32
    %eq3A_26 = arith.cmpi eq, %arg0, %eq3A_25 : i32
    %jit3A = arith.constant 56 : i32
    %jit3A_27 = arith.constant 24 : i32
    %select_n3A_28 = arith.select %eq3A_26, %jit3A, %jit3A_27 : i32
    %eq3A_29 = arith.constant 0 : i32
    %eq3A_30 = arith.cmpi eq, %arg0, %eq3A_29 : i32
    %jit3A_31 = arith.constant 0 : i32
    %jit3A_32 = arith.constant 0 : i32
    %select_n3A_33 = arith.select %eq3A_30, %jit3A_31, %jit3A_32 : i32
    %add3A_34 = arith.addi %select_n3A, %select_n3A_33 : i32
    "tpu.region"() ({
      %run_scoped3A = tpu.sem_alloc : memref<!tpu.dma_semaphore, #tpu.memory_space<semaphore_mem>>
      %dma_start3A = arith.constant 0 : i32
      %dma_start3A_188 = tpu.memref_slice %arg3[%add3A_34, %dma_start3A] : memref<2568x128xi32, #tpu.memory_space<hbm>> -> memref<56x128xi32, #tpu.memory_space<hbm>>
      %dma_start3A_189 = arith.constant 0 : i32
      %dma_start3A_190 = tpu.memref_slice %arg3[%add3A_34, %dma_start3A_189] : memref<2568x128xi32, #tpu.memory_space<hbm>> -> memref<56x128xi32, #tpu.memory_space<hbm>>
      tpu.enqueue_dma source(%dma_start3A_190 : memref<56x128xi32, #tpu.memory_space<hbm>>) target(%arg7 : memref<56x128xi32, #tpu.memory_space<vmem>>) target_semaphore(%run_scoped3A : memref<!tpu.dma_semaphore, #tpu.memory_space<semaphore_mem>>)
      %dma_wait3A = arith.constant 0 : i32
      %dma_wait3A_191 = tpu.memref_slice %arg3[%add3A_34, %dma_wait3A] : memref<2568x128xi32, #tpu.memory_space<hbm>> -> memref<56x128xi32, #tpu.memory_space<hbm>>
      %dma_wait3A_192 = arith.constant 0 : i32
      %dma_wait3A_193 = tpu.memref_slice %arg3[%add3A_34, %dma_wait3A_192] : memref<2568x128xi32, #tpu.memory_space<hbm>> -> memref<56x128xi32, #tpu.memory_space<hbm>>
      tpu.wait_dma2 semaphore(%run_scoped3A : memref<!tpu.dma_semaphore, #tpu.memory_space<semaphore_mem>>) src(%dma_wait3A_193 : memref<56x128xi32, #tpu.memory_space<hbm>>) dst(%arg7 : memref<56x128xi32, #tpu.memory_space<vmem>>)
      tpu.yield
    }) : () -> ()
    "tpu.region"() ({
      %run_scoped3A = tpu.sem_alloc : memref<!tpu.dma_semaphore, #tpu.memory_space<semaphore_mem>>
      %dma_start3A = arith.constant 0 : i32
      %dma_start3A_188 = tpu.memref_slice %arg4[%add3A_34, %dma_start3A] : memref<2568x128xi32, #tpu.memory_space<hbm>> -> memref<56x128xi32, #tpu.memory_space<hbm>>
      %dma_start3A_189 = arith.constant 0 : i32
      %dma_start3A_190 = tpu.memref_slice %arg4[%add3A_34, %dma_start3A_189] : memref<2568x128xi32, #tpu.memory_space<hbm>> -> memref<56x128xi32, #tpu.memory_space<hbm>>
      tpu.enqueue_dma source(%dma_start3A_190 : memref<56x128xi32, #tpu.memory_space<hbm>>) target(%arg8 : memref<56x128xi32, #tpu.memory_space<vmem>>) target_semaphore(%run_scoped3A : memref<!tpu.dma_semaphore, #tpu.memory_space<semaphore_mem>>)
      %dma_wait3A = arith.constant 0 : i32
      %dma_wait3A_191 = tpu.memref_slice %arg4[%add3A_34, %dma_wait3A] : memref<2568x128xi32, #tpu.memory_space<hbm>> -> memref<56x128xi32, #tpu.memory_space<hbm>>
      %dma_wait3A_192 = arith.constant 0 : i32
      %dma_wait3A_193 = tpu.memref_slice %arg4[%add3A_34, %dma_wait3A_192] : memref<2568x128xi32, #tpu.memory_space<hbm>> -> memref<56x128xi32, #tpu.memory_space<hbm>>
      tpu.wait_dma2 semaphore(%run_scoped3A : memref<!tpu.dma_semaphore, #tpu.memory_space<semaphore_mem>>) src(%dma_wait3A_193 : memref<56x128xi32, #tpu.memory_space<hbm>>) dst(%arg8 : memref<56x128xi32, #tpu.memory_space<vmem>>)
      tpu.yield
    }) : () -> ()
    %jit3A_35 = arith.constant 2 : i32
    %div3A = arith.divsi %select_n3A_28, %jit3A_35 : i32
    %sign3A = arith.constant 0 : i32
    %sign3A_36 = arith.cmpi sgt, %select_n3A_28, %sign3A : i32
    %sign3A_37 = arith.extui %sign3A_36 : i1 to i32
    %sign3A_38 = arith.constant 0 : i32
    %sign3A_39 = arith.cmpi slt, %select_n3A_28, %sign3A_38 : i32
    %sign3A_40 = arith.extui %sign3A_39 : i1 to i32
    %sign3A_41 = arith.subi %sign3A_37, %sign3A_40 : i32
    %sign3A_42 = arith.constant 0 : i32
    %sign3A_43 = arith.cmpi sgt, %jit3A_35, %sign3A_42 : i32
    %sign3A_44 = arith.extui %sign3A_43 : i1 to i32
    %sign3A_45 = arith.constant 0 : i32
    %sign3A_46 = arith.cmpi slt, %jit3A_35, %sign3A_45 : i32
    %sign3A_47 = arith.extui %sign3A_46 : i1 to i32
    %sign3A_48 = arith.subi %sign3A_44, %sign3A_47 : i32
    %ne3A = arith.cmpi ne, %sign3A_41, %sign3A_48 : i32
    %rem3A = arith.remsi %select_n3A_28, %jit3A_35 : i32
    %ne3A_49 = arith.constant 0 : i32
    %ne3A_50 = arith.cmpi ne, %rem3A, %ne3A_49 : i32
    %and3A = arith.andi %ne3A, %ne3A_50 : i1
    %sub3A = arith.constant 1 : i32
    %sub3A_51 = arith.subi %div3A, %sub3A : i32
    %select_n3A_52 = arith.select %and3A, %sub3A_51, %div3A : i32
    %while3A = arith.constant 0 : i32
    %while3A_53 = arith.constant 0 : i32
    %while3A_54 = arith.subi %select_n3A_52, %while3A_53 : i32
    %while3A_55 = arith.addi %while3A_53, %while3A_54 : i32
    %while3A_56 = arith.constant 1 : i32
    %while3A_57 = arith.divsi %while3A_54, %while3A_56 : i32
    %while3A_58 = arith.muli %while3A_57, %while3A_56 : i32
    %while3A_59 = arith.addi %while3A_53, %while3A_58 : i32
    %while3A_60 = arith.constant 1 : i32
    scf.for %while3A_188 = %while3A_53 to %while3A_59 step %while3A_60  : i32 {
      %mul3A_189 = arith.constant 2 : i32
      %mul3A_190 = arith.muli %while3A_188, %mul3A_189 : i32
      %mul3A_191 = arith.constant 2 : i32
      %mul3A_192 = arith.muli %while3A_188, %mul3A_191 : i32
      %add3A_193 = arith.constant 1 : i32
      %add3A_194 = arith.addi %mul3A_192, %add3A_193 : i32
      %dma_start3A = arith.constant 0 : i32
      %dma_start3A_195 = tpu.memref_slice %arg7[%mul3A_190, %dma_start3A] : memref<56x128xi32, #tpu.memory_space<vmem>> -> memref<1x128xi32, #tpu.memory_space<vmem>>
      %dma_start3A_196 = tpu.memref_squeeze %dma_start3A_195 : memref<1x128xi32, #tpu.memory_space<vmem>> -> memref<128xi32, #tpu.memory_space<vmem>>
      %dma_start3A_197 = arith.constant 0 : i32
      %dma_start3A_198 = arith.constant 0 : i32
      %dma_start3A_199 = tpu.memref_slice %arg2[%dma_start3A_197, %dma_start3A_198] : memref<10240x128xf32, #tpu.memory_space<hbm>> -> memref<10240x128xf32, #tpu.memory_space<hbm>>
      tpu.enqueue_indirect_dma source(%dma_start3A_199 : memref<10240x128xf32, #tpu.memory_space<hbm>>) target(%arg9 : memref<128x128xf32, #tpu.memory_space<vmem>>) offsets(%dma_start3A_196 : memref<128xi32, #tpu.memory_space<vmem>>) semaphore(%arg11 : memref<!tpu.dma_semaphore, #tpu.memory_space<semaphore_mem>>)
      %dma_wait3A = arith.constant 0 : i32
      %dma_wait3A_200 = tpu.memref_slice %arg7[%mul3A_190, %dma_wait3A] : memref<56x128xi32, #tpu.memory_space<vmem>> -> memref<1x128xi32, #tpu.memory_space<vmem>>
      %dma_wait3A_201 = tpu.memref_squeeze %dma_wait3A_200 : memref<1x128xi32, #tpu.memory_space<vmem>> -> memref<128xi32, #tpu.memory_space<vmem>>
      %dma_wait3A_202 = arith.constant 0 : i32
      %dma_wait3A_203 = arith.constant 0 : i32
      %dma_wait3A_204 = tpu.memref_slice %arg2[%dma_wait3A_202, %dma_wait3A_203] : memref<10240x128xf32, #tpu.memory_space<hbm>> -> memref<10240x128xf32, #tpu.memory_space<hbm>>
      tpu.wait_indirect_dma semaphore(%arg11 : memref<!tpu.dma_semaphore, #tpu.memory_space<semaphore_mem>>) src(%dma_wait3A_204 : memref<10240x128xf32, #tpu.memory_space<hbm>>) dst(%arg9 : memref<128x128xf32, #tpu.memory_space<vmem>>)
      %dma_start3A_205 = arith.constant 0 : i32
      %dma_start3A_206 = tpu.memref_slice %arg8[%mul3A_190, %dma_start3A_205] : memref<56x128xi32, #tpu.memory_space<vmem>> -> memref<1x128xi32, #tpu.memory_space<vmem>>
      %dma_start3A_207 = tpu.memref_squeeze %dma_start3A_206 : memref<1x128xi32, #tpu.memory_space<vmem>> -> memref<128xi32, #tpu.memory_space<vmem>>
      %dma_start3A_208 = arith.constant 0 : i32
      %dma_start3A_209 = arith.constant 0 : i32
      %dma_start3A_210 = tpu.memref_slice %arg13[%dma_start3A_208, %dma_start3A_209] : memref<10240x128xf32, #tpu.memory_space<vmem_shared>> -> memref<10240x128xf32, #tpu.memory_space<vmem_shared>>
      tpu.enqueue_indirect_dma source(%arg9 : memref<128x128xf32, #tpu.memory_space<vmem>>) target(%dma_start3A_210 : memref<10240x128xf32, #tpu.memory_space<vmem_shared>>) offsets(%dma_start3A_207 : memref<128xi32, #tpu.memory_space<vmem>>) semaphore(%arg12 : memref<!tpu.dma_semaphore, #tpu.memory_space<semaphore_mem>>) {add = true}
      %dma_start3A_211 = arith.constant 0 : i32
      %dma_start3A_212 = tpu.memref_slice %arg7[%add3A_194, %dma_start3A_211] : memref<56x128xi32, #tpu.memory_space<vmem>> -> memref<1x128xi32, #tpu.memory_space<vmem>>
      %dma_start3A_213 = tpu.memref_squeeze %dma_start3A_212 : memref<1x128xi32, #tpu.memory_space<vmem>> -> memref<128xi32, #tpu.memory_space<vmem>>
      %dma_start3A_214 = arith.constant 0 : i32
      %dma_start3A_215 = arith.constant 0 : i32
      %dma_start3A_216 = tpu.memref_slice %arg2[%dma_start3A_214, %dma_start3A_215] : memref<10240x128xf32, #tpu.memory_space<hbm>> -> memref<10240x128xf32, #tpu.memory_space<hbm>>
      tpu.enqueue_indirect_dma source(%dma_start3A_216 : memref<10240x128xf32, #tpu.memory_space<hbm>>) target(%arg10 : memref<128x128xf32, #tpu.memory_space<vmem>>) offsets(%dma_start3A_213 : memref<128xi32, #tpu.memory_space<vmem>>) semaphore(%arg11 : memref<!tpu.dma_semaphore, #tpu.memory_space<semaphore_mem>>)
      %dma_wait3A_217 = arith.constant 0 : i32
      %dma_wait3A_218 = tpu.memref_slice %arg7[%add3A_194, %dma_wait3A_217] : memref<56x128xi32, #tpu.memory_space<vmem>> -> memref<1x128xi32, #tpu.memory_space<vmem>>
      %dma_wait3A_219 = tpu.memref_squeeze %dma_wait3A_218 : memref<1x128xi32, #tpu.memory_space<vmem>> -> memref<128xi32, #tpu.memory_space<vmem>>
      %dma_wait3A_220 = arith.constant 0 : i32
      %dma_wait3A_221 = arith.constant 0 : i32
      %dma_wait3A_222 = tpu.memref_slice %arg2[%dma_wait3A_220, %dma_wait3A_221] : memref<10240x128xf32, #tpu.memory_space<hbm>> -> memref<10240x128xf32, #tpu.memory_space<hbm>>
      tpu.wait_indirect_dma semaphore(%arg11 : memref<!tpu.dma_semaphore, #tpu.memory_space<semaphore_mem>>) src(%dma_wait3A_222 : memref<10240x128xf32, #tpu.memory_space<hbm>>) dst(%arg10 : memref<128x128xf32, #tpu.memory_space<vmem>>)
      %dma_wait3A_223 = arith.constant 0 : i32
      %dma_wait3A_224 = tpu.memref_slice %arg8[%mul3A_190, %dma_wait3A_223] : memref<56x128xi32, #tpu.memory_space<vmem>> -> memref<1x128xi32, #tpu.memory_space<vmem>>
      %dma_wait3A_225 = tpu.memref_squeeze %dma_wait3A_224 : memref<1x128xi32, #tpu.memory_space<vmem>> -> memref<128xi32, #tpu.memory_space<vmem>>
      %dma_wait3A_226 = arith.constant 0 : i32
      %dma_wait3A_227 = arith.constant 0 : i32
      %dma_wait3A_228 = tpu.memref_slice %arg13[%dma_wait3A_226, %dma_wait3A_227] : memref<10240x128xf32, #tpu.memory_space<vmem_shared>> -> memref<10240x128xf32, #tpu.memory_space<vmem_shared>>
      tpu.wait_indirect_dma semaphore(%arg12 : memref<!tpu.dma_semaphore, #tpu.memory_space<semaphore_mem>>) src(%arg9 : memref<128x128xf32, #tpu.memory_space<vmem>>) dst(%dma_wait3A_228 : memref<10240x128xf32, #tpu.memory_space<vmem_shared>>)
      "tpu.region"() ({
        %run_scoped3A = tpu.sem_alloc : memref<!tpu.dma_semaphore, #tpu.memory_space<semaphore_mem>>
        %dma_start3A_229 = arith.constant 0 : i32
        %dma_start3A_230 = tpu.memref_slice %arg8[%add3A_194, %dma_start3A_229] : memref<56x128xi32, #tpu.memory_space<vmem>> -> memref<1x128xi32, #tpu.memory_space<vmem>>
        %dma_start3A_231 = tpu.memref_squeeze %dma_start3A_230 : memref<1x128xi32, #tpu.memory_space<vmem>> -> memref<128xi32, #tpu.memory_space<vmem>>
        %dma_start3A_232 = arith.constant 0 : i32
        %dma_start3A_233 = arith.constant 0 : i32
        %dma_start3A_234 = tpu.memref_slice %arg13[%dma_start3A_232, %dma_start3A_233] : memref<10240x128xf32, #tpu.memory_space<vmem_shared>> -> memref<10240x128xf32, #tpu.memory_space<vmem_shared>>
        tpu.enqueue_indirect_dma source(%arg10 : memref<128x128xf32, #tpu.memory_space<vmem>>) target(%dma_start3A_234 : memref<10240x128xf32, #tpu.memory_space<vmem_shared>>) offsets(%dma_start3A_231 : memref<128xi32, #tpu.memory_space<vmem>>) semaphore(%run_scoped3A : memref<!tpu.dma_semaphore, #tpu.memory_space<semaphore_mem>>) {add = true}
        %dma_wait3A_235 = arith.constant 0 : i32
        %dma_wait3A_236 = tpu.memref_slice %arg8[%add3A_194, %dma_wait3A_235] : memref<56x128xi32, #tpu.memory_space<vmem>> -> memref<1x128xi32, #tpu.memory_space<vmem>>
        %dma_wait3A_237 = tpu.memref_squeeze %dma_wait3A_236 : memref<1x128xi32, #tpu.memory_space<vmem>> -> memref<128xi32, #tpu.memory_space<vmem>>
        %dma_wait3A_238 = arith.constant 0 : i32
        %dma_wait3A_239 = arith.constant 0 : i32
        %dma_wait3A_240 = tpu.memref_slice %arg13[%dma_wait3A_238, %dma_wait3A_239] : memref<10240x128xf32, #tpu.memory_space<vmem_shared>> -> memref<10240x128xf32, #tpu.memory_space<vmem_shared>>
        tpu.wait_indirect_dma semaphore(%run_scoped3A : memref<!tpu.dma_semaphore, #tpu.memory_space<semaphore_mem>>) src(%arg10 : memref<128x128xf32, #tpu.memory_space<vmem>>) dst(%dma_wait3A_240 : memref<10240x128xf32, #tpu.memory_space<vmem_shared>>)
        tpu.yield
      }) : () -> ()
    }
    %while3A_61 = arith.constant 1 : i32
    scf.for %while3A_188 = %while3A_59 to %while3A_55 step %while3A_61  : i32 {
      %mul3A_189 = arith.constant 2 : i32
      %mul3A_190 = arith.muli %while3A_188, %mul3A_189 : i32
      %mul3A_191 = arith.constant 2 : i32
      %mul3A_192 = arith.muli %while3A_188, %mul3A_191 : i32
      %add3A_193 = arith.constant 1 : i32
      %add3A_194 = arith.addi %mul3A_192, %add3A_193 : i32
      %dma_start3A = arith.constant 0 : i32
      %dma_start3A_195 = tpu.memref_slice %arg7[%mul3A_190, %dma_start3A] : memref<56x128xi32, #tpu.memory_space<vmem>> -> memref<1x128xi32, #tpu.memory_space<vmem>>
      %dma_start3A_196 = tpu.memref_squeeze %dma_start3A_195 : memref<1x128xi32, #tpu.memory_space<vmem>> -> memref<128xi32, #tpu.memory_space<vmem>>
      %dma_start3A_197 = arith.constant 0 : i32
      %dma_start3A_198 = arith.constant 0 : i32
      %dma_start3A_199 = tpu.memref_slice %arg2[%dma_start3A_197, %dma_start3A_198] : memref<10240x128xf32, #tpu.memory_space<hbm>> -> memref<10240x128xf32, #tpu.memory_space<hbm>>
      tpu.enqueue_indirect_dma source(%dma_start3A_199 : memref<10240x128xf32, #tpu.memory_space<hbm>>) target(%arg9 : memref<128x128xf32, #tpu.memory_space<vmem>>) offsets(%dma_start3A_196 : memref<128xi32, #tpu.memory_space<vmem>>) semaphore(%arg11 : memref<!tpu.dma_semaphore, #tpu.memory_space<semaphore_mem>>)
      %dma_wait3A = arith.constant 0 : i32
      %dma_wait3A_200 = tpu.memref_slice %arg7[%mul3A_190, %dma_wait3A] : memref<56x128xi32, #tpu.memory_space<vmem>> -> memref<1x128xi32, #tpu.memory_space<vmem>>
      %dma_wait3A_201 = tpu.memref_squeeze %dma_wait3A_200 : memref<1x128xi32, #tpu.memory_space<vmem>> -> memref<128xi32, #tpu.memory_space<vmem>>
      %dma_wait3A_202 = arith.constant 0 : i32
      %dma_wait3A_203 = arith.constant 0 : i32
      %dma_wait3A_204 = tpu.memref_slice %arg2[%dma_wait3A_202, %dma_wait3A_203] : memref<10240x128xf32, #tpu.memory_space<hbm>> -> memref<10240x128xf32, #tpu.memory_space<hbm>>
      tpu.wait_indirect_dma semaphore(%arg11 : memref<!tpu.dma_semaphore, #tpu.memory_space<semaphore_mem>>) src(%dma_wait3A_204 : memref<10240x128xf32, #tpu.memory_space<hbm>>) dst(%arg9 : memref<128x128xf32, #tpu.memory_space<vmem>>)
      %dma_start3A_205 = arith.constant 0 : i32
      %dma_start3A_206 = tpu.memref_slice %arg8[%mul3A_190, %dma_start3A_205] : memref<56x128xi32, #tpu.memory_space<vmem>> -> memref<1x128xi32, #tpu.memory_space<vmem>>
      %dma_start3A_207 = tpu.memref_squeeze %dma_start3A_206 : memref<1x128xi32, #tpu.memory_space<vmem>> -> memref<128xi32, #tpu.memory_space<vmem>>
      %dma_start3A_208 = arith.constant 0 : i32
      %dma_start3A_209 = arith.constant 0 : i32
      %dma_start3A_210 = tpu.memref_slice %arg13[%dma_start3A_208, %dma_start3A_209] : memref<10240x128xf32, #tpu.memory_space<vmem_shared>> -> memref<10240x128xf32, #tpu.memory_space<vmem_shared>>
      tpu.enqueue_indirect_dma source(%arg9 : memref<128x128xf32, #tpu.memory_space<vmem>>) target(%dma_start3A_210 : memref<10240x128xf32, #tpu.memory_space<vmem_shared>>) offsets(%dma_start3A_207 : memref<128xi32, #tpu.memory_space<vmem>>) semaphore(%arg12 : memref<!tpu.dma_semaphore, #tpu.memory_space<semaphore_mem>>) {add = true}
      %dma_start3A_211 = arith.constant 0 : i32
      %dma_start3A_212 = tpu.memref_slice %arg7[%add3A_194, %dma_start3A_211] : memref<56x128xi32, #tpu.memory_space<vmem>> -> memref<1x128xi32, #tpu.memory_space<vmem>>
      %dma_start3A_213 = tpu.memref_squeeze %dma_start3A_212 : memref<1x128xi32, #tpu.memory_space<vmem>> -> memref<128xi32, #tpu.memory_space<vmem>>
      %dma_start3A_214 = arith.constant 0 : i32
      %dma_start3A_215 = arith.constant 0 : i32
      %dma_start3A_216 = tpu.memref_slice %arg2[%dma_start3A_214, %dma_start3A_215] : memref<10240x128xf32, #tpu.memory_space<hbm>> -> memref<10240x128xf32, #tpu.memory_space<hbm>>
      tpu.enqueue_indirect_dma source(%dma_start3A_216 : memref<10240x128xf32, #tpu.memory_space<hbm>>) target(%arg10 : memref<128x128xf32, #tpu.memory_space<vmem>>) offsets(%dma_start3A_213 : memref<128xi32, #tpu.memory_space<vmem>>) semaphore(%arg11 : memref<!tpu.dma_semaphore, #tpu.memory_space<semaphore_mem>>)
      %dma_wait3A_217 = arith.constant 0 : i32
      %dma_wait3A_218 = tpu.memref_slice %arg7[%add3A_194, %dma_wait3A_217] : memref<56x128xi32, #tpu.memory_space<vmem>> -> memref<1x128xi32, #tpu.memory_space<vmem>>
      %dma_wait3A_219 = tpu.memref_squeeze %dma_wait3A_218 : memref<1x128xi32, #tpu.memory_space<vmem>> -> memref<128xi32, #tpu.memory_space<vmem>>
      %dma_wait3A_220 = arith.constant 0 : i32
      %dma_wait3A_221 = arith.constant 0 : i32
      %dma_wait3A_222 = tpu.memref_slice %arg2[%dma_wait3A_220, %dma_wait3A_221] : memref<10240x128xf32, #tpu.memory_space<hbm>> -> memref<10240x128xf32, #tpu.memory_space<hbm>>
      tpu.wait_indirect_dma semaphore(%arg11 : memref<!tpu.dma_semaphore, #tpu.memory_space<semaphore_mem>>) src(%dma_wait3A_222 : memref<10240x128xf32, #tpu.memory_space<hbm>>) dst(%arg10 : memref<128x128xf32, #tpu.memory_space<vmem>>)
      %dma_wait3A_223 = arith.constant 0 : i32
      %dma_wait3A_224 = tpu.memref_slice %arg8[%mul3A_190, %dma_wait3A_223] : memref<56x128xi32, #tpu.memory_space<vmem>> -> memref<1x128xi32, #tpu.memory_space<vmem>>
      %dma_wait3A_225 = tpu.memref_squeeze %dma_wait3A_224 : memref<1x128xi32, #tpu.memory_space<vmem>> -> memref<128xi32, #tpu.memory_space<vmem>>
      %dma_wait3A_226 = arith.constant 0 : i32
      %dma_wait3A_227 = arith.constant 0 : i32
      %dma_wait3A_228 = tpu.memref_slice %arg13[%dma_wait3A_226, %dma_wait3A_227] : memref<10240x128xf32, #tpu.memory_space<vmem_shared>> -> memref<10240x128xf32, #tpu.memory_space<vmem_shared>>
      tpu.wait_indirect_dma semaphore(%arg12 : memref<!tpu.dma_semaphore, #tpu.memory_space<semaphore_mem>>) src(%arg9 : memref<128x128xf32, #tpu.memory_space<vmem>>) dst(%dma_wait3A_228 : memref<10240x128xf32, #tpu.memory_space<vmem_shared>>)
      "tpu.region"() ({
        %run_scoped3A = tpu.sem_alloc : memref<!tpu.dma_semaphore, #tpu.memory_space<semaphore_mem>>
        %dma_start3A_229 = arith.constant 0 : i32
        %dma_start3A_230 = tpu.memref_slice %arg8[%add3A_194, %dma_start3A_229] : memref<56x128xi32, #tpu.memory_space<vmem>> -> memref<1x128xi32, #tpu.memory_space<vmem>>
        %dma_start3A_231 = tpu.memref_squeeze %dma_start3A_230 : memref<1x128xi32, #tpu.memory_space<vmem>> -> memref<128xi32, #tpu.memory_space<vmem>>
        %dma_start3A_232 = arith.constant 0 : i32
        %dma_start3A_233 = arith.constant 0 : i32
        %dma_start3A_234 = tpu.memref_slice %arg13[%dma_start3A_232, %dma_start3A_233] : memref<10240x128xf32, #tpu.memory_space<vmem_shared>> -> memref<10240x128xf32, #tpu.memory_space<vmem_shared>>
        tpu.enqueue_indirect_dma source(%arg10 : memref<128x128xf32, #tpu.memory_space<vmem>>) target(%dma_start3A_234 : memref<10240x128xf32, #tpu.memory_space<vmem_shared>>) offsets(%dma_start3A_231 : memref<128xi32, #tpu.memory_space<vmem>>) semaphore(%run_scoped3A : memref<!tpu.dma_semaphore, #tpu.memory_space<semaphore_mem>>) {add = true}
        %dma_wait3A_235 = arith.constant 0 : i32
        %dma_wait3A_236 = tpu.memref_slice %arg8[%add3A_194, %dma_wait3A_235] : memref<56x128xi32, #tpu.memory_space<vmem>> -> memref<1x128xi32, #tpu.memory_space<vmem>>
        %dma_wait3A_237 = tpu.memref_squeeze %dma_wait3A_236 : memref<1x128xi32, #tpu.memory_space<vmem>> -> memref<128xi32, #tpu.memory_space<vmem>>
        %dma_wait3A_238 = arith.constant 0 : i32
        %dma_wait3A_239 = arith.constant 0 : i32
        %dma_wait3A_240 = tpu.memref_slice %arg13[%dma_wait3A_238, %dma_wait3A_239] : memref<10240x128xf32, #tpu.memory_space<vmem_shared>> -> memref<10240x128xf32, #tpu.memory_space<vmem_shared>>
        tpu.wait_indirect_dma semaphore(%run_scoped3A : memref<!tpu.dma_semaphore, #tpu.memory_space<semaphore_mem>>) src(%arg10 : memref<128x128xf32, #tpu.memory_space<vmem>>) dst(%dma_wait3A_240 : memref<10240x128xf32, #tpu.memory_space<vmem_shared>>)
        tpu.yield
      }) : () -> ()
    }
    %eq3A_62 = arith.constant 0 : i32
    %eq3A_63 = arith.cmpi eq, %arg0, %eq3A_62 : i32
    %jit3A_64 = arith.constant 56 : i32
    %jit3A_65 = arith.constant 0 : i32
    %select_n3A_66 = arith.select %eq3A_63, %jit3A_64, %jit3A_65 : i32
    %eq3A_67 = arith.constant 0 : i32
    %eq3A_68 = arith.cmpi eq, %arg0, %eq3A_67 : i32
    %jit3A_69 = arith.constant 56 : i32
    %jit3A_70 = arith.constant 24 : i32
    %select_n3A_71 = arith.select %eq3A_68, %jit3A_69, %jit3A_70 : i32
    %add3A_72 = arith.addi %select_n3A, %select_n3A_71 : i32
    "tpu.region"() ({
      %run_scoped3A = tpu.sem_alloc : memref<!tpu.dma_semaphore, #tpu.memory_space<semaphore_mem>>
      %dma_start3A = arith.constant 0 : i32
      %dma_start3A_188 = tpu.memref_slice %arg3[%add3A_72, %dma_start3A] : memref<2568x128xi32, #tpu.memory_space<hbm>> -> memref<56x128xi32, #tpu.memory_space<hbm>>
      %dma_start3A_189 = arith.constant 0 : i32
      %dma_start3A_190 = tpu.memref_slice %arg3[%add3A_72, %dma_start3A_189] : memref<2568x128xi32, #tpu.memory_space<hbm>> -> memref<56x128xi32, #tpu.memory_space<hbm>>
      tpu.enqueue_dma source(%dma_start3A_190 : memref<56x128xi32, #tpu.memory_space<hbm>>) target(%arg7 : memref<56x128xi32, #tpu.memory_space<vmem>>) target_semaphore(%run_scoped3A : memref<!tpu.dma_semaphore, #tpu.memory_space<semaphore_mem>>)
      %dma_wait3A = arith.constant 0 : i32
      %dma_wait3A_191 = tpu.memref_slice %arg3[%add3A_72, %dma_wait3A] : memref<2568x128xi32, #tpu.memory_space<hbm>> -> memref<56x128xi32, #tpu.memory_space<hbm>>
      %dma_wait3A_192 = arith.constant 0 : i32
      %dma_wait3A_193 = tpu.memref_slice %arg3[%add3A_72, %dma_wait3A_192] : memref<2568x128xi32, #tpu.memory_space<hbm>> -> memref<56x128xi32, #tpu.memory_space<hbm>>
      tpu.wait_dma2 semaphore(%run_scoped3A : memref<!tpu.dma_semaphore, #tpu.memory_space<semaphore_mem>>) src(%dma_wait3A_193 : memref<56x128xi32, #tpu.memory_space<hbm>>) dst(%arg7 : memref<56x128xi32, #tpu.memory_space<vmem>>)
      tpu.yield
    }) : () -> ()
    "tpu.region"() ({
      %run_scoped3A = tpu.sem_alloc : memref<!tpu.dma_semaphore, #tpu.memory_space<semaphore_mem>>
      %dma_start3A = arith.constant 0 : i32
      %dma_start3A_188 = tpu.memref_slice %arg4[%add3A_72, %dma_start3A] : memref<2568x128xi32, #tpu.memory_space<hbm>> -> memref<56x128xi32, #tpu.memory_space<hbm>>
      %dma_start3A_189 = arith.constant 0 : i32
      %dma_start3A_190 = tpu.memref_slice %arg4[%add3A_72, %dma_start3A_189] : memref<2568x128xi32, #tpu.memory_space<hbm>> -> memref<56x128xi32, #tpu.memory_space<hbm>>
      tpu.enqueue_dma source(%dma_start3A_190 : memref<56x128xi32, #tpu.memory_space<hbm>>) target(%arg8 : memref<56x128xi32, #tpu.memory_space<vmem>>) target_semaphore(%run_scoped3A : memref<!tpu.dma_semaphore, #tpu.memory_space<semaphore_mem>>)
      %dma_wait3A = arith.constant 0 : i32
      %dma_wait3A_191 = tpu.memref_slice %arg4[%add3A_72, %dma_wait3A] : memref<2568x128xi32, #tpu.memory_space<hbm>> -> memref<56x128xi32, #tpu.memory_space<hbm>>
      %dma_wait3A_192 = arith.constant 0 : i32
      %dma_wait3A_193 = tpu.memref_slice %arg4[%add3A_72, %dma_wait3A_192] : memref<2568x128xi32, #tpu.memory_space<hbm>> -> memref<56x128xi32, #tpu.memory_space<hbm>>
      tpu.wait_dma2 semaphore(%run_scoped3A : memref<!tpu.dma_semaphore, #tpu.memory_space<semaphore_mem>>) src(%dma_wait3A_193 : memref<56x128xi32, #tpu.memory_space<hbm>>) dst(%arg8 : memref<56x128xi32, #tpu.memory_space<vmem>>)
      tpu.yield
    }) : () -> ()
    %jit3A_73 = arith.constant 2 : i32
    %div3A_74 = arith.divsi %select_n3A_66, %jit3A_73 : i32
    %sign3A_75 = arith.constant 0 : i32
    %sign3A_76 = arith.cmpi sgt, %select_n3A_66, %sign3A_75 : i32
    %sign3A_77 = arith.extui %sign3A_76 : i1 to i32
    %sign3A_78 = arith.constant 0 : i32
    %sign3A_79 = arith.cmpi slt, %select_n3A_66, %sign3A_78 : i32
    %sign3A_80 = arith.extui %sign3A_79 : i1 to i32
    %sign3A_81 = arith.subi %sign3A_77, %sign3A_80 : i32
    %sign3A_82 = arith.constant 0 : i32
    %sign3A_83 = arith.cmpi sgt, %jit3A_73, %sign3A_82 : i32
    %sign3A_84 = arith.extui %sign3A_83 : i1 to i32
    %sign3A_85 = arith.constant 0 : i32
    %sign3A_86 = arith.cmpi slt, %jit3A_73, %sign3A_85 : i32
    %sign3A_87 = arith.extui %sign3A_86 : i1 to i32
    %sign3A_88 = arith.subi %sign3A_84, %sign3A_87 : i32
    %ne3A_89 = arith.cmpi ne, %sign3A_81, %sign3A_88 : i32
    %rem3A_90 = arith.remsi %select_n3A_66, %jit3A_73 : i32
    %ne3A_91 = arith.constant 0 : i32
    %ne3A_92 = arith.cmpi ne, %rem3A_90, %ne3A_91 : i32
    %and3A_93 = arith.andi %ne3A_89, %ne3A_92 : i1
    %sub3A_94 = arith.constant 1 : i32
    %sub3A_95 = arith.subi %div3A_74, %sub3A_94 : i32
    %select_n3A_96 = arith.select %and3A_93, %sub3A_95, %div3A_74 : i32
    %while3A_97 = arith.constant 0 : i32
    %while3A_98 = arith.constant 0 : i32
    %while3A_99 = arith.subi %select_n3A_96, %while3A_98 : i32
    %while3A_100 = arith.addi %while3A_98, %while3A_99 : i32
    %while3A_101 = arith.constant 1 : i32
    %while3A_102 = arith.divsi %while3A_99, %while3A_101 : i32
    %while3A_103 = arith.muli %while3A_102, %while3A_101 : i32
    %while3A_104 = arith.addi %while3A_98, %while3A_103 : i32
    %while3A_105 = arith.constant 1 : i32
    scf.for %while3A_188 = %while3A_98 to %while3A_104 step %while3A_105  : i32 {
      %mul3A_189 = arith.constant 2 : i32
      %mul3A_190 = arith.muli %while3A_188, %mul3A_189 : i32
      %mul3A_191 = arith.constant 2 : i32
      %mul3A_192 = arith.muli %while3A_188, %mul3A_191 : i32
      %add3A_193 = arith.constant 1 : i32
      %add3A_194 = arith.addi %mul3A_192, %add3A_193 : i32
      %dma_start3A = arith.constant 0 : i32
      %dma_start3A_195 = tpu.memref_slice %arg7[%mul3A_190, %dma_start3A] : memref<56x128xi32, #tpu.memory_space<vmem>> -> memref<1x128xi32, #tpu.memory_space<vmem>>
      %dma_start3A_196 = tpu.memref_squeeze %dma_start3A_195 : memref<1x128xi32, #tpu.memory_space<vmem>> -> memref<128xi32, #tpu.memory_space<vmem>>
      %dma_start3A_197 = arith.constant 0 : i32
      %dma_start3A_198 = arith.constant 0 : i32
      %dma_start3A_199 = tpu.memref_slice %arg2[%dma_start3A_197, %dma_start3A_198] : memref<10240x128xf32, #tpu.memory_space<hbm>> -> memref<10240x128xf32, #tpu.memory_space<hbm>>
      tpu.enqueue_indirect_dma source(%dma_start3A_199 : memref<10240x128xf32, #tpu.memory_space<hbm>>) target(%arg9 : memref<128x128xf32, #tpu.memory_space<vmem>>) offsets(%dma_start3A_196 : memref<128xi32, #tpu.memory_space<vmem>>) semaphore(%arg11 : memref<!tpu.dma_semaphore, #tpu.memory_space<semaphore_mem>>)
      %dma_wait3A = arith.constant 0 : i32
      %dma_wait3A_200 = tpu.memref_slice %arg7[%mul3A_190, %dma_wait3A] : memref<56x128xi32, #tpu.memory_space<vmem>> -> memref<1x128xi32, #tpu.memory_space<vmem>>
      %dma_wait3A_201 = tpu.memref_squeeze %dma_wait3A_200 : memref<1x128xi32, #tpu.memory_space<vmem>> -> memref<128xi32, #tpu.memory_space<vmem>>
      %dma_wait3A_202 = arith.constant 0 : i32
      %dma_wait3A_203 = arith.constant 0 : i32
      %dma_wait3A_204 = tpu.memref_slice %arg2[%dma_wait3A_202, %dma_wait3A_203] : memref<10240x128xf32, #tpu.memory_space<hbm>> -> memref<10240x128xf32, #tpu.memory_space<hbm>>
      tpu.wait_indirect_dma semaphore(%arg11 : memref<!tpu.dma_semaphore, #tpu.memory_space<semaphore_mem>>) src(%dma_wait3A_204 : memref<10240x128xf32, #tpu.memory_space<hbm>>) dst(%arg9 : memref<128x128xf32, #tpu.memory_space<vmem>>)
      %dma_start3A_205 = arith.constant 0 : i32
      %dma_start3A_206 = tpu.memref_slice %arg8[%mul3A_190, %dma_start3A_205] : memref<56x128xi32, #tpu.memory_space<vmem>> -> memref<1x128xi32, #tpu.memory_space<vmem>>
      %dma_start3A_207 = tpu.memref_squeeze %dma_start3A_206 : memref<1x128xi32, #tpu.memory_space<vmem>> -> memref<128xi32, #tpu.memory_space<vmem>>
      %dma_start3A_208 = arith.constant 0 : i32
      %dma_start3A_209 = arith.constant 0 : i32
      %dma_start3A_210 = tpu.memref_slice %arg13[%dma_start3A_208, %dma_start3A_209] : memref<10240x128xf32, #tpu.memory_space<vmem_shared>> -> memref<10240x128xf32, #tpu.memory_space<vmem_shared>>
      tpu.enqueue_indirect_dma source(%arg9 : memref<128x128xf32, #tpu.memory_space<vmem>>) target(%dma_start3A_210 : memref<10240x128xf32, #tpu.memory_space<vmem_shared>>) offsets(%dma_start3A_207 : memref<128xi32, #tpu.memory_space<vmem>>) semaphore(%arg12 : memref<!tpu.dma_semaphore, #tpu.memory_space<semaphore_mem>>) {add = true}
      %dma_start3A_211 = arith.constant 0 : i32
      %dma_start3A_212 = tpu.memref_slice %arg7[%add3A_194, %dma_start3A_211] : memref<56x128xi32, #tpu.memory_space<vmem>> -> memref<1x128xi32, #tpu.memory_space<vmem>>
      %dma_start3A_213 = tpu.memref_squeeze %dma_start3A_212 : memref<1x128xi32, #tpu.memory_space<vmem>> -> memref<128xi32, #tpu.memory_space<vmem>>
      %dma_start3A_214 = arith.constant 0 : i32
      %dma_start3A_215 = arith.constant 0 : i32
      %dma_start3A_216 = tpu.memref_slice %arg2[%dma_start3A_214, %dma_start3A_215] : memref<10240x128xf32, #tpu.memory_space<hbm>> -> memref<10240x128xf32, #tpu.memory_space<hbm>>
      tpu.enqueue_indirect_dma source(%dma_start3A_216 : memref<10240x128xf32, #tpu.memory_space<hbm>>) target(%arg10 : memref<128x128xf32, #tpu.memory_space<vmem>>) offsets(%dma_start3A_213 : memref<128xi32, #tpu.memory_space<vmem>>) semaphore(%arg11 : memref<!tpu.dma_semaphore, #tpu.memory_space<semaphore_mem>>)
      %dma_wait3A_217 = arith.constant 0 : i32
      %dma_wait3A_218 = tpu.memref_slice %arg7[%add3A_194, %dma_wait3A_217] : memref<56x128xi32, #tpu.memory_space<vmem>> -> memref<1x128xi32, #tpu.memory_space<vmem>>
      %dma_wait3A_219 = tpu.memref_squeeze %dma_wait3A_218 : memref<1x128xi32, #tpu.memory_space<vmem>> -> memref<128xi32, #tpu.memory_space<vmem>>
      %dma_wait3A_220 = arith.constant 0 : i32
      %dma_wait3A_221 = arith.constant 0 : i32
      %dma_wait3A_222 = tpu.memref_slice %arg2[%dma_wait3A_220, %dma_wait3A_221] : memref<10240x128xf32, #tpu.memory_space<hbm>> -> memref<10240x128xf32, #tpu.memory_space<hbm>>
      tpu.wait_indirect_dma semaphore(%arg11 : memref<!tpu.dma_semaphore, #tpu.memory_space<semaphore_mem>>) src(%dma_wait3A_222 : memref<10240x128xf32, #tpu.memory_space<hbm>>) dst(%arg10 : memref<128x128xf32, #tpu.memory_space<vmem>>)
      %dma_wait3A_223 = arith.constant 0 : i32
      %dma_wait3A_224 = tpu.memref_slice %arg8[%mul3A_190, %dma_wait3A_223] : memref<56x128xi32, #tpu.memory_space<vmem>> -> memref<1x128xi32, #tpu.memory_space<vmem>>
      %dma_wait3A_225 = tpu.memref_squeeze %dma_wait3A_224 : memref<1x128xi32, #tpu.memory_space<vmem>> -> memref<128xi32, #tpu.memory_space<vmem>>
      %dma_wait3A_226 = arith.constant 0 : i32
      %dma_wait3A_227 = arith.constant 0 : i32
      %dma_wait3A_228 = tpu.memref_slice %arg13[%dma_wait3A_226, %dma_wait3A_227] : memref<10240x128xf32, #tpu.memory_space<vmem_shared>> -> memref<10240x128xf32, #tpu.memory_space<vmem_shared>>
      tpu.wait_indirect_dma semaphore(%arg12 : memref<!tpu.dma_semaphore, #tpu.memory_space<semaphore_mem>>) src(%arg9 : memref<128x128xf32, #tpu.memory_space<vmem>>) dst(%dma_wait3A_228 : memref<10240x128xf32, #tpu.memory_space<vmem_shared>>)
      "tpu.region"() ({
        %run_scoped3A = tpu.sem_alloc : memref<!tpu.dma_semaphore, #tpu.memory_space<semaphore_mem>>
        %dma_start3A_229 = arith.constant 0 : i32
        %dma_start3A_230 = tpu.memref_slice %arg8[%add3A_194, %dma_start3A_229] : memref<56x128xi32, #tpu.memory_space<vmem>> -> memref<1x128xi32, #tpu.memory_space<vmem>>
        %dma_start3A_231 = tpu.memref_squeeze %dma_start3A_230 : memref<1x128xi32, #tpu.memory_space<vmem>> -> memref<128xi32, #tpu.memory_space<vmem>>
        %dma_start3A_232 = arith.constant 0 : i32
        %dma_start3A_233 = arith.constant 0 : i32
        %dma_start3A_234 = tpu.memref_slice %arg13[%dma_start3A_232, %dma_start3A_233] : memref<10240x128xf32, #tpu.memory_space<vmem_shared>> -> memref<10240x128xf32, #tpu.memory_space<vmem_shared>>
        tpu.enqueue_indirect_dma source(%arg10 : memref<128x128xf32, #tpu.memory_space<vmem>>) target(%dma_start3A_234 : memref<10240x128xf32, #tpu.memory_space<vmem_shared>>) offsets(%dma_start3A_231 : memref<128xi32, #tpu.memory_space<vmem>>) semaphore(%run_scoped3A : memref<!tpu.dma_semaphore, #tpu.memory_space<semaphore_mem>>) {add = true}
        %dma_wait3A_235 = arith.constant 0 : i32
        %dma_wait3A_236 = tpu.memref_slice %arg8[%add3A_194, %dma_wait3A_235] : memref<56x128xi32, #tpu.memory_space<vmem>> -> memref<1x128xi32, #tpu.memory_space<vmem>>
        %dma_wait3A_237 = tpu.memref_squeeze %dma_wait3A_236 : memref<1x128xi32, #tpu.memory_space<vmem>> -> memref<128xi32, #tpu.memory_space<vmem>>
        %dma_wait3A_238 = arith.constant 0 : i32
        %dma_wait3A_239 = arith.constant 0 : i32
        %dma_wait3A_240 = tpu.memref_slice %arg13[%dma_wait3A_238, %dma_wait3A_239] : memref<10240x128xf32, #tpu.memory_space<vmem_shared>> -> memref<10240x128xf32, #tpu.memory_space<vmem_shared>>
        tpu.wait_indirect_dma semaphore(%run_scoped3A : memref<!tpu.dma_semaphore, #tpu.memory_space<semaphore_mem>>) src(%arg10 : memref<128x128xf32, #tpu.memory_space<vmem>>) dst(%dma_wait3A_240 : memref<10240x128xf32, #tpu.memory_space<vmem_shared>>)
        tpu.yield
      }) : () -> ()
    }
    %while3A_106 = arith.constant 1 : i32
    scf.for %while3A_188 = %while3A_104 to %while3A_100 step %while3A_106  : i32 {
      %mul3A_189 = arith.constant 2 : i32
      %mul3A_190 = arith.muli %while3A_188, %mul3A_189 : i32
      %mul3A_191 = arith.constant 2 : i32
      %mul3A_192 = arith.muli %while3A_188, %mul3A_191 : i32
      %add3A_193 = arith.constant 1 : i32
      %add3A_194 = arith.addi %mul3A_192, %add3A_193 : i32
      %dma_start3A = arith.constant 0 : i32
      %dma_start3A_195 = tpu.memref_slice %arg7[%mul3A_190, %dma_start3A] : memref<56x128xi32, #tpu.memory_space<vmem>> -> memref<1x128xi32, #tpu.memory_space<vmem>>
      %dma_start3A_196 = tpu.memref_squeeze %dma_start3A_195 : memref<1x128xi32, #tpu.memory_space<vmem>> -> memref<128xi32, #tpu.memory_space<vmem>>
      %dma_start3A_197 = arith.constant 0 : i32
      %dma_start3A_198 = arith.constant 0 : i32
      %dma_start3A_199 = tpu.memref_slice %arg2[%dma_start3A_197, %dma_start3A_198] : memref<10240x128xf32, #tpu.memory_space<hbm>> -> memref<10240x128xf32, #tpu.memory_space<hbm>>
      tpu.enqueue_indirect_dma source(%dma_start3A_199 : memref<10240x128xf32, #tpu.memory_space<hbm>>) target(%arg9 : memref<128x128xf32, #tpu.memory_space<vmem>>) offsets(%dma_start3A_196 : memref<128xi32, #tpu.memory_space<vmem>>) semaphore(%arg11 : memref<!tpu.dma_semaphore, #tpu.memory_space<semaphore_mem>>)
      %dma_wait3A = arith.constant 0 : i32
      %dma_wait3A_200 = tpu.memref_slice %arg7[%mul3A_190, %dma_wait3A] : memref<56x128xi32, #tpu.memory_space<vmem>> -> memref<1x128xi32, #tpu.memory_space<vmem>>
      %dma_wait3A_201 = tpu.memref_squeeze %dma_wait3A_200 : memref<1x128xi32, #tpu.memory_space<vmem>> -> memref<128xi32, #tpu.memory_space<vmem>>
      %dma_wait3A_202 = arith.constant 0 : i32
      %dma_wait3A_203 = arith.constant 0 : i32
      %dma_wait3A_204 = tpu.memref_slice %arg2[%dma_wait3A_202, %dma_wait3A_203] : memref<10240x128xf32, #tpu.memory_space<hbm>> -> memref<10240x128xf32, #tpu.memory_space<hbm>>
      tpu.wait_indirect_dma semaphore(%arg11 : memref<!tpu.dma_semaphore, #tpu.memory_space<semaphore_mem>>) src(%dma_wait3A_204 : memref<10240x128xf32, #tpu.memory_space<hbm>>) dst(%arg9 : memref<128x128xf32, #tpu.memory_space<vmem>>)
      %dma_start3A_205 = arith.constant 0 : i32
      %dma_start3A_206 = tpu.memref_slice %arg8[%mul3A_190, %dma_start3A_205] : memref<56x128xi32, #tpu.memory_space<vmem>> -> memref<1x128xi32, #tpu.memory_space<vmem>>
      %dma_start3A_207 = tpu.memref_squeeze %dma_start3A_206 : memref<1x128xi32, #tpu.memory_space<vmem>> -> memref<128xi32, #tpu.memory_space<vmem>>
      %dma_start3A_208 = arith.constant 0 : i32
      %dma_start3A_209 = arith.constant 0 : i32
      %dma_start3A_210 = tpu.memref_slice %arg13[%dma_start3A_208, %dma_start3A_209] : memref<10240x128xf32, #tpu.memory_space<vmem_shared>> -> memref<10240x128xf32, #tpu.memory_space<vmem_shared>>
      tpu.enqueue_indirect_dma source(%arg9 : memref<128x128xf32, #tpu.memory_space<vmem>>) target(%dma_start3A_210 : memref<10240x128xf32, #tpu.memory_space<vmem_shared>>) offsets(%dma_start3A_207 : memref<128xi32, #tpu.memory_space<vmem>>) semaphore(%arg12 : memref<!tpu.dma_semaphore, #tpu.memory_space<semaphore_mem>>) {add = true}
      %dma_start3A_211 = arith.constant 0 : i32
      %dma_start3A_212 = tpu.memref_slice %arg7[%add3A_194, %dma_start3A_211] : memref<56x128xi32, #tpu.memory_space<vmem>> -> memref<1x128xi32, #tpu.memory_space<vmem>>
      %dma_start3A_213 = tpu.memref_squeeze %dma_start3A_212 : memref<1x128xi32, #tpu.memory_space<vmem>> -> memref<128xi32, #tpu.memory_space<vmem>>
      %dma_start3A_214 = arith.constant 0 : i32
      %dma_start3A_215 = arith.constant 0 : i32
      %dma_start3A_216 = tpu.memref_slice %arg2[%dma_start3A_214, %dma_start3A_215] : memref<10240x128xf32, #tpu.memory_space<hbm>> -> memref<10240x128xf32, #tpu.memory_space<hbm>>
      tpu.enqueue_indirect_dma source(%dma_start3A_216 : memref<10240x128xf32, #tpu.memory_space<hbm>>) target(%arg10 : memref<128x128xf32, #tpu.memory_space<vmem>>) offsets(%dma_start3A_213 : memref<128xi32, #tpu.memory_space<vmem>>) semaphore(%arg11 : memref<!tpu.dma_semaphore, #tpu.memory_space<semaphore_mem>>)
      %dma_wait3A_217 = arith.constant 0 : i32
      %dma_wait3A_218 = tpu.memref_slice %arg7[%add3A_194, %dma_wait3A_217] : memref<56x128xi32, #tpu.memory_space<vmem>> -> memref<1x128xi32, #tpu.memory_space<vmem>>
      %dma_wait3A_219 = tpu.memref_squeeze %dma_wait3A_218 : memref<1x128xi32, #tpu.memory_space<vmem>> -> memref<128xi32, #tpu.memory_space<vmem>>
      %dma_wait3A_220 = arith.constant 0 : i32
      %dma_wait3A_221 = arith.constant 0 : i32
      %dma_wait3A_222 = tpu.memref_slice %arg2[%dma_wait3A_220, %dma_wait3A_221] : memref<10240x128xf32, #tpu.memory_space<hbm>> -> memref<10240x128xf32, #tpu.memory_space<hbm>>
      tpu.wait_indirect_dma semaphore(%arg11 : memref<!tpu.dma_semaphore, #tpu.memory_space<semaphore_mem>>) src(%dma_wait3A_222 : memref<10240x128xf32, #tpu.memory_space<hbm>>) dst(%arg10 : memref<128x128xf32, #tpu.memory_space<vmem>>)
      %dma_wait3A_223 = arith.constant 0 : i32
      %dma_wait3A_224 = tpu.memref_slice %arg8[%mul3A_190, %dma_wait3A_223] : memref<56x128xi32, #tpu.memory_space<vmem>> -> memref<1x128xi32, #tpu.memory_space<vmem>>
      %dma_wait3A_225 = tpu.memref_squeeze %dma_wait3A_224 : memref<1x128xi32, #tpu.memory_space<vmem>> -> memref<128xi32, #tpu.memory_space<vmem>>
      %dma_wait3A_226 = arith.constant 0 : i32
      %dma_wait3A_227 = arith.constant 0 : i32
      %dma_wait3A_228 = tpu.memref_slice %arg13[%dma_wait3A_226, %dma_wait3A_227] : memref<10240x128xf32, #tpu.memory_space<vmem_shared>> -> memref<10240x128xf32, #tpu.memory_space<vmem_shared>>
      tpu.wait_indirect_dma semaphore(%arg12 : memref<!tpu.dma_semaphore, #tpu.memory_space<semaphore_mem>>) src(%arg9 : memref<128x128xf32, #tpu.memory_space<vmem>>) dst(%dma_wait3A_228 : memref<10240x128xf32, #tpu.memory_space<vmem_shared>>)
      "tpu.region"() ({
        %run_scoped3A = tpu.sem_alloc : memref<!tpu.dma_semaphore, #tpu.memory_space<semaphore_mem>>
        %dma_start3A_229 = arith.constant 0 : i32
        %dma_start3A_230 = tpu.memref_slice %arg8[%add3A_194, %dma_start3A_229] : memref<56x128xi32, #tpu.memory_space<vmem>> -> memref<1x128xi32, #tpu.memory_space<vmem>>
        %dma_start3A_231 = tpu.memref_squeeze %dma_start3A_230 : memref<1x128xi32, #tpu.memory_space<vmem>> -> memref<128xi32, #tpu.memory_space<vmem>>
        %dma_start3A_232 = arith.constant 0 : i32
        %dma_start3A_233 = arith.constant 0 : i32
        %dma_start3A_234 = tpu.memref_slice %arg13[%dma_start3A_232, %dma_start3A_233] : memref<10240x128xf32, #tpu.memory_space<vmem_shared>> -> memref<10240x128xf32, #tpu.memory_space<vmem_shared>>
        tpu.enqueue_indirect_dma source(%arg10 : memref<128x128xf32, #tpu.memory_space<vmem>>) target(%dma_start3A_234 : memref<10240x128xf32, #tpu.memory_space<vmem_shared>>) offsets(%dma_start3A_231 : memref<128xi32, #tpu.memory_space<vmem>>) semaphore(%run_scoped3A : memref<!tpu.dma_semaphore, #tpu.memory_space<semaphore_mem>>) {add = true}
        %dma_wait3A_235 = arith.constant 0 : i32
        %dma_wait3A_236 = tpu.memref_slice %arg8[%add3A_194, %dma_wait3A_235] : memref<56x128xi32, #tpu.memory_space<vmem>> -> memref<1x128xi32, #tpu.memory_space<vmem>>
        %dma_wait3A_237 = tpu.memref_squeeze %dma_wait3A_236 : memref<1x128xi32, #tpu.memory_space<vmem>> -> memref<128xi32, #tpu.memory_space<vmem>>
        %dma_wait3A_238 = arith.constant 0 : i32
        %dma_wait3A_239 = arith.constant 0 : i32
        %dma_wait3A_240 = tpu.memref_slice %arg13[%dma_wait3A_238, %dma_wait3A_239] : memref<10240x128xf32, #tpu.memory_space<vmem_shared>> -> memref<10240x128xf32, #tpu.memory_space<vmem_shared>>
        tpu.wait_indirect_dma semaphore(%run_scoped3A : memref<!tpu.dma_semaphore, #tpu.memory_space<semaphore_mem>>) src(%arg10 : memref<128x128xf32, #tpu.memory_space<vmem>>) dst(%dma_wait3A_240 : memref<10240x128xf32, #tpu.memory_space<vmem_shared>>)
        tpu.yield
      }) : () -> ()
    }
    %eq3A_107 = arith.constant 0 : i32
    %eq3A_108 = arith.cmpi eq, %arg0, %eq3A_107 : i32
    %jit3A_109 = arith.constant 24 : i32
    %jit3A_110 = arith.constant 0 : i32
    %select_n3A_111 = arith.select %eq3A_108, %jit3A_109, %jit3A_110 : i32
    %eq3A_112 = arith.constant 0 : i32
    %eq3A_113 = arith.cmpi eq, %arg0, %eq3A_112 : i32
    %jit3A_114 = arith.constant 112 : i32
    %jit3A_115 = arith.constant 24 : i32
    %select_n3A_116 = arith.select %eq3A_113, %jit3A_114, %jit3A_115 : i32
    %add3A_117 = arith.addi %select_n3A, %select_n3A_116 : i32
    "tpu.region"() ({
      %run_scoped3A = tpu.sem_alloc : memref<!tpu.dma_semaphore, #tpu.memory_space<semaphore_mem>>
      %dma_start3A = arith.constant 0 : i32
      %dma_start3A_188 = tpu.memref_slice %arg3[%add3A_117, %dma_start3A] : memref<2568x128xi32, #tpu.memory_space<hbm>> -> memref<56x128xi32, #tpu.memory_space<hbm>>
      %dma_start3A_189 = arith.constant 0 : i32
      %dma_start3A_190 = tpu.memref_slice %arg3[%add3A_117, %dma_start3A_189] : memref<2568x128xi32, #tpu.memory_space<hbm>> -> memref<56x128xi32, #tpu.memory_space<hbm>>
      tpu.enqueue_dma source(%dma_start3A_190 : memref<56x128xi32, #tpu.memory_space<hbm>>) target(%arg7 : memref<56x128xi32, #tpu.memory_space<vmem>>) target_semaphore(%run_scoped3A : memref<!tpu.dma_semaphore, #tpu.memory_space<semaphore_mem>>)
      %dma_wait3A = arith.constant 0 : i32
      %dma_wait3A_191 = tpu.memref_slice %arg3[%add3A_117, %dma_wait3A] : memref<2568x128xi32, #tpu.memory_space<hbm>> -> memref<56x128xi32, #tpu.memory_space<hbm>>
      %dma_wait3A_192 = arith.constant 0 : i32
      %dma_wait3A_193 = tpu.memref_slice %arg3[%add3A_117, %dma_wait3A_192] : memref<2568x128xi32, #tpu.memory_space<hbm>> -> memref<56x128xi32, #tpu.memory_space<hbm>>
      tpu.wait_dma2 semaphore(%run_scoped3A : memref<!tpu.dma_semaphore, #tpu.memory_space<semaphore_mem>>) src(%dma_wait3A_193 : memref<56x128xi32, #tpu.memory_space<hbm>>) dst(%arg7 : memref<56x128xi32, #tpu.memory_space<vmem>>)
      tpu.yield
    }) : () -> ()
    "tpu.region"() ({
      %run_scoped3A = tpu.sem_alloc : memref<!tpu.dma_semaphore, #tpu.memory_space<semaphore_mem>>
      %dma_start3A = arith.constant 0 : i32
      %dma_start3A_188 = tpu.memref_slice %arg4[%add3A_117, %dma_start3A] : memref<2568x128xi32, #tpu.memory_space<hbm>> -> memref<56x128xi32, #tpu.memory_space<hbm>>
      %dma_start3A_189 = arith.constant 0 : i32
      %dma_start3A_190 = tpu.memref_slice %arg4[%add3A_117, %dma_start3A_189] : memref<2568x128xi32, #tpu.memory_space<hbm>> -> memref<56x128xi32, #tpu.memory_space<hbm>>
      tpu.enqueue_dma source(%dma_start3A_190 : memref<56x128xi32, #tpu.memory_space<hbm>>) target(%arg8 : memref<56x128xi32, #tpu.memory_space<vmem>>) target_semaphore(%run_scoped3A : memref<!tpu.dma_semaphore, #tpu.memory_space<semaphore_mem>>)
      %dma_wait3A = arith.constant 0 : i32
      %dma_wait3A_191 = tpu.memref_slice %arg4[%add3A_117, %dma_wait3A] : memref<2568x128xi32, #tpu.memory_space<hbm>> -> memref<56x128xi32, #tpu.memory_space<hbm>>
      %dma_wait3A_192 = arith.constant 0 : i32
      %dma_wait3A_193 = tpu.memref_slice %arg4[%add3A_117, %dma_wait3A_192] : memref<2568x128xi32, #tpu.memory_space<hbm>> -> memref<56x128xi32, #tpu.memory_space<hbm>>
      tpu.wait_dma2 semaphore(%run_scoped3A : memref<!tpu.dma_semaphore, #tpu.memory_space<semaphore_mem>>) src(%dma_wait3A_193 : memref<56x128xi32, #tpu.memory_space<hbm>>) dst(%arg8 : memref<56x128xi32, #tpu.memory_space<vmem>>)
      tpu.yield
    }) : () -> ()
    %jit3A_118 = arith.constant 2 : i32
    %div3A_119 = arith.divsi %select_n3A_111, %jit3A_118 : i32
    %sign3A_120 = arith.constant 0 : i32
    %sign3A_121 = arith.cmpi sgt, %select_n3A_111, %sign3A_120 : i32
    %sign3A_122 = arith.extui %sign3A_121 : i1 to i32
    %sign3A_123 = arith.constant 0 : i32
    %sign3A_124 = arith.cmpi slt, %select_n3A_111, %sign3A_123 : i32
    %sign3A_125 = arith.extui %sign3A_124 : i1 to i32
    %sign3A_126 = arith.subi %sign3A_122, %sign3A_125 : i32
    %sign3A_127 = arith.constant 0 : i32
    %sign3A_128 = arith.cmpi sgt, %jit3A_118, %sign3A_127 : i32
    %sign3A_129 = arith.extui %sign3A_128 : i1 to i32
    %sign3A_130 = arith.constant 0 : i32
    %sign3A_131 = arith.cmpi slt, %jit3A_118, %sign3A_130 : i32
    %sign3A_132 = arith.extui %sign3A_131 : i1 to i32
    %sign3A_133 = arith.subi %sign3A_129, %sign3A_132 : i32
    %ne3A_134 = arith.cmpi ne, %sign3A_126, %sign3A_133 : i32
    %rem3A_135 = arith.remsi %select_n3A_111, %jit3A_118 : i32
    %ne3A_136 = arith.constant 0 : i32
    %ne3A_137 = arith.cmpi ne, %rem3A_135, %ne3A_136 : i32
    %and3A_138 = arith.andi %ne3A_134, %ne3A_137 : i1
    %sub3A_139 = arith.constant 1 : i32
    %sub3A_140 = arith.subi %div3A_119, %sub3A_139 : i32
    %select_n3A_141 = arith.select %and3A_138, %sub3A_140, %div3A_119 : i32
    %while3A_142 = arith.constant 0 : i32
    %while3A_143 = arith.constant 0 : i32
    %while3A_144 = arith.subi %select_n3A_141, %while3A_143 : i32
    %while3A_145 = arith.addi %while3A_143, %while3A_144 : i32
    %while3A_146 = arith.constant 1 : i32
    %while3A_147 = arith.divsi %while3A_144, %while3A_146 : i32
    %while3A_148 = arith.muli %while3A_147, %while3A_146 : i32
    %while3A_149 = arith.addi %while3A_143, %while3A_148 : i32
    %while3A_150 = arith.constant 1 : i32
    scf.for %while3A_188 = %while3A_143 to %while3A_149 step %while3A_150  : i32 {
      %mul3A_189 = arith.constant 2 : i32
      %mul3A_190 = arith.muli %while3A_188, %mul3A_189 : i32
      %mul3A_191 = arith.constant 2 : i32
      %mul3A_192 = arith.muli %while3A_188, %mul3A_191 : i32
      %add3A_193 = arith.constant 1 : i32
      %add3A_194 = arith.addi %mul3A_192, %add3A_193 : i32
      %dma_start3A = arith.constant 0 : i32
      %dma_start3A_195 = tpu.memref_slice %arg7[%mul3A_190, %dma_start3A] : memref<56x128xi32, #tpu.memory_space<vmem>> -> memref<1x128xi32, #tpu.memory_space<vmem>>
      %dma_start3A_196 = tpu.memref_squeeze %dma_start3A_195 : memref<1x128xi32, #tpu.memory_space<vmem>> -> memref<128xi32, #tpu.memory_space<vmem>>
      %dma_start3A_197 = arith.constant 0 : i32
      %dma_start3A_198 = arith.constant 0 : i32
      %dma_start3A_199 = tpu.memref_slice %arg2[%dma_start3A_197, %dma_start3A_198] : memref<10240x128xf32, #tpu.memory_space<hbm>> -> memref<10240x128xf32, #tpu.memory_space<hbm>>
      tpu.enqueue_indirect_dma source(%dma_start3A_199 : memref<10240x128xf32, #tpu.memory_space<hbm>>) target(%arg9 : memref<128x128xf32, #tpu.memory_space<vmem>>) offsets(%dma_start3A_196 : memref<128xi32, #tpu.memory_space<vmem>>) semaphore(%arg11 : memref<!tpu.dma_semaphore, #tpu.memory_space<semaphore_mem>>)
      %dma_wait3A = arith.constant 0 : i32
      %dma_wait3A_200 = tpu.memref_slice %arg7[%mul3A_190, %dma_wait3A] : memref<56x128xi32, #tpu.memory_space<vmem>> -> memref<1x128xi32, #tpu.memory_space<vmem>>
      %dma_wait3A_201 = tpu.memref_squeeze %dma_wait3A_200 : memref<1x128xi32, #tpu.memory_space<vmem>> -> memref<128xi32, #tpu.memory_space<vmem>>
      %dma_wait3A_202 = arith.constant 0 : i32
      %dma_wait3A_203 = arith.constant 0 : i32
      %dma_wait3A_204 = tpu.memref_slice %arg2[%dma_wait3A_202, %dma_wait3A_203] : memref<10240x128xf32, #tpu.memory_space<hbm>> -> memref<10240x128xf32, #tpu.memory_space<hbm>>
      tpu.wait_indirect_dma semaphore(%arg11 : memref<!tpu.dma_semaphore, #tpu.memory_space<semaphore_mem>>) src(%dma_wait3A_204 : memref<10240x128xf32, #tpu.memory_space<hbm>>) dst(%arg9 : memref<128x128xf32, #tpu.memory_space<vmem>>)
      %dma_start3A_205 = arith.constant 0 : i32
      %dma_start3A_206 = tpu.memref_slice %arg8[%mul3A_190, %dma_start3A_205] : memref<56x128xi32, #tpu.memory_space<vmem>> -> memref<1x128xi32, #tpu.memory_space<vmem>>
      %dma_start3A_207 = tpu.memref_squeeze %dma_start3A_206 : memref<1x128xi32, #tpu.memory_space<vmem>> -> memref<128xi32, #tpu.memory_space<vmem>>
      %dma_start3A_208 = arith.constant 0 : i32
      %dma_start3A_209 = arith.constant 0 : i32
      %dma_start3A_210 = tpu.memref_slice %arg13[%dma_start3A_208, %dma_start3A_209] : memref<10240x128xf32, #tpu.memory_space<vmem_shared>> -> memref<10240x128xf32, #tpu.memory_space<vmem_shared>>
      tpu.enqueue_indirect_dma source(%arg9 : memref<128x128xf32, #tpu.memory_space<vmem>>) target(%dma_start3A_210 : memref<10240x128xf32, #tpu.memory_space<vmem_shared>>) offsets(%dma_start3A_207 : memref<128xi32, #tpu.memory_space<vmem>>) semaphore(%arg12 : memref<!tpu.dma_semaphore, #tpu.memory_space<semaphore_mem>>) {add = true}
      %dma_start3A_211 = arith.constant 0 : i32
      %dma_start3A_212 = tpu.memref_slice %arg7[%add3A_194, %dma_start3A_211] : memref<56x128xi32, #tpu.memory_space<vmem>> -> memref<1x128xi32, #tpu.memory_space<vmem>>
      %dma_start3A_213 = tpu.memref_squeeze %dma_start3A_212 : memref<1x128xi32, #tpu.memory_space<vmem>> -> memref<128xi32, #tpu.memory_space<vmem>>
      %dma_start3A_214 = arith.constant 0 : i32
      %dma_start3A_215 = arith.constant 0 : i32
      %dma_start3A_216 = tpu.memref_slice %arg2[%dma_start3A_214, %dma_start3A_215] : memref<10240x128xf32, #tpu.memory_space<hbm>> -> memref<10240x128xf32, #tpu.memory_space<hbm>>
      tpu.enqueue_indirect_dma source(%dma_start3A_216 : memref<10240x128xf32, #tpu.memory_space<hbm>>) target(%arg10 : memref<128x128xf32, #tpu.memory_space<vmem>>) offsets(%dma_start3A_213 : memref<128xi32, #tpu.memory_space<vmem>>) semaphore(%arg11 : memref<!tpu.dma_semaphore, #tpu.memory_space<semaphore_mem>>)
      %dma_wait3A_217 = arith.constant 0 : i32
      %dma_wait3A_218 = tpu.memref_slice %arg7[%add3A_194, %dma_wait3A_217] : memref<56x128xi32, #tpu.memory_space<vmem>> -> memref<1x128xi32, #tpu.memory_space<vmem>>
      %dma_wait3A_219 = tpu.memref_squeeze %dma_wait3A_218 : memref<1x128xi32, #tpu.memory_space<vmem>> -> memref<128xi32, #tpu.memory_space<vmem>>
      %dma_wait3A_220 = arith.constant 0 : i32
      %dma_wait3A_221 = arith.constant 0 : i32
      %dma_wait3A_222 = tpu.memref_slice %arg2[%dma_wait3A_220, %dma_wait3A_221] : memref<10240x128xf32, #tpu.memory_space<hbm>> -> memref<10240x128xf32, #tpu.memory_space<hbm>>
      tpu.wait_indirect_dma semaphore(%arg11 : memref<!tpu.dma_semaphore, #tpu.memory_space<semaphore_mem>>) src(%dma_wait3A_222 : memref<10240x128xf32, #tpu.memory_space<hbm>>) dst(%arg10 : memref<128x128xf32, #tpu.memory_space<vmem>>)
      %dma_wait3A_223 = arith.constant 0 : i32
      %dma_wait3A_224 = tpu.memref_slice %arg8[%mul3A_190, %dma_wait3A_223] : memref<56x128xi32, #tpu.memory_space<vmem>> -> memref<1x128xi32, #tpu.memory_space<vmem>>
      %dma_wait3A_225 = tpu.memref_squeeze %dma_wait3A_224 : memref<1x128xi32, #tpu.memory_space<vmem>> -> memref<128xi32, #tpu.memory_space<vmem>>
      %dma_wait3A_226 = arith.constant 0 : i32
      %dma_wait3A_227 = arith.constant 0 : i32
      %dma_wait3A_228 = tpu.memref_slice %arg13[%dma_wait3A_226, %dma_wait3A_227] : memref<10240x128xf32, #tpu.memory_space<vmem_shared>> -> memref<10240x128xf32, #tpu.memory_space<vmem_shared>>
      tpu.wait_indirect_dma semaphore(%arg12 : memref<!tpu.dma_semaphore, #tpu.memory_space<semaphore_mem>>) src(%arg9 : memref<128x128xf32, #tpu.memory_space<vmem>>) dst(%dma_wait3A_228 : memref<10240x128xf32, #tpu.memory_space<vmem_shared>>)
      "tpu.region"() ({
        %run_scoped3A = tpu.sem_alloc : memref<!tpu.dma_semaphore, #tpu.memory_space<semaphore_mem>>
        %dma_start3A_229 = arith.constant 0 : i32
        %dma_start3A_230 = tpu.memref_slice %arg8[%add3A_194, %dma_start3A_229] : memref<56x128xi32, #tpu.memory_space<vmem>> -> memref<1x128xi32, #tpu.memory_space<vmem>>
        %dma_start3A_231 = tpu.memref_squeeze %dma_start3A_230 : memref<1x128xi32, #tpu.memory_space<vmem>> -> memref<128xi32, #tpu.memory_space<vmem>>
        %dma_start3A_232 = arith.constant 0 : i32
        %dma_start3A_233 = arith.constant 0 : i32
        %dma_start3A_234 = tpu.memref_slice %arg13[%dma_start3A_232, %dma_start3A_233] : memref<10240x128xf32, #tpu.memory_space<vmem_shared>> -> memref<10240x128xf32, #tpu.memory_space<vmem_shared>>
        tpu.enqueue_indirect_dma source(%arg10 : memref<128x128xf32, #tpu.memory_space<vmem>>) target(%dma_start3A_234 : memref<10240x128xf32, #tpu.memory_space<vmem_shared>>) offsets(%dma_start3A_231 : memref<128xi32, #tpu.memory_space<vmem>>) semaphore(%run_scoped3A : memref<!tpu.dma_semaphore, #tpu.memory_space<semaphore_mem>>) {add = true}
        %dma_wait3A_235 = arith.constant 0 : i32
        %dma_wait3A_236 = tpu.memref_slice %arg8[%add3A_194, %dma_wait3A_235] : memref<56x128xi32, #tpu.memory_space<vmem>> -> memref<1x128xi32, #tpu.memory_space<vmem>>
        %dma_wait3A_237 = tpu.memref_squeeze %dma_wait3A_236 : memref<1x128xi32, #tpu.memory_space<vmem>> -> memref<128xi32, #tpu.memory_space<vmem>>
        %dma_wait3A_238 = arith.constant 0 : i32
        %dma_wait3A_239 = arith.constant 0 : i32
        %dma_wait3A_240 = tpu.memref_slice %arg13[%dma_wait3A_238, %dma_wait3A_239] : memref<10240x128xf32, #tpu.memory_space<vmem_shared>> -> memref<10240x128xf32, #tpu.memory_space<vmem_shared>>
        tpu.wait_indirect_dma semaphore(%run_scoped3A : memref<!tpu.dma_semaphore, #tpu.memory_space<semaphore_mem>>) src(%arg10 : memref<128x128xf32, #tpu.memory_space<vmem>>) dst(%dma_wait3A_240 : memref<10240x128xf32, #tpu.memory_space<vmem_shared>>)
        tpu.yield
      }) : () -> ()
    }
    %while3A_151 = arith.constant 1 : i32
    scf.for %while3A_188 = %while3A_149 to %while3A_145 step %while3A_151  : i32 {
      %mul3A_189 = arith.constant 2 : i32
      %mul3A_190 = arith.muli %while3A_188, %mul3A_189 : i32
      %mul3A_191 = arith.constant 2 : i32
      %mul3A_192 = arith.muli %while3A_188, %mul3A_191 : i32
      %add3A_193 = arith.constant 1 : i32
      %add3A_194 = arith.addi %mul3A_192, %add3A_193 : i32
      %dma_start3A = arith.constant 0 : i32
      %dma_start3A_195 = tpu.memref_slice %arg7[%mul3A_190, %dma_start3A] : memref<56x128xi32, #tpu.memory_space<vmem>> -> memref<1x128xi32, #tpu.memory_space<vmem>>
      %dma_start3A_196 = tpu.memref_squeeze %dma_start3A_195 : memref<1x128xi32, #tpu.memory_space<vmem>> -> memref<128xi32, #tpu.memory_space<vmem>>
      %dma_start3A_197 = arith.constant 0 : i32
      %dma_start3A_198 = arith.constant 0 : i32
      %dma_start3A_199 = tpu.memref_slice %arg2[%dma_start3A_197, %dma_start3A_198] : memref<10240x128xf32, #tpu.memory_space<hbm>> -> memref<10240x128xf32, #tpu.memory_space<hbm>>
      tpu.enqueue_indirect_dma source(%dma_start3A_199 : memref<10240x128xf32, #tpu.memory_space<hbm>>) target(%arg9 : memref<128x128xf32, #tpu.memory_space<vmem>>) offsets(%dma_start3A_196 : memref<128xi32, #tpu.memory_space<vmem>>) semaphore(%arg11 : memref<!tpu.dma_semaphore, #tpu.memory_space<semaphore_mem>>)
      %dma_wait3A = arith.constant 0 : i32
      %dma_wait3A_200 = tpu.memref_slice %arg7[%mul3A_190, %dma_wait3A] : memref<56x128xi32, #tpu.memory_space<vmem>> -> memref<1x128xi32, #tpu.memory_space<vmem>>
      %dma_wait3A_201 = tpu.memref_squeeze %dma_wait3A_200 : memref<1x128xi32, #tpu.memory_space<vmem>> -> memref<128xi32, #tpu.memory_space<vmem>>
      %dma_wait3A_202 = arith.constant 0 : i32
      %dma_wait3A_203 = arith.constant 0 : i32
      %dma_wait3A_204 = tpu.memref_slice %arg2[%dma_wait3A_202, %dma_wait3A_203] : memref<10240x128xf32, #tpu.memory_space<hbm>> -> memref<10240x128xf32, #tpu.memory_space<hbm>>
      tpu.wait_indirect_dma semaphore(%arg11 : memref<!tpu.dma_semaphore, #tpu.memory_space<semaphore_mem>>) src(%dma_wait3A_204 : memref<10240x128xf32, #tpu.memory_space<hbm>>) dst(%arg9 : memref<128x128xf32, #tpu.memory_space<vmem>>)
      %dma_start3A_205 = arith.constant 0 : i32
      %dma_start3A_206 = tpu.memref_slice %arg8[%mul3A_190, %dma_start3A_205] : memref<56x128xi32, #tpu.memory_space<vmem>> -> memref<1x128xi32, #tpu.memory_space<vmem>>
      %dma_start3A_207 = tpu.memref_squeeze %dma_start3A_206 : memref<1x128xi32, #tpu.memory_space<vmem>> -> memref<128xi32, #tpu.memory_space<vmem>>
      %dma_start3A_208 = arith.constant 0 : i32
      %dma_start3A_209 = arith.constant 0 : i32
      %dma_start3A_210 = tpu.memref_slice %arg13[%dma_start3A_208, %dma_start3A_209] : memref<10240x128xf32, #tpu.memory_space<vmem_shared>> -> memref<10240x128xf32, #tpu.memory_space<vmem_shared>>
      tpu.enqueue_indirect_dma source(%arg9 : memref<128x128xf32, #tpu.memory_space<vmem>>) target(%dma_start3A_210 : memref<10240x128xf32, #tpu.memory_space<vmem_shared>>) offsets(%dma_start3A_207 : memref<128xi32, #tpu.memory_space<vmem>>) semaphore(%arg12 : memref<!tpu.dma_semaphore, #tpu.memory_space<semaphore_mem>>) {add = true}
      %dma_start3A_211 = arith.constant 0 : i32
      %dma_start3A_212 = tpu.memref_slice %arg7[%add3A_194, %dma_start3A_211] : memref<56x128xi32, #tpu.memory_space<vmem>> -> memref<1x128xi32, #tpu.memory_space<vmem>>
      %dma_start3A_213 = tpu.memref_squeeze %dma_start3A_212 : memref<1x128xi32, #tpu.memory_space<vmem>> -> memref<128xi32, #tpu.memory_space<vmem>>
      %dma_start3A_214 = arith.constant 0 : i32
      %dma_start3A_215 = arith.constant 0 : i32
      %dma_start3A_216 = tpu.memref_slice %arg2[%dma_start3A_214, %dma_start3A_215] : memref<10240x128xf32, #tpu.memory_space<hbm>> -> memref<10240x128xf32, #tpu.memory_space<hbm>>
      tpu.enqueue_indirect_dma source(%dma_start3A_216 : memref<10240x128xf32, #tpu.memory_space<hbm>>) target(%arg10 : memref<128x128xf32, #tpu.memory_space<vmem>>) offsets(%dma_start3A_213 : memref<128xi32, #tpu.memory_space<vmem>>) semaphore(%arg11 : memref<!tpu.dma_semaphore, #tpu.memory_space<semaphore_mem>>)
      %dma_wait3A_217 = arith.constant 0 : i32
      %dma_wait3A_218 = tpu.memref_slice %arg7[%add3A_194, %dma_wait3A_217] : memref<56x128xi32, #tpu.memory_space<vmem>> -> memref<1x128xi32, #tpu.memory_space<vmem>>
      %dma_wait3A_219 = tpu.memref_squeeze %dma_wait3A_218 : memref<1x128xi32, #tpu.memory_space<vmem>> -> memref<128xi32, #tpu.memory_space<vmem>>
      %dma_wait3A_220 = arith.constant 0 : i32
      %dma_wait3A_221 = arith.constant 0 : i32
      %dma_wait3A_222 = tpu.memref_slice %arg2[%dma_wait3A_220, %dma_wait3A_221] : memref<10240x128xf32, #tpu.memory_space<hbm>> -> memref<10240x128xf32, #tpu.memory_space<hbm>>
      tpu.wait_indirect_dma semaphore(%arg11 : memref<!tpu.dma_semaphore, #tpu.memory_space<semaphore_mem>>) src(%dma_wait3A_222 : memref<10240x128xf32, #tpu.memory_space<hbm>>) dst(%arg10 : memref<128x128xf32, #tpu.memory_space<vmem>>)
      %dma_wait3A_223 = arith.constant 0 : i32
      %dma_wait3A_224 = tpu.memref_slice %arg8[%mul3A_190, %dma_wait3A_223] : memref<56x128xi32, #tpu.memory_space<vmem>> -> memref<1x128xi32, #tpu.memory_space<vmem>>
      %dma_wait3A_225 = tpu.memref_squeeze %dma_wait3A_224 : memref<1x128xi32, #tpu.memory_space<vmem>> -> memref<128xi32, #tpu.memory_space<vmem>>
      %dma_wait3A_226 = arith.constant 0 : i32
      %dma_wait3A_227 = arith.constant 0 : i32
      %dma_wait3A_228 = tpu.memref_slice %arg13[%dma_wait3A_226, %dma_wait3A_227] : memref<10240x128xf32, #tpu.memory_space<vmem_shared>> -> memref<10240x128xf32, #tpu.memory_space<vmem_shared>>
      tpu.wait_indirect_dma semaphore(%arg12 : memref<!tpu.dma_semaphore, #tpu.memory_space<semaphore_mem>>) src(%arg9 : memref<128x128xf32, #tpu.memory_space<vmem>>) dst(%dma_wait3A_228 : memref<10240x128xf32, #tpu.memory_space<vmem_shared>>)
      "tpu.region"() ({
        %run_scoped3A = tpu.sem_alloc : memref<!tpu.dma_semaphore, #tpu.memory_space<semaphore_mem>>
        %dma_start3A_229 = arith.constant 0 : i32
        %dma_start3A_230 = tpu.memref_slice %arg8[%add3A_194, %dma_start3A_229] : memref<56x128xi32, #tpu.memory_space<vmem>> -> memref<1x128xi32, #tpu.memory_space<vmem>>
        %dma_start3A_231 = tpu.memref_squeeze %dma_start3A_230 : memref<1x128xi32, #tpu.memory_space<vmem>> -> memref<128xi32, #tpu.memory_space<vmem>>
        %dma_start3A_232 = arith.constant 0 : i32
        %dma_start3A_233 = arith.constant 0 : i32
        %dma_start3A_234 = tpu.memref_slice %arg13[%dma_start3A_232, %dma_start3A_233] : memref<10240x128xf32, #tpu.memory_space<vmem_shared>> -> memref<10240x128xf32, #tpu.memory_space<vmem_shared>>
        tpu.enqueue_indirect_dma source(%arg10 : memref<128x128xf32, #tpu.memory_space<vmem>>) target(%dma_start3A_234 : memref<10240x128xf32, #tpu.memory_space<vmem_shared>>) offsets(%dma_start3A_231 : memref<128xi32, #tpu.memory_space<vmem>>) semaphore(%run_scoped3A : memref<!tpu.dma_semaphore, #tpu.memory_space<semaphore_mem>>) {add = true}
        %dma_wait3A_235 = arith.constant 0 : i32
        %dma_wait3A_236 = tpu.memref_slice %arg8[%add3A_194, %dma_wait3A_235] : memref<56x128xi32, #tpu.memory_space<vmem>> -> memref<1x128xi32, #tpu.memory_space<vmem>>
        %dma_wait3A_237 = tpu.memref_squeeze %dma_wait3A_236 : memref<1x128xi32, #tpu.memory_space<vmem>> -> memref<128xi32, #tpu.memory_space<vmem>>
        %dma_wait3A_238 = arith.constant 0 : i32
        %dma_wait3A_239 = arith.constant 0 : i32
        %dma_wait3A_240 = tpu.memref_slice %arg13[%dma_wait3A_238, %dma_wait3A_239] : memref<10240x128xf32, #tpu.memory_space<vmem_shared>> -> memref<10240x128xf32, #tpu.memory_space<vmem_shared>>
        tpu.wait_indirect_dma semaphore(%run_scoped3A : memref<!tpu.dma_semaphore, #tpu.memory_space<semaphore_mem>>) src(%arg10 : memref<128x128xf32, #tpu.memory_space<vmem>>) dst(%dma_wait3A_240 : memref<10240x128xf32, #tpu.memory_space<vmem_shared>>)
        tpu.yield
      }) : () -> ()
    }
    %barrier3A_152 = arith.constant 0 : index
    tpu.barrier barrier_id(%barrier3A_152)
    %mul3A_153 = arith.constant 640 : i32
    %mul3A_154 = arith.muli %arg1, %mul3A_153 : i32
    %add3A_155 = arith.constant 0 : i32
    %add3A_156 = arith.addi %mul3A_154, %add3A_155 : i32
    "tpu.region"() ({
      %run_scoped3A = tpu.sem_alloc : memref<!tpu.dma_semaphore, #tpu.memory_space<semaphore_mem>>
      %dma_start3A = arith.constant 0 : i32
      %dma_start3A_188 = tpu.memref_slice %arg13[%add3A_156, %dma_start3A] : memref<10240x128xf32, #tpu.memory_space<vmem_shared>> -> memref<128x128xf32, #tpu.memory_space<vmem_shared>>
      %dma_start3A_189 = arith.constant 0 : i32
      %dma_start3A_190 = tpu.memref_slice %arg13[%add3A_156, %dma_start3A_189] : memref<10240x128xf32, #tpu.memory_space<vmem_shared>> -> memref<128x128xf32, #tpu.memory_space<vmem_shared>>
      tpu.enqueue_dma source(%dma_start3A_190 : memref<128x128xf32, #tpu.memory_space<vmem_shared>>) target(%arg9 : memref<128x128xf32, #tpu.memory_space<vmem>>) target_semaphore(%run_scoped3A : memref<!tpu.dma_semaphore, #tpu.memory_space<semaphore_mem>>)
      %dma_wait3A = arith.constant 0 : i32
      %dma_wait3A_191 = tpu.memref_slice %arg13[%add3A_156, %dma_wait3A] : memref<10240x128xf32, #tpu.memory_space<vmem_shared>> -> memref<128x128xf32, #tpu.memory_space<vmem_shared>>
      %dma_wait3A_192 = arith.constant 0 : i32
      %dma_wait3A_193 = tpu.memref_slice %arg13[%add3A_156, %dma_wait3A_192] : memref<10240x128xf32, #tpu.memory_space<vmem_shared>> -> memref<128x128xf32, #tpu.memory_space<vmem_shared>>
      tpu.wait_dma2 semaphore(%run_scoped3A : memref<!tpu.dma_semaphore, #tpu.memory_space<semaphore_mem>>) src(%dma_wait3A_193 : memref<128x128xf32, #tpu.memory_space<vmem_shared>>) dst(%arg9 : memref<128x128xf32, #tpu.memory_space<vmem>>)
      tpu.yield
    }) : () -> ()
    %mul3A_157 = arith.constant 10240 : i32
    %mul3A_158 = arith.muli %arg0, %mul3A_157 : i32
    %add3A_159 = arith.addi %mul3A_158, %add3A_156 : i32
    "tpu.region"() ({
      %run_scoped3A = tpu.sem_alloc : memref<!tpu.dma_semaphore, #tpu.memory_space<semaphore_mem>>
      %dma_start3A = arith.constant 0 : i32
      %dma_start3A_188 = tpu.memref_slice %arg6[%add3A_159, %dma_start3A] : memref<20480x128xf32, #tpu.memory_space<hbm>> -> memref<128x128xf32, #tpu.memory_space<hbm>>
      %dma_start3A_189 = arith.constant 0 : i32
      %dma_start3A_190 = tpu.memref_slice %arg6[%add3A_159, %dma_start3A_189] : memref<20480x128xf32, #tpu.memory_space<hbm>> -> memref<128x128xf32, #tpu.memory_space<hbm>>
      tpu.enqueue_dma source(%arg9 : memref<128x128xf32, #tpu.memory_space<vmem>>) target(%dma_start3A_190 : memref<128x128xf32, #tpu.memory_space<hbm>>) target_semaphore(%run_scoped3A : memref<!tpu.dma_semaphore, #tpu.memory_space<semaphore_mem>>)
      %dma_wait3A = arith.constant 0 : i32
      %dma_wait3A_191 = tpu.memref_slice %arg6[%add3A_159, %dma_wait3A] : memref<20480x128xf32, #tpu.memory_space<hbm>> -> memref<128x128xf32, #tpu.memory_space<hbm>>
      %dma_wait3A_192 = arith.constant 0 : i32
      %dma_wait3A_193 = tpu.memref_slice %arg6[%add3A_159, %dma_wait3A_192] : memref<20480x128xf32, #tpu.memory_space<hbm>> -> memref<128x128xf32, #tpu.memory_space<hbm>>
      tpu.wait_dma2 semaphore(%run_scoped3A : memref<!tpu.dma_semaphore, #tpu.memory_space<semaphore_mem>>) src(%arg9 : memref<128x128xf32, #tpu.memory_space<vmem>>) dst(%dma_wait3A_193 : memref<128x128xf32, #tpu.memory_space<hbm>>)
      tpu.yield
    }) : () -> ()
    %mul3A_160 = arith.constant 640 : i32
    %mul3A_161 = arith.muli %arg1, %mul3A_160 : i32
    %add3A_162 = arith.constant 128 : i32
    %add3A_163 = arith.addi %mul3A_161, %add3A_162 : i32
    "tpu.region"() ({
      %run_scoped3A = tpu.sem_alloc : memref<!tpu.dma_semaphore, #tpu.memory_space<semaphore_mem>>
      %dma_start3A = arith.constant 0 : i32
      %dma_start3A_188 = tpu.memref_slice %arg13[%add3A_163, %dma_start3A] : memref<10240x128xf32, #tpu.memory_space<vmem_shared>> -> memref<128x128xf32, #tpu.memory_space<vmem_shared>>
      %dma_start3A_189 = arith.constant 0 : i32
      %dma_start3A_190 = tpu.memref_slice %arg13[%add3A_163, %dma_start3A_189] : memref<10240x128xf32, #tpu.memory_space<vmem_shared>> -> memref<128x128xf32, #tpu.memory_space<vmem_shared>>
      tpu.enqueue_dma source(%dma_start3A_190 : memref<128x128xf32, #tpu.memory_space<vmem_shared>>) target(%arg9 : memref<128x128xf32, #tpu.memory_space<vmem>>) target_semaphore(%run_scoped3A : memref<!tpu.dma_semaphore, #tpu.memory_space<semaphore_mem>>)
      %dma_wait3A = arith.constant 0 : i32
      %dma_wait3A_191 = tpu.memref_slice %arg13[%add3A_163, %dma_wait3A] : memref<10240x128xf32, #tpu.memory_space<vmem_shared>> -> memref<128x128xf32, #tpu.memory_space<vmem_shared>>
      %dma_wait3A_192 = arith.constant 0 : i32
      %dma_wait3A_193 = tpu.memref_slice %arg13[%add3A_163, %dma_wait3A_192] : memref<10240x128xf32, #tpu.memory_space<vmem_shared>> -> memref<128x128xf32, #tpu.memory_space<vmem_shared>>
      tpu.wait_dma2 semaphore(%run_scoped3A : memref<!tpu.dma_semaphore, #tpu.memory_space<semaphore_mem>>) src(%dma_wait3A_193 : memref<128x128xf32, #tpu.memory_space<vmem_shared>>) dst(%arg9 : memref<128x128xf32, #tpu.memory_space<vmem>>)
      tpu.yield
    }) : () -> ()
    %mul3A_164 = arith.constant 10240 : i32
    %mul3A_165 = arith.muli %arg0, %mul3A_164 : i32
    %add3A_166 = arith.addi %mul3A_165, %add3A_163 : i32
    "tpu.region"() ({
      %run_scoped3A = tpu.sem_alloc : memref<!tpu.dma_semaphore, #tpu.memory_space<semaphore_mem>>
      %dma_start3A = arith.constant 0 : i32
      %dma_start3A_188 = tpu.memref_slice %arg6[%add3A_166, %dma_start3A] : memref<20480x128xf32, #tpu.memory_space<hbm>> -> memref<128x128xf32, #tpu.memory_space<hbm>>
      %dma_start3A_189 = arith.constant 0 : i32
      %dma_start3A_190 = tpu.memref_slice %arg6[%add3A_166, %dma_start3A_189] : memref<20480x128xf32, #tpu.memory_space<hbm>> -> memref<128x128xf32, #tpu.memory_space<hbm>>
      tpu.enqueue_dma source(%arg9 : memref<128x128xf32, #tpu.memory_space<vmem>>) target(%dma_start3A_190 : memref<128x128xf32, #tpu.memory_space<hbm>>) target_semaphore(%run_scoped3A : memref<!tpu.dma_semaphore, #tpu.memory_space<semaphore_mem>>)
      %dma_wait3A = arith.constant 0 : i32
      %dma_wait3A_191 = tpu.memref_slice %arg6[%add3A_166, %dma_wait3A] : memref<20480x128xf32, #tpu.memory_space<hbm>> -> memref<128x128xf32, #tpu.memory_space<hbm>>
      %dma_wait3A_192 = arith.constant 0 : i32
      %dma_wait3A_193 = tpu.memref_slice %arg6[%add3A_166, %dma_wait3A_192] : memref<20480x128xf32, #tpu.memory_space<hbm>> -> memref<128x128xf32, #tpu.memory_space<hbm>>
      tpu.wait_dma2 semaphore(%run_scoped3A : memref<!tpu.dma_semaphore, #tpu.memory_space<semaphore_mem>>) src(%arg9 : memref<128x128xf32, #tpu.memory_space<vmem>>) dst(%dma_wait3A_193 : memref<128x128xf32, #tpu.memory_space<hbm>>)
      tpu.yield
    }) : () -> ()
    %mul3A_167 = arith.constant 640 : i32
    %mul3A_168 = arith.muli %arg1, %mul3A_167 : i32
    %add3A_169 = arith.constant 256 : i32
    %add3A_170 = arith.addi %mul3A_168, %add3A_169 : i32
    "tpu.region"() ({
      %run_scoped3A = tpu.sem_alloc : memref<!tpu.dma_semaphore, #tpu.memory_space<semaphore_mem>>
      %dma_start3A = arith.constant 0 : i32
      %dma_start3A_188 = tpu.memref_slice %arg13[%add3A_170, %dma_start3A] : memref<10240x128xf32, #tpu.memory_space<vmem_shared>> -> memref<128x128xf32, #tpu.memory_space<vmem_shared>>
      %dma_start3A_189 = arith.constant 0 : i32
      %dma_start3A_190 = tpu.memref_slice %arg13[%add3A_170, %dma_start3A_189] : memref<10240x128xf32, #tpu.memory_space<vmem_shared>> -> memref<128x128xf32, #tpu.memory_space<vmem_shared>>
      tpu.enqueue_dma source(%dma_start3A_190 : memref<128x128xf32, #tpu.memory_space<vmem_shared>>) target(%arg9 : memref<128x128xf32, #tpu.memory_space<vmem>>) target_semaphore(%run_scoped3A : memref<!tpu.dma_semaphore, #tpu.memory_space<semaphore_mem>>)
      %dma_wait3A = arith.constant 0 : i32
      %dma_wait3A_191 = tpu.memref_slice %arg13[%add3A_170, %dma_wait3A] : memref<10240x128xf32, #tpu.memory_space<vmem_shared>> -> memref<128x128xf32, #tpu.memory_space<vmem_shared>>
      %dma_wait3A_192 = arith.constant 0 : i32
      %dma_wait3A_193 = tpu.memref_slice %arg13[%add3A_170, %dma_wait3A_192] : memref<10240x128xf32, #tpu.memory_space<vmem_shared>> -> memref<128x128xf32, #tpu.memory_space<vmem_shared>>
      tpu.wait_dma2 semaphore(%run_scoped3A : memref<!tpu.dma_semaphore, #tpu.memory_space<semaphore_mem>>) src(%dma_wait3A_193 : memref<128x128xf32, #tpu.memory_space<vmem_shared>>) dst(%arg9 : memref<128x128xf32, #tpu.memory_space<vmem>>)
      tpu.yield
    }) : () -> ()
    %mul3A_171 = arith.constant 10240 : i32
    %mul3A_172 = arith.muli %arg0, %mul3A_171 : i32
    %add3A_173 = arith.addi %mul3A_172, %add3A_170 : i32
    "tpu.region"() ({
      %run_scoped3A = tpu.sem_alloc : memref<!tpu.dma_semaphore, #tpu.memory_space<semaphore_mem>>
      %dma_start3A = arith.constant 0 : i32
      %dma_start3A_188 = tpu.memref_slice %arg6[%add3A_173, %dma_start3A] : memref<20480x128xf32, #tpu.memory_space<hbm>> -> memref<128x128xf32, #tpu.memory_space<hbm>>
      %dma_start3A_189 = arith.constant 0 : i32
      %dma_start3A_190 = tpu.memref_slice %arg6[%add3A_173, %dma_start3A_189] : memref<20480x128xf32, #tpu.memory_space<hbm>> -> memref<128x128xf32, #tpu.memory_space<hbm>>
      tpu.enqueue_dma source(%arg9 : memref<128x128xf32, #tpu.memory_space<vmem>>) target(%dma_start3A_190 : memref<128x128xf32, #tpu.memory_space<hbm>>) target_semaphore(%run_scoped3A : memref<!tpu.dma_semaphore, #tpu.memory_space<semaphore_mem>>)
      %dma_wait3A = arith.constant 0 : i32
      %dma_wait3A_191 = tpu.memref_slice %arg6[%add3A_173, %dma_wait3A] : memref<20480x128xf32, #tpu.memory_space<hbm>> -> memref<128x128xf32, #tpu.memory_space<hbm>>
      %dma_wait3A_192 = arith.constant 0 : i32
      %dma_wait3A_193 = tpu.memref_slice %arg6[%add3A_173, %dma_wait3A_192] : memref<20480x128xf32, #tpu.memory_space<hbm>> -> memref<128x128xf32, #tpu.memory_space<hbm>>
      tpu.wait_dma2 semaphore(%run_scoped3A : memref<!tpu.dma_semaphore, #tpu.memory_space<semaphore_mem>>) src(%arg9 : memref<128x128xf32, #tpu.memory_space<vmem>>) dst(%dma_wait3A_193 : memref<128x128xf32, #tpu.memory_space<hbm>>)
      tpu.yield
    }) : () -> ()
    %mul3A_174 = arith.constant 640 : i32
    %mul3A_175 = arith.muli %arg1, %mul3A_174 : i32
    %add3A_176 = arith.constant 384 : i32
    %add3A_177 = arith.addi %mul3A_175, %add3A_176 : i32
    "tpu.region"() ({
      %run_scoped3A = tpu.sem_alloc : memref<!tpu.dma_semaphore, #tpu.memory_space<semaphore_mem>>
      %dma_start3A = arith.constant 0 : i32
      %dma_start3A_188 = tpu.memref_slice %arg13[%add3A_177, %dma_start3A] : memref<10240x128xf32, #tpu.memory_space<vmem_shared>> -> memref<128x128xf32, #tpu.memory_space<vmem_shared>>
      %dma_start3A_189 = arith.constant 0 : i32
      %dma_start3A_190 = tpu.memref_slice %arg13[%add3A_177, %dma_start3A_189] : memref<10240x128xf32, #tpu.memory_space<vmem_shared>> -> memref<128x128xf32, #tpu.memory_space<vmem_shared>>
      tpu.enqueue_dma source(%dma_start3A_190 : memref<128x128xf32, #tpu.memory_space<vmem_shared>>) target(%arg9 : memref<128x128xf32, #tpu.memory_space<vmem>>) target_semaphore(%run_scoped3A : memref<!tpu.dma_semaphore, #tpu.memory_space<semaphore_mem>>)
      %dma_wait3A = arith.constant 0 : i32
      %dma_wait3A_191 = tpu.memref_slice %arg13[%add3A_177, %dma_wait3A] : memref<10240x128xf32, #tpu.memory_space<vmem_shared>> -> memref<128x128xf32, #tpu.memory_space<vmem_shared>>
      %dma_wait3A_192 = arith.constant 0 : i32
      %dma_wait3A_193 = tpu.memref_slice %arg13[%add3A_177, %dma_wait3A_192] : memref<10240x128xf32, #tpu.memory_space<vmem_shared>> -> memref<128x128xf32, #tpu.memory_space<vmem_shared>>
      tpu.wait_dma2 semaphore(%run_scoped3A : memref<!tpu.dma_semaphore, #tpu.memory_space<semaphore_mem>>) src(%dma_wait3A_193 : memref<128x128xf32, #tpu.memory_space<vmem_shared>>) dst(%arg9 : memref<128x128xf32, #tpu.memory_space<vmem>>)
      tpu.yield
    }) : () -> ()
    %mul3A_178 = arith.constant 10240 : i32
    %mul3A_179 = arith.muli %arg0, %mul3A_178 : i32
    %add3A_180 = arith.addi %mul3A_179, %add3A_177 : i32
    "tpu.region"() ({
      %run_scoped3A = tpu.sem_alloc : memref<!tpu.dma_semaphore, #tpu.memory_space<semaphore_mem>>
      %dma_start3A = arith.constant 0 : i32
      %dma_start3A_188 = tpu.memref_slice %arg6[%add3A_180, %dma_start3A] : memref<20480x128xf32, #tpu.memory_space<hbm>> -> memref<128x128xf32, #tpu.memory_space<hbm>>
      %dma_start3A_189 = arith.constant 0 : i32
      %dma_start3A_190 = tpu.memref_slice %arg6[%add3A_180, %dma_start3A_189] : memref<20480x128xf32, #tpu.memory_space<hbm>> -> memref<128x128xf32, #tpu.memory_space<hbm>>
      tpu.enqueue_dma source(%arg9 : memref<128x128xf32, #tpu.memory_space<vmem>>) target(%dma_start3A_190 : memref<128x128xf32, #tpu.memory_space<hbm>>) target_semaphore(%run_scoped3A : memref<!tpu.dma_semaphore, #tpu.memory_space<semaphore_mem>>)
      %dma_wait3A = arith.constant 0 : i32
      %dma_wait3A_191 = tpu.memref_slice %arg6[%add3A_180, %dma_wait3A] : memref<20480x128xf32, #tpu.memory_space<hbm>> -> memref<128x128xf32, #tpu.memory_space<hbm>>
      %dma_wait3A_192 = arith.constant 0 : i32
      %dma_wait3A_193 = tpu.memref_slice %arg6[%add3A_180, %dma_wait3A_192] : memref<20480x128xf32, #tpu.memory_space<hbm>> -> memref<128x128xf32, #tpu.memory_space<hbm>>
      tpu.wait_dma2 semaphore(%run_scoped3A : memref<!tpu.dma_semaphore, #tpu.memory_space<semaphore_mem>>) src(%arg9 : memref<128x128xf32, #tpu.memory_space<vmem>>) dst(%dma_wait3A_193 : memref<128x128xf32, #tpu.memory_space<hbm>>)
      tpu.yield
    }) : () -> ()
    %mul3A_181 = arith.constant 640 : i32
    %mul3A_182 = arith.muli %arg1, %mul3A_181 : i32
    %add3A_183 = arith.constant 512 : i32
    %add3A_184 = arith.addi %mul3A_182, %add3A_183 : i32
    "tpu.region"() ({
      %run_scoped3A = tpu.sem_alloc : memref<!tpu.dma_semaphore, #tpu.memory_space<semaphore_mem>>
      %dma_start3A = arith.constant 0 : i32
      %dma_start3A_188 = tpu.memref_slice %arg13[%add3A_184, %dma_start3A] : memref<10240x128xf32, #tpu.memory_space<vmem_shared>> -> memref<128x128xf32, #tpu.memory_space<vmem_shared>>
      %dma_start3A_189 = arith.constant 0 : i32
      %dma_start3A_190 = tpu.memref_slice %arg13[%add3A_184, %dma_start3A_189] : memref<10240x128xf32, #tpu.memory_space<vmem_shared>> -> memref<128x128xf32, #tpu.memory_space<vmem_shared>>
      tpu.enqueue_dma source(%dma_start3A_190 : memref<128x128xf32, #tpu.memory_space<vmem_shared>>) target(%arg9 : memref<128x128xf32, #tpu.memory_space<vmem>>) target_semaphore(%run_scoped3A : memref<!tpu.dma_semaphore, #tpu.memory_space<semaphore_mem>>)
      %dma_wait3A = arith.constant 0 : i32
      %dma_wait3A_191 = tpu.memref_slice %arg13[%add3A_184, %dma_wait3A] : memref<10240x128xf32, #tpu.memory_space<vmem_shared>> -> memref<128x128xf32, #tpu.memory_space<vmem_shared>>
      %dma_wait3A_192 = arith.constant 0 : i32
      %dma_wait3A_193 = tpu.memref_slice %arg13[%add3A_184, %dma_wait3A_192] : memref<10240x128xf32, #tpu.memory_space<vmem_shared>> -> memref<128x128xf32, #tpu.memory_space<vmem_shared>>
      tpu.wait_dma2 semaphore(%run_scoped3A : memref<!tpu.dma_semaphore, #tpu.memory_space<semaphore_mem>>) src(%dma_wait3A_193 : memref<128x128xf32, #tpu.memory_space<vmem_shared>>) dst(%arg9 : memref<128x128xf32, #tpu.memory_space<vmem>>)
      tpu.yield
    }) : () -> ()
    %mul3A_185 = arith.constant 10240 : i32
    %mul3A_186 = arith.muli %arg0, %mul3A_185 : i32
    %add3A_187 = arith.addi %mul3A_186, %add3A_184 : i32
    "tpu.region"() ({
      %run_scoped3A = tpu.sem_alloc : memref<!tpu.dma_semaphore, #tpu.memory_space<semaphore_mem>>
      %dma_start3A = arith.constant 0 : i32
      %dma_start3A_188 = tpu.memref_slice %arg6[%add3A_187, %dma_start3A] : memref<20480x128xf32, #tpu.memory_space<hbm>> -> memref<128x128xf32, #tpu.memory_space<hbm>>
      %dma_start3A_189 = arith.constant 0 : i32
      %dma_start3A_190 = tpu.memref_slice %arg6[%add3A_187, %dma_start3A_189] : memref<20480x128xf32, #tpu.memory_space<hbm>> -> memref<128x128xf32, #tpu.memory_space<hbm>>
      tpu.enqueue_dma source(%arg9 : memref<128x128xf32, #tpu.memory_space<vmem>>) target(%dma_start3A_190 : memref<128x128xf32, #tpu.memory_space<hbm>>) target_semaphore(%run_scoped3A : memref<!tpu.dma_semaphore, #tpu.memory_space<semaphore_mem>>)
      %dma_wait3A = arith.constant 0 : i32
      %dma_wait3A_191 = tpu.memref_slice %arg6[%add3A_187, %dma_wait3A] : memref<20480x128xf32, #tpu.memory_space<hbm>> -> memref<128x128xf32, #tpu.memory_space<hbm>>
      %dma_wait3A_192 = arith.constant 0 : i32
      %dma_wait3A_193 = tpu.memref_slice %arg6[%add3A_187, %dma_wait3A_192] : memref<20480x128xf32, #tpu.memory_space<hbm>> -> memref<128x128xf32, #tpu.memory_space<hbm>>
      tpu.wait_dma2 semaphore(%run_scoped3A : memref<!tpu.dma_semaphore, #tpu.memory_space<semaphore_mem>>) src(%arg9 : memref<128x128xf32, #tpu.memory_space<vmem>>) dst(%dma_wait3A_193 : memref<128x128xf32, #tpu.memory_space<hbm>>)
      tpu.yield
    }) : () -> ()
    return
  }
}

#map = affine_map<(d0, d1) -> (0, 0)>
module attributes {stable_mosaic.version = 14 : i64} {
  func.func @_sc_spmm(%arg0: i32, %arg1: i32, %arg2: memref<10240x128xf32, #tpu.memory_space<hbm>>, %arg3: memref<2568x128xi32, #tpu.memory_space<hbm>>, %arg4: memref<2568x128xi32, #tpu.memory_space<hbm>>, %arg5: memref<128x128xf32, #tpu.memory_space<hbm>>, %arg6: memref<20480x128xf32, #tpu.memory_space<hbm>>, %arg7: memref<56x128xi32, #tpu.memory_space<vmem>>, %arg8: memref<56x128xi32, #tpu.memory_space<vmem>>, %arg9: memref<128x128xf32, #tpu.memory_space<vmem>>, %arg10: memref<128x128xf32, #tpu.memory_space<vmem>>, %arg11: memref<!tpu.dma_semaphore, #tpu.memory_space<semaphore_mem>>, %arg12: memref<!tpu.dma_semaphore, #tpu.memory_space<semaphore_mem>>, %arg13: memref<10240x128xf32, #tpu.memory_space<vmem_shared>>) attributes {dimension_semantics = [#tpu.dimension_semantics<core_parallel>, #tpu.dimension_semantics<subcore_parallel>], iteration_bounds = array<i64: 2, 16>, scalar_prefetch = 0 : i64, scratch_operands = 7 : i64, tpu.core_type = #tpu.core_type<sc_vector_subcore>, window_params = [{transform_indices = #map}, {transform_indices = #map}, {transform_indices = #map}, {transform_indices = #map}, {transform_indices = #map}]} {
    "tpu.region"() ({
      %run_scoped3A = tpu.sem_alloc : memref<!tpu.dma_semaphore, #tpu.memory_space<semaphore_mem>>
      tpu.enqueue_dma source(%arg5 : memref<128x128xf32, #tpu.memory_space<hbm>>) target(%arg9 : memref<128x128xf32, #tpu.memory_space<vmem>>) target_semaphore(%run_scoped3A : memref<!tpu.dma_semaphore, #tpu.memory_space<semaphore_mem>>)
      tpu.wait_dma2 semaphore(%run_scoped3A : memref<!tpu.dma_semaphore, #tpu.memory_space<semaphore_mem>>) src(%arg5 : memref<128x128xf32, #tpu.memory_space<hbm>>) dst(%arg9 : memref<128x128xf32, #tpu.memory_space<vmem>>)
      tpu.yield
    }) : () -> ()
    %mul3A = arith.constant 640 : i32
    %mul3A_0 = arith.muli %arg1, %mul3A : i32
    %add3A = arith.constant 0 : i32
    %add3A_1 = arith.addi %mul3A_0, %add3A : i32
    "tpu.region"() ({
      %run_scoped3A = tpu.sem_alloc : memref<!tpu.dma_semaphore, #tpu.memory_space<semaphore_mem>>
      %dma_start3A = arith.constant 0 : i32
      %dma_start3A_188 = tpu.memref_slice %arg13[%add3A_1, %dma_start3A] : memref<10240x128xf32, #tpu.memory_space<vmem_shared>> -> memref<128x128xf32, #tpu.memory_space<vmem_shared>>
      %dma_start3A_189 = arith.constant 0 : i32
      %dma_start3A_190 = tpu.memref_slice %arg13[%add3A_1, %dma_start3A_189] : memref<10240x128xf32, #tpu.memory_space<vmem_shared>> -> memref<128x128xf32, #tpu.memory_space<vmem_shared>>
      tpu.enqueue_dma source(%arg9 : memref<128x128xf32, #tpu.memory_space<vmem>>) target(%dma_start3A_190 : memref<128x128xf32, #tpu.memory_space<vmem_shared>>) target_semaphore(%run_scoped3A : memref<!tpu.dma_semaphore, #tpu.memory_space<semaphore_mem>>)
      %dma_wait3A = arith.constant 0 : i32
      %dma_wait3A_191 = tpu.memref_slice %arg13[%add3A_1, %dma_wait3A] : memref<10240x128xf32, #tpu.memory_space<vmem_shared>> -> memref<128x128xf32, #tpu.memory_space<vmem_shared>>
      %dma_wait3A_192 = arith.constant 0 : i32
      %dma_wait3A_193 = tpu.memref_slice %arg13[%add3A_1, %dma_wait3A_192] : memref<10240x128xf32, #tpu.memory_space<vmem_shared>> -> memref<128x128xf32, #tpu.memory_space<vmem_shared>>
      tpu.wait_dma2 semaphore(%run_scoped3A : memref<!tpu.dma_semaphore, #tpu.memory_space<semaphore_mem>>) src(%arg9 : memref<128x128xf32, #tpu.memory_space<vmem>>) dst(%dma_wait3A_193 : memref<128x128xf32, #tpu.memory_space<vmem_shared>>)
      tpu.yield
    }) : () -> ()
    %mul3A_2 = arith.constant 640 : i32
    %mul3A_3 = arith.muli %arg1, %mul3A_2 : i32
    %add3A_4 = arith.constant 128 : i32
    %add3A_5 = arith.addi %mul3A_3, %add3A_4 : i32
    "tpu.region"() ({
      %run_scoped3A = tpu.sem_alloc : memref<!tpu.dma_semaphore, #tpu.memory_space<semaphore_mem>>
      %dma_start3A = arith.constant 0 : i32
      %dma_start3A_188 = tpu.memref_slice %arg13[%add3A_5, %dma_start3A] : memref<10240x128xf32, #tpu.memory_space<vmem_shared>> -> memref<128x128xf32, #tpu.memory_space<vmem_shared>>
      %dma_start3A_189 = arith.constant 0 : i32
      %dma_start3A_190 = tpu.memref_slice %arg13[%add3A_5, %dma_start3A_189] : memref<10240x128xf32, #tpu.memory_space<vmem_shared>> -> memref<128x128xf32, #tpu.memory_space<vmem_shared>>
      tpu.enqueue_dma source(%arg9 : memref<128x128xf32, #tpu.memory_space<vmem>>) target(%dma_start3A_190 : memref<128x128xf32, #tpu.memory_space<vmem_shared>>) target_semaphore(%run_scoped3A : memref<!tpu.dma_semaphore, #tpu.memory_space<semaphore_mem>>)
      %dma_wait3A = arith.constant 0 : i32
      %dma_wait3A_191 = tpu.memref_slice %arg13[%add3A_5, %dma_wait3A] : memref<10240x128xf32, #tpu.memory_space<vmem_shared>> -> memref<128x128xf32, #tpu.memory_space<vmem_shared>>
      %dma_wait3A_192 = arith.constant 0 : i32
      %dma_wait3A_193 = tpu.memref_slice %arg13[%add3A_5, %dma_wait3A_192] : memref<10240x128xf32, #tpu.memory_space<vmem_shared>> -> memref<128x128xf32, #tpu.memory_space<vmem_shared>>
      tpu.wait_dma2 semaphore(%run_scoped3A : memref<!tpu.dma_semaphore, #tpu.memory_space<semaphore_mem>>) src(%arg9 : memref<128x128xf32, #tpu.memory_space<vmem>>) dst(%dma_wait3A_193 : memref<128x128xf32, #tpu.memory_space<vmem_shared>>)
      tpu.yield
    }) : () -> ()
    %mul3A_6 = arith.constant 640 : i32
    %mul3A_7 = arith.muli %arg1, %mul3A_6 : i32
    %add3A_8 = arith.constant 256 : i32
    %add3A_9 = arith.addi %mul3A_7, %add3A_8 : i32
    "tpu.region"() ({
      %run_scoped3A = tpu.sem_alloc : memref<!tpu.dma_semaphore, #tpu.memory_space<semaphore_mem>>
      %dma_start3A = arith.constant 0 : i32
      %dma_start3A_188 = tpu.memref_slice %arg13[%add3A_9, %dma_start3A] : memref<10240x128xf32, #tpu.memory_space<vmem_shared>> -> memref<128x128xf32, #tpu.memory_space<vmem_shared>>
      %dma_start3A_189 = arith.constant 0 : i32
      %dma_start3A_190 = tpu.memref_slice %arg13[%add3A_9, %dma_start3A_189] : memref<10240x128xf32, #tpu.memory_space<vmem_shared>> -> memref<128x128xf32, #tpu.memory_space<vmem_shared>>
      tpu.enqueue_dma source(%arg9 : memref<128x128xf32, #tpu.memory_space<vmem>>) target(%dma_start3A_190 : memref<128x128xf32, #tpu.memory_space<vmem_shared>>) target_semaphore(%run_scoped3A : memref<!tpu.dma_semaphore, #tpu.memory_space<semaphore_mem>>)
      %dma_wait3A = arith.constant 0 : i32
      %dma_wait3A_191 = tpu.memref_slice %arg13[%add3A_9, %dma_wait3A] : memref<10240x128xf32, #tpu.memory_space<vmem_shared>> -> memref<128x128xf32, #tpu.memory_space<vmem_shared>>
      %dma_wait3A_192 = arith.constant 0 : i32
      %dma_wait3A_193 = tpu.memref_slice %arg13[%add3A_9, %dma_wait3A_192] : memref<10240x128xf32, #tpu.memory_space<vmem_shared>> -> memref<128x128xf32, #tpu.memory_space<vmem_shared>>
      tpu.wait_dma2 semaphore(%run_scoped3A : memref<!tpu.dma_semaphore, #tpu.memory_space<semaphore_mem>>) src(%arg9 : memref<128x128xf32, #tpu.memory_space<vmem>>) dst(%dma_wait3A_193 : memref<128x128xf32, #tpu.memory_space<vmem_shared>>)
      tpu.yield
    }) : () -> ()
    %mul3A_10 = arith.constant 640 : i32
    %mul3A_11 = arith.muli %arg1, %mul3A_10 : i32
    %add3A_12 = arith.constant 384 : i32
    %add3A_13 = arith.addi %mul3A_11, %add3A_12 : i32
    "tpu.region"() ({
      %run_scoped3A = tpu.sem_alloc : memref<!tpu.dma_semaphore, #tpu.memory_space<semaphore_mem>>
      %dma_start3A = arith.constant 0 : i32
      %dma_start3A_188 = tpu.memref_slice %arg13[%add3A_13, %dma_start3A] : memref<10240x128xf32, #tpu.memory_space<vmem_shared>> -> memref<128x128xf32, #tpu.memory_space<vmem_shared>>
      %dma_start3A_189 = arith.constant 0 : i32
      %dma_start3A_190 = tpu.memref_slice %arg13[%add3A_13, %dma_start3A_189] : memref<10240x128xf32, #tpu.memory_space<vmem_shared>> -> memref<128x128xf32, #tpu.memory_space<vmem_shared>>
      tpu.enqueue_dma source(%arg9 : memref<128x128xf32, #tpu.memory_space<vmem>>) target(%dma_start3A_190 : memref<128x128xf32, #tpu.memory_space<vmem_shared>>) target_semaphore(%run_scoped3A : memref<!tpu.dma_semaphore, #tpu.memory_space<semaphore_mem>>)
      %dma_wait3A = arith.constant 0 : i32
      %dma_wait3A_191 = tpu.memref_slice %arg13[%add3A_13, %dma_wait3A] : memref<10240x128xf32, #tpu.memory_space<vmem_shared>> -> memref<128x128xf32, #tpu.memory_space<vmem_shared>>
      %dma_wait3A_192 = arith.constant 0 : i32
      %dma_wait3A_193 = tpu.memref_slice %arg13[%add3A_13, %dma_wait3A_192] : memref<10240x128xf32, #tpu.memory_space<vmem_shared>> -> memref<128x128xf32, #tpu.memory_space<vmem_shared>>
      tpu.wait_dma2 semaphore(%run_scoped3A : memref<!tpu.dma_semaphore, #tpu.memory_space<semaphore_mem>>) src(%arg9 : memref<128x128xf32, #tpu.memory_space<vmem>>) dst(%dma_wait3A_193 : memref<128x128xf32, #tpu.memory_space<vmem_shared>>)
      tpu.yield
    }) : () -> ()
    %mul3A_14 = arith.constant 640 : i32
    %mul3A_15 = arith.muli %arg1, %mul3A_14 : i32
    %add3A_16 = arith.constant 512 : i32
    %add3A_17 = arith.addi %mul3A_15, %add3A_16 : i32
    "tpu.region"() ({
      %run_scoped3A = tpu.sem_alloc : memref<!tpu.dma_semaphore, #tpu.memory_space<semaphore_mem>>
      %dma_start3A = arith.constant 0 : i32
      %dma_start3A_188 = tpu.memref_slice %arg13[%add3A_17, %dma_start3A] : memref<10240x128xf32, #tpu.memory_space<vmem_shared>> -> memref<128x128xf32, #tpu.memory_space<vmem_shared>>
      %dma_start3A_189 = arith.constant 0 : i32
      %dma_start3A_190 = tpu.memref_slice %arg13[%add3A_17, %dma_start3A_189] : memref<10240x128xf32, #tpu.memory_space<vmem_shared>> -> memref<128x128xf32, #tpu.memory_space<vmem_shared>>
      tpu.enqueue_dma source(%arg9 : memref<128x128xf32, #tpu.memory_space<vmem>>) target(%dma_start3A_190 : memref<128x128xf32, #tpu.memory_space<vmem_shared>>) target_semaphore(%run_scoped3A : memref<!tpu.dma_semaphore, #tpu.memory_space<semaphore_mem>>)
      %dma_wait3A = arith.constant 0 : i32
      %dma_wait3A_191 = tpu.memref_slice %arg13[%add3A_17, %dma_wait3A] : memref<10240x128xf32, #tpu.memory_space<vmem_shared>> -> memref<128x128xf32, #tpu.memory_space<vmem_shared>>
      %dma_wait3A_192 = arith.constant 0 : i32
      %dma_wait3A_193 = tpu.memref_slice %arg13[%add3A_17, %dma_wait3A_192] : memref<10240x128xf32, #tpu.memory_space<vmem_shared>> -> memref<128x128xf32, #tpu.memory_space<vmem_shared>>
      tpu.wait_dma2 semaphore(%run_scoped3A : memref<!tpu.dma_semaphore, #tpu.memory_space<semaphore_mem>>) src(%arg9 : memref<128x128xf32, #tpu.memory_space<vmem>>) dst(%dma_wait3A_193 : memref<128x128xf32, #tpu.memory_space<vmem_shared>>)
      tpu.yield
    }) : () -> ()
    %barrier3A = arith.constant 0 : index
    tpu.barrier barrier_id(%barrier3A)
    %eq3A = arith.constant 0 : i32
    %eq3A_18 = arith.cmpi eq, %arg0, %eq3A : i32
    %mul3A_19 = arith.constant 136 : i32
    %mul3A_20 = arith.muli %arg1, %mul3A_19 : i32
    %mul3A_21 = arith.constant 24 : i32
    %mul3A_22 = arith.muli %arg1, %mul3A_21 : i32
    %add3A_23 = arith.constant 2176 : i32
    %add3A_24 = arith.addi %add3A_23, %mul3A_22 : i32
    %select_n3A = arith.select %eq3A_18, %mul3A_20, %add3A_24 : i32
    %eq3A_25 = arith.constant 0 : i32
    %eq3A_26 = arith.cmpi eq, %arg0, %eq3A_25 : i32
    %jit3A = arith.constant 56 : i32
    %jit3A_27 = arith.constant 24 : i32
    %select_n3A_28 = arith.select %eq3A_26, %jit3A, %jit3A_27 : i32
    %eq3A_29 = arith.constant 0 : i32
    %eq3A_30 = arith.cmpi eq, %arg0, %eq3A_29 : i32
    %jit3A_31 = arith.constant 0 : i32
    %jit3A_32 = arith.constant 0 : i32
    %select_n3A_33 = arith.select %eq3A_30, %jit3A_31, %jit3A_32 : i32
    %add3A_34 = arith.addi %select_n3A, %select_n3A_33 : i32
    "tpu.region"() ({
      %run_scoped3A = tpu.sem_alloc : memref<!tpu.dma_semaphore, #tpu.memory_space<semaphore_mem>>
      %dma_start3A = arith.constant 0 : i32
      %dma_start3A_188 = tpu.memref_slice %arg3[%add3A_34, %dma_start3A] : memref<2568x128xi32, #tpu.memory_space<hbm>> -> memref<56x128xi32, #tpu.memory_space<hbm>>
      %dma_start3A_189 = arith.constant 0 : i32
      %dma_start3A_190 = tpu.memref_slice %arg3[%add3A_34, %dma_start3A_189] : memref<2568x128xi32, #tpu.memory_space<hbm>> -> memref<56x128xi32, #tpu.memory_space<hbm>>
      tpu.enqueue_dma source(%dma_start3A_190 : memref<56x128xi32, #tpu.memory_space<hbm>>) target(%arg7 : memref<56x128xi32, #tpu.memory_space<vmem>>) target_semaphore(%run_scoped3A : memref<!tpu.dma_semaphore, #tpu.memory_space<semaphore_mem>>)
      %dma_wait3A = arith.constant 0 : i32
      %dma_wait3A_191 = tpu.memref_slice %arg3[%add3A_34, %dma_wait3A] : memref<2568x128xi32, #tpu.memory_space<hbm>> -> memref<56x128xi32, #tpu.memory_space<hbm>>
      %dma_wait3A_192 = arith.constant 0 : i32
      %dma_wait3A_193 = tpu.memref_slice %arg3[%add3A_34, %dma_wait3A_192] : memref<2568x128xi32, #tpu.memory_space<hbm>> -> memref<56x128xi32, #tpu.memory_space<hbm>>
      tpu.wait_dma2 semaphore(%run_scoped3A : memref<!tpu.dma_semaphore, #tpu.memory_space<semaphore_mem>>) src(%dma_wait3A_193 : memref<56x128xi32, #tpu.memory_space<hbm>>) dst(%arg7 : memref<56x128xi32, #tpu.memory_space<vmem>>)
      tpu.yield
    }) : () -> ()
    "tpu.region"() ({
      %run_scoped3A = tpu.sem_alloc : memref<!tpu.dma_semaphore, #tpu.memory_space<semaphore_mem>>
      %dma_start3A = arith.constant 0 : i32
      %dma_start3A_188 = tpu.memref_slice %arg4[%add3A_34, %dma_start3A] : memref<2568x128xi32, #tpu.memory_space<hbm>> -> memref<56x128xi32, #tpu.memory_space<hbm>>
      %dma_start3A_189 = arith.constant 0 : i32
      %dma_start3A_190 = tpu.memref_slice %arg4[%add3A_34, %dma_start3A_189] : memref<2568x128xi32, #tpu.memory_space<hbm>> -> memref<56x128xi32, #tpu.memory_space<hbm>>
      tpu.enqueue_dma source(%dma_start3A_190 : memref<56x128xi32, #tpu.memory_space<hbm>>) target(%arg8 : memref<56x128xi32, #tpu.memory_space<vmem>>) target_semaphore(%run_scoped3A : memref<!tpu.dma_semaphore, #tpu.memory_space<semaphore_mem>>)
      %dma_wait3A = arith.constant 0 : i32
      %dma_wait3A_191 = tpu.memref_slice %arg4[%add3A_34, %dma_wait3A] : memref<2568x128xi32, #tpu.memory_space<hbm>> -> memref<56x128xi32, #tpu.memory_space<hbm>>
      %dma_wait3A_192 = arith.constant 0 : i32
      %dma_wait3A_193 = tpu.memref_slice %arg4[%add3A_34, %dma_wait3A_192] : memref<2568x128xi32, #tpu.memory_space<hbm>> -> memref<56x128xi32, #tpu.memory_space<hbm>>
      tpu.wait_dma2 semaphore(%run_scoped3A : memref<!tpu.dma_semaphore, #tpu.memory_space<semaphore_mem>>) src(%dma_wait3A_193 : memref<56x128xi32, #tpu.memory_space<hbm>>) dst(%arg8 : memref<56x128xi32, #tpu.memory_space<vmem>>)
      tpu.yield
    }) : () -> ()
    %jit3A_35 = arith.constant 2 : i32
    %div3A = arith.divsi %select_n3A_28, %jit3A_35 : i32
    %sign3A = arith.constant 0 : i32
    %sign3A_36 = arith.cmpi sgt, %select_n3A_28, %sign3A : i32
    %sign3A_37 = arith.extui %sign3A_36 : i1 to i32
    %sign3A_38 = arith.constant 0 : i32
    %sign3A_39 = arith.cmpi slt, %select_n3A_28, %sign3A_38 : i32
    %sign3A_40 = arith.extui %sign3A_39 : i1 to i32
    %sign3A_41 = arith.subi %sign3A_37, %sign3A_40 : i32
    %sign3A_42 = arith.constant 0 : i32
    %sign3A_43 = arith.cmpi sgt, %jit3A_35, %sign3A_42 : i32
    %sign3A_44 = arith.extui %sign3A_43 : i1 to i32
    %sign3A_45 = arith.constant 0 : i32
    %sign3A_46 = arith.cmpi slt, %jit3A_35, %sign3A_45 : i32
    %sign3A_47 = arith.extui %sign3A_46 : i1 to i32
    %sign3A_48 = arith.subi %sign3A_44, %sign3A_47 : i32
    %ne3A = arith.cmpi ne, %sign3A_41, %sign3A_48 : i32
    %rem3A = arith.remsi %select_n3A_28, %jit3A_35 : i32
    %ne3A_49 = arith.constant 0 : i32
    %ne3A_50 = arith.cmpi ne, %rem3A, %ne3A_49 : i32
    %and3A = arith.andi %ne3A, %ne3A_50 : i1
    %sub3A = arith.constant 1 : i32
    %sub3A_51 = arith.subi %div3A, %sub3A : i32
    %select_n3A_52 = arith.select %and3A, %sub3A_51, %div3A : i32
    %while3A = arith.constant 0 : i32
    %while3A_53 = arith.constant 0 : i32
    %while3A_54 = arith.subi %select_n3A_52, %while3A_53 : i32
    %while3A_55 = arith.addi %while3A_53, %while3A_54 : i32
    %while3A_56 = arith.constant 1 : i32
    %while3A_57 = arith.divsi %while3A_54, %while3A_56 : i32
    %while3A_58 = arith.muli %while3A_57, %while3A_56 : i32
    %while3A_59 = arith.addi %while3A_53, %while3A_58 : i32
    %while3A_60 = arith.constant 1 : i32
    scf.for %while3A_188 = %while3A_53 to %while3A_59 step %while3A_60  : i32 {
      %mul3A_189 = arith.constant 2 : i32
      %mul3A_190 = arith.muli %while3A_188, %mul3A_189 : i32
      %mul3A_191 = arith.constant 2 : i32
      %mul3A_192 = arith.muli %while3A_188, %mul3A_191 : i32
      %add3A_193 = arith.constant 1 : i32
      %add3A_194 = arith.addi %mul3A_192, %add3A_193 : i32
      %dma_start3A = arith.constant 0 : i32
      %dma_start3A_195 = tpu.memref_slice %arg7[%mul3A_190, %dma_start3A] : memref<56x128xi32, #tpu.memory_space<vmem>> -> memref<1x128xi32, #tpu.memory_space<vmem>>
      %dma_start3A_196 = tpu.memref_squeeze %dma_start3A_195 : memref<1x128xi32, #tpu.memory_space<vmem>> -> memref<128xi32, #tpu.memory_space<vmem>>
      %dma_start3A_197 = arith.constant 0 : i32
      %dma_start3A_198 = arith.constant 0 : i32
      %dma_start3A_199 = tpu.memref_slice %arg2[%dma_start3A_197, %dma_start3A_198] : memref<10240x128xf32, #tpu.memory_space<hbm>> -> memref<10240x128xf32, #tpu.memory_space<hbm>>
      tpu.enqueue_indirect_dma source(%dma_start3A_199 : memref<10240x128xf32, #tpu.memory_space<hbm>>) target(%arg9 : memref<128x128xf32, #tpu.memory_space<vmem>>) offsets(%dma_start3A_196 : memref<128xi32, #tpu.memory_space<vmem>>) semaphore(%arg11 : memref<!tpu.dma_semaphore, #tpu.memory_space<semaphore_mem>>)
      %dma_wait3A = arith.constant 0 : i32
      %dma_wait3A_200 = tpu.memref_slice %arg7[%mul3A_190, %dma_wait3A] : memref<56x128xi32, #tpu.memory_space<vmem>> -> memref<1x128xi32, #tpu.memory_space<vmem>>
      %dma_wait3A_201 = tpu.memref_squeeze %dma_wait3A_200 : memref<1x128xi32, #tpu.memory_space<vmem>> -> memref<128xi32, #tpu.memory_space<vmem>>
      %dma_wait3A_202 = arith.constant 0 : i32
      %dma_wait3A_203 = arith.constant 0 : i32
      %dma_wait3A_204 = tpu.memref_slice %arg2[%dma_wait3A_202, %dma_wait3A_203] : memref<10240x128xf32, #tpu.memory_space<hbm>> -> memref<10240x128xf32, #tpu.memory_space<hbm>>
      tpu.wait_indirect_dma semaphore(%arg11 : memref<!tpu.dma_semaphore, #tpu.memory_space<semaphore_mem>>) src(%dma_wait3A_204 : memref<10240x128xf32, #tpu.memory_space<hbm>>) dst(%arg9 : memref<128x128xf32, #tpu.memory_space<vmem>>)
      %dma_start3A_205 = arith.constant 0 : i32
      %dma_start3A_206 = tpu.memref_slice %arg8[%mul3A_190, %dma_start3A_205] : memref<56x128xi32, #tpu.memory_space<vmem>> -> memref<1x128xi32, #tpu.memory_space<vmem>>
      %dma_start3A_207 = tpu.memref_squeeze %dma_start3A_206 : memref<1x128xi32, #tpu.memory_space<vmem>> -> memref<128xi32, #tpu.memory_space<vmem>>
      %dma_start3A_208 = arith.constant 0 : i32
      %dma_start3A_209 = arith.constant 0 : i32
      %dma_start3A_210 = tpu.memref_slice %arg13[%dma_start3A_208, %dma_start3A_209] : memref<10240x128xf32, #tpu.memory_space<vmem_shared>> -> memref<10240x128xf32, #tpu.memory_space<vmem_shared>>
      tpu.enqueue_indirect_dma source(%arg9 : memref<128x128xf32, #tpu.memory_space<vmem>>) target(%dma_start3A_210 : memref<10240x128xf32, #tpu.memory_space<vmem_shared>>) offsets(%dma_start3A_207 : memref<128xi32, #tpu.memory_space<vmem>>) semaphore(%arg12 : memref<!tpu.dma_semaphore, #tpu.memory_space<semaphore_mem>>) {add = true}
      %dma_start3A_211 = arith.constant 0 : i32
      %dma_start3A_212 = tpu.memref_slice %arg7[%add3A_194, %dma_start3A_211] : memref<56x128xi32, #tpu.memory_space<vmem>> -> memref<1x128xi32, #tpu.memory_space<vmem>>
      %dma_start3A_213 = tpu.memref_squeeze %dma_start3A_212 : memref<1x128xi32, #tpu.memory_space<vmem>> -> memref<128xi32, #tpu.memory_space<vmem>>
      %dma_start3A_214 = arith.constant 0 : i32
      %dma_start3A_215 = arith.constant 0 : i32
      %dma_start3A_216 = tpu.memref_slice %arg2[%dma_start3A_214, %dma_start3A_215] : memref<10240x128xf32, #tpu.memory_space<hbm>> -> memref<10240x128xf32, #tpu.memory_space<hbm>>
      tpu.enqueue_indirect_dma source(%dma_start3A_216 : memref<10240x128xf32, #tpu.memory_space<hbm>>) target(%arg10 : memref<128x128xf32, #tpu.memory_space<vmem>>) offsets(%dma_start3A_213 : memref<128xi32, #tpu.memory_space<vmem>>) semaphore(%arg11 : memref<!tpu.dma_semaphore, #tpu.memory_space<semaphore_mem>>)
      %dma_wait3A_217 = arith.constant 0 : i32
      %dma_wait3A_218 = tpu.memref_slice %arg7[%add3A_194, %dma_wait3A_217] : memref<56x128xi32, #tpu.memory_space<vmem>> -> memref<1x128xi32, #tpu.memory_space<vmem>>
      %dma_wait3A_219 = tpu.memref_squeeze %dma_wait3A_218 : memref<1x128xi32, #tpu.memory_space<vmem>> -> memref<128xi32, #tpu.memory_space<vmem>>
      %dma_wait3A_220 = arith.constant 0 : i32
      %dma_wait3A_221 = arith.constant 0 : i32
      %dma_wait3A_222 = tpu.memref_slice %arg2[%dma_wait3A_220, %dma_wait3A_221] : memref<10240x128xf32, #tpu.memory_space<hbm>> -> memref<10240x128xf32, #tpu.memory_space<hbm>>
      tpu.wait_indirect_dma semaphore(%arg11 : memref<!tpu.dma_semaphore, #tpu.memory_space<semaphore_mem>>) src(%dma_wait3A_222 : memref<10240x128xf32, #tpu.memory_space<hbm>>) dst(%arg10 : memref<128x128xf32, #tpu.memory_space<vmem>>)
      %dma_wait3A_223 = arith.constant 0 : i32
      %dma_wait3A_224 = tpu.memref_slice %arg8[%mul3A_190, %dma_wait3A_223] : memref<56x128xi32, #tpu.memory_space<vmem>> -> memref<1x128xi32, #tpu.memory_space<vmem>>
      %dma_wait3A_225 = tpu.memref_squeeze %dma_wait3A_224 : memref<1x128xi32, #tpu.memory_space<vmem>> -> memref<128xi32, #tpu.memory_space<vmem>>
      %dma_wait3A_226 = arith.constant 0 : i32
      %dma_wait3A_227 = arith.constant 0 : i32
      %dma_wait3A_228 = tpu.memref_slice %arg13[%dma_wait3A_226, %dma_wait3A_227] : memref<10240x128xf32, #tpu.memory_space<vmem_shared>> -> memref<10240x128xf32, #tpu.memory_space<vmem_shared>>
      tpu.wait_indirect_dma semaphore(%arg12 : memref<!tpu.dma_semaphore, #tpu.memory_space<semaphore_mem>>) src(%arg9 : memref<128x128xf32, #tpu.memory_space<vmem>>) dst(%dma_wait3A_228 : memref<10240x128xf32, #tpu.memory_space<vmem_shared>>)
      "tpu.region"() ({
        %run_scoped3A = tpu.sem_alloc : memref<!tpu.dma_semaphore, #tpu.memory_space<semaphore_mem>>
        %dma_start3A_229 = arith.constant 0 : i32
        %dma_start3A_230 = tpu.memref_slice %arg8[%add3A_194, %dma_start3A_229] : memref<56x128xi32, #tpu.memory_space<vmem>> -> memref<1x128xi32, #tpu.memory_space<vmem>>
        %dma_start3A_231 = tpu.memref_squeeze %dma_start3A_230 : memref<1x128xi32, #tpu.memory_space<vmem>> -> memref<128xi32, #tpu.memory_space<vmem>>
        %dma_start3A_232 = arith.constant 0 : i32
        %dma_start3A_233 = arith.constant 0 : i32
        %dma_start3A_234 = tpu.memref_slice %arg13[%dma_start3A_232, %dma_start3A_233] : memref<10240x128xf32, #tpu.memory_space<vmem_shared>> -> memref<10240x128xf32, #tpu.memory_space<vmem_shared>>
        tpu.enqueue_indirect_dma source(%arg10 : memref<128x128xf32, #tpu.memory_space<vmem>>) target(%dma_start3A_234 : memref<10240x128xf32, #tpu.memory_space<vmem_shared>>) offsets(%dma_start3A_231 : memref<128xi32, #tpu.memory_space<vmem>>) semaphore(%run_scoped3A : memref<!tpu.dma_semaphore, #tpu.memory_space<semaphore_mem>>) {add = true}
        %dma_wait3A_235 = arith.constant 0 : i32
        %dma_wait3A_236 = tpu.memref_slice %arg8[%add3A_194, %dma_wait3A_235] : memref<56x128xi32, #tpu.memory_space<vmem>> -> memref<1x128xi32, #tpu.memory_space<vmem>>
        %dma_wait3A_237 = tpu.memref_squeeze %dma_wait3A_236 : memref<1x128xi32, #tpu.memory_space<vmem>> -> memref<128xi32, #tpu.memory_space<vmem>>
        %dma_wait3A_238 = arith.constant 0 : i32
        %dma_wait3A_239 = arith.constant 0 : i32
        %dma_wait3A_240 = tpu.memref_slice %arg13[%dma_wait3A_238, %dma_wait3A_239] : memref<10240x128xf32, #tpu.memory_space<vmem_shared>> -> memref<10240x128xf32, #tpu.memory_space<vmem_shared>>
        tpu.wait_indirect_dma semaphore(%run_scoped3A : memref<!tpu.dma_semaphore, #tpu.memory_space<semaphore_mem>>) src(%arg10 : memref<128x128xf32, #tpu.memory_space<vmem>>) dst(%dma_wait3A_240 : memref<10240x128xf32, #tpu.memory_space<vmem_shared>>)
        tpu.yield
      }) : () -> ()
    }
    %while3A_61 = arith.constant 1 : i32
    scf.for %while3A_188 = %while3A_59 to %while3A_55 step %while3A_61  : i32 {
      %mul3A_189 = arith.constant 2 : i32
      %mul3A_190 = arith.muli %while3A_188, %mul3A_189 : i32
      %mul3A_191 = arith.constant 2 : i32
      %mul3A_192 = arith.muli %while3A_188, %mul3A_191 : i32
      %add3A_193 = arith.constant 1 : i32
      %add3A_194 = arith.addi %mul3A_192, %add3A_193 : i32
      %dma_start3A = arith.constant 0 : i32
      %dma_start3A_195 = tpu.memref_slice %arg7[%mul3A_190, %dma_start3A] : memref<56x128xi32, #tpu.memory_space<vmem>> -> memref<1x128xi32, #tpu.memory_space<vmem>>
      %dma_start3A_196 = tpu.memref_squeeze %dma_start3A_195 : memref<1x128xi32, #tpu.memory_space<vmem>> -> memref<128xi32, #tpu.memory_space<vmem>>
      %dma_start3A_197 = arith.constant 0 : i32
      %dma_start3A_198 = arith.constant 0 : i32
      %dma_start3A_199 = tpu.memref_slice %arg2[%dma_start3A_197, %dma_start3A_198] : memref<10240x128xf32, #tpu.memory_space<hbm>> -> memref<10240x128xf32, #tpu.memory_space<hbm>>
      tpu.enqueue_indirect_dma source(%dma_start3A_199 : memref<10240x128xf32, #tpu.memory_space<hbm>>) target(%arg9 : memref<128x128xf32, #tpu.memory_space<vmem>>) offsets(%dma_start3A_196 : memref<128xi32, #tpu.memory_space<vmem>>) semaphore(%arg11 : memref<!tpu.dma_semaphore, #tpu.memory_space<semaphore_mem>>)
      %dma_wait3A = arith.constant 0 : i32
      %dma_wait3A_200 = tpu.memref_slice %arg7[%mul3A_190, %dma_wait3A] : memref<56x128xi32, #tpu.memory_space<vmem>> -> memref<1x128xi32, #tpu.memory_space<vmem>>
      %dma_wait3A_201 = tpu.memref_squeeze %dma_wait3A_200 : memref<1x128xi32, #tpu.memory_space<vmem>> -> memref<128xi32, #tpu.memory_space<vmem>>
      %dma_wait3A_202 = arith.constant 0 : i32
      %dma_wait3A_203 = arith.constant 0 : i32
      %dma_wait3A_204 = tpu.memref_slice %arg2[%dma_wait3A_202, %dma_wait3A_203] : memref<10240x128xf32, #tpu.memory_space<hbm>> -> memref<10240x128xf32, #tpu.memory_space<hbm>>
      tpu.wait_indirect_dma semaphore(%arg11 : memref<!tpu.dma_semaphore, #tpu.memory_space<semaphore_mem>>) src(%dma_wait3A_204 : memref<10240x128xf32, #tpu.memory_space<hbm>>) dst(%arg9 : memref<128x128xf32, #tpu.memory_space<vmem>>)
      %dma_start3A_205 = arith.constant 0 : i32
      %dma_start3A_206 = tpu.memref_slice %arg8[%mul3A_190, %dma_start3A_205] : memref<56x128xi32, #tpu.memory_space<vmem>> -> memref<1x128xi32, #tpu.memory_space<vmem>>
      %dma_start3A_207 = tpu.memref_squeeze %dma_start3A_206 : memref<1x128xi32, #tpu.memory_space<vmem>> -> memref<128xi32, #tpu.memory_space<vmem>>
      %dma_start3A_208 = arith.constant 0 : i32
      %dma_start3A_209 = arith.constant 0 : i32
      %dma_start3A_210 = tpu.memref_slice %arg13[%dma_start3A_208, %dma_start3A_209] : memref<10240x128xf32, #tpu.memory_space<vmem_shared>> -> memref<10240x128xf32, #tpu.memory_space<vmem_shared>>
      tpu.enqueue_indirect_dma source(%arg9 : memref<128x128xf32, #tpu.memory_space<vmem>>) target(%dma_start3A_210 : memref<10240x128xf32, #tpu.memory_space<vmem_shared>>) offsets(%dma_start3A_207 : memref<128xi32, #tpu.memory_space<vmem>>) semaphore(%arg12 : memref<!tpu.dma_semaphore, #tpu.memory_space<semaphore_mem>>) {add = true}
      %dma_start3A_211 = arith.constant 0 : i32
      %dma_start3A_212 = tpu.memref_slice %arg7[%add3A_194, %dma_start3A_211] : memref<56x128xi32, #tpu.memory_space<vmem>> -> memref<1x128xi32, #tpu.memory_space<vmem>>
      %dma_start3A_213 = tpu.memref_squeeze %dma_start3A_212 : memref<1x128xi32, #tpu.memory_space<vmem>> -> memref<128xi32, #tpu.memory_space<vmem>>
      %dma_start3A_214 = arith.constant 0 : i32
      %dma_start3A_215 = arith.constant 0 : i32
      %dma_start3A_216 = tpu.memref_slice %arg2[%dma_start3A_214, %dma_start3A_215] : memref<10240x128xf32, #tpu.memory_space<hbm>> -> memref<10240x128xf32, #tpu.memory_space<hbm>>
      tpu.enqueue_indirect_dma source(%dma_start3A_216 : memref<10240x128xf32, #tpu.memory_space<hbm>>) target(%arg10 : memref<128x128xf32, #tpu.memory_space<vmem>>) offsets(%dma_start3A_213 : memref<128xi32, #tpu.memory_space<vmem>>) semaphore(%arg11 : memref<!tpu.dma_semaphore, #tpu.memory_space<semaphore_mem>>)
      %dma_wait3A_217 = arith.constant 0 : i32
      %dma_wait3A_218 = tpu.memref_slice %arg7[%add3A_194, %dma_wait3A_217] : memref<56x128xi32, #tpu.memory_space<vmem>> -> memref<1x128xi32, #tpu.memory_space<vmem>>
      %dma_wait3A_219 = tpu.memref_squeeze %dma_wait3A_218 : memref<1x128xi32, #tpu.memory_space<vmem>> -> memref<128xi32, #tpu.memory_space<vmem>>
      %dma_wait3A_220 = arith.constant 0 : i32
      %dma_wait3A_221 = arith.constant 0 : i32
      %dma_wait3A_222 = tpu.memref_slice %arg2[%dma_wait3A_220, %dma_wait3A_221] : memref<10240x128xf32, #tpu.memory_space<hbm>> -> memref<10240x128xf32, #tpu.memory_space<hbm>>
      tpu.wait_indirect_dma semaphore(%arg11 : memref<!tpu.dma_semaphore, #tpu.memory_space<semaphore_mem>>) src(%dma_wait3A_222 : memref<10240x128xf32, #tpu.memory_space<hbm>>) dst(%arg10 : memref<128x128xf32, #tpu.memory_space<vmem>>)
      %dma_wait3A_223 = arith.constant 0 : i32
      %dma_wait3A_224 = tpu.memref_slice %arg8[%mul3A_190, %dma_wait3A_223] : memref<56x128xi32, #tpu.memory_space<vmem>> -> memref<1x128xi32, #tpu.memory_space<vmem>>
      %dma_wait3A_225 = tpu.memref_squeeze %dma_wait3A_224 : memref<1x128xi32, #tpu.memory_space<vmem>> -> memref<128xi32, #tpu.memory_space<vmem>>
      %dma_wait3A_226 = arith.constant 0 : i32
      %dma_wait3A_227 = arith.constant 0 : i32
      %dma_wait3A_228 = tpu.memref_slice %arg13[%dma_wait3A_226, %dma_wait3A_227] : memref<10240x128xf32, #tpu.memory_space<vmem_shared>> -> memref<10240x128xf32, #tpu.memory_space<vmem_shared>>
      tpu.wait_indirect_dma semaphore(%arg12 : memref<!tpu.dma_semaphore, #tpu.memory_space<semaphore_mem>>) src(%arg9 : memref<128x128xf32, #tpu.memory_space<vmem>>) dst(%dma_wait3A_228 : memref<10240x128xf32, #tpu.memory_space<vmem_shared>>)
      "tpu.region"() ({
        %run_scoped3A = tpu.sem_alloc : memref<!tpu.dma_semaphore, #tpu.memory_space<semaphore_mem>>
        %dma_start3A_229 = arith.constant 0 : i32
        %dma_start3A_230 = tpu.memref_slice %arg8[%add3A_194, %dma_start3A_229] : memref<56x128xi32, #tpu.memory_space<vmem>> -> memref<1x128xi32, #tpu.memory_space<vmem>>
        %dma_start3A_231 = tpu.memref_squeeze %dma_start3A_230 : memref<1x128xi32, #tpu.memory_space<vmem>> -> memref<128xi32, #tpu.memory_space<vmem>>
        %dma_start3A_232 = arith.constant 0 : i32
        %dma_start3A_233 = arith.constant 0 : i32
        %dma_start3A_234 = tpu.memref_slice %arg13[%dma_start3A_232, %dma_start3A_233] : memref<10240x128xf32, #tpu.memory_space<vmem_shared>> -> memref<10240x128xf32, #tpu.memory_space<vmem_shared>>
        tpu.enqueue_indirect_dma source(%arg10 : memref<128x128xf32, #tpu.memory_space<vmem>>) target(%dma_start3A_234 : memref<10240x128xf32, #tpu.memory_space<vmem_shared>>) offsets(%dma_start3A_231 : memref<128xi32, #tpu.memory_space<vmem>>) semaphore(%run_scoped3A : memref<!tpu.dma_semaphore, #tpu.memory_space<semaphore_mem>>) {add = true}
        %dma_wait3A_235 = arith.constant 0 : i32
        %dma_wait3A_236 = tpu.memref_slice %arg8[%add3A_194, %dma_wait3A_235] : memref<56x128xi32, #tpu.memory_space<vmem>> -> memref<1x128xi32, #tpu.memory_space<vmem>>
        %dma_wait3A_237 = tpu.memref_squeeze %dma_wait3A_236 : memref<1x128xi32, #tpu.memory_space<vmem>> -> memref<128xi32, #tpu.memory_space<vmem>>
        %dma_wait3A_238 = arith.constant 0 : i32
        %dma_wait3A_239 = arith.constant 0 : i32
        %dma_wait3A_240 = tpu.memref_slice %arg13[%dma_wait3A_238, %dma_wait3A_239] : memref<10240x128xf32, #tpu.memory_space<vmem_shared>> -> memref<10240x128xf32, #tpu.memory_space<vmem_shared>>
        tpu.wait_indirect_dma semaphore(%run_scoped3A : memref<!tpu.dma_semaphore, #tpu.memory_space<semaphore_mem>>) src(%arg10 : memref<128x128xf32, #tpu.memory_space<vmem>>) dst(%dma_wait3A_240 : memref<10240x128xf32, #tpu.memory_space<vmem_shared>>)
        tpu.yield
      }) : () -> ()
    }
    %eq3A_62 = arith.constant 0 : i32
    %eq3A_63 = arith.cmpi eq, %arg0, %eq3A_62 : i32
    %jit3A_64 = arith.constant 56 : i32
    %jit3A_65 = arith.constant 0 : i32
    %select_n3A_66 = arith.select %eq3A_63, %jit3A_64, %jit3A_65 : i32
    %eq3A_67 = arith.constant 0 : i32
    %eq3A_68 = arith.cmpi eq, %arg0, %eq3A_67 : i32
    %jit3A_69 = arith.constant 56 : i32
    %jit3A_70 = arith.constant 24 : i32
    %select_n3A_71 = arith.select %eq3A_68, %jit3A_69, %jit3A_70 : i32
    %add3A_72 = arith.addi %select_n3A, %select_n3A_71 : i32
    "tpu.region"() ({
      %run_scoped3A = tpu.sem_alloc : memref<!tpu.dma_semaphore, #tpu.memory_space<semaphore_mem>>
      %dma_start3A = arith.constant 0 : i32
      %dma_start3A_188 = tpu.memref_slice %arg3[%add3A_72, %dma_start3A] : memref<2568x128xi32, #tpu.memory_space<hbm>> -> memref<56x128xi32, #tpu.memory_space<hbm>>
      %dma_start3A_189 = arith.constant 0 : i32
      %dma_start3A_190 = tpu.memref_slice %arg3[%add3A_72, %dma_start3A_189] : memref<2568x128xi32, #tpu.memory_space<hbm>> -> memref<56x128xi32, #tpu.memory_space<hbm>>
      tpu.enqueue_dma source(%dma_start3A_190 : memref<56x128xi32, #tpu.memory_space<hbm>>) target(%arg7 : memref<56x128xi32, #tpu.memory_space<vmem>>) target_semaphore(%run_scoped3A : memref<!tpu.dma_semaphore, #tpu.memory_space<semaphore_mem>>)
      %dma_wait3A = arith.constant 0 : i32
      %dma_wait3A_191 = tpu.memref_slice %arg3[%add3A_72, %dma_wait3A] : memref<2568x128xi32, #tpu.memory_space<hbm>> -> memref<56x128xi32, #tpu.memory_space<hbm>>
      %dma_wait3A_192 = arith.constant 0 : i32
      %dma_wait3A_193 = tpu.memref_slice %arg3[%add3A_72, %dma_wait3A_192] : memref<2568x128xi32, #tpu.memory_space<hbm>> -> memref<56x128xi32, #tpu.memory_space<hbm>>
      tpu.wait_dma2 semaphore(%run_scoped3A : memref<!tpu.dma_semaphore, #tpu.memory_space<semaphore_mem>>) src(%dma_wait3A_193 : memref<56x128xi32, #tpu.memory_space<hbm>>) dst(%arg7 : memref<56x128xi32, #tpu.memory_space<vmem>>)
      tpu.yield
    }) : () -> ()
    "tpu.region"() ({
      %run_scoped3A = tpu.sem_alloc : memref<!tpu.dma_semaphore, #tpu.memory_space<semaphore_mem>>
      %dma_start3A = arith.constant 0 : i32
      %dma_start3A_188 = tpu.memref_slice %arg4[%add3A_72, %dma_start3A] : memref<2568x128xi32, #tpu.memory_space<hbm>> -> memref<56x128xi32, #tpu.memory_space<hbm>>
      %dma_start3A_189 = arith.constant 0 : i32
      %dma_start3A_190 = tpu.memref_slice %arg4[%add3A_72, %dma_start3A_189] : memref<2568x128xi32, #tpu.memory_space<hbm>> -> memref<56x128xi32, #tpu.memory_space<hbm>>
      tpu.enqueue_dma source(%dma_start3A_190 : memref<56x128xi32, #tpu.memory_space<hbm>>) target(%arg8 : memref<56x128xi32, #tpu.memory_space<vmem>>) target_semaphore(%run_scoped3A : memref<!tpu.dma_semaphore, #tpu.memory_space<semaphore_mem>>)
      %dma_wait3A = arith.constant 0 : i32
      %dma_wait3A_191 = tpu.memref_slice %arg4[%add3A_72, %dma_wait3A] : memref<2568x128xi32, #tpu.memory_space<hbm>> -> memref<56x128xi32, #tpu.memory_space<hbm>>
      %dma_wait3A_192 = arith.constant 0 : i32
      %dma_wait3A_193 = tpu.memref_slice %arg4[%add3A_72, %dma_wait3A_192] : memref<2568x128xi32, #tpu.memory_space<hbm>> -> memref<56x128xi32, #tpu.memory_space<hbm>>
      tpu.wait_dma2 semaphore(%run_scoped3A : memref<!tpu.dma_semaphore, #tpu.memory_space<semaphore_mem>>) src(%dma_wait3A_193 : memref<56x128xi32, #tpu.memory_space<hbm>>) dst(%arg8 : memref<56x128xi32, #tpu.memory_space<vmem>>)
      tpu.yield
    }) : () -> ()
    %jit3A_73 = arith.constant 2 : i32
    %div3A_74 = arith.divsi %select_n3A_66, %jit3A_73 : i32
    %sign3A_75 = arith.constant 0 : i32
    %sign3A_76 = arith.cmpi sgt, %select_n3A_66, %sign3A_75 : i32
    %sign3A_77 = arith.extui %sign3A_76 : i1 to i32
    %sign3A_78 = arith.constant 0 : i32
    %sign3A_79 = arith.cmpi slt, %select_n3A_66, %sign3A_78 : i32
    %sign3A_80 = arith.extui %sign3A_79 : i1 to i32
    %sign3A_81 = arith.subi %sign3A_77, %sign3A_80 : i32
    %sign3A_82 = arith.constant 0 : i32
    %sign3A_83 = arith.cmpi sgt, %jit3A_73, %sign3A_82 : i32
    %sign3A_84 = arith.extui %sign3A_83 : i1 to i32
    %sign3A_85 = arith.constant 0 : i32
    %sign3A_86 = arith.cmpi slt, %jit3A_73, %sign3A_85 : i32
    %sign3A_87 = arith.extui %sign3A_86 : i1 to i32
    %sign3A_88 = arith.subi %sign3A_84, %sign3A_87 : i32
    %ne3A_89 = arith.cmpi ne, %sign3A_81, %sign3A_88 : i32
    %rem3A_90 = arith.remsi %select_n3A_66, %jit3A_73 : i32
    %ne3A_91 = arith.constant 0 : i32
    %ne3A_92 = arith.cmpi ne, %rem3A_90, %ne3A_91 : i32
    %and3A_93 = arith.andi %ne3A_89, %ne3A_92 : i1
    %sub3A_94 = arith.constant 1 : i32
    %sub3A_95 = arith.subi %div3A_74, %sub3A_94 : i32
    %select_n3A_96 = arith.select %and3A_93, %sub3A_95, %div3A_74 : i32
    %while3A_97 = arith.constant 0 : i32
    %while3A_98 = arith.constant 0 : i32
    %while3A_99 = arith.subi %select_n3A_96, %while3A_98 : i32
    %while3A_100 = arith.addi %while3A_98, %while3A_99 : i32
    %while3A_101 = arith.constant 1 : i32
    %while3A_102 = arith.divsi %while3A_99, %while3A_101 : i32
    %while3A_103 = arith.muli %while3A_102, %while3A_101 : i32
    %while3A_104 = arith.addi %while3A_98, %while3A_103 : i32
    %while3A_105 = arith.constant 1 : i32
    scf.for %while3A_188 = %while3A_98 to %while3A_104 step %while3A_105  : i32 {
      %mul3A_189 = arith.constant 2 : i32
      %mul3A_190 = arith.muli %while3A_188, %mul3A_189 : i32
      %mul3A_191 = arith.constant 2 : i32
      %mul3A_192 = arith.muli %while3A_188, %mul3A_191 : i32
      %add3A_193 = arith.constant 1 : i32
      %add3A_194 = arith.addi %mul3A_192, %add3A_193 : i32
      %dma_start3A = arith.constant 0 : i32
      %dma_start3A_195 = tpu.memref_slice %arg7[%mul3A_190, %dma_start3A] : memref<56x128xi32, #tpu.memory_space<vmem>> -> memref<1x128xi32, #tpu.memory_space<vmem>>
      %dma_start3A_196 = tpu.memref_squeeze %dma_start3A_195 : memref<1x128xi32, #tpu.memory_space<vmem>> -> memref<128xi32, #tpu.memory_space<vmem>>
      %dma_start3A_197 = arith.constant 0 : i32
      %dma_start3A_198 = arith.constant 0 : i32
      %dma_start3A_199 = tpu.memref_slice %arg2[%dma_start3A_197, %dma_start3A_198] : memref<10240x128xf32, #tpu.memory_space<hbm>> -> memref<10240x128xf32, #tpu.memory_space<hbm>>
      tpu.enqueue_indirect_dma source(%dma_start3A_199 : memref<10240x128xf32, #tpu.memory_space<hbm>>) target(%arg9 : memref<128x128xf32, #tpu.memory_space<vmem>>) offsets(%dma_start3A_196 : memref<128xi32, #tpu.memory_space<vmem>>) semaphore(%arg11 : memref<!tpu.dma_semaphore, #tpu.memory_space<semaphore_mem>>)
      %dma_wait3A = arith.constant 0 : i32
      %dma_wait3A_200 = tpu.memref_slice %arg7[%mul3A_190, %dma_wait3A] : memref<56x128xi32, #tpu.memory_space<vmem>> -> memref<1x128xi32, #tpu.memory_space<vmem>>
      %dma_wait3A_201 = tpu.memref_squeeze %dma_wait3A_200 : memref<1x128xi32, #tpu.memory_space<vmem>> -> memref<128xi32, #tpu.memory_space<vmem>>
      %dma_wait3A_202 = arith.constant 0 : i32
      %dma_wait3A_203 = arith.constant 0 : i32
      %dma_wait3A_204 = tpu.memref_slice %arg2[%dma_wait3A_202, %dma_wait3A_203] : memref<10240x128xf32, #tpu.memory_space<hbm>> -> memref<10240x128xf32, #tpu.memory_space<hbm>>
      tpu.wait_indirect_dma semaphore(%arg11 : memref<!tpu.dma_semaphore, #tpu.memory_space<semaphore_mem>>) src(%dma_wait3A_204 : memref<10240x128xf32, #tpu.memory_space<hbm>>) dst(%arg9 : memref<128x128xf32, #tpu.memory_space<vmem>>)
      %dma_start3A_205 = arith.constant 0 : i32
      %dma_start3A_206 = tpu.memref_slice %arg8[%mul3A_190, %dma_start3A_205] : memref<56x128xi32, #tpu.memory_space<vmem>> -> memref<1x128xi32, #tpu.memory_space<vmem>>
      %dma_start3A_207 = tpu.memref_squeeze %dma_start3A_206 : memref<1x128xi32, #tpu.memory_space<vmem>> -> memref<128xi32, #tpu.memory_space<vmem>>
      %dma_start3A_208 = arith.constant 0 : i32
      %dma_start3A_209 = arith.constant 0 : i32
      %dma_start3A_210 = tpu.memref_slice %arg13[%dma_start3A_208, %dma_start3A_209] : memref<10240x128xf32, #tpu.memory_space<vmem_shared>> -> memref<10240x128xf32, #tpu.memory_space<vmem_shared>>
      tpu.enqueue_indirect_dma source(%arg9 : memref<128x128xf32, #tpu.memory_space<vmem>>) target(%dma_start3A_210 : memref<10240x128xf32, #tpu.memory_space<vmem_shared>>) offsets(%dma_start3A_207 : memref<128xi32, #tpu.memory_space<vmem>>) semaphore(%arg12 : memref<!tpu.dma_semaphore, #tpu.memory_space<semaphore_mem>>) {add = true}
      %dma_start3A_211 = arith.constant 0 : i32
      %dma_start3A_212 = tpu.memref_slice %arg7[%add3A_194, %dma_start3A_211] : memref<56x128xi32, #tpu.memory_space<vmem>> -> memref<1x128xi32, #tpu.memory_space<vmem>>
      %dma_start3A_213 = tpu.memref_squeeze %dma_start3A_212 : memref<1x128xi32, #tpu.memory_space<vmem>> -> memref<128xi32, #tpu.memory_space<vmem>>
      %dma_start3A_214 = arith.constant 0 : i32
      %dma_start3A_215 = arith.constant 0 : i32
      %dma_start3A_216 = tpu.memref_slice %arg2[%dma_start3A_214, %dma_start3A_215] : memref<10240x128xf32, #tpu.memory_space<hbm>> -> memref<10240x128xf32, #tpu.memory_space<hbm>>
      tpu.enqueue_indirect_dma source(%dma_start3A_216 : memref<10240x128xf32, #tpu.memory_space<hbm>>) target(%arg10 : memref<128x128xf32, #tpu.memory_space<vmem>>) offsets(%dma_start3A_213 : memref<128xi32, #tpu.memory_space<vmem>>) semaphore(%arg11 : memref<!tpu.dma_semaphore, #tpu.memory_space<semaphore_mem>>)
      %dma_wait3A_217 = arith.constant 0 : i32
      %dma_wait3A_218 = tpu.memref_slice %arg7[%add3A_194, %dma_wait3A_217] : memref<56x128xi32, #tpu.memory_space<vmem>> -> memref<1x128xi32, #tpu.memory_space<vmem>>
      %dma_wait3A_219 = tpu.memref_squeeze %dma_wait3A_218 : memref<1x128xi32, #tpu.memory_space<vmem>> -> memref<128xi32, #tpu.memory_space<vmem>>
      %dma_wait3A_220 = arith.constant 0 : i32
      %dma_wait3A_221 = arith.constant 0 : i32
      %dma_wait3A_222 = tpu.memref_slice %arg2[%dma_wait3A_220, %dma_wait3A_221] : memref<10240x128xf32, #tpu.memory_space<hbm>> -> memref<10240x128xf32, #tpu.memory_space<hbm>>
      tpu.wait_indirect_dma semaphore(%arg11 : memref<!tpu.dma_semaphore, #tpu.memory_space<semaphore_mem>>) src(%dma_wait3A_222 : memref<10240x128xf32, #tpu.memory_space<hbm>>) dst(%arg10 : memref<128x128xf32, #tpu.memory_space<vmem>>)
      %dma_wait3A_223 = arith.constant 0 : i32
      %dma_wait3A_224 = tpu.memref_slice %arg8[%mul3A_190, %dma_wait3A_223] : memref<56x128xi32, #tpu.memory_space<vmem>> -> memref<1x128xi32, #tpu.memory_space<vmem>>
      %dma_wait3A_225 = tpu.memref_squeeze %dma_wait3A_224 : memref<1x128xi32, #tpu.memory_space<vmem>> -> memref<128xi32, #tpu.memory_space<vmem>>
      %dma_wait3A_226 = arith.constant 0 : i32
      %dma_wait3A_227 = arith.constant 0 : i32
      %dma_wait3A_228 = tpu.memref_slice %arg13[%dma_wait3A_226, %dma_wait3A_227] : memref<10240x128xf32, #tpu.memory_space<vmem_shared>> -> memref<10240x128xf32, #tpu.memory_space<vmem_shared>>
      tpu.wait_indirect_dma semaphore(%arg12 : memref<!tpu.dma_semaphore, #tpu.memory_space<semaphore_mem>>) src(%arg9 : memref<128x128xf32, #tpu.memory_space<vmem>>) dst(%dma_wait3A_228 : memref<10240x128xf32, #tpu.memory_space<vmem_shared>>)
      "tpu.region"() ({
        %run_scoped3A = tpu.sem_alloc : memref<!tpu.dma_semaphore, #tpu.memory_space<semaphore_mem>>
        %dma_start3A_229 = arith.constant 0 : i32
        %dma_start3A_230 = tpu.memref_slice %arg8[%add3A_194, %dma_start3A_229] : memref<56x128xi32, #tpu.memory_space<vmem>> -> memref<1x128xi32, #tpu.memory_space<vmem>>
        %dma_start3A_231 = tpu.memref_squeeze %dma_start3A_230 : memref<1x128xi32, #tpu.memory_space<vmem>> -> memref<128xi32, #tpu.memory_space<vmem>>
        %dma_start3A_232 = arith.constant 0 : i32
        %dma_start3A_233 = arith.constant 0 : i32
        %dma_start3A_234 = tpu.memref_slice %arg13[%dma_start3A_232, %dma_start3A_233] : memref<10240x128xf32, #tpu.memory_space<vmem_shared>> -> memref<10240x128xf32, #tpu.memory_space<vmem_shared>>
        tpu.enqueue_indirect_dma source(%arg10 : memref<128x128xf32, #tpu.memory_space<vmem>>) target(%dma_start3A_234 : memref<10240x128xf32, #tpu.memory_space<vmem_shared>>) offsets(%dma_start3A_231 : memref<128xi32, #tpu.memory_space<vmem>>) semaphore(%run_scoped3A : memref<!tpu.dma_semaphore, #tpu.memory_space<semaphore_mem>>) {add = true}
        %dma_wait3A_235 = arith.constant 0 : i32
        %dma_wait3A_236 = tpu.memref_slice %arg8[%add3A_194, %dma_wait3A_235] : memref<56x128xi32, #tpu.memory_space<vmem>> -> memref<1x128xi32, #tpu.memory_space<vmem>>
        %dma_wait3A_237 = tpu.memref_squeeze %dma_wait3A_236 : memref<1x128xi32, #tpu.memory_space<vmem>> -> memref<128xi32, #tpu.memory_space<vmem>>
        %dma_wait3A_238 = arith.constant 0 : i32
        %dma_wait3A_239 = arith.constant 0 : i32
        %dma_wait3A_240 = tpu.memref_slice %arg13[%dma_wait3A_238, %dma_wait3A_239] : memref<10240x128xf32, #tpu.memory_space<vmem_shared>> -> memref<10240x128xf32, #tpu.memory_space<vmem_shared>>
        tpu.wait_indirect_dma semaphore(%run_scoped3A : memref<!tpu.dma_semaphore, #tpu.memory_space<semaphore_mem>>) src(%arg10 : memref<128x128xf32, #tpu.memory_space<vmem>>) dst(%dma_wait3A_240 : memref<10240x128xf32, #tpu.memory_space<vmem_shared>>)
        tpu.yield
      }) : () -> ()
    }
    %while3A_106 = arith.constant 1 : i32
    scf.for %while3A_188 = %while3A_104 to %while3A_100 step %while3A_106  : i32 {
      %mul3A_189 = arith.constant 2 : i32
      %mul3A_190 = arith.muli %while3A_188, %mul3A_189 : i32
      %mul3A_191 = arith.constant 2 : i32
      %mul3A_192 = arith.muli %while3A_188, %mul3A_191 : i32
      %add3A_193 = arith.constant 1 : i32
      %add3A_194 = arith.addi %mul3A_192, %add3A_193 : i32
      %dma_start3A = arith.constant 0 : i32
      %dma_start3A_195 = tpu.memref_slice %arg7[%mul3A_190, %dma_start3A] : memref<56x128xi32, #tpu.memory_space<vmem>> -> memref<1x128xi32, #tpu.memory_space<vmem>>
      %dma_start3A_196 = tpu.memref_squeeze %dma_start3A_195 : memref<1x128xi32, #tpu.memory_space<vmem>> -> memref<128xi32, #tpu.memory_space<vmem>>
      %dma_start3A_197 = arith.constant 0 : i32
      %dma_start3A_198 = arith.constant 0 : i32
      %dma_start3A_199 = tpu.memref_slice %arg2[%dma_start3A_197, %dma_start3A_198] : memref<10240x128xf32, #tpu.memory_space<hbm>> -> memref<10240x128xf32, #tpu.memory_space<hbm>>
      tpu.enqueue_indirect_dma source(%dma_start3A_199 : memref<10240x128xf32, #tpu.memory_space<hbm>>) target(%arg9 : memref<128x128xf32, #tpu.memory_space<vmem>>) offsets(%dma_start3A_196 : memref<128xi32, #tpu.memory_space<vmem>>) semaphore(%arg11 : memref<!tpu.dma_semaphore, #tpu.memory_space<semaphore_mem>>)
      %dma_wait3A = arith.constant 0 : i32
      %dma_wait3A_200 = tpu.memref_slice %arg7[%mul3A_190, %dma_wait3A] : memref<56x128xi32, #tpu.memory_space<vmem>> -> memref<1x128xi32, #tpu.memory_space<vmem>>
      %dma_wait3A_201 = tpu.memref_squeeze %dma_wait3A_200 : memref<1x128xi32, #tpu.memory_space<vmem>> -> memref<128xi32, #tpu.memory_space<vmem>>
      %dma_wait3A_202 = arith.constant 0 : i32
      %dma_wait3A_203 = arith.constant 0 : i32
      %dma_wait3A_204 = tpu.memref_slice %arg2[%dma_wait3A_202, %dma_wait3A_203] : memref<10240x128xf32, #tpu.memory_space<hbm>> -> memref<10240x128xf32, #tpu.memory_space<hbm>>
      tpu.wait_indirect_dma semaphore(%arg11 : memref<!tpu.dma_semaphore, #tpu.memory_space<semaphore_mem>>) src(%dma_wait3A_204 : memref<10240x128xf32, #tpu.memory_space<hbm>>) dst(%arg9 : memref<128x128xf32, #tpu.memory_space<vmem>>)
      %dma_start3A_205 = arith.constant 0 : i32
      %dma_start3A_206 = tpu.memref_slice %arg8[%mul3A_190, %dma_start3A_205] : memref<56x128xi32, #tpu.memory_space<vmem>> -> memref<1x128xi32, #tpu.memory_space<vmem>>
      %dma_start3A_207 = tpu.memref_squeeze %dma_start3A_206 : memref<1x128xi32, #tpu.memory_space<vmem>> -> memref<128xi32, #tpu.memory_space<vmem>>
      %dma_start3A_208 = arith.constant 0 : i32
      %dma_start3A_209 = arith.constant 0 : i32
      %dma_start3A_210 = tpu.memref_slice %arg13[%dma_start3A_208, %dma_start3A_209] : memref<10240x128xf32, #tpu.memory_space<vmem_shared>> -> memref<10240x128xf32, #tpu.memory_space<vmem_shared>>
      tpu.enqueue_indirect_dma source(%arg9 : memref<128x128xf32, #tpu.memory_space<vmem>>) target(%dma_start3A_210 : memref<10240x128xf32, #tpu.memory_space<vmem_shared>>) offsets(%dma_start3A_207 : memref<128xi32, #tpu.memory_space<vmem>>) semaphore(%arg12 : memref<!tpu.dma_semaphore, #tpu.memory_space<semaphore_mem>>) {add = true}
      %dma_start3A_211 = arith.constant 0 : i32
      %dma_start3A_212 = tpu.memref_slice %arg7[%add3A_194, %dma_start3A_211] : memref<56x128xi32, #tpu.memory_space<vmem>> -> memref<1x128xi32, #tpu.memory_space<vmem>>
      %dma_start3A_213 = tpu.memref_squeeze %dma_start3A_212 : memref<1x128xi32, #tpu.memory_space<vmem>> -> memref<128xi32, #tpu.memory_space<vmem>>
      %dma_start3A_214 = arith.constant 0 : i32
      %dma_start3A_215 = arith.constant 0 : i32
      %dma_start3A_216 = tpu.memref_slice %arg2[%dma_start3A_214, %dma_start3A_215] : memref<10240x128xf32, #tpu.memory_space<hbm>> -> memref<10240x128xf32, #tpu.memory_space<hbm>>
      tpu.enqueue_indirect_dma source(%dma_start3A_216 : memref<10240x128xf32, #tpu.memory_space<hbm>>) target(%arg10 : memref<128x128xf32, #tpu.memory_space<vmem>>) offsets(%dma_start3A_213 : memref<128xi32, #tpu.memory_space<vmem>>) semaphore(%arg11 : memref<!tpu.dma_semaphore, #tpu.memory_space<semaphore_mem>>)
      %dma_wait3A_217 = arith.constant 0 : i32
      %dma_wait3A_218 = tpu.memref_slice %arg7[%add3A_194, %dma_wait3A_217] : memref<56x128xi32, #tpu.memory_space<vmem>> -> memref<1x128xi32, #tpu.memory_space<vmem>>
      %dma_wait3A_219 = tpu.memref_squeeze %dma_wait3A_218 : memref<1x128xi32, #tpu.memory_space<vmem>> -> memref<128xi32, #tpu.memory_space<vmem>>
      %dma_wait3A_220 = arith.constant 0 : i32
      %dma_wait3A_221 = arith.constant 0 : i32
      %dma_wait3A_222 = tpu.memref_slice %arg2[%dma_wait3A_220, %dma_wait3A_221] : memref<10240x128xf32, #tpu.memory_space<hbm>> -> memref<10240x128xf32, #tpu.memory_space<hbm>>
      tpu.wait_indirect_dma semaphore(%arg11 : memref<!tpu.dma_semaphore, #tpu.memory_space<semaphore_mem>>) src(%dma_wait3A_222 : memref<10240x128xf32, #tpu.memory_space<hbm>>) dst(%arg10 : memref<128x128xf32, #tpu.memory_space<vmem>>)
      %dma_wait3A_223 = arith.constant 0 : i32
      %dma_wait3A_224 = tpu.memref_slice %arg8[%mul3A_190, %dma_wait3A_223] : memref<56x128xi32, #tpu.memory_space<vmem>> -> memref<1x128xi32, #tpu.memory_space<vmem>>
      %dma_wait3A_225 = tpu.memref_squeeze %dma_wait3A_224 : memref<1x128xi32, #tpu.memory_space<vmem>> -> memref<128xi32, #tpu.memory_space<vmem>>
      %dma_wait3A_226 = arith.constant 0 : i32
      %dma_wait3A_227 = arith.constant 0 : i32
      %dma_wait3A_228 = tpu.memref_slice %arg13[%dma_wait3A_226, %dma_wait3A_227] : memref<10240x128xf32, #tpu.memory_space<vmem_shared>> -> memref<10240x128xf32, #tpu.memory_space<vmem_shared>>
      tpu.wait_indirect_dma semaphore(%arg12 : memref<!tpu.dma_semaphore, #tpu.memory_space<semaphore_mem>>) src(%arg9 : memref<128x128xf32, #tpu.memory_space<vmem>>) dst(%dma_wait3A_228 : memref<10240x128xf32, #tpu.memory_space<vmem_shared>>)
      "tpu.region"() ({
        %run_scoped3A = tpu.sem_alloc : memref<!tpu.dma_semaphore, #tpu.memory_space<semaphore_mem>>
        %dma_start3A_229 = arith.constant 0 : i32
        %dma_start3A_230 = tpu.memref_slice %arg8[%add3A_194, %dma_start3A_229] : memref<56x128xi32, #tpu.memory_space<vmem>> -> memref<1x128xi32, #tpu.memory_space<vmem>>
        %dma_start3A_231 = tpu.memref_squeeze %dma_start3A_230 : memref<1x128xi32, #tpu.memory_space<vmem>> -> memref<128xi32, #tpu.memory_space<vmem>>
        %dma_start3A_232 = arith.constant 0 : i32
        %dma_start3A_233 = arith.constant 0 : i32
        %dma_start3A_234 = tpu.memref_slice %arg13[%dma_start3A_232, %dma_start3A_233] : memref<10240x128xf32, #tpu.memory_space<vmem_shared>> -> memref<10240x128xf32, #tpu.memory_space<vmem_shared>>
        tpu.enqueue_indirect_dma source(%arg10 : memref<128x128xf32, #tpu.memory_space<vmem>>) target(%dma_start3A_234 : memref<10240x128xf32, #tpu.memory_space<vmem_shared>>) offsets(%dma_start3A_231 : memref<128xi32, #tpu.memory_space<vmem>>) semaphore(%run_scoped3A : memref<!tpu.dma_semaphore, #tpu.memory_space<semaphore_mem>>) {add = true}
        %dma_wait3A_235 = arith.constant 0 : i32
        %dma_wait3A_236 = tpu.memref_slice %arg8[%add3A_194, %dma_wait3A_235] : memref<56x128xi32, #tpu.memory_space<vmem>> -> memref<1x128xi32, #tpu.memory_space<vmem>>
        %dma_wait3A_237 = tpu.memref_squeeze %dma_wait3A_236 : memref<1x128xi32, #tpu.memory_space<vmem>> -> memref<128xi32, #tpu.memory_space<vmem>>
        %dma_wait3A_238 = arith.constant 0 : i32
        %dma_wait3A_239 = arith.constant 0 : i32
        %dma_wait3A_240 = tpu.memref_slice %arg13[%dma_wait3A_238, %dma_wait3A_239] : memref<10240x128xf32, #tpu.memory_space<vmem_shared>> -> memref<10240x128xf32, #tpu.memory_space<vmem_shared>>
        tpu.wait_indirect_dma semaphore(%run_scoped3A : memref<!tpu.dma_semaphore, #tpu.memory_space<semaphore_mem>>) src(%arg10 : memref<128x128xf32, #tpu.memory_space<vmem>>) dst(%dma_wait3A_240 : memref<10240x128xf32, #tpu.memory_space<vmem_shared>>)
        tpu.yield
      }) : () -> ()
    }
    %eq3A_107 = arith.constant 0 : i32
    %eq3A_108 = arith.cmpi eq, %arg0, %eq3A_107 : i32
    %jit3A_109 = arith.constant 24 : i32
    %jit3A_110 = arith.constant 0 : i32
    %select_n3A_111 = arith.select %eq3A_108, %jit3A_109, %jit3A_110 : i32
    %eq3A_112 = arith.constant 0 : i32
    %eq3A_113 = arith.cmpi eq, %arg0, %eq3A_112 : i32
    %jit3A_114 = arith.constant 112 : i32
    %jit3A_115 = arith.constant 24 : i32
    %select_n3A_116 = arith.select %eq3A_113, %jit3A_114, %jit3A_115 : i32
    %add3A_117 = arith.addi %select_n3A, %select_n3A_116 : i32
    "tpu.region"() ({
      %run_scoped3A = tpu.sem_alloc : memref<!tpu.dma_semaphore, #tpu.memory_space<semaphore_mem>>
      %dma_start3A = arith.constant 0 : i32
      %dma_start3A_188 = tpu.memref_slice %arg3[%add3A_117, %dma_start3A] : memref<2568x128xi32, #tpu.memory_space<hbm>> -> memref<56x128xi32, #tpu.memory_space<hbm>>
      %dma_start3A_189 = arith.constant 0 : i32
      %dma_start3A_190 = tpu.memref_slice %arg3[%add3A_117, %dma_start3A_189] : memref<2568x128xi32, #tpu.memory_space<hbm>> -> memref<56x128xi32, #tpu.memory_space<hbm>>
      tpu.enqueue_dma source(%dma_start3A_190 : memref<56x128xi32, #tpu.memory_space<hbm>>) target(%arg7 : memref<56x128xi32, #tpu.memory_space<vmem>>) target_semaphore(%run_scoped3A : memref<!tpu.dma_semaphore, #tpu.memory_space<semaphore_mem>>)
      %dma_wait3A = arith.constant 0 : i32
      %dma_wait3A_191 = tpu.memref_slice %arg3[%add3A_117, %dma_wait3A] : memref<2568x128xi32, #tpu.memory_space<hbm>> -> memref<56x128xi32, #tpu.memory_space<hbm>>
      %dma_wait3A_192 = arith.constant 0 : i32
      %dma_wait3A_193 = tpu.memref_slice %arg3[%add3A_117, %dma_wait3A_192] : memref<2568x128xi32, #tpu.memory_space<hbm>> -> memref<56x128xi32, #tpu.memory_space<hbm>>
      tpu.wait_dma2 semaphore(%run_scoped3A : memref<!tpu.dma_semaphore, #tpu.memory_space<semaphore_mem>>) src(%dma_wait3A_193 : memref<56x128xi32, #tpu.memory_space<hbm>>) dst(%arg7 : memref<56x128xi32, #tpu.memory_space<vmem>>)
      tpu.yield
    }) : () -> ()
    "tpu.region"() ({
      %run_scoped3A = tpu.sem_alloc : memref<!tpu.dma_semaphore, #tpu.memory_space<semaphore_mem>>
      %dma_start3A = arith.constant 0 : i32
      %dma_start3A_188 = tpu.memref_slice %arg4[%add3A_117, %dma_start3A] : memref<2568x128xi32, #tpu.memory_space<hbm>> -> memref<56x128xi32, #tpu.memory_space<hbm>>
      %dma_start3A_189 = arith.constant 0 : i32
      %dma_start3A_190 = tpu.memref_slice %arg4[%add3A_117, %dma_start3A_189] : memref<2568x128xi32, #tpu.memory_space<hbm>> -> memref<56x128xi32, #tpu.memory_space<hbm>>
      tpu.enqueue_dma source(%dma_start3A_190 : memref<56x128xi32, #tpu.memory_space<hbm>>) target(%arg8 : memref<56x128xi32, #tpu.memory_space<vmem>>) target_semaphore(%run_scoped3A : memref<!tpu.dma_semaphore, #tpu.memory_space<semaphore_mem>>)
      %dma_wait3A = arith.constant 0 : i32
      %dma_wait3A_191 = tpu.memref_slice %arg4[%add3A_117, %dma_wait3A] : memref<2568x128xi32, #tpu.memory_space<hbm>> -> memref<56x128xi32, #tpu.memory_space<hbm>>
      %dma_wait3A_192 = arith.constant 0 : i32
      %dma_wait3A_193 = tpu.memref_slice %arg4[%add3A_117, %dma_wait3A_192] : memref<2568x128xi32, #tpu.memory_space<hbm>> -> memref<56x128xi32, #tpu.memory_space<hbm>>
      tpu.wait_dma2 semaphore(%run_scoped3A : memref<!tpu.dma_semaphore, #tpu.memory_space<semaphore_mem>>) src(%dma_wait3A_193 : memref<56x128xi32, #tpu.memory_space<hbm>>) dst(%arg8 : memref<56x128xi32, #tpu.memory_space<vmem>>)
      tpu.yield
    }) : () -> ()
    %jit3A_118 = arith.constant 2 : i32
    %div3A_119 = arith.divsi %select_n3A_111, %jit3A_118 : i32
    %sign3A_120 = arith.constant 0 : i32
    %sign3A_121 = arith.cmpi sgt, %select_n3A_111, %sign3A_120 : i32
    %sign3A_122 = arith.extui %sign3A_121 : i1 to i32
    %sign3A_123 = arith.constant 0 : i32
    %sign3A_124 = arith.cmpi slt, %select_n3A_111, %sign3A_123 : i32
    %sign3A_125 = arith.extui %sign3A_124 : i1 to i32
    %sign3A_126 = arith.subi %sign3A_122, %sign3A_125 : i32
    %sign3A_127 = arith.constant 0 : i32
    %sign3A_128 = arith.cmpi sgt, %jit3A_118, %sign3A_127 : i32
    %sign3A_129 = arith.extui %sign3A_128 : i1 to i32
    %sign3A_130 = arith.constant 0 : i32
    %sign3A_131 = arith.cmpi slt, %jit3A_118, %sign3A_130 : i32
    %sign3A_132 = arith.extui %sign3A_131 : i1 to i32
    %sign3A_133 = arith.subi %sign3A_129, %sign3A_132 : i32
    %ne3A_134 = arith.cmpi ne, %sign3A_126, %sign3A_133 : i32
    %rem3A_135 = arith.remsi %select_n3A_111, %jit3A_118 : i32
    %ne3A_136 = arith.constant 0 : i32
    %ne3A_137 = arith.cmpi ne, %rem3A_135, %ne3A_136 : i32
    %and3A_138 = arith.andi %ne3A_134, %ne3A_137 : i1
    %sub3A_139 = arith.constant 1 : i32
    %sub3A_140 = arith.subi %div3A_119, %sub3A_139 : i32
    %select_n3A_141 = arith.select %and3A_138, %sub3A_140, %div3A_119 : i32
    %while3A_142 = arith.constant 0 : i32
    %while3A_143 = arith.constant 0 : i32
    %while3A_144 = arith.subi %select_n3A_141, %while3A_143 : i32
    %while3A_145 = arith.addi %while3A_143, %while3A_144 : i32
    %while3A_146 = arith.constant 1 : i32
    %while3A_147 = arith.divsi %while3A_144, %while3A_146 : i32
    %while3A_148 = arith.muli %while3A_147, %while3A_146 : i32
    %while3A_149 = arith.addi %while3A_143, %while3A_148 : i32
    %while3A_150 = arith.constant 1 : i32
    scf.for %while3A_188 = %while3A_143 to %while3A_149 step %while3A_150  : i32 {
      %mul3A_189 = arith.constant 2 : i32
      %mul3A_190 = arith.muli %while3A_188, %mul3A_189 : i32
      %mul3A_191 = arith.constant 2 : i32
      %mul3A_192 = arith.muli %while3A_188, %mul3A_191 : i32
      %add3A_193 = arith.constant 1 : i32
      %add3A_194 = arith.addi %mul3A_192, %add3A_193 : i32
      %dma_start3A = arith.constant 0 : i32
      %dma_start3A_195 = tpu.memref_slice %arg7[%mul3A_190, %dma_start3A] : memref<56x128xi32, #tpu.memory_space<vmem>> -> memref<1x128xi32, #tpu.memory_space<vmem>>
      %dma_start3A_196 = tpu.memref_squeeze %dma_start3A_195 : memref<1x128xi32, #tpu.memory_space<vmem>> -> memref<128xi32, #tpu.memory_space<vmem>>
      %dma_start3A_197 = arith.constant 0 : i32
      %dma_start3A_198 = arith.constant 0 : i32
      %dma_start3A_199 = tpu.memref_slice %arg2[%dma_start3A_197, %dma_start3A_198] : memref<10240x128xf32, #tpu.memory_space<hbm>> -> memref<10240x128xf32, #tpu.memory_space<hbm>>
      tpu.enqueue_indirect_dma source(%dma_start3A_199 : memref<10240x128xf32, #tpu.memory_space<hbm>>) target(%arg9 : memref<128x128xf32, #tpu.memory_space<vmem>>) offsets(%dma_start3A_196 : memref<128xi32, #tpu.memory_space<vmem>>) semaphore(%arg11 : memref<!tpu.dma_semaphore, #tpu.memory_space<semaphore_mem>>)
      %dma_wait3A = arith.constant 0 : i32
      %dma_wait3A_200 = tpu.memref_slice %arg7[%mul3A_190, %dma_wait3A] : memref<56x128xi32, #tpu.memory_space<vmem>> -> memref<1x128xi32, #tpu.memory_space<vmem>>
      %dma_wait3A_201 = tpu.memref_squeeze %dma_wait3A_200 : memref<1x128xi32, #tpu.memory_space<vmem>> -> memref<128xi32, #tpu.memory_space<vmem>>
      %dma_wait3A_202 = arith.constant 0 : i32
      %dma_wait3A_203 = arith.constant 0 : i32
      %dma_wait3A_204 = tpu.memref_slice %arg2[%dma_wait3A_202, %dma_wait3A_203] : memref<10240x128xf32, #tpu.memory_space<hbm>> -> memref<10240x128xf32, #tpu.memory_space<hbm>>
      tpu.wait_indirect_dma semaphore(%arg11 : memref<!tpu.dma_semaphore, #tpu.memory_space<semaphore_mem>>) src(%dma_wait3A_204 : memref<10240x128xf32, #tpu.memory_space<hbm>>) dst(%arg9 : memref<128x128xf32, #tpu.memory_space<vmem>>)
      %dma_start3A_205 = arith.constant 0 : i32
      %dma_start3A_206 = tpu.memref_slice %arg8[%mul3A_190, %dma_start3A_205] : memref<56x128xi32, #tpu.memory_space<vmem>> -> memref<1x128xi32, #tpu.memory_space<vmem>>
      %dma_start3A_207 = tpu.memref_squeeze %dma_start3A_206 : memref<1x128xi32, #tpu.memory_space<vmem>> -> memref<128xi32, #tpu.memory_space<vmem>>
      %dma_start3A_208 = arith.constant 0 : i32
      %dma_start3A_209 = arith.constant 0 : i32
      %dma_start3A_210 = tpu.memref_slice %arg13[%dma_start3A_208, %dma_start3A_209] : memref<10240x128xf32, #tpu.memory_space<vmem_shared>> -> memref<10240x128xf32, #tpu.memory_space<vmem_shared>>
      tpu.enqueue_indirect_dma source(%arg9 : memref<128x128xf32, #tpu.memory_space<vmem>>) target(%dma_start3A_210 : memref<10240x128xf32, #tpu.memory_space<vmem_shared>>) offsets(%dma_start3A_207 : memref<128xi32, #tpu.memory_space<vmem>>) semaphore(%arg12 : memref<!tpu.dma_semaphore, #tpu.memory_space<semaphore_mem>>) {add = true}
      %dma_start3A_211 = arith.constant 0 : i32
      %dma_start3A_212 = tpu.memref_slice %arg7[%add3A_194, %dma_start3A_211] : memref<56x128xi32, #tpu.memory_space<vmem>> -> memref<1x128xi32, #tpu.memory_space<vmem>>
      %dma_start3A_213 = tpu.memref_squeeze %dma_start3A_212 : memref<1x128xi32, #tpu.memory_space<vmem>> -> memref<128xi32, #tpu.memory_space<vmem>>
      %dma_start3A_214 = arith.constant 0 : i32
      %dma_start3A_215 = arith.constant 0 : i32
      %dma_start3A_216 = tpu.memref_slice %arg2[%dma_start3A_214, %dma_start3A_215] : memref<10240x128xf32, #tpu.memory_space<hbm>> -> memref<10240x128xf32, #tpu.memory_space<hbm>>
      tpu.enqueue_indirect_dma source(%dma_start3A_216 : memref<10240x128xf32, #tpu.memory_space<hbm>>) target(%arg10 : memref<128x128xf32, #tpu.memory_space<vmem>>) offsets(%dma_start3A_213 : memref<128xi32, #tpu.memory_space<vmem>>) semaphore(%arg11 : memref<!tpu.dma_semaphore, #tpu.memory_space<semaphore_mem>>)
      %dma_wait3A_217 = arith.constant 0 : i32
      %dma_wait3A_218 = tpu.memref_slice %arg7[%add3A_194, %dma_wait3A_217] : memref<56x128xi32, #tpu.memory_space<vmem>> -> memref<1x128xi32, #tpu.memory_space<vmem>>
      %dma_wait3A_219 = tpu.memref_squeeze %dma_wait3A_218 : memref<1x128xi32, #tpu.memory_space<vmem>> -> memref<128xi32, #tpu.memory_space<vmem>>
      %dma_wait3A_220 = arith.constant 0 : i32
      %dma_wait3A_221 = arith.constant 0 : i32
      %dma_wait3A_222 = tpu.memref_slice %arg2[%dma_wait3A_220, %dma_wait3A_221] : memref<10240x128xf32, #tpu.memory_space<hbm>> -> memref<10240x128xf32, #tpu.memory_space<hbm>>
      tpu.wait_indirect_dma semaphore(%arg11 : memref<!tpu.dma_semaphore, #tpu.memory_space<semaphore_mem>>) src(%dma_wait3A_222 : memref<10240x128xf32, #tpu.memory_space<hbm>>) dst(%arg10 : memref<128x128xf32, #tpu.memory_space<vmem>>)
      %dma_wait3A_223 = arith.constant 0 : i32
      %dma_wait3A_224 = tpu.memref_slice %arg8[%mul3A_190, %dma_wait3A_223] : memref<56x128xi32, #tpu.memory_space<vmem>> -> memref<1x128xi32, #tpu.memory_space<vmem>>
      %dma_wait3A_225 = tpu.memref_squeeze %dma_wait3A_224 : memref<1x128xi32, #tpu.memory_space<vmem>> -> memref<128xi32, #tpu.memory_space<vmem>>
      %dma_wait3A_226 = arith.constant 0 : i32
      %dma_wait3A_227 = arith.constant 0 : i32
      %dma_wait3A_228 = tpu.memref_slice %arg13[%dma_wait3A_226, %dma_wait3A_227] : memref<10240x128xf32, #tpu.memory_space<vmem_shared>> -> memref<10240x128xf32, #tpu.memory_space<vmem_shared>>
      tpu.wait_indirect_dma semaphore(%arg12 : memref<!tpu.dma_semaphore, #tpu.memory_space<semaphore_mem>>) src(%arg9 : memref<128x128xf32, #tpu.memory_space<vmem>>) dst(%dma_wait3A_228 : memref<10240x128xf32, #tpu.memory_space<vmem_shared>>)
      "tpu.region"() ({
        %run_scoped3A = tpu.sem_alloc : memref<!tpu.dma_semaphore, #tpu.memory_space<semaphore_mem>>
        %dma_start3A_229 = arith.constant 0 : i32
        %dma_start3A_230 = tpu.memref_slice %arg8[%add3A_194, %dma_start3A_229] : memref<56x128xi32, #tpu.memory_space<vmem>> -> memref<1x128xi32, #tpu.memory_space<vmem>>
        %dma_start3A_231 = tpu.memref_squeeze %dma_start3A_230 : memref<1x128xi32, #tpu.memory_space<vmem>> -> memref<128xi32, #tpu.memory_space<vmem>>
        %dma_start3A_232 = arith.constant 0 : i32
        %dma_start3A_233 = arith.constant 0 : i32
        %dma_start3A_234 = tpu.memref_slice %arg13[%dma_start3A_232, %dma_start3A_233] : memref<10240x128xf32, #tpu.memory_space<vmem_shared>> -> memref<10240x128xf32, #tpu.memory_space<vmem_shared>>
        tpu.enqueue_indirect_dma source(%arg10 : memref<128x128xf32, #tpu.memory_space<vmem>>) target(%dma_start3A_234 : memref<10240x128xf32, #tpu.memory_space<vmem_shared>>) offsets(%dma_start3A_231 : memref<128xi32, #tpu.memory_space<vmem>>) semaphore(%run_scoped3A : memref<!tpu.dma_semaphore, #tpu.memory_space<semaphore_mem>>) {add = true}
        %dma_wait3A_235 = arith.constant 0 : i32
        %dma_wait3A_236 = tpu.memref_slice %arg8[%add3A_194, %dma_wait3A_235] : memref<56x128xi32, #tpu.memory_space<vmem>> -> memref<1x128xi32, #tpu.memory_space<vmem>>
        %dma_wait3A_237 = tpu.memref_squeeze %dma_wait3A_236 : memref<1x128xi32, #tpu.memory_space<vmem>> -> memref<128xi32, #tpu.memory_space<vmem>>
        %dma_wait3A_238 = arith.constant 0 : i32
        %dma_wait3A_239 = arith.constant 0 : i32
        %dma_wait3A_240 = tpu.memref_slice %arg13[%dma_wait3A_238, %dma_wait3A_239] : memref<10240x128xf32, #tpu.memory_space<vmem_shared>> -> memref<10240x128xf32, #tpu.memory_space<vmem_shared>>
        tpu.wait_indirect_dma semaphore(%run_scoped3A : memref<!tpu.dma_semaphore, #tpu.memory_space<semaphore_mem>>) src(%arg10 : memref<128x128xf32, #tpu.memory_space<vmem>>) dst(%dma_wait3A_240 : memref<10240x128xf32, #tpu.memory_space<vmem_shared>>)
        tpu.yield
      }) : () -> ()
    }
    %while3A_151 = arith.constant 1 : i32
    scf.for %while3A_188 = %while3A_149 to %while3A_145 step %while3A_151  : i32 {
      %mul3A_189 = arith.constant 2 : i32
      %mul3A_190 = arith.muli %while3A_188, %mul3A_189 : i32
      %mul3A_191 = arith.constant 2 : i32
      %mul3A_192 = arith.muli %while3A_188, %mul3A_191 : i32
      %add3A_193 = arith.constant 1 : i32
      %add3A_194 = arith.addi %mul3A_192, %add3A_193 : i32
      %dma_start3A = arith.constant 0 : i32
      %dma_start3A_195 = tpu.memref_slice %arg7[%mul3A_190, %dma_start3A] : memref<56x128xi32, #tpu.memory_space<vmem>> -> memref<1x128xi32, #tpu.memory_space<vmem>>
      %dma_start3A_196 = tpu.memref_squeeze %dma_start3A_195 : memref<1x128xi32, #tpu.memory_space<vmem>> -> memref<128xi32, #tpu.memory_space<vmem>>
      %dma_start3A_197 = arith.constant 0 : i32
      %dma_start3A_198 = arith.constant 0 : i32
      %dma_start3A_199 = tpu.memref_slice %arg2[%dma_start3A_197, %dma_start3A_198] : memref<10240x128xf32, #tpu.memory_space<hbm>> -> memref<10240x128xf32, #tpu.memory_space<hbm>>
      tpu.enqueue_indirect_dma source(%dma_start3A_199 : memref<10240x128xf32, #tpu.memory_space<hbm>>) target(%arg9 : memref<128x128xf32, #tpu.memory_space<vmem>>) offsets(%dma_start3A_196 : memref<128xi32, #tpu.memory_space<vmem>>) semaphore(%arg11 : memref<!tpu.dma_semaphore, #tpu.memory_space<semaphore_mem>>)
      %dma_wait3A = arith.constant 0 : i32
      %dma_wait3A_200 = tpu.memref_slice %arg7[%mul3A_190, %dma_wait3A] : memref<56x128xi32, #tpu.memory_space<vmem>> -> memref<1x128xi32, #tpu.memory_space<vmem>>
      %dma_wait3A_201 = tpu.memref_squeeze %dma_wait3A_200 : memref<1x128xi32, #tpu.memory_space<vmem>> -> memref<128xi32, #tpu.memory_space<vmem>>
      %dma_wait3A_202 = arith.constant 0 : i32
      %dma_wait3A_203 = arith.constant 0 : i32
      %dma_wait3A_204 = tpu.memref_slice %arg2[%dma_wait3A_202, %dma_wait3A_203] : memref<10240x128xf32, #tpu.memory_space<hbm>> -> memref<10240x128xf32, #tpu.memory_space<hbm>>
      tpu.wait_indirect_dma semaphore(%arg11 : memref<!tpu.dma_semaphore, #tpu.memory_space<semaphore_mem>>) src(%dma_wait3A_204 : memref<10240x128xf32, #tpu.memory_space<hbm>>) dst(%arg9 : memref<128x128xf32, #tpu.memory_space<vmem>>)
      %dma_start3A_205 = arith.constant 0 : i32
      %dma_start3A_206 = tpu.memref_slice %arg8[%mul3A_190, %dma_start3A_205] : memref<56x128xi32, #tpu.memory_space<vmem>> -> memref<1x128xi32, #tpu.memory_space<vmem>>
      %dma_start3A_207 = tpu.memref_squeeze %dma_start3A_206 : memref<1x128xi32, #tpu.memory_space<vmem>> -> memref<128xi32, #tpu.memory_space<vmem>>
      %dma_start3A_208 = arith.constant 0 : i32
      %dma_start3A_209 = arith.constant 0 : i32
      %dma_start3A_210 = tpu.memref_slice %arg13[%dma_start3A_208, %dma_start3A_209] : memref<10240x128xf32, #tpu.memory_space<vmem_shared>> -> memref<10240x128xf32, #tpu.memory_space<vmem_shared>>
      tpu.enqueue_indirect_dma source(%arg9 : memref<128x128xf32, #tpu.memory_space<vmem>>) target(%dma_start3A_210 : memref<10240x128xf32, #tpu.memory_space<vmem_shared>>) offsets(%dma_start3A_207 : memref<128xi32, #tpu.memory_space<vmem>>) semaphore(%arg12 : memref<!tpu.dma_semaphore, #tpu.memory_space<semaphore_mem>>) {add = true}
      %dma_start3A_211 = arith.constant 0 : i32
      %dma_start3A_212 = tpu.memref_slice %arg7[%add3A_194, %dma_start3A_211] : memref<56x128xi32, #tpu.memory_space<vmem>> -> memref<1x128xi32, #tpu.memory_space<vmem>>
      %dma_start3A_213 = tpu.memref_squeeze %dma_start3A_212 : memref<1x128xi32, #tpu.memory_space<vmem>> -> memref<128xi32, #tpu.memory_space<vmem>>
      %dma_start3A_214 = arith.constant 0 : i32
      %dma_start3A_215 = arith.constant 0 : i32
      %dma_start3A_216 = tpu.memref_slice %arg2[%dma_start3A_214, %dma_start3A_215] : memref<10240x128xf32, #tpu.memory_space<hbm>> -> memref<10240x128xf32, #tpu.memory_space<hbm>>
      tpu.enqueue_indirect_dma source(%dma_start3A_216 : memref<10240x128xf32, #tpu.memory_space<hbm>>) target(%arg10 : memref<128x128xf32, #tpu.memory_space<vmem>>) offsets(%dma_start3A_213 : memref<128xi32, #tpu.memory_space<vmem>>) semaphore(%arg11 : memref<!tpu.dma_semaphore, #tpu.memory_space<semaphore_mem>>)
      %dma_wait3A_217 = arith.constant 0 : i32
      %dma_wait3A_218 = tpu.memref_slice %arg7[%add3A_194, %dma_wait3A_217] : memref<56x128xi32, #tpu.memory_space<vmem>> -> memref<1x128xi32, #tpu.memory_space<vmem>>
      %dma_wait3A_219 = tpu.memref_squeeze %dma_wait3A_218 : memref<1x128xi32, #tpu.memory_space<vmem>> -> memref<128xi32, #tpu.memory_space<vmem>>
      %dma_wait3A_220 = arith.constant 0 : i32
      %dma_wait3A_221 = arith.constant 0 : i32
      %dma_wait3A_222 = tpu.memref_slice %arg2[%dma_wait3A_220, %dma_wait3A_221] : memref<10240x128xf32, #tpu.memory_space<hbm>> -> memref<10240x128xf32, #tpu.memory_space<hbm>>
      tpu.wait_indirect_dma semaphore(%arg11 : memref<!tpu.dma_semaphore, #tpu.memory_space<semaphore_mem>>) src(%dma_wait3A_222 : memref<10240x128xf32, #tpu.memory_space<hbm>>) dst(%arg10 : memref<128x128xf32, #tpu.memory_space<vmem>>)
      %dma_wait3A_223 = arith.constant 0 : i32
      %dma_wait3A_224 = tpu.memref_slice %arg8[%mul3A_190, %dma_wait3A_223] : memref<56x128xi32, #tpu.memory_space<vmem>> -> memref<1x128xi32, #tpu.memory_space<vmem>>
      %dma_wait3A_225 = tpu.memref_squeeze %dma_wait3A_224 : memref<1x128xi32, #tpu.memory_space<vmem>> -> memref<128xi32, #tpu.memory_space<vmem>>
      %dma_wait3A_226 = arith.constant 0 : i32
      %dma_wait3A_227 = arith.constant 0 : i32
      %dma_wait3A_228 = tpu.memref_slice %arg13[%dma_wait3A_226, %dma_wait3A_227] : memref<10240x128xf32, #tpu.memory_space<vmem_shared>> -> memref<10240x128xf32, #tpu.memory_space<vmem_shared>>
      tpu.wait_indirect_dma semaphore(%arg12 : memref<!tpu.dma_semaphore, #tpu.memory_space<semaphore_mem>>) src(%arg9 : memref<128x128xf32, #tpu.memory_space<vmem>>) dst(%dma_wait3A_228 : memref<10240x128xf32, #tpu.memory_space<vmem_shared>>)
      "tpu.region"() ({
        %run_scoped3A = tpu.sem_alloc : memref<!tpu.dma_semaphore, #tpu.memory_space<semaphore_mem>>
        %dma_start3A_229 = arith.constant 0 : i32
        %dma_start3A_230 = tpu.memref_slice %arg8[%add3A_194, %dma_start3A_229] : memref<56x128xi32, #tpu.memory_space<vmem>> -> memref<1x128xi32, #tpu.memory_space<vmem>>
        %dma_start3A_231 = tpu.memref_squeeze %dma_start3A_230 : memref<1x128xi32, #tpu.memory_space<vmem>> -> memref<128xi32, #tpu.memory_space<vmem>>
        %dma_start3A_232 = arith.constant 0 : i32
        %dma_start3A_233 = arith.constant 0 : i32
        %dma_start3A_234 = tpu.memref_slice %arg13[%dma_start3A_232, %dma_start3A_233] : memref<10240x128xf32, #tpu.memory_space<vmem_shared>> -> memref<10240x128xf32, #tpu.memory_space<vmem_shared>>
        tpu.enqueue_indirect_dma source(%arg10 : memref<128x128xf32, #tpu.memory_space<vmem>>) target(%dma_start3A_234 : memref<10240x128xf32, #tpu.memory_space<vmem_shared>>) offsets(%dma_start3A_231 : memref<128xi32, #tpu.memory_space<vmem>>) semaphore(%run_scoped3A : memref<!tpu.dma_semaphore, #tpu.memory_space<semaphore_mem>>) {add = true}
        %dma_wait3A_235 = arith.constant 0 : i32
        %dma_wait3A_236 = tpu.memref_slice %arg8[%add3A_194, %dma_wait3A_235] : memref<56x128xi32, #tpu.memory_space<vmem>> -> memref<1x128xi32, #tpu.memory_space<vmem>>
        %dma_wait3A_237 = tpu.memref_squeeze %dma_wait3A_236 : memref<1x128xi32, #tpu.memory_space<vmem>> -> memref<128xi32, #tpu.memory_space<vmem>>
        %dma_wait3A_238 = arith.constant 0 : i32
        %dma_wait3A_239 = arith.constant 0 : i32
        %dma_wait3A_240 = tpu.memref_slice %arg13[%dma_wait3A_238, %dma_wait3A_239] : memref<10240x128xf32, #tpu.memory_space<vmem_shared>> -> memref<10240x128xf32, #tpu.memory_space<vmem_shared>>
        tpu.wait_indirect_dma semaphore(%run_scoped3A : memref<!tpu.dma_semaphore, #tpu.memory_space<semaphore_mem>>) src(%arg10 : memref<128x128xf32, #tpu.memory_space<vmem>>) dst(%dma_wait3A_240 : memref<10240x128xf32, #tpu.memory_space<vmem_shared>>)
        tpu.yield
      }) : () -> ()
    }
    %barrier3A_152 = arith.constant 0 : index
    tpu.barrier barrier_id(%barrier3A_152)
    %mul3A_153 = arith.constant 640 : i32
    %mul3A_154 = arith.muli %arg1, %mul3A_153 : i32
    %add3A_155 = arith.constant 0 : i32
    %add3A_156 = arith.addi %mul3A_154, %add3A_155 : i32
    "tpu.region"() ({
      %run_scoped3A = tpu.sem_alloc : memref<!tpu.dma_semaphore, #tpu.memory_space<semaphore_mem>>
      %dma_start3A = arith.constant 0 : i32
      %dma_start3A_188 = tpu.memref_slice %arg13[%add3A_156, %dma_start3A] : memref<10240x128xf32, #tpu.memory_space<vmem_shared>> -> memref<128x128xf32, #tpu.memory_space<vmem_shared>>
      %dma_start3A_189 = arith.constant 0 : i32
      %dma_start3A_190 = tpu.memref_slice %arg13[%add3A_156, %dma_start3A_189] : memref<10240x128xf32, #tpu.memory_space<vmem_shared>> -> memref<128x128xf32, #tpu.memory_space<vmem_shared>>
      tpu.enqueue_dma source(%dma_start3A_190 : memref<128x128xf32, #tpu.memory_space<vmem_shared>>) target(%arg9 : memref<128x128xf32, #tpu.memory_space<vmem>>) target_semaphore(%run_scoped3A : memref<!tpu.dma_semaphore, #tpu.memory_space<semaphore_mem>>)
      %dma_wait3A = arith.constant 0 : i32
      %dma_wait3A_191 = tpu.memref_slice %arg13[%add3A_156, %dma_wait3A] : memref<10240x128xf32, #tpu.memory_space<vmem_shared>> -> memref<128x128xf32, #tpu.memory_space<vmem_shared>>
      %dma_wait3A_192 = arith.constant 0 : i32
      %dma_wait3A_193 = tpu.memref_slice %arg13[%add3A_156, %dma_wait3A_192] : memref<10240x128xf32, #tpu.memory_space<vmem_shared>> -> memref<128x128xf32, #tpu.memory_space<vmem_shared>>
      tpu.wait_dma2 semaphore(%run_scoped3A : memref<!tpu.dma_semaphore, #tpu.memory_space<semaphore_mem>>) src(%dma_wait3A_193 : memref<128x128xf32, #tpu.memory_space<vmem_shared>>) dst(%arg9 : memref<128x128xf32, #tpu.memory_space<vmem>>)
      tpu.yield
    }) : () -> ()
    %mul3A_157 = arith.constant 10240 : i32
    %mul3A_158 = arith.muli %arg0, %mul3A_157 : i32
    %add3A_159 = arith.addi %mul3A_158, %add3A_156 : i32
    "tpu.region"() ({
      %run_scoped3A = tpu.sem_alloc : memref<!tpu.dma_semaphore, #tpu.memory_space<semaphore_mem>>
      %dma_start3A = arith.constant 0 : i32
      %dma_start3A_188 = tpu.memref_slice %arg6[%add3A_159, %dma_start3A] : memref<20480x128xf32, #tpu.memory_space<hbm>> -> memref<128x128xf32, #tpu.memory_space<hbm>>
      %dma_start3A_189 = arith.constant 0 : i32
      %dma_start3A_190 = tpu.memref_slice %arg6[%add3A_159, %dma_start3A_189] : memref<20480x128xf32, #tpu.memory_space<hbm>> -> memref<128x128xf32, #tpu.memory_space<hbm>>
      tpu.enqueue_dma source(%arg9 : memref<128x128xf32, #tpu.memory_space<vmem>>) target(%dma_start3A_190 : memref<128x128xf32, #tpu.memory_space<hbm>>) target_semaphore(%run_scoped3A : memref<!tpu.dma_semaphore, #tpu.memory_space<semaphore_mem>>)
      %dma_wait3A = arith.constant 0 : i32
      %dma_wait3A_191 = tpu.memref_slice %arg6[%add3A_159, %dma_wait3A] : memref<20480x128xf32, #tpu.memory_space<hbm>> -> memref<128x128xf32, #tpu.memory_space<hbm>>
      %dma_wait3A_192 = arith.constant 0 : i32
      %dma_wait3A_193 = tpu.memref_slice %arg6[%add3A_159, %dma_wait3A_192] : memref<20480x128xf32, #tpu.memory_space<hbm>> -> memref<128x128xf32, #tpu.memory_space<hbm>>
      tpu.wait_dma2 semaphore(%run_scoped3A : memref<!tpu.dma_semaphore, #tpu.memory_space<semaphore_mem>>) src(%arg9 : memref<128x128xf32, #tpu.memory_space<vmem>>) dst(%dma_wait3A_193 : memref<128x128xf32, #tpu.memory_space<hbm>>)
      tpu.yield
    }) : () -> ()
    %mul3A_160 = arith.constant 640 : i32
    %mul3A_161 = arith.muli %arg1, %mul3A_160 : i32
    %add3A_162 = arith.constant 128 : i32
    %add3A_163 = arith.addi %mul3A_161, %add3A_162 : i32
    "tpu.region"() ({
      %run_scoped3A = tpu.sem_alloc : memref<!tpu.dma_semaphore, #tpu.memory_space<semaphore_mem>>
      %dma_start3A = arith.constant 0 : i32
      %dma_start3A_188 = tpu.memref_slice %arg13[%add3A_163, %dma_start3A] : memref<10240x128xf32, #tpu.memory_space<vmem_shared>> -> memref<128x128xf32, #tpu.memory_space<vmem_shared>>
      %dma_start3A_189 = arith.constant 0 : i32
      %dma_start3A_190 = tpu.memref_slice %arg13[%add3A_163, %dma_start3A_189] : memref<10240x128xf32, #tpu.memory_space<vmem_shared>> -> memref<128x128xf32, #tpu.memory_space<vmem_shared>>
      tpu.enqueue_dma source(%dma_start3A_190 : memref<128x128xf32, #tpu.memory_space<vmem_shared>>) target(%arg9 : memref<128x128xf32, #tpu.memory_space<vmem>>) target_semaphore(%run_scoped3A : memref<!tpu.dma_semaphore, #tpu.memory_space<semaphore_mem>>)
      %dma_wait3A = arith.constant 0 : i32
      %dma_wait3A_191 = tpu.memref_slice %arg13[%add3A_163, %dma_wait3A] : memref<10240x128xf32, #tpu.memory_space<vmem_shared>> -> memref<128x128xf32, #tpu.memory_space<vmem_shared>>
      %dma_wait3A_192 = arith.constant 0 : i32
      %dma_wait3A_193 = tpu.memref_slice %arg13[%add3A_163, %dma_wait3A_192] : memref<10240x128xf32, #tpu.memory_space<vmem_shared>> -> memref<128x128xf32, #tpu.memory_space<vmem_shared>>
      tpu.wait_dma2 semaphore(%run_scoped3A : memref<!tpu.dma_semaphore, #tpu.memory_space<semaphore_mem>>) src(%dma_wait3A_193 : memref<128x128xf32, #tpu.memory_space<vmem_shared>>) dst(%arg9 : memref<128x128xf32, #tpu.memory_space<vmem>>)
      tpu.yield
    }) : () -> ()
    %mul3A_164 = arith.constant 10240 : i32
    %mul3A_165 = arith.muli %arg0, %mul3A_164 : i32
    %add3A_166 = arith.addi %mul3A_165, %add3A_163 : i32
    "tpu.region"() ({
      %run_scoped3A = tpu.sem_alloc : memref<!tpu.dma_semaphore, #tpu.memory_space<semaphore_mem>>
      %dma_start3A = arith.constant 0 : i32
      %dma_start3A_188 = tpu.memref_slice %arg6[%add3A_166, %dma_start3A] : memref<20480x128xf32, #tpu.memory_space<hbm>> -> memref<128x128xf32, #tpu.memory_space<hbm>>
      %dma_start3A_189 = arith.constant 0 : i32
      %dma_start3A_190 = tpu.memref_slice %arg6[%add3A_166, %dma_start3A_189] : memref<20480x128xf32, #tpu.memory_space<hbm>> -> memref<128x128xf32, #tpu.memory_space<hbm>>
      tpu.enqueue_dma source(%arg9 : memref<128x128xf32, #tpu.memory_space<vmem>>) target(%dma_start3A_190 : memref<128x128xf32, #tpu.memory_space<hbm>>) target_semaphore(%run_scoped3A : memref<!tpu.dma_semaphore, #tpu.memory_space<semaphore_mem>>)
      %dma_wait3A = arith.constant 0 : i32
      %dma_wait3A_191 = tpu.memref_slice %arg6[%add3A_166, %dma_wait3A] : memref<20480x128xf32, #tpu.memory_space<hbm>> -> memref<128x128xf32, #tpu.memory_space<hbm>>
      %dma_wait3A_192 = arith.constant 0 : i32
      %dma_wait3A_193 = tpu.memref_slice %arg6[%add3A_166, %dma_wait3A_192] : memref<20480x128xf32, #tpu.memory_space<hbm>> -> memref<128x128xf32, #tpu.memory_space<hbm>>
      tpu.wait_dma2 semaphore(%run_scoped3A : memref<!tpu.dma_semaphore, #tpu.memory_space<semaphore_mem>>) src(%arg9 : memref<128x128xf32, #tpu.memory_space<vmem>>) dst(%dma_wait3A_193 : memref<128x128xf32, #tpu.memory_space<hbm>>)
      tpu.yield
    }) : () -> ()
    %mul3A_167 = arith.constant 640 : i32
    %mul3A_168 = arith.muli %arg1, %mul3A_167 : i32
    %add3A_169 = arith.constant 256 : i32
    %add3A_170 = arith.addi %mul3A_168, %add3A_169 : i32
    "tpu.region"() ({
      %run_scoped3A = tpu.sem_alloc : memref<!tpu.dma_semaphore, #tpu.memory_space<semaphore_mem>>
      %dma_start3A = arith.constant 0 : i32
      %dma_start3A_188 = tpu.memref_slice %arg13[%add3A_170, %dma_start3A] : memref<10240x128xf32, #tpu.memory_space<vmem_shared>> -> memref<128x128xf32, #tpu.memory_space<vmem_shared>>
      %dma_start3A_189 = arith.constant 0 : i32
      %dma_start3A_190 = tpu.memref_slice %arg13[%add3A_170, %dma_start3A_189] : memref<10240x128xf32, #tpu.memory_space<vmem_shared>> -> memref<128x128xf32, #tpu.memory_space<vmem_shared>>
      tpu.enqueue_dma source(%dma_start3A_190 : memref<128x128xf32, #tpu.memory_space<vmem_shared>>) target(%arg9 : memref<128x128xf32, #tpu.memory_space<vmem>>) target_semaphore(%run_scoped3A : memref<!tpu.dma_semaphore, #tpu.memory_space<semaphore_mem>>)
      %dma_wait3A = arith.constant 0 : i32
      %dma_wait3A_191 = tpu.memref_slice %arg13[%add3A_170, %dma_wait3A] : memref<10240x128xf32, #tpu.memory_space<vmem_shared>> -> memref<128x128xf32, #tpu.memory_space<vmem_shared>>
      %dma_wait3A_192 = arith.constant 0 : i32
      %dma_wait3A_193 = tpu.memref_slice %arg13[%add3A_170, %dma_wait3A_192] : memref<10240x128xf32, #tpu.memory_space<vmem_shared>> -> memref<128x128xf32, #tpu.memory_space<vmem_shared>>
      tpu.wait_dma2 semaphore(%run_scoped3A : memref<!tpu.dma_semaphore, #tpu.memory_space<semaphore_mem>>) src(%dma_wait3A_193 : memref<128x128xf32, #tpu.memory_space<vmem_shared>>) dst(%arg9 : memref<128x128xf32, #tpu.memory_space<vmem>>)
      tpu.yield
    }) : () -> ()
    %mul3A_171 = arith.constant 10240 : i32
    %mul3A_172 = arith.muli %arg0, %mul3A_171 : i32
    %add3A_173 = arith.addi %mul3A_172, %add3A_170 : i32
    "tpu.region"() ({
      %run_scoped3A = tpu.sem_alloc : memref<!tpu.dma_semaphore, #tpu.memory_space<semaphore_mem>>
      %dma_start3A = arith.constant 0 : i32
      %dma_start3A_188 = tpu.memref_slice %arg6[%add3A_173, %dma_start3A] : memref<20480x128xf32, #tpu.memory_space<hbm>> -> memref<128x128xf32, #tpu.memory_space<hbm>>
      %dma_start3A_189 = arith.constant 0 : i32
      %dma_start3A_190 = tpu.memref_slice %arg6[%add3A_173, %dma_start3A_189] : memref<20480x128xf32, #tpu.memory_space<hbm>> -> memref<128x128xf32, #tpu.memory_space<hbm>>
      tpu.enqueue_dma source(%arg9 : memref<128x128xf32, #tpu.memory_space<vmem>>) target(%dma_start3A_190 : memref<128x128xf32, #tpu.memory_space<hbm>>) target_semaphore(%run_scoped3A : memref<!tpu.dma_semaphore, #tpu.memory_space<semaphore_mem>>)
      %dma_wait3A = arith.constant 0 : i32
      %dma_wait3A_191 = tpu.memref_slice %arg6[%add3A_173, %dma_wait3A] : memref<20480x128xf32, #tpu.memory_space<hbm>> -> memref<128x128xf32, #tpu.memory_space<hbm>>
      %dma_wait3A_192 = arith.constant 0 : i32
      %dma_wait3A_193 = tpu.memref_slice %arg6[%add3A_173, %dma_wait3A_192] : memref<20480x128xf32, #tpu.memory_space<hbm>> -> memref<128x128xf32, #tpu.memory_space<hbm>>
      tpu.wait_dma2 semaphore(%run_scoped3A : memref<!tpu.dma_semaphore, #tpu.memory_space<semaphore_mem>>) src(%arg9 : memref<128x128xf32, #tpu.memory_space<vmem>>) dst(%dma_wait3A_193 : memref<128x128xf32, #tpu.memory_space<hbm>>)
      tpu.yield
    }) : () -> ()
    %mul3A_174 = arith.constant 640 : i32
    %mul3A_175 = arith.muli %arg1, %mul3A_174 : i32
    %add3A_176 = arith.constant 384 : i32
    %add3A_177 = arith.addi %mul3A_175, %add3A_176 : i32
    "tpu.region"() ({
      %run_scoped3A = tpu.sem_alloc : memref<!tpu.dma_semaphore, #tpu.memory_space<semaphore_mem>>
      %dma_start3A = arith.constant 0 : i32
      %dma_start3A_188 = tpu.memref_slice %arg13[%add3A_177, %dma_start3A] : memref<10240x128xf32, #tpu.memory_space<vmem_shared>> -> memref<128x128xf32, #tpu.memory_space<vmem_shared>>
      %dma_start3A_189 = arith.constant 0 : i32
      %dma_start3A_190 = tpu.memref_slice %arg13[%add3A_177, %dma_start3A_189] : memref<10240x128xf32, #tpu.memory_space<vmem_shared>> -> memref<128x128xf32, #tpu.memory_space<vmem_shared>>
      tpu.enqueue_dma source(%dma_start3A_190 : memref<128x128xf32, #tpu.memory_space<vmem_shared>>) target(%arg9 : memref<128x128xf32, #tpu.memory_space<vmem>>) target_semaphore(%run_scoped3A : memref<!tpu.dma_semaphore, #tpu.memory_space<semaphore_mem>>)
      %dma_wait3A = arith.constant 0 : i32
      %dma_wait3A_191 = tpu.memref_slice %arg13[%add3A_177, %dma_wait3A] : memref<10240x128xf32, #tpu.memory_space<vmem_shared>> -> memref<128x128xf32, #tpu.memory_space<vmem_shared>>
      %dma_wait3A_192 = arith.constant 0 : i32
      %dma_wait3A_193 = tpu.memref_slice %arg13[%add3A_177, %dma_wait3A_192] : memref<10240x128xf32, #tpu.memory_space<vmem_shared>> -> memref<128x128xf32, #tpu.memory_space<vmem_shared>>
      tpu.wait_dma2 semaphore(%run_scoped3A : memref<!tpu.dma_semaphore, #tpu.memory_space<semaphore_mem>>) src(%dma_wait3A_193 : memref<128x128xf32, #tpu.memory_space<vmem_shared>>) dst(%arg9 : memref<128x128xf32, #tpu.memory_space<vmem>>)
      tpu.yield
    }) : () -> ()
    %mul3A_178 = arith.constant 10240 : i32
    %mul3A_179 = arith.muli %arg0, %mul3A_178 : i32
    %add3A_180 = arith.addi %mul3A_179, %add3A_177 : i32
    "tpu.region"() ({
      %run_scoped3A = tpu.sem_alloc : memref<!tpu.dma_semaphore, #tpu.memory_space<semaphore_mem>>
      %dma_start3A = arith.constant 0 : i32
      %dma_start3A_188 = tpu.memref_slice %arg6[%add3A_180, %dma_start3A] : memref<20480x128xf32, #tpu.memory_space<hbm>> -> memref<128x128xf32, #tpu.memory_space<hbm>>
      %dma_start3A_189 = arith.constant 0 : i32
      %dma_start3A_190 = tpu.memref_slice %arg6[%add3A_180, %dma_start3A_189] : memref<20480x128xf32, #tpu.memory_space<hbm>> -> memref<128x128xf32, #tpu.memory_space<hbm>>
      tpu.enqueue_dma source(%arg9 : memref<128x128xf32, #tpu.memory_space<vmem>>) target(%dma_start3A_190 : memref<128x128xf32, #tpu.memory_space<hbm>>) target_semaphore(%run_scoped3A : memref<!tpu.dma_semaphore, #tpu.memory_space<semaphore_mem>>)
      %dma_wait3A = arith.constant 0 : i32
      %dma_wait3A_191 = tpu.memref_slice %arg6[%add3A_180, %dma_wait3A] : memref<20480x128xf32, #tpu.memory_space<hbm>> -> memref<128x128xf32, #tpu.memory_space<hbm>>
      %dma_wait3A_192 = arith.constant 0 : i32
      %dma_wait3A_193 = tpu.memref_slice %arg6[%add3A_180, %dma_wait3A_192] : memref<20480x128xf32, #tpu.memory_space<hbm>> -> memref<128x128xf32, #tpu.memory_space<hbm>>
      tpu.wait_dma2 semaphore(%run_scoped3A : memref<!tpu.dma_semaphore, #tpu.memory_space<semaphore_mem>>) src(%arg9 : memref<128x128xf32, #tpu.memory_space<vmem>>) dst(%dma_wait3A_193 : memref<128x128xf32, #tpu.memory_space<hbm>>)
      tpu.yield
    }) : () -> ()
    %mul3A_181 = arith.constant 640 : i32
    %mul3A_182 = arith.muli %arg1, %mul3A_181 : i32
    %add3A_183 = arith.constant 512 : i32
    %add3A_184 = arith.addi %mul3A_182, %add3A_183 : i32
    "tpu.region"() ({
      %run_scoped3A = tpu.sem_alloc : memref<!tpu.dma_semaphore, #tpu.memory_space<semaphore_mem>>
      %dma_start3A = arith.constant 0 : i32
      %dma_start3A_188 = tpu.memref_slice %arg13[%add3A_184, %dma_start3A] : memref<10240x128xf32, #tpu.memory_space<vmem_shared>> -> memref<128x128xf32, #tpu.memory_space<vmem_shared>>
      %dma_start3A_189 = arith.constant 0 : i32
      %dma_start3A_190 = tpu.memref_slice %arg13[%add3A_184, %dma_start3A_189] : memref<10240x128xf32, #tpu.memory_space<vmem_shared>> -> memref<128x128xf32, #tpu.memory_space<vmem_shared>>
      tpu.enqueue_dma source(%dma_start3A_190 : memref<128x128xf32, #tpu.memory_space<vmem_shared>>) target(%arg9 : memref<128x128xf32, #tpu.memory_space<vmem>>) target_semaphore(%run_scoped3A : memref<!tpu.dma_semaphore, #tpu.memory_space<semaphore_mem>>)
      %dma_wait3A = arith.constant 0 : i32
      %dma_wait3A_191 = tpu.memref_slice %arg13[%add3A_184, %dma_wait3A] : memref<10240x128xf32, #tpu.memory_space<vmem_shared>> -> memref<128x128xf32, #tpu.memory_space<vmem_shared>>
      %dma_wait3A_192 = arith.constant 0 : i32
      %dma_wait3A_193 = tpu.memref_slice %arg13[%add3A_184, %dma_wait3A_192] : memref<10240x128xf32, #tpu.memory_space<vmem_shared>> -> memref<128x128xf32, #tpu.memory_space<vmem_shared>>
      tpu.wait_dma2 semaphore(%run_scoped3A : memref<!tpu.dma_semaphore, #tpu.memory_space<semaphore_mem>>) src(%dma_wait3A_193 : memref<128x128xf32, #tpu.memory_space<vmem_shared>>) dst(%arg9 : memref<128x128xf32, #tpu.memory_space<vmem>>)
      tpu.yield
    }) : () -> ()
    %mul3A_185 = arith.constant 10240 : i32
    %mul3A_186 = arith.muli %arg0, %mul3A_185 : i32
    %add3A_187 = arith.addi %mul3A_186, %add3A_184 : i32
    "tpu.region"() ({
      %run_scoped3A = tpu.sem_alloc : memref<!tpu.dma_semaphore, #tpu.memory_space<semaphore_mem>>
      %dma_start3A = arith.constant 0 : i32
      %dma_start3A_188 = tpu.memref_slice %arg6[%add3A_187, %dma_start3A] : memref<20480x128xf32, #tpu.memory_space<hbm>> -> memref<128x128xf32, #tpu.memory_space<hbm>>
      %dma_start3A_189 = arith.constant 0 : i32
      %dma_start3A_190 = tpu.memref_slice %arg6[%add3A_187, %dma_start3A_189] : memref<20480x128xf32, #tpu.memory_space<hbm>> -> memref<128x128xf32, #tpu.memory_space<hbm>>
      tpu.enqueue_dma source(%arg9 : memref<128x128xf32, #tpu.memory_space<vmem>>) target(%dma_start3A_190 : memref<128x128xf32, #tpu.memory_space<hbm>>) target_semaphore(%run_scoped3A : memref<!tpu.dma_semaphore, #tpu.memory_space<semaphore_mem>>)
      %dma_wait3A = arith.constant 0 : i32
      %dma_wait3A_191 = tpu.memref_slice %arg6[%add3A_187, %dma_wait3A] : memref<20480x128xf32, #tpu.memory_space<hbm>> -> memref<128x128xf32, #tpu.memory_space<hbm>>
      %dma_wait3A_192 = arith.constant 0 : i32
      %dma_wait3A_193 = tpu.memref_slice %arg6[%add3A_187, %dma_wait3A_192] : memref<20480x128xf32, #tpu.memory_space<hbm>> -> memref<128x128xf32, #tpu.memory_space<hbm>>
      tpu.wait_dma2 semaphore(%run_scoped3A : memref<!tpu.dma_semaphore, #tpu.memory_space<semaphore_mem>>) src(%arg9 : memref<128x128xf32, #tpu.memory_space<vmem>>) dst(%dma_wait3A_193 : memref<128x128xf32, #tpu.memory_space<hbm>>)
      tpu.yield
    }) : () -> ()
    return
  }
}

module attributes {stable_mosaic.version = 14 : i64} {
  func.func @_mm1_body(%arg0: i32, %arg1: memref<1024x128xf32, #tpu.memory_space<vmem>>, %arg2: memref<128x128xf32, #tpu.memory_space<vmem>>, %arg3: memref<1024x128xf32, #tpu.memory_space<vmem>>, %arg4: memref<1024x128xf32, #tpu.memory_space<vmem>>, %arg5: memref<1024x128xf32, #tpu.memory_space<vmem>>) attributes {dimension_semantics = [#tpu.dimension_semantics<arbitrary>], iteration_bounds = array<i64: 10>, scalar_prefetch = 0 : i64, scratch_operands = 0 : i64, tpu.core_type = #tpu.core_type<tc>, window_params = [{transform_indices = @transform_0, window_bounds = array<i64: 1024, 128>}, {pipeline_mode = #tpu.pipeline_mode<synchronous>, transform_indices = @transform_1, window_bounds = array<i64: 128, 128>}, {transform_indices = @transform_2, window_bounds = array<i64: 1024, 128>}, {transform_indices = @transform_3, window_bounds = array<i64: 1024, 128>}, {transform_indices = @transform_4, window_bounds = array<i64: 1024, 128>}]} {
    %get3A = arith.constant 0 : index
    %get3A_0 = arith.constant 0 : index
    %get3A_1 = vector.load %arg3[%get3A, %get3A_0] : memref<1024x128xf32, #tpu.memory_space<vmem>>, vector<1024x128xf32>
    %get3A_2 = arith.constant 0 : index
    %get3A_3 = arith.constant 0 : index
    %get3A_4 = vector.load %arg4[%get3A_2, %get3A_3] : memref<1024x128xf32, #tpu.memory_space<vmem>>, vector<1024x128xf32>
    %slice3A = vector.extract_strided_slice %get3A_1 {offsets = [0, 0], sizes = [1024, 1], strides = [1, 1]} : vector<1024x128xf32> to vector<1024x1xf32>
    %slice3A_5 = vector.extract_strided_slice %get3A_4 {offsets = [0, 0], sizes = [1024, 1], strides = [1, 1]} : vector<1024x128xf32> to vector<1024x1xf32>
    %add3A = arith.addf %slice3A, %slice3A_5 : vector<1024x1xf32>
    %add3A_6 = arith.constant 1.000000e+00 : f32
    %add3A_7 = vector.broadcast %add3A_6 : f32 to vector<1024x1xf32>
    %add3A_8 = arith.addf %add3A, %add3A_7 : vector<1024x1xf32>
    %rsqrt3A = math.rsqrt %add3A_8 : vector<1024x1xf32>
    %get3A_9 = arith.constant 0 : index
    %get3A_10 = arith.constant 0 : index
    %get3A_11 = vector.load %arg1[%get3A_9, %get3A_10] : memref<1024x128xf32, #tpu.memory_space<vmem>>, vector<1024x128xf32>
    %get3A_12 = arith.constant 0 : index
    %get3A_13 = arith.constant 0 : index
    %get3A_14 = vector.load %arg2[%get3A_12, %get3A_13] : memref<128x128xf32, #tpu.memory_space<vmem>>, vector<128x128xf32>
    %dot_general3A = arith.constant dense<0.000000e+00> : vector<1024x128xf32>
    %dot_general3A_15 = tpu.matmul %get3A_11, %get3A_14, %dot_general3A {dimension_numbers = #tpu.dot_dimension_numbers<[1], [0], [0], [1], [0, 0, 1, 1], [], []>, transpose_lhs_hint = false} : vector<1024x128xf32>, vector<128x128xf32>, vector<1024x128xf32> -> vector<1024x128xf32>
    %mul3A = vector.broadcast %rsqrt3A : vector<1024x1xf32> to vector<1024x128xf32>
    %mul3A_16 = arith.mulf %mul3A, %dot_general3A_15 : vector<1024x128xf32>
    %swap3A = arith.constant 0 : index
    %swap3A_17 = arith.constant 0 : index
    %swap3A_18 = vector.load %arg5[%swap3A, %swap3A_17] : memref<1024x128xf32, #tpu.memory_space<vmem>>, vector<1024x128xf32>
    tpu.vector_store %arg5[%swap3A, %swap3A_17], %mul3A_16 {strides = array<i32>} : memref<1024x128xf32, #tpu.memory_space<vmem>>, vector<1024x128xf32>,
    return
  }
  func.func @transform_0(%arg0: i32) -> (i32, i32) {
    %c0_i32 = arith.constant 0 : i32
    %c0_i32_0 = arith.constant 0 : i32
    return %arg0, %c0_i32 : i32, i32
  }
  func.func @transform_1(%arg0: i32) -> (i32, i32) {
    %c0_i32 = arith.constant 0 : i32
    %c0_i32_0 = arith.constant 0 : i32
    %c0_i32_1 = arith.constant 0 : i32
    return %c0_i32, %c0_i32_0 : i32, i32
  }
  func.func @transform_2(%arg0: i32) -> (i32, i32) {
    %c0_i32 = arith.constant 0 : i32
    %c0_i32_0 = arith.constant 0 : i32
    return %arg0, %c0_i32 : i32, i32
  }
  func.func @transform_3(%arg0: i32) -> (i32, i32) {
    %c0_i32 = arith.constant 0 : i32
    %c0_i32_0 = arith.constant 0 : i32
    return %arg0, %c0_i32 : i32, i32
  }
  func.func @transform_4(%arg0: i32) -> (i32, i32) {
    %c0_i32 = arith.constant 0 : i32
    %c0_i32_0 = arith.constant 0 : i32
    return %arg0, %c0_i32 : i32, i32
  }
}

module attributes {stable_mosaic.version = 14 : i64} {
  func.func @_mm2_body(%arg0: i32, %arg1: memref<1024x128xf32, #tpu.memory_space<vmem>>, %arg2: memref<1024x128xf32, #tpu.memory_space<vmem>>, %arg3: memref<1024x128xf32, #tpu.memory_space<vmem>>, %arg4: memref<1024x128xf32, #tpu.memory_space<vmem>>, %arg5: memref<1024x128xf32, #tpu.memory_space<vmem>>, %arg6: memref<128x128xf32, #tpu.memory_space<vmem>>, %arg7: memref<1024x128xf32, #tpu.memory_space<vmem>>) attributes {dimension_semantics = [#tpu.dimension_semantics<arbitrary>], iteration_bounds = array<i64: 10>, scalar_prefetch = 0 : i64, scratch_operands = 0 : i64, tpu.core_type = #tpu.core_type<tc>, window_params = [{transform_indices = @transform_0, window_bounds = array<i64: 1024, 128>}, {transform_indices = @transform_1, window_bounds = array<i64: 1024, 128>}, {transform_indices = @transform_2, window_bounds = array<i64: 1024, 128>}, {transform_indices = @transform_3, window_bounds = array<i64: 1024, 128>}, {transform_indices = @transform_4, window_bounds = array<i64: 1024, 128>}, {pipeline_mode = #tpu.pipeline_mode<synchronous>, transform_indices = @transform_5, window_bounds = array<i64: 128, 128>}, {transform_indices = @transform_6, window_bounds = array<i64: 1024, 128>}]} {
    %get3A = arith.constant 0 : index
    %get3A_0 = arith.constant 0 : index
    %get3A_1 = vector.load %arg4[%get3A, %get3A_0] : memref<1024x128xf32, #tpu.memory_space<vmem>>, vector<1024x128xf32>
    %get3A_2 = arith.constant 0 : index
    %get3A_3 = arith.constant 0 : index
    %get3A_4 = vector.load %arg5[%get3A_2, %get3A_3] : memref<1024x128xf32, #tpu.memory_space<vmem>>, vector<1024x128xf32>
    %slice3A = vector.extract_strided_slice %get3A_1 {offsets = [0, 0], sizes = [1024, 1], strides = [1, 1]} : vector<1024x128xf32> to vector<1024x1xf32>
    %slice3A_5 = vector.extract_strided_slice %get3A_4 {offsets = [0, 0], sizes = [1024, 1], strides = [1, 1]} : vector<1024x128xf32> to vector<1024x1xf32>
    %add3A = arith.addf %slice3A, %slice3A_5 : vector<1024x1xf32>
    %add3A_6 = arith.constant 1.000000e+00 : f32
    %add3A_7 = vector.broadcast %add3A_6 : f32 to vector<1024x1xf32>
    %add3A_8 = arith.addf %add3A, %add3A_7 : vector<1024x1xf32>
    %rsqrt3A = math.rsqrt %add3A_8 : vector<1024x1xf32>
    %get3A_9 = arith.constant 0 : index
    %get3A_10 = arith.constant 0 : index
    %get3A_11 = vector.load %arg1[%get3A_9, %get3A_10] : memref<1024x128xf32, #tpu.memory_space<vmem>>, vector<1024x128xf32>
    %get3A_12 = arith.constant 0 : index
    %get3A_13 = arith.constant 0 : index
    %get3A_14 = vector.load %arg2[%get3A_12, %get3A_13] : memref<1024x128xf32, #tpu.memory_space<vmem>>, vector<1024x128xf32>
    %add3A_15 = arith.addf %get3A_11, %get3A_14 : vector<1024x128xf32>
    %get3A_16 = arith.constant 0 : index
    %get3A_17 = arith.constant 0 : index
    %get3A_18 = vector.load %arg3[%get3A_16, %get3A_17] : memref<1024x128xf32, #tpu.memory_space<vmem>>, vector<1024x128xf32>
    %add3A_19 = arith.addf %add3A_15, %get3A_18 : vector<1024x128xf32>
    %mul3A = vector.broadcast %rsqrt3A : vector<1024x1xf32> to vector<1024x128xf32>
    %mul3A_20 = arith.mulf %mul3A, %add3A_19 : vector<1024x128xf32>
    %max3A = arith.constant 0.000000e+00 : f32
    %max3A_21 = vector.broadcast %max3A : f32 to vector<1024x128xf32>
    %max3A_22 = arith.maximumf %mul3A_20, %max3A_21 : vector<1024x128xf32>
    %get3A_23 = arith.constant 0 : index
    %get3A_24 = arith.constant 0 : index
    %get3A_25 = vector.load %arg6[%get3A_23, %get3A_24] : memref<128x128xf32, #tpu.memory_space<vmem>>, vector<128x128xf32>
    %dot_general3A = arith.constant dense<0.000000e+00> : vector<1024x128xf32>
    %dot_general3A_26 = tpu.matmul %max3A_22, %get3A_25, %dot_general3A {dimension_numbers = #tpu.dot_dimension_numbers<[1], [0], [0], [1], [0, 0, 1, 1], [], []>, transpose_lhs_hint = false} : vector<1024x128xf32>, vector<128x128xf32>, vector<1024x128xf32> -> vector<1024x128xf32>
    %mul3A_27 = vector.broadcast %rsqrt3A : vector<1024x1xf32> to vector<1024x128xf32>
    %mul3A_28 = arith.mulf %mul3A_27, %dot_general3A_26 : vector<1024x128xf32>
    %swap3A = arith.constant 0 : index
    %swap3A_29 = arith.constant 0 : index
    %swap3A_30 = vector.load %arg7[%swap3A, %swap3A_29] : memref<1024x128xf32, #tpu.memory_space<vmem>>, vector<1024x128xf32>
    tpu.vector_store %arg7[%swap3A, %swap3A_29], %mul3A_28 {strides = array<i32>} : memref<1024x128xf32, #tpu.memory_space<vmem>>, vector<1024x128xf32>,
    return
  }
  func.func @transform_0(%arg0: i32) -> (i32, i32) {
    %c0_i32 = arith.constant 0 : i32
    %c0_i32_0 = arith.constant 0 : i32
    return %arg0, %c0_i32 : i32, i32
  }
  func.func @transform_1(%arg0: i32) -> (i32, i32) {
    %c0_i32 = arith.constant 0 : i32
    %c0_i32_0 = arith.constant 0 : i32
    return %arg0, %c0_i32 : i32, i32
  }
  func.func @transform_2(%arg0: i32) -> (i32, i32) {
    %c0_i32 = arith.constant 0 : i32
    %c0_i32_0 = arith.constant 0 : i32
    return %arg0, %c0_i32 : i32, i32
  }
  func.func @transform_3(%arg0: i32) -> (i32, i32) {
    %c0_i32 = arith.constant 0 : i32
    %c0_i32_0 = arith.constant 0 : i32
    return %arg0, %c0_i32 : i32, i32
  }
  func.func @transform_4(%arg0: i32) -> (i32, i32) {
    %c0_i32 = arith.constant 0 : i32
    %c0_i32_0 = arith.constant 0 : i32
    return %arg0, %c0_i32 : i32, i32
  }
  func.func @transform_5(%arg0: i32) -> (i32, i32) {
    %c0_i32 = arith.constant 0 : i32
    %c0_i32_0 = arith.constant 0 : i32
    %c0_i32_1 = arith.constant 0 : i32
    return %c0_i32, %c0_i32_0 : i32, i32
  }
  func.func @transform_6(%arg0: i32) -> (i32, i32) {
    %c0_i32 = arith.constant 0 : i32
    %c0_i32_0 = arith.constant 0 : i32
    return %arg0, %c0_i32 : i32, i32
  }
}

module attributes {stable_mosaic.version = 14 : i64} {
  func.func @_final_body(%arg0: i32, %arg1: memref<1024x128xf32, #tpu.memory_space<vmem>>, %arg2: memref<1024x128xf32, #tpu.memory_space<vmem>>, %arg3: memref<1024x128xf32, #tpu.memory_space<vmem>>, %arg4: memref<1024x128xf32, #tpu.memory_space<vmem>>, %arg5: memref<1024x128xf32, #tpu.memory_space<vmem>>, %arg6: memref<1024x128xf32, #tpu.memory_space<vmem>>) attributes {dimension_semantics = [#tpu.dimension_semantics<arbitrary>], iteration_bounds = array<i64: 10>, scalar_prefetch = 0 : i64, scratch_operands = 0 : i64, tpu.core_type = #tpu.core_type<tc>, window_params = [{transform_indices = @transform_0, window_bounds = array<i64: 1024, 128>}, {transform_indices = @transform_1, window_bounds = array<i64: 1024, 128>}, {transform_indices = @transform_2, window_bounds = array<i64: 1024, 128>}, {transform_indices = @transform_3, window_bounds = array<i64: 1024, 128>}, {transform_indices = @transform_4, window_bounds = array<i64: 1024, 128>}, {transform_indices = @transform_5, window_bounds = array<i64: 1024, 128>}]} {
    %get3A = arith.constant 0 : index
    %get3A_0 = arith.constant 0 : index
    %get3A_1 = vector.load %arg4[%get3A, %get3A_0] : memref<1024x128xf32, #tpu.memory_space<vmem>>, vector<1024x128xf32>
    %get3A_2 = arith.constant 0 : index
    %get3A_3 = arith.constant 0 : index
    %get3A_4 = vector.load %arg5[%get3A_2, %get3A_3] : memref<1024x128xf32, #tpu.memory_space<vmem>>, vector<1024x128xf32>
    %slice3A = vector.extract_strided_slice %get3A_1 {offsets = [0, 0], sizes = [1024, 1], strides = [1, 1]} : vector<1024x128xf32> to vector<1024x1xf32>
    %slice3A_5 = vector.extract_strided_slice %get3A_4 {offsets = [0, 0], sizes = [1024, 1], strides = [1, 1]} : vector<1024x128xf32> to vector<1024x1xf32>
    %add3A = arith.addf %slice3A, %slice3A_5 : vector<1024x1xf32>
    %add3A_6 = arith.constant 1.000000e+00 : f32
    %add3A_7 = vector.broadcast %add3A_6 : f32 to vector<1024x1xf32>
    %add3A_8 = arith.addf %add3A, %add3A_7 : vector<1024x1xf32>
    %rsqrt3A = math.rsqrt %add3A_8 : vector<1024x1xf32>
    %get3A_9 = arith.constant 0 : index
    %get3A_10 = arith.constant 0 : index
    %get3A_11 = vector.load %arg1[%get3A_9, %get3A_10] : memref<1024x128xf32, #tpu.memory_space<vmem>>, vector<1024x128xf32>
    %get3A_12 = arith.constant 0 : index
    %get3A_13 = arith.constant 0 : index
    %get3A_14 = vector.load %arg2[%get3A_12, %get3A_13] : memref<1024x128xf32, #tpu.memory_space<vmem>>, vector<1024x128xf32>
    %add3A_15 = arith.addf %get3A_11, %get3A_14 : vector<1024x128xf32>
    %get3A_16 = arith.constant 0 : index
    %get3A_17 = arith.constant 0 : index
    %get3A_18 = vector.load %arg3[%get3A_16, %get3A_17] : memref<1024x128xf32, #tpu.memory_space<vmem>>, vector<1024x128xf32>
    %add3A_19 = arith.addf %add3A_15, %get3A_18 : vector<1024x128xf32>
    %mul3A = vector.broadcast %rsqrt3A : vector<1024x1xf32> to vector<1024x128xf32>
    %mul3A_20 = arith.mulf %mul3A, %add3A_19 : vector<1024x128xf32>
    %reduce_max3A = arith.constant dense<0xFF800000> : vector<1024xf32>
    %reduce_max3A_21 = vector.multi_reduction <maximumf>, %mul3A_20, %reduce_max3A [1] : vector<1024x128xf32> to vector<1024xf32>
    %broadcast_in_dim3A = vector.shape_cast %reduce_max3A_21 : vector<1024xf32> to vector<1024x1xf32>
    %sub3A = vector.broadcast %broadcast_in_dim3A : vector<1024x1xf32> to vector<1024x128xf32>
    %sub3A_22 = arith.subf %mul3A_20, %sub3A : vector<1024x128xf32>
    %exp3A = math.exp %sub3A_22 : vector<1024x128xf32>
    %reduce_sum3A = arith.constant dense<0.000000e+00> : vector<1024xf32>
    %reduce_sum3A_23 = vector.multi_reduction <add>, %exp3A, %reduce_sum3A [1] : vector<1024x128xf32> to vector<1024xf32>
    %broadcast_in_dim3A_24 = vector.shape_cast %reduce_sum3A_23 : vector<1024xf32> to vector<1024x1xf32>
    %log3A = math.log %broadcast_in_dim3A_24 : vector<1024x1xf32>
    %sub3A_25 = vector.broadcast %log3A : vector<1024x1xf32> to vector<1024x128xf32>
    %sub3A_26 = arith.subf %sub3A_22, %sub3A_25 : vector<1024x128xf32>
    %swap3A = arith.constant 0 : index
    %swap3A_27 = arith.constant 0 : index
    %swap3A_28 = vector.load %arg6[%swap3A, %swap3A_27] : memref<1024x128xf32, #tpu.memory_space<vmem>>, vector<1024x128xf32>
    tpu.vector_store %arg6[%swap3A, %swap3A_27], %sub3A_26 {strides = array<i32>} : memref<1024x128xf32, #tpu.memory_space<vmem>>, vector<1024x128xf32>,
    return
  }
  func.func @transform_0(%arg0: i32) -> (i32, i32) {
    %c0_i32 = arith.constant 0 : i32
    %c0_i32_0 = arith.constant 0 : i32
    return %arg0, %c0_i32 : i32, i32
  }
  func.func @transform_1(%arg0: i32) -> (i32, i32) {
    %c0_i32 = arith.constant 0 : i32
    %c0_i32_0 = arith.constant 0 : i32
    return %arg0, %c0_i32 : i32, i32
  }
  func.func @transform_2(%arg0: i32) -> (i32, i32) {
    %c0_i32 = arith.constant 0 : i32
    %c0_i32_0 = arith.constant 0 : i32
    return %arg0, %c0_i32 : i32, i32
  }
  func.func @transform_3(%arg0: i32) -> (i32, i32) {
    %c0_i32 = arith.constant 0 : i32
    %c0_i32_0 = arith.constant 0 : i32
    return %arg0, %c0_i32 : i32, i32
  }
  func.func @transform_4(%arg0: i32) -> (i32, i32) {
    %c0_i32 = arith.constant 0 : i32
    %c0_i32_0 = arith.constant 0 : i32
    return %arg0, %c0_i32 : i32, i32
  }
  func.func @transform_5(%arg0: i32) -> (i32, i32) {
    %c0_i32 = arith.constant 0 : i32
    %c0_i32_0 = arith.constant 0 : i32
    return %arg0, %c0_i32 : i32, i32
  }
}

</mosaic_0001>

<sc_bundles>
// kernel: kernel.11.cloned.1.call-start
scs
__scs_entry_jumppad:
0x0: {  	(pc) =	sbr.rel $0x88, $3  }
0x1: {  	(tag) =	ssettag $0x0;
	lr =	simm.s32 $0x1  }
0x2: {  	[smem:$0x3F9D] =	sst lr;
	_ =	strace $0xD0000000  }
0x3: {  	_ = 	snop  }
0x4: {  	_ = 	snop  }
0x5: {  	_ = 	snop  }
0x6: {  	_ = 	snop  }
0x7: {  	_ = 	snop  }
__scs_overlays_trampoline_lowered:
0x8: {  	[smem:$0x3FAC] =	sst s0  }
0x9: {  	[smem:$0x3FAD] =	sst s1  }
0xa: {  	[smem:$0x3FAE] =	sst s2  }
0xb: {  	[smem:$0x3FAF] =	sst s3  }
0xc: {  	[smem:$0x3FB0] =	sst s4  }
0xd: {  	[smem:$0x3FB1] =	sst s5  }
0xe: {  	[smem:$0x3FB2] =	sst s6  }
0xf: {  	[smem:$0x3FB3] =	sst s7  }
0x10: {  	[smem:$0x3FB4] =	sst s8  }
0x11: {  	[smem:$0x3FB5] =	sst s9;
	s0 =	simm.s32 @!p0 $0x0  }
0x12: {  	s1 =	sld [smem:$0x3F9B];
	s0 =	simm.s32 @p0 $0x1  }
0x13: {  	[smem:$0x3FB6] =	sst s0;
	s0 =	simm.s32 @!p1 $0x0  }
0x14: {  	s2 =	sld [smem:$0x3F9A];
	s0 =	simm.s32 @p1 $0x1  }
0x15: {  	[smem:$0x3FB7] =	sst s0;
	s0 =	simm.s32 @!p2 $0x0  }
0x16: {  	s3 =	sld [smem:$0x3FDB];
	s0 =	simm.s32 @p2 $0x1  }
0x17: {  	s4 =	simm.s32 $0x1BF5;
	[smem:$0x3FB9] =	sst s0  }
0x18: {  	s0 =	sld [smem:$0x3F9C];
	_ =	swait.ge [sflag:s4], $0x0  }
0x19: {  	s7 =	sld [smem:$0x3F9D]  }
0x1a: {  	s8 =	sadd.s32 $0xFFFFE003, lr  }
0x1b: {  	s9 =	sadd.s32 $0xFFFFFEF7, lr;
	s5 =	simm.s32 $0xFFFFFFFF;
	p2 =	slt.u32 s8, $0xFFFFF086  }
0x1c: {  	p1 =	slt.u32 s9, $0xF7A;
	s5 =	simm.s32 @!p2 $0x0  }
0x1d: {  	s5 =	simm.s32 @p1 $0x1;
	p0 =	seq.s32 s7, s2  }
0x1e: {  	s7 =	smul.u32 @!p0 $0xF7A, s2;
	p2 =	seq.s32 @!p0 s5, $0x0  }
0x1f: {  	s9 =	smul.u32 $0xF7A, s1;
	s8 =	simm.s32 @!p0 $0x1BF5;
	p2 =	por !p2, p0  }
0x20: {  	[sflag:s8] =	ssyncset.s32 @!p0 $0xFFFFF086;
	s6 =	sadd.s32 @!p0 s3, s7;
	s7 =	simm.s32 @!p0 $0x108  }
0x21: {  	s3 =	sadd.s32 s3, s9;
	s6 =	sadd.s32 @!p0 $0x88, s6;
	s7 =	simm.s32 @p2 $0x1082  }
0x22: {  	[simem:s7], [sflag:s8] =	dma.local @!p0 [hbm:s6], $0xF7A  }
0x23: {  	s9 =	sor.u32 $0xD0000000, s2;
	s6 =	simm.s32 $0x108;
	_ =	swait.ge @!p0 [sflag:s8], $0x0  }
0x24: {  	s3 =	sadd.s32 $0x88, s3;
	s6 =	simm.s32 @!p1 $0x1082;
	[sflag:s4] =	ssyncset.s32 $0xFFFFF086  }
0x25: {  	[simem:s6], [sflag:s4] =	dma.local [hbm:s3], $0xF7A  }
0x26: {  	[smem:$0x3F9D] =	sst s1;
	(tag) =	ssettag s2;
	_ =	strace s9  }
0x27: {  	s1 =	sld [smem:$0x3FAD]  }
0x28: {  	s2 =	sld [smem:$0x3FAE]  }
0x29: {  	s4 =	sld [smem:$0x3FB0]  }
0x2a: {  	p0 =	seq.s32 s5, $0x0;
	s5 =	sld [smem:$0x3FB1]  }
0x2b: {  	s6 =	sld [smem:$0x3FB2]  }
0x2c: {  	s7 =	sld [smem:$0x3FB3]  }
0x2d: {  	s3 =	simm.s32 $0x108;
	s8 =	sld [smem:$0x3FB4]  }
0x2e: {  	s3 =	simm.s32 @!p0 $0x1082;
	s9 =	sld [smem:$0x3FB5]  }
0x2f: {  	lr =	sadd.s32 s0, s3;
	s0 =	sld [smem:$0x3FAC]  }
0x30: {  	s3 =	sld [smem:$0x3FAF]  }
0x31: {  	[smem:$0x3FB8] =	sst s10  }
0x32: {  	s10 =	sld [smem:$0x3FB6];
	_ =	sdelay $0x3  }
0x33: {  	p0 =	seq.s32 s10, $0x1;
	s10 =	sld [smem:$0x3FB8];
	_ =	sdelay $0x3  }
0x34: {  	[smem:$0x3FB8] =	sst s10  }
0x35: {  	s10 =	sld [smem:$0x3FB7];
	_ =	sdelay $0x3  }
0x36: {  	p1 =	seq.s32 s10, $0x1;
	s10 =	sld [smem:$0x3FB8];
	_ =	sdelay $0x3  }
0x37: {  	[smem:$0x3FB8] =	sst s10  }
0x38: {  	s10 =	sld [smem:$0x3FB9]  }
0x39: {  	_ = 	snop;
	(pc) =	sbr.ind lr, $3  }
0x3a: {  	_ = 	snop  }
0x3b: {  	_ = 	snop  }
0x3c: {  	p2 =	seq.s32 s10, $0x1;
	s10 =	sld [smem:$0x3FB8]  }
0x3d: {  	_ =	shalt  }
0x3e: {  	_ =	shalt  }
0x3f: {  	_ =	shalt  }
0x40: {  	_ =	shalt  }
0x41: {  	_ =	shalt  }
0x42: {  	_ =	shalt  }
0x43: {  	_ =	shalt  }
0x44: {  	_ =	shalt  }
0x45: {  	_ =	shalt  }
0x46: {  	_ =	shalt  }
0x47: {  	_ =	shalt  }
0x48: {  	_ =	shalt  }
0x49: {  	_ =	shalt  }
0x4a: {  	_ =	shalt  }
0x4b: {  	_ =	shalt  }
0x4c: {  	_ =	shalt  }
0x4d: {  	_ =	shalt  }
0x4e: {  	_ =	shalt  }
0x4f: {  	_ =	shalt  }
0x50: {  	_ =	shalt  }
0x51: {  	_ =	shalt  }
0x52: {  	_ =	shalt  }
0x53: {  	_ =	shalt  }
0x54: {  	_ =	shalt  }
0x55: {  	_ =	shalt  }
0x56: {  	_ =	shalt  }
0x57: {  	_ =	shalt  }
0x58: {  	_ =	shalt  }
0x59: {  	_ =	shalt  }
0x5a: {  	_ =	shalt  }
0x5b: {  	_ =	shalt  }
0x5c: {  	_ =	shalt  }
0x5d: {  	_ =	shalt  }
0x5e: {  	_ =	shalt  }
0x5f: {  	_ =	shalt  }
0x60: {  	_ =	shalt  }
0x61: {  	_ =	shalt  }
0x62: {  	_ =	shalt  }
0x63: {  	_ =	shalt  }
0x64: {  	_ =	shalt  }
0x65: {  	_ =	shalt  }
0x66: {  	_ =	shalt  }
0x67: {  	_ =	shalt  }
0x68: {  	_ =	shalt  }
0x69: {  	_ =	shalt  }
0x6a: {  	_ =	shalt  }
0x6b: {  	_ =	shalt  }
0x6c: {  	_ =	shalt  }
0x6d: {  	_ =	shalt  }
0x6e: {  	_ =	shalt  }
0x6f: {  	_ =	shalt  }
0x70: {  	_ =	shalt  }
0x71: {  	_ =	shalt  }
0x72: {  	_ =	shalt  }
0x73: {  	_ =	shalt  }
0x74: {  	_ =	shalt  }
0x75: {  	_ =	shalt  }
0x76: {  	_ =	shalt  }
0x77: {  	_ =	shalt  }
0x78: {  	_ =	shalt  }
0x79: {  	_ =	shalt  }
0x7a: {  	_ =	shalt  }
0x7b: {  	_ =	shalt  }
0x7c: {  	_ =	shalt  }
0x7d: {  	_ =	shalt  }
0x7e: {  	_ =	shalt  }
0x7f: {  	_ =	shalt  }
0x80: {  	_ =	shalt  }
0x81: {  	_ =	shalt  }
0x82: {  	_ =	shalt  }
0x83: {  	_ =	shalt  }
0x84: {  	_ =	shalt  }
0x85: {  	_ =	shalt  }
0x86: {  	_ =	shalt  }
0x87: {  	_ =	shalt  }
.Lfunc_end0:
.L_simem_size_0:
called_computation.1_lowered:
.L_overlay_start_0:
0x88: {  	s2 =	sld [smem:$0x3FD9]  }
0x89: {  	s3 =	sld [smem:$0x3FFE];
	_ =	sdelay $0x1  }
0x8a: {  	s1 =	srdreg.scid  }
0x8b: {  	s0 =	sand.u32 $0x1, s1  }
0x8c: {  	s17 =	sshll.u32 s0, $0xA;
	s2 =	sadd.s32 s3, s2  }
0x8d: {  	s2 =	sadd.s32 s2, s17  }
0x8e: {  	[smem:$0x3FC4] =	sst s2  }
0x8f: {  	_ = 	snop  }
0x90: {  	s2 =	sld [smem:$0x3FD0];
	(tm) =	ssettm $0x1  }
0x91: {  	s18 =	sld [smem:$0x3FFB];
	_ =	sdelay $0x3  }
0x92: {  	_ =	strace s18  }
0x93: {  	s3 =	sld [smem:$0x3FFC];
	_ =	sdelay $0x3  }
0x94: {  	_ =	strace s3  }
0x95: {  	s3 =	sld [smem:$0x3FFD];
	_ =	sdelay $0x3  }
0x96: {  	_ =	strace s3  }
0x97: {  	_ =	strace $0x8FFFFFFF  }
0x98: {  	s19 =	sld [smem:$0x3FDB];
	_ =	sdelay $0x1  }
0x99: {  	s4 =	simm.s32 $_scs_section_size  }
0x9a: {  	s5 =	simm.s32 $_size__tile_overlayer_lowered;
	s6 =	simm.s32 $_tile_overlayer_lowered  }
0x9b: {  	s22 =	simm.s32 $0x1BFF;
	s21 =	sshll.u32 s6, $0x1;
	s3 =	sadd.s32 s4, s19  }
0x9c: {  	s7 =	simm.s32 $0x0;
	s20 =	sshll.u32 s5, $0x1;
	s5 =	sadd.s32 s21, s3  }
0x9d: {  	[timem:s7], [sflag:s22] =	dma.local [hbm:s5], s20  }
0x9e: {  	_ =	swait.ge [sflag:s22], s20  }
0x9f: {  	s4 =	ssub.s32 $0x0, s20;
	[sflag:s22] =	ssyncset.done $0x0  }
0xa0: {  	[sflag:s22] =	ssyncadd.s32 s4;
	_ =	sdelay $0x1  }
0xa1: {  	s23 =	simm.s32 $0x1B8B  }
0xa2: {  	_ =	swait.ge [sflag:s23], $0x1  }
0xa3: {  	[sflag:s23] =	ssyncset.done $0x0  }
0xa4: {  	s25 =	simm.s32 $0x1B8E;
	s24 =	sld [smem:$0x3FFE];
	[sflag:s23] =	ssyncadd.s32 $0xFFFFFFFF  }
0xa5: {  	s26 =	simm.s32 $execute0_lowered;
	[smem:$0x3FD2] =	sst s25  }
0xa6: {  	s5 =	sshll.u32 s26, $0x1;
	_ =	strace $0x80000049;
	[dreg:$0x1] =	wrdreg $0xFFFFFFFF  }
0xa7: {  	s28 =	simm.s32 $_size_execute0_lowered;
	s3 =	sadd.s32 s3, s5;
	[dreg:$0x0] =	wrdreg $0x0  }
0xa8: {  	s5 =	sshll.u32 s28, $0x1;
	[dreg:$0x2] =	wrdreg s3  }
0xa9: {  	[dreg:$0x3] =	wrdreg s5  }
0xaa: {  	[dreg:$0x4] =	wrdreg $0xC0  }
0xab: {  	_ =	task [dreg:s7], $0x5FFFF  }
0xac: {  	[dreg:$0x1] =	wrdreg $0xFFFFFFFF  }
0xad: {  	[dreg:$0x0] =	wrdreg $0x60  }
0xae: {  	[dreg:$0x2] =	wrdreg s24  }
0xaf: {  	[dreg:$0x3] =	wrdreg s2  }
0xb0: {  	[dreg:$0x4] =	wrdreg $0xB8000  }
0xb1: {  	[dreg:$0x5] =	wrdreg $0x9  }
0xb2: {  	_ =	task.clear_ibuf [dreg:s7], $0x6FFFF;
	_ =	strace $0x90000049  }
0xb3: {  	s29 =	simm.s32 $0x9;
	_ =	strace $0x8000004B  }
0xb4: {  	_ =	swait.ge [sflag:s29], $0x1  }
0xb5: {  	[sflag:s29] =	ssyncadd.s32 $0xFFFFFFFF  }
0xb6: {  	_ =	strace $0x9000004B  }
0xb7: {  	_ =	sfence  }
0xb8: {  	s30 =	sld [smem:$0x0];
	_ =	sdelay $0x2  }
0xb9: {  	s31 =	sshll.u32 s1, $0xD;
	s1 =	sshrl.u32 s1, $0x2  }
0xba: {  	s3 =	sand.u32 $0x4000, s31;
	s1 =	sadd.s32 s1, s30  }
0xbb: {  	s0 =	sor.u32 s3, s0;
	s1 =	sshll.u32 s1, $0x11  }
0xbc: {  	s0 =	sor.u32 s1, s0  }
0xbd: {  	s0 =	sadd.s32 $0x8F2B, s0  }
0xbe: {  	[sflag:s0] =	ssyncadd.remote.s32 $0x1  }
0xbf: {  	_ =	sfence.sel $0xFFFF  }
0xc0: {  	[dreg:$0x0] =	wrdreg $0xFFFFFFFF;
	(pc) =	sbr.abs _section_cstart, $3  }
0xc1: {  	[dreg:$0x1] =	wrdreg $0xFFFFFFFF  }
0xc2: {  	_ =	task.clear_ibuf [dreg:s7], $0x2FFFF;
	_ =	strace $0x9FFFFFFF  }
0xc3: {  	(tm) =	ssettm $0x7FFFFFFF  }
tec
execute0_lowered:
.L_overlay_start_1:
0x0: {  	(tag) =	ssettag $0x1  }
0x1: {  	s0 =	rddreg [dreg:$0x0]  }
0x2: {  	s2 =	rddreg [dreg:$0x1]  }
0x3: {  	s1 =	rddreg [dreg:$0x2]  }
0x4: {  	s3 =	simm.s32 $0x0;
	s10 =	stileid.u32;
	s5 =	srdreg.scid  }
0x5: {  	s28 =	simm.s32 $0x1;
	s29 =	simm.s32 $0x7800;
	s30 =	simm.s32 $0x2  }
0x6: {  	s31 =	simm.s32 $0x1C00;
	[smem:$0x7FF] =	sst s3;
	s8 =	smul.u32 $0x280, s10  }
0x7: {  	s4 =	sadd.s32 $0x5D400, s0;
	s12 =	sadd.s32 $0x2A00, s0;
	s6 =	smul.u32 $0x50000, s10  }
0x8: {  	s5 =	sand.u32 $0x1, s5;
	s7 =	sadd.s32 $0xCC00, s0;
	s21 =	smul.u32 $0x18, s10  }
0x9: {  	s0 =	sadd.s32 $0x85400, s0;
	s10 =	smul.u32 $0x88, s10;
	_ =	strace $0x8000004A  }
0xa: {  	[dreg:$0x4] =	wrdreg s7;
	s19 =	ssub.s32 $0x2, s5;
	p0 =	seq.s32 s5, $0x0  }
0xb: {  	s26 =	smul.u32 $0x2800, s5;
	s9 =	sshrl.u32 s19, $0x1;
	s6 =	sshrl.u32 s6, $0x2  }
0xc: {  	s17 =	sadd.s32 $0x80, s8;
	s18 =	sadd.s32 $0x100, s8;
	s11 =	sadd.s32 $0x880, s21  }
0xd: {  	s13 =	sadd.s32 $0x898, s21;
	s23 =	ssub.s32 s19, s9;
	s6 =	sadd.s32 s6, s1  }
0xe: {  	s20 =	sshll.u32 s17, $0x7;
	s14 =	sshll.u32 s18, $0x7;
	s19 =	sadd.s32 $0x180, s8  }
0xf: {  	s11 =	smov.u32 @p0 s10;
	s21 =	smov.u32 s13;
	s7 =	sadd.s32 s20, s1  }
0x10: {  	s15 =	sshll.u32 s19, $0x7;
	s20 =	sadd.s32 $0x200, s8;
	s22 =	sshll.u32 s11, $0x4  }
0x11: {  	s11 =	sadd.s32 $0x38, s10;
	s10 =	sadd.s32 $0x70, s10;
	s14 =	sadd.s32 s14, s1  }
0x12: {  	s8 =	sadd.s32 s8, s26;
	s23 =	smax.u32 s23, $0x1;
	s16 =	sshll.u32 s20, $0x7  }
0x13: {  	s21 =	smov.u32 @p0 s11;
	s24 =	sadd.s32 s12, s22;
	s9 =	sadd.s32 s2, s22  }
0x14: {  	s13 =	smov.u32 @p0 s10;
	s15 =	sadd.s32 s15, s1;
	[dreg:$0x5] =	wrdreg s24  }
0x15: {  	s22 =	sadd.s32 s26, s18;
	s8 =	sshll.u32 s8, $0x4;
	[dreg:$0x6] =	wrdreg s9  }
0x16: {  	s25 =	sshll.u32 s21, $0x4;
	s13 =	sshll.u32 s13, $0x4;
	s16 =	sadd.s32 s16, s1  }
0x17: {  	s9 =	sadd.s32 s26, s17;
	s24 =	sadd.s32 s26, s19;
	s17 =	simm.s32 $0x1C  }
0x18: {  	s18 =	sadd.s32 s0, s8;
	s10 =	sadd.s32 s12, s25;
	s11 =	sadd.s32 s2, s25  }
0x19: {  	s12 =	sadd.s32 s12, s13;
	s13 =	sadd.s32 s2, s13;
	s2 =	sadd.s32 s26, s20  }
.Ltmp0:
0x1a: {  	s17 =	simm.s32 @!p0 $0xC;
	s21 =	sshll.u32 s9, $0x4;
	(pc) =	sbr.rel .LBB2_1-.Ltmp0, $4  }
0x1b: {  	s25 =	sshll.u32 s22, $0x4;
	s26 =	sshll.u32 s24, $0x4;
	s24 =	simm.s32 $0x3800  }
0x1c: {  	p0 =	sne.s32 s5, $0x0;
	s19 =	sadd.s32 s0, s21;
	s20 =	sadd.s32 s0, s25  }
0x1d: {  	s2 =	sshll.u32 s2, $0x4;
	s21 =	sadd.s32 s0, s26;
	s25 =	simm.s32 $0x3  }
0x1e: {  	s26 =	simm.s32 $0x80;
	s22 =	sadd.s32 s0, s2;
	s0 =	simm.s32 $0x0  }
.LBB2_11:
0x1f: {  	[bflag:$0x0] =	sbarrier.arrive $0xFFFF  }
0x20: {  	[tilespmem:s24], [sflag:$0x3] =	stream.linear.gather [spmem:s6], $0x4000, $0x38;
	[tilespmem:$0x1F800] =	vst v63  }
0x21: {  	_ =	swait.ge [sflag:s25], $0x4000  }
0x22: {  	[sflag:s25] =	ssyncset.done $0x0  }
0x23: {  	[sflag:s25] =	ssyncadd.s32 $0xFFFFC000  }
0x24: {  	[hbm4b:s18+s3] =	stream.linear.scatter [tilespmem:s24], [sflag:$0x3], $0x4000, $0x38;
	[tilespmem:$0x1F800] =	vst v63  }
0x25: {  	_ =	swait.ge [sflag:s25], $0x4000  }
0x26: {  	[sflag:s25] =	ssyncset.done $0x0  }
0x27: {  	[sflag:s25] =	ssyncadd.s32 $0xFFFFC000  }
0x28: {  	[tilespmem:s24], [sflag:$0x3] =	stream.linear.gather [spmem:s7], $0x4000, $0x38;
	[tilespmem:$0x1F800] =	vst v63  }
0x29: {  	_ =	swait.ge [sflag:s25], $0x4000  }
0x2a: {  	[sflag:s25] =	ssyncset.done $0x0  }
0x2b: {  	[sflag:s25] =	ssyncadd.s32 $0xFFFFC000  }
0x2c: {  	[hbm4b:s19+s3] =	stream.linear.scatter [tilespmem:s24], [sflag:$0x3], $0x4000, $0x38;
	[tilespmem:$0x1F800] =	vst v63  }
0x2d: {  	_ =	swait.ge [sflag:s25], $0x4000  }
0x2e: {  	[sflag:s25] =	ssyncset.done $0x0  }
0x2f: {  	[sflag:s25] =	ssyncadd.s32 $0xFFFFC000  }
0x30: {  	[tilespmem:s24], [sflag:$0x3] =	stream.linear.gather [spmem:s14], $0x4000, $0x38;
	[tilespmem:$0x1F800] =	vst v63  }
0x31: {  	_ =	swait.ge [sflag:s25], $0x4000  }
0x32: {  	[sflag:s25] =	ssyncset.done $0x0  }
0x33: {  	[sflag:s25] =	ssyncadd.s32 $0xFFFFC000  }
0x34: {  	[hbm4b:s20+s3] =	stream.linear.scatter [tilespmem:s24], [sflag:$0x3], $0x4000, $0x38;
	[tilespmem:$0x1F800] =	vst v63  }
0x35: {  	_ =	swait.ge [sflag:s25], $0x4000  }
0x36: {  	[sflag:s25] =	ssyncset.done $0x0  }
0x37: {  	[sflag:s25] =	ssyncadd.s32 $0xFFFFC000  }
0x38: {  	[tilespmem:s24], [sflag:$0x3] =	stream.linear.gather [spmem:s15], $0x4000, $0x38;
	[tilespmem:$0x1F800] =	vst v63  }
0x39: {  	_ =	swait.ge [sflag:s25], $0x4000  }
0x3a: {  	[sflag:s25] =	ssyncset.done $0x0  }
0x3b: {  	[sflag:s25] =	ssyncadd.s32 $0xFFFFC000  }
0x3c: {  	[hbm4b:s21+s3] =	stream.linear.scatter [tilespmem:s24], [sflag:$0x3], $0x4000, $0x38;
	[tilespmem:$0x1F800] =	vst v63  }
0x3d: {  	_ =	swait.ge [sflag:s25], $0x4000  }
0x3e: {  	[sflag:s25] =	ssyncset.done $0x0  }
0x3f: {  	[sflag:s25] =	ssyncadd.s32 $0xFFFFC000  }
0x40: {  	[tilespmem:s24], [sflag:$0x3] =	stream.linear.gather [spmem:s16], $0x4000, $0x38;
	[tilespmem:$0x1F800] =	vst v63  }
0x41: {  	s0 =	sadd.s32 $0x1, s0;
	_ =	swait.ge [sflag:s25], $0x4000  }
0x42: {  	p1 =	sne.s32 s0, s23;
	[sflag:s25] =	ssyncset.done $0x0  }
.Ltmp1:
0x43: {  	[sflag:s25] =	ssyncadd.s32 $0xFFFFC000;
	(pc) =	sbr.rel @!p1 .LBB2_12-.Ltmp1, $4  }
0x44: {  	[hbm4b:s22+s3] =	stream.linear.scatter [tilespmem:s24], [sflag:$0x3], $0x4000, $0x38;
	[tilespmem:$0x1F800] =	vst v63  }
0x45: {  	_ =	swait.ge [sflag:s25], $0x4000  }
0x46: {  	[sflag:s25] =	ssyncset.done $0x0  }
0x47: {  	[sflag:s25] =	ssyncadd.s32 $0xFFFFC000  }
.LBB2_1:
0x48: {  	s2 =	rddreg [dreg:$0x4]  }
0x49: {  	[tilespmem:s24], [sflag:$0x3] =	stream.linear.gather [hbm4b:s2+s3], $0x4000, $0x38;
	[tilespmem:$0x1F800] =	vst v63  }
0x4a: {  	_ =	swait.ge [sflag:s25], $0x4000  }
0x4b: {  	[sflag:s25] =	ssyncset.done $0x0  }
0x4c: {  	[sflag:s25] =	ssyncadd.s32 $0xFFFFC000  }
0x4d: {  	[spmem:s6] =	stream.linear.scatter [tilespmem:s24], [sflag:$0x3], $0x4000, $0x38;
	[tilespmem:$0x1F800] =	vst v63  }
0x4e: {  	_ =	swait.ge [sflag:s25], $0x4000  }
0x4f: {  	[sflag:s25] =	ssyncset.done $0x0  }
0x50: {  	[sflag:s25] =	ssyncadd.s32 $0xFFFFC000  }
0x51: {  	[spmem:s7] =	stream.linear.scatter [tilespmem:s24], [sflag:$0x3], $0x4000, $0x38;
	[tilespmem:$0x1F800] =	vst v63  }
0x52: {  	_ =	swait.ge [sflag:s25], $0x4000  }
0x53: {  	[sflag:s25] =	ssyncset.done $0x0  }
0x54: {  	[sflag:s25] =	ssyncadd.s32 $0xFFFFC000  }
0x55: {  	[spmem:s14] =	stream.linear.scatter [tilespmem:s24], [sflag:$0x3], $0x4000, $0x38;
	[tilespmem:$0x1F800] =	vst v63  }
0x56: {  	_ =	swait.ge [sflag:s25], $0x4000  }
0x57: {  	[sflag:s25] =	ssyncset.done $0x0  }
0x58: {  	[sflag:s25] =	ssyncadd.s32 $0xFFFFC000  }
0x59: {  	[spmem:s15] =	stream.linear.scatter [tilespmem:s24], [sflag:$0x3], $0x4000, $0x38;
	[tilespmem:$0x1F800] =	vst v63  }
0x5a: {  	_ =	swait.ge [sflag:s25], $0x4000  }
0x5b: {  	[sflag:s25] =	ssyncset.done $0x0  }
0x5c: {  	[sflag:s25] =	ssyncadd.s32 $0xFFFFC000  }
0x5d: {  	[spmem:s16] =	stream.linear.scatter [tilespmem:s24], [sflag:$0x3], $0x4000, $0x38;
	[tilespmem:$0x1F800] =	vst v63  }
0x5e: {  	_ =	swait.ge [sflag:s25], $0x4000  }
0x5f: {  	[sflag:s25] =	ssyncset.done $0x0  }
0x60: {  	[sflag:s25] =	ssyncadd.s32 $0xFFFFC000  }
0x61: {  	[bflag:$0x0] =	sbarrier.arrive $0xFFFF  }
0x62: {  	s9 =	rddreg [dreg:$0x5]  }
0x63: {  	[tilespmem:s3], [sflag:$0x3] =	stream.linear.gather [hbm4b:s9+s3], $0x1C00, $0x38;
	[tilespmem:$0x1F800] =	vst v63  }
0x64: {  	_ =	swait.ge [sflag:s25], $0x1C00  }
0x65: {  	[sflag:s25] =	ssyncset.done $0x0  }
0x66: {  	s5 =	rddreg [dreg:$0x6];
	[sflag:s25] =	ssyncadd.s32 $0xFFFFE400  }
0x67: {  	[tilespmem:s31], [sflag:$0x3] =	stream.linear.gather [hbm4b:s5+s3], $0x1C00, $0x38;
	[tilespmem:$0x1F800] =	vst v63  }
0x68: {  	_ =	swait.ge [sflag:s25], $0x1C00  }
0x69: {  	[sflag:s25] =	ssyncset.done $0x0  }
0x6a: {  	[sflag:s25] =	ssyncadd.s32 $0xFFFFE400  }
0x6b: {  	[tilespmem:s24], [sflag:$0x1] =	stream.indirect.gather [hbm4b:s4+s26], $0x80, s3, s26, $0xb8;
	[tilespmem:$0x1F800] =	vst v63  }
0x6c: {  	_ =	swait.ge [sflag:s28], $0x4000  }
0x6d: {  	[sflag:s28] =	ssyncset.done $0x0  }
0x6e: {  	[sflag:s28] =	ssyncadd.s32 $0xFFFFC000  }
0x6f: {  	[spmem:s1] =	stream.indirect.scatter.add.f32 [tilespmem:s24], [sflag:$0x2], $0x80, s31, s26, $0xb8;
	[tilespmem:$0x1F800] =	vst v63  }
0x70: {  	s8 =	simm.s32 $0x80  }
0x71: {  	[tilespmem:s29], [sflag:$0x1] =	stream.indirect.gather [hbm4b:s4+s26], $0x80, s8, s26, $0xb8;
	[tilespmem:$0x1F800] =	vst v63  }
0x72: {  	_ =	swait.ge [sflag:s28], $0x4000  }
0x73: {  	[sflag:s28] =	ssyncset.done $0x0  }
0x74: {  	[sflag:s28] =	ssyncadd.s32 $0xFFFFC000  }
0x75: {  	p1 =	sne.s32 s17, $0x1;
	_ =	swait.ge [sflag:s30], $0x4000  }
.Ltmp2:
0x76: {  	[sflag:s30] =	ssyncset.done $0x0;
	(pc) =	sbr.rel @!p1 .LBB2_3-.Ltmp2, $4  }
0x77: {  	s9 =	simm.s32 $0x1C80;
	[sflag:s30] =	ssyncadd.s32 $0xFFFFC000  }
0x78: {  	[spmem:s1] =	stream.indirect.scatter.add.f32 [tilespmem:s29], [sflag:$0x3], $0x80, s9, s26, $0xb8;
	[tilespmem:$0x1F800] =	vst v63  }
0x79: {  	s2 =	sadd.s32 $0xFFFFFFFF, s17;
	_ =	swait.ge [sflag:s25], $0x4000  }
0x7a: {  	s5 =	simm.s32 $0x0;
	s8 =	simm.s32 $0x1C00;
	[sflag:s25] =	ssyncset.done $0x0  }
.LBB2_2:
0x7b: {  	[sflag:s25] =	ssyncadd.s32 $0xFFFFC000;
	s5 =	sadd.s32 $0x100, s5;
	s8 =	sadd.s32 $0x100, s8  }
0x7c: {  	[tilespmem:s24], [sflag:$0x1] =	stream.indirect.gather [hbm4b:s4+s26], $0x80, s5, s26, $0xb8;
	[tilespmem:$0x1F800] =	vst v63  }
0x7d: {  	p1 =	sne.s32 s2, $0x1;
	s2 =	sadd.s32 $0xFFFFFFFF, s2;
	_ =	swait.ge [sflag:s28], $0x4000  }
0x7e: {  	[sflag:s28] =	ssyncset.done $0x0  }
0x7f: {  	[sflag:s28] =	ssyncadd.s32 $0xFFFFC000  }
0x80: {  	[spmem:s1] =	stream.indirect.scatter.add.f32 [tilespmem:s24], [sflag:$0x2], $0x80, s8, s26, $0xb8;
	[tilespmem:$0x1F800] =	vst v63  }
0x81: {  	s9 =	sadd.s32 $0x80, s5  }
0x82: {  	[tilespmem:s29], [sflag:$0x1] =	stream.indirect.gather [hbm4b:s4+s26], $0x80, s9, s26, $0xb8;
	[tilespmem:$0x1F800] =	vst v63  }
0x83: {  	_ =	swait.ge [sflag:s28], $0x4000  }
0x84: {  	[sflag:s28] =	ssyncset.done $0x0  }
0x85: {  	[sflag:s28] =	ssyncadd.s32 $0xFFFFC000  }
0x86: {  	_ =	swait.ge [sflag:s30], $0x4000  }
.Ltmp3:
0x87: {  	[sflag:s30] =	ssyncset.done $0x0;
	(pc) =	sbr.rel @p1 .LBB2_2-.Ltmp3, $4  }
0x88: {  	s9 =	sadd.s32 $0x80, s8;
	[sflag:s30] =	ssyncadd.s32 $0xFFFFC000  }
0x89: {  	[spmem:s1] =	stream.indirect.scatter.add.f32 [tilespmem:s29], [sflag:$0x3], $0x80, s9, s26, $0xb8;
	[tilespmem:$0x1F800] =	vst v63  }
0x8a: {  	_ =	swait.ge [sflag:s25], $0x4000  }
0x8b: {  	[sflag:s25] =	ssyncset.done $0x0  }
.LBB2_3:
0x8c: {  	[sflag:s25] =	ssyncadd.s32 $0xFFFFC000;
	s2 =	simm.s32 $0x0  }
0x8d: {  	[tilespmem:s2], [sflag:$0x3] =	stream.linear.gather [hbm4b:s10+s2], $0x1C00, $0x38;
	[tilespmem:$0x1F800] =	vst v63  }
0x8e: {  	_ =	swait.ge [sflag:s25], $0x1C00  }
0x8f: {  	[sflag:s25] =	ssyncset.done $0x0  }
.Ltmp4:
0x90: {  	[sflag:s25] =	ssyncadd.s32 $0xFFFFE400;
	(pc) =	sbr.rel @p0 .LBB2_7-.Ltmp4, $4  }
0x91: {  	[tilespmem:s31], [sflag:$0x3] =	stream.linear.gather [hbm4b:s11+s2], $0x1C00, $0x38;
	[tilespmem:$0x1F800] =	vst v63  }
0x92: {  	_ =	swait.ge [sflag:s25], $0x1C00  }
0x93: {  	[sflag:s25] =	ssyncset.done $0x0  }
0x94: {  	[sflag:s25] =	ssyncadd.s32 $0xFFFFE400  }
0x95: {  	s5 =	simm.s32 $0x0  }
0x96: {  	[tilespmem:s24], [sflag:$0x1] =	stream.indirect.gather [hbm4b:s4+s26], $0x80, s5, s26, $0xb8;
	[tilespmem:$0x1F800] =	vst v63  }
0x97: {  	_ =	swait.ge [sflag:s28], $0x4000  }
0x98: {  	s31 =	smov.u32 s17;
	s17 =	smov.u32 s16;
	[sflag:s28] =	ssyncset.done $0x0  }
0x99: {  	s16 =	smov.u32 s15;
	s8 =	simm.s32 $0x1C00;
	[sflag:s28] =	ssyncadd.s32 $0xFFFFC000  }
0x9a: {  	[spmem:s1] =	stream.indirect.scatter.add.f32 [tilespmem:s24], [sflag:$0x2], $0x80, s8, s26, $0xb8;
	[tilespmem:$0x1F800] =	vst v63  }
0x9b: {  	s15 =	smov.u32 s14;
	s14 =	smov.u32 s7;
	s9 =	simm.s32 $0x80  }
0x9c: {  	[tilespmem:s29], [sflag:$0x1] =	stream.indirect.gather [hbm4b:s4+s26], $0x80, s9, s26, $0xb8;
	[tilespmem:$0x1F800] =	vst v63  }
0x9d: {  	s7 =	smov.u32 s6;
	s6 =	smov.u32 s23;
	_ =	swait.ge [sflag:s28], $0x4000  }
0x9e: {  	s23 =	smov.u32 s22;
	s22 =	smov.u32 s21;
	[sflag:s28] =	ssyncset.done $0x0  }
0x9f: {  	s21 =	smov.u32 s20;
	s20 =	smov.u32 s19;
	[sflag:s28] =	ssyncadd.s32 $0xFFFFC000  }
0xa0: {  	s19 =	smov.u32 s18;
	s18 =	smov.u32 s13;
	_ =	swait.ge [sflag:s30], $0x4000  }
0xa1: {  	s13 =	smov.u32 s12;
	s12 =	smov.u32 s11;
	[sflag:s30] =	ssyncset.done $0x0  }
0xa2: {  	s11 =	smov.u32 s10;
	s10 =	simm.s32 $0x1C80;
	[sflag:s30] =	ssyncadd.s32 $0xFFFFC000  }
0xa3: {  	[spmem:s1] =	stream.indirect.scatter.add.f32 [tilespmem:s29], [sflag:$0x3], $0x80, s10, s26, $0xb8;
	[tilespmem:$0x1F800] =	vst v63  }
0xa4: {  	_ =	swait.ge [sflag:s25], $0x4000  }
0xa5: {  	s5 =	simm.s32 $0x400;
	s8 =	simm.s32 $0x800;
	[sflag:s25] =	ssyncset.done $0x0  }
.LBB2_5:
0xa6: {  	s9 =	sshra.s32 s5, $0x2  }
0xa7: {  	[sflag:s25] =	ssyncadd.s32 $0xFFFFC000;
	s5 =	smov.u32 s8;
	s10 =	sadd.s32 $0x400, s8  }
0xa8: {  	[tilespmem:s24], [sflag:$0x1] =	stream.indirect.gather [hbm4b:s4+s26], $0x80, s9, s26, $0xb8;
	[tilespmem:$0x1F800] =	vst v63  }
0xa9: {  	p1 =	sne.s32 s8, $0x6C00;
	_ =	swait.ge [sflag:s28], $0x4000  }
0xaa: {  	[sflag:s28] =	ssyncset.done $0x0  }
0xab: {  	s8 =	sadd.s32 $0x1C00, s9;
	[sflag:s28] =	ssyncadd.s32 $0xFFFFC000  }
0xac: {  	[spmem:s1] =	stream.indirect.scatter.add.f32 [tilespmem:s24], [sflag:$0x2], $0x80, s8, s26, $0xb8;
	[tilespmem:$0x1F800] =	vst v63  }
0xad: {  	s8 =	sadd.s32 $0x80, s9  }
0xae: {  	[tilespmem:s29], [sflag:$0x1] =	stream.indirect.gather [hbm4b:s4+s26], $0x80, s8, s26, $0xb8;
	[tilespmem:$0x1F800] =	vst v63  }
0xaf: {  	_ =	swait.ge [sflag:s28], $0x4000  }
0xb0: {  	[sflag:s28] =	ssyncset.done $0x0  }
0xb1: {  	[sflag:s28] =	ssyncadd.s32 $0xFFFFC000  }
0xb2: {  	_ =	swait.ge [sflag:s30], $0x4000  }
.Ltmp5:
0xb3: {  	[sflag:s30] =	ssyncset.done $0x0;
	(pc) =	sbr.rel @p1 .LBB2_5-.Ltmp5, $4  }
0xb4: {  	s8 =	sadd.s32 $0x1C80, s9;
	[sflag:s30] =	ssyncadd.s32 $0xFFFFC000  }
0xb5: {  	[spmem:s1] =	stream.indirect.scatter.add.f32 [tilespmem:s29], [sflag:$0x3], $0x80, s8, s26, $0xb8;
	[tilespmem:$0x1F800] =	vst v63  }
0xb6: {  	_ =	swait.ge [sflag:s25], $0x4000  }
0xb7: {  	s8 =	smov.u32 s10;
	[sflag:s25] =	ssyncset.done $0x0  }
0xb8: {  	s5 =	sshra.s32 s5, $0x2;
	[sflag:s25] =	ssyncadd.s32 $0xFFFFC000  }
0xb9: {  	[tilespmem:s24], [sflag:$0x1] =	stream.indirect.gather [hbm4b:s4+s26], $0x80, s5, s26, $0xb8;
	[tilespmem:$0x1F800] =	vst v63  }
0xba: {  	_ =	swait.ge [sflag:s28], $0x4000  }
0xbb: {  	[sflag:s28] =	ssyncset.done $0x0  }
0xbc: {  	s8 =	sadd.s32 $0x1C00, s5;
	[sflag:s28] =	ssyncadd.s32 $0xFFFFC000  }
0xbd: {  	[spmem:s1] =	stream.indirect.scatter.add.f32 [tilespmem:s24], [sflag:$0x2], $0x80, s8, s26, $0xb8;
	[tilespmem:$0x1F800] =	vst v63  }
0xbe: {  	s10 =	sadd.s32 $0x80, s5  }
0xbf: {  	[tilespmem:s29], [sflag:$0x1] =	stream.indirect.gather [hbm4b:s4+s26], $0x80, s10, s26, $0xb8;
	[tilespmem:$0x1F800] =	vst v63  }
0xc0: {  	s5 =	sadd.s32 $0x1C80, s5;
	s10 =	smov.u32 s11;
	_ =	swait.ge [sflag:s28], $0x4000  }
0xc1: {  	s11 =	smov.u32 s12;
	s12 =	smov.u32 s13;
	[sflag:s28] =	ssyncset.done $0x0  }
0xc2: {  	s13 =	smov.u32 s18;
	s18 =	smov.u32 s19;
	[sflag:s28] =	ssyncadd.s32 $0xFFFFC000  }
0xc3: {  	s19 =	smov.u32 s20;
	s20 =	smov.u32 s21;
	_ =	swait.ge [sflag:s30], $0x4000  }
0xc4: {  	s21 =	smov.u32 s22;
	s22 =	smov.u32 s23;
	[sflag:s30] =	ssyncset.done $0x0  }
0xc5: {  	s23 =	smov.u32 s6;
	s6 =	smov.u32 s7;
	[sflag:s30] =	ssyncadd.s32 $0xFFFFC000  }
0xc6: {  	[spmem:s1] =	stream.indirect.scatter.add.f32 [tilespmem:s29], [sflag:$0x3], $0x80, s5, s26, $0xb8;
	[tilespmem:$0x1F800] =	vst v63  }
0xc7: {  	s7 =	smov.u32 s14;
	s14 =	smov.u32 s15;
	_ =	swait.ge [sflag:s25], $0x4000  }
0xc8: {  	s15 =	smov.u32 s16;
	s16 =	smov.u32 s17;
	[sflag:s25] =	ssyncset.done $0x0  }
0xc9: {  	s17 =	smov.u32 s31;
	s31 =	simm.s32 $0x1C00;
	[sflag:s25] =	ssyncadd.s32 $0xFFFFC000  }
.LBB2_7:
0xca: {  	[tilespmem:s2], [sflag:$0x3] =	stream.linear.gather [hbm4b:s12+s2], $0x1C00, $0x38;
	[tilespmem:$0x1F800] =	vst v63  }
0xcb: {  	_ =	swait.ge [sflag:s25], $0x1C00  }
0xcc: {  	[sflag:s25] =	ssyncset.done $0x0  }
.Ltmp6:
0xcd: {  	[sflag:s25] =	ssyncadd.s32 $0xFFFFE400;
	(pc) =	sbr.rel @p0 .LBB2_11-.Ltmp6, $4  }
0xce: {  	[tilespmem:s31], [sflag:$0x3] =	stream.linear.gather [hbm4b:s13+s2], $0x1C00, $0x38;
	[tilespmem:$0x1F800] =	vst v63  }
0xcf: {  	_ =	swait.ge [sflag:s25], $0x1C00  }
0xd0: {  	[sflag:s25] =	ssyncset.done $0x0  }
0xd1: {  	[sflag:s25] =	ssyncadd.s32 $0xFFFFE400  }
0xd2: {  	s2 =	simm.s32 $0x0  }
0xd3: {  	[tilespmem:s24], [sflag:$0x1] =	stream.indirect.gather [hbm4b:s4+s26], $0x80, s2, s26, $0xb8;
	[tilespmem:$0x1F800] =	vst v63  }
0xd4: {  	_ =	swait.ge [sflag:s28], $0x4000  }
0xd5: {  	[sflag:s28] =	ssyncset.done $0x0  }
0xd6: {  	s5 =	simm.s32 $0x1C00;
	[sflag:s28] =	ssyncadd.s32 $0xFFFFC000  }
0xd7: {  	[spmem:s1] =	stream.indirect.scatter.add.f32 [tilespmem:s24], [sflag:$0x2], $0x80, s5, s26, $0xb8;
	[tilespmem:$0x1F800] =	vst v63  }
0xd8: {  	s8 =	simm.s32 $0x80  }
0xd9: {  	[tilespmem:s29], [sflag:$0x1] =	stream.indirect.gather [hbm4b:s4+s26], $0x80, s8, s26, $0xb8;
	[tilespmem:$0x1F800] =	vst v63  }
0xda: {  	_ =	swait.ge [sflag:s28], $0x4000  }
0xdb: {  	[sflag:s28] =	ssyncset.done $0x0  }
0xdc: {  	[sflag:s28] =	ssyncadd.s32 $0xFFFFC000  }
0xdd: {  	_ =	swait.ge [sflag:s30], $0x4000  }
0xde: {  	[sflag:s30] =	ssyncset.done $0x0  }
0xdf: {  	s9 =	simm.s32 $0x1C80;
	[sflag:s30] =	ssyncadd.s32 $0xFFFFC000  }
0xe0: {  	[spmem:s1] =	stream.indirect.scatter.add.f32 [tilespmem:s29], [sflag:$0x3], $0x80, s9, s26, $0xb8;
	[tilespmem:$0x1F800] =	vst v63  }
0xe1: {  	_ =	swait.ge [sflag:s25], $0x4000  }
0xe2: {  	s2 =	simm.s32 $0x400;
	s5 =	simm.s32 $0x800;
	[sflag:s25] =	ssyncset.done $0x0  }
.LBB2_9:
0xe3: {  	s8 =	sshra.s32 s2, $0x2  }
0xe4: {  	[sflag:s25] =	ssyncadd.s32 $0xFFFFC000;
	s2 =	smov.u32 s5;
	s9 =	sadd.s32 $0x400, s5  }
0xe5: {  	[tilespmem:s24], [sflag:$0x1] =	stream.indirect.gather [hbm4b:s4+s26], $0x80, s8, s26, $0xb8;
	[tilespmem:$0x1F800] =	vst v63  }
0xe6: {  	p1 =	sne.s32 s5, $0x2C00;
	_ =	swait.ge [sflag:s28], $0x4000  }
0xe7: {  	[sflag:s28] =	ssyncset.done $0x0  }
0xe8: {  	s5 =	sadd.s32 $0x1C00, s8;
	[sflag:s28] =	ssyncadd.s32 $0xFFFFC000  }
0xe9: {  	[spmem:s1] =	stream.indirect.scatter.add.f32 [tilespmem:s24], [sflag:$0x2], $0x80, s5, s26, $0xb8;
	[tilespmem:$0x1F800] =	vst v63  }
0xea: {  	s5 =	sadd.s32 $0x80, s8  }
0xeb: {  	[tilespmem:s29], [sflag:$0x1] =	stream.indirect.gather [hbm4b:s4+s26], $0x80, s5, s26, $0xb8;
	[tilespmem:$0x1F800] =	vst v63  }
0xec: {  	_ =	swait.ge [sflag:s28], $0x4000  }
0xed: {  	[sflag:s28] =	ssyncset.done $0x0  }
0xee: {  	[sflag:s28] =	ssyncadd.s32 $0xFFFFC000  }
0xef: {  	_ =	swait.ge [sflag:s30], $0x4000  }
.Ltmp7:
0xf0: {  	[sflag:s30] =	ssyncset.done $0x0;
	(pc) =	sbr.rel @p1 .LBB2_9-.Ltmp7, $4  }
0xf1: {  	s5 =	sadd.s32 $0x1C80, s8;
	[sflag:s30] =	ssyncadd.s32 $0xFFFFC000  }
0xf2: {  	[spmem:s1] =	stream.indirect.scatter.add.f32 [tilespmem:s29], [sflag:$0x3], $0x80, s5, s26, $0xb8;
	[tilespmem:$0x1F800] =	vst v63  }
0xf3: {  	_ =	swait.ge [sflag:s25], $0x4000  }
0xf4: {  	s5 =	smov.u32 s9;
	[sflag:s25] =	ssyncset.done $0x0  }
0xf5: {  	s2 =	sshra.s32 s2, $0x2;
	[sflag:s25] =	ssyncadd.s32 $0xFFFFC000  }
0xf6: {  	[tilespmem:s24], [sflag:$0x1] =	stream.indirect.gather [hbm4b:s4+s26], $0x80, s2, s26, $0xb8;
	[tilespmem:$0x1F800] =	vst v63  }
0xf7: {  	_ =	swait.ge [sflag:s28], $0x4000  }
0xf8: {  	[sflag:s28] =	ssyncset.done $0x0  }
0xf9: {  	s5 =	sadd.s32 $0x1C00, s2;
	[sflag:s28] =	ssyncadd.s32 $0xFFFFC000  }
0xfa: {  	[spmem:s1] =	stream.indirect.scatter.add.f32 [tilespmem:s24], [sflag:$0x2], $0x80, s5, s26, $0xb8;
	[tilespmem:$0x1F800] =	vst v63  }
0xfb: {  	s9 =	sadd.s32 $0x80, s2  }
0xfc: {  	[tilespmem:s29], [sflag:$0x1] =	stream.indirect.gather [hbm4b:s4+s26], $0x80, s9, s26, $0xb8;
	[tilespmem:$0x1F800] =	vst v63  }
0xfd: {  	_ =	swait.ge [sflag:s28], $0x4000  }
0xfe: {  	[sflag:s28] =	ssyncset.done $0x0  }
0xff: {  	[sflag:s28] =	ssyncadd.s32 $0xFFFFC000  }
0x100: {  	_ =	swait.ge [sflag:s30], $0x4000  }
0x101: {  	[sflag:s30] =	ssyncset.done $0x0  }
.Ltmp8:
0x102: {  	s2 =	sadd.s32 $0x1C80, s2;
	[sflag:s30] =	ssyncadd.s32 $0xFFFFC000;
	(pc) =	sbr.rel .LBB2_11-.Ltmp8, $4  }
0x103: {  	[spmem:s1] =	stream.indirect.scatter.add.f32 [tilespmem:s29], [sflag:$0x3], $0x80, s2, s26, $0xb8;
	[tilespmem:$0x1F800] =	vst v63  }
0x104: {  	_ =	swait.ge [sflag:s25], $0x4000  }
0x105: {  	[sflag:s25] =	ssyncset.done $0x0  }
0x106: {  	[sflag:s25] =	ssyncadd.s32 $0xFFFFC000  }
.LBB2_12:
0x107: {  	_ =	sfence.sel $0x180000  }
0x108: {  	[bflag:$0x0] =	sbarrier.arrive $0xFFFF  }
0x109: {  	_ =	strace $0x9000004A  }
0x10a: {  	s0 =	stileid.u32;
	[bflag:$0x2] =	sbarrier.arrive $0xFFFF  }
0x10b: {  	p0 =	sne.s32 s0, $0x0;
	s0 =	rddreg [dreg:$0x3]  }
0x10c: {  	s0 =	sadd.s32 @!p0 $0x100000, s0  }
0x10d: {  	[sflag:s0] =	ssyncadd.tile.s32 @!p0 $0x1;
	_ =	shalt  }
.Lfunc_end2:
_tile_overlayer_lowered:
.L_overlay_start_2:
0x10e: {  	(tag) =	ssettag $0x2  }
0x10f: {  	s0 =	rddreg [dreg:$0x0];
	s2 =	stileid.u32  }
0x110: {  	s1 =	rddreg [dreg:$0x1];
	p0 =	sne.s32 s2, $0x0  }
0x111: {  	s3 =	rddreg [dreg:$0x2];
	[bflag:$0x3] =	sbarrier.arrive $0xFFFF;
	s2 =	simm.s32 @!p0 $0x1C03  }
0x112: {  	[timem:s3], [sflag:s2] =	dma.local @!p0 [hbm:s0], s1  }
0x113: {  	s0 =	simm.s32 @!p0 $0x3  }
0x114: {  	_ =	swait.ge @!p0 [sflag:s0], s1  }
0x115: {  	s1 =	ssub.s32 @!p0 $0x0, s1;
	[sflag:s0] =	ssyncset.done @!p0 $0x0  }
0x116: {  	[sflag:s0] =	ssyncadd.s32 @!p0 s1  }
0x117: {  	[bflag:$0x3] =	sbarrier.arrive $0xFFFF  }
0x118: {  	_ =	shalt  }

// kernel: kernel.14.cloned.1.call-start
scs
__scs_entry_jumppad:
0x0: {  	(pc) =	sbr.rel $0x88, $3  }
0x1: {  	(tag) =	ssettag $0x0;
	lr =	simm.s32 $0x1  }
0x2: {  	[smem:$0x3F9D] =	sst lr;
	_ =	strace $0xD0000000  }
0x3: {  	_ = 	snop  }
0x4: {  	_ = 	snop  }
0x5: {  	_ = 	snop  }
0x6: {  	_ = 	snop  }
0x7: {  	_ = 	snop  }
__scs_overlays_trampoline_lowered:
0x8: {  	[smem:$0x3FAC] =	sst s0  }
0x9: {  	[smem:$0x3FAD] =	sst s1  }
0xa: {  	[smem:$0x3FAE] =	sst s2  }
0xb: {  	[smem:$0x3FAF] =	sst s3  }
0xc: {  	[smem:$0x3FB0] =	sst s4  }
0xd: {  	[smem:$0x3FB1] =	sst s5  }
0xe: {  	[smem:$0x3FB2] =	sst s6  }
0xf: {  	[smem:$0x3FB3] =	sst s7  }
0x10: {  	[smem:$0x3FB4] =	sst s8  }
0x11: {  	[smem:$0x3FB5] =	sst s9;
	s0 =	simm.s32 @!p0 $0x0  }
0x12: {  	s1 =	sld [smem:$0x3F9B];
	s0 =	simm.s32 @p0 $0x1  }
0x13: {  	[smem:$0x3FB6] =	sst s0;
	s0 =	simm.s32 @!p1 $0x0  }
0x14: {  	s2 =	sld [smem:$0x3F9A];
	s0 =	simm.s32 @p1 $0x1  }
0x15: {  	[smem:$0x3FB7] =	sst s0;
	s0 =	simm.s32 @!p2 $0x0  }
0x16: {  	s3 =	sld [smem:$0x3FDB];
	s0 =	simm.s32 @p2 $0x1  }
0x17: {  	s4 =	simm.s32 $0x1BF5;
	[smem:$0x3FB9] =	sst s0  }
0x18: {  	s0 =	sld [smem:$0x3F9C];
	_ =	swait.ge [sflag:s4], $0x0  }
0x19: {  	s7 =	sld [smem:$0x3F9D]  }
0x1a: {  	s8 =	sadd.s32 $0xFFFFE003, lr  }
0x1b: {  	s9 =	sadd.s32 $0xFFFFFEF7, lr;
	s5 =	simm.s32 $0xFFFFFFFF;
	p2 =	slt.u32 s8, $0xFFFFF086  }
0x1c: {  	p1 =	slt.u32 s9, $0xF7A;
	s5 =	simm.s32 @!p2 $0x0  }
0x1d: {  	s5 =	simm.s32 @p1 $0x1;
	p0 =	seq.s32 s7, s2  }
0x1e: {  	s7 =	smul.u32 @!p0 $0xF7A, s2;
	p2 =	seq.s32 @!p0 s5, $0x0  }
0x1f: {  	s9 =	smul.u32 $0xF7A, s1;
	s8 =	simm.s32 @!p0 $0x1BF5;
	p2 =	por !p2, p0  }
0x20: {  	[sflag:s8] =	ssyncset.s32 @!p0 $0xFFFFF086;
	s6 =	sadd.s32 @!p0 s3, s7;
	s7 =	simm.s32 @!p0 $0x108  }
0x21: {  	s3 =	sadd.s32 s3, s9;
	s6 =	sadd.s32 @!p0 $0x88, s6;
	s7 =	simm.s32 @p2 $0x1082  }
0x22: {  	[simem:s7], [sflag:s8] =	dma.local @!p0 [hbm:s6], $0xF7A  }
0x23: {  	s9 =	sor.u32 $0xD0000000, s2;
	s6 =	simm.s32 $0x108;
	_ =	swait.ge @!p0 [sflag:s8], $0x0  }
0x24: {  	s3 =	sadd.s32 $0x88, s3;
	s6 =	simm.s32 @!p1 $0x1082;
	[sflag:s4] =	ssyncset.s32 $0xFFFFF086  }
0x25: {  	[simem:s6], [sflag:s4] =	dma.local [hbm:s3], $0xF7A  }
0x26: {  	[smem:$0x3F9D] =	sst s1;
	(tag) =	ssettag s2;
	_ =	strace s9  }
0x27: {  	s1 =	sld [smem:$0x3FAD]  }
0x28: {  	s2 =	sld [smem:$0x3FAE]  }
0x29: {  	s4 =	sld [smem:$0x3FB0]  }
0x2a: {  	p0 =	seq.s32 s5, $0x0;
	s5 =	sld [smem:$0x3FB1]  }
0x2b: {  	s6 =	sld [smem:$0x3FB2]  }
0x2c: {  	s7 =	sld [smem:$0x3FB3]  }
0x2d: {  	s3 =	simm.s32 $0x108;
	s8 =	sld [smem:$0x3FB4]  }
0x2e: {  	s3 =	simm.s32 @!p0 $0x1082;
	s9 =	sld [smem:$0x3FB5]  }
0x2f: {  	lr =	sadd.s32 s0, s3;
	s0 =	sld [smem:$0x3FAC]  }
0x30: {  	s3 =	sld [smem:$0x3FAF]  }
0x31: {  	[smem:$0x3FB8] =	sst s10  }
0x32: {  	s10 =	sld [smem:$0x3FB6];
	_ =	sdelay $0x3  }
0x33: {  	p0 =	seq.s32 s10, $0x1;
	s10 =	sld [smem:$0x3FB8];
	_ =	sdelay $0x3  }
0x34: {  	[smem:$0x3FB8] =	sst s10  }
0x35: {  	s10 =	sld [smem:$0x3FB7];
	_ =	sdelay $0x3  }
0x36: {  	p1 =	seq.s32 s10, $0x1;
	s10 =	sld [smem:$0x3FB8];
	_ =	sdelay $0x3  }
0x37: {  	[smem:$0x3FB8] =	sst s10  }
0x38: {  	s10 =	sld [smem:$0x3FB9]  }
0x39: {  	_ = 	snop;
	(pc) =	sbr.ind lr, $3  }
0x3a: {  	_ = 	snop  }
0x3b: {  	_ = 	snop  }
0x3c: {  	p2 =	seq.s32 s10, $0x1;
	s10 =	sld [smem:$0x3FB8]  }
0x3d: {  	_ =	shalt  }
0x3e: {  	_ =	shalt  }
0x3f: {  	_ =	shalt  }
0x40: {  	_ =	shalt  }
0x41: {  	_ =	shalt  }
0x42: {  	_ =	shalt  }
0x43: {  	_ =	shalt  }
0x44: {  	_ =	shalt  }
0x45: {  	_ =	shalt  }
0x46: {  	_ =	shalt  }
0x47: {  	_ =	shalt  }
0x48: {  	_ =	shalt  }
0x49: {  	_ =	shalt  }
0x4a: {  	_ =	shalt  }
0x4b: {  	_ =	shalt  }
0x4c: {  	_ =	shalt  }
0x4d: {  	_ =	shalt  }
0x4e: {  	_ =	shalt  }
0x4f: {  	_ =	shalt  }
0x50: {  	_ =	shalt  }
0x51: {  	_ =	shalt  }
0x52: {  	_ =	shalt  }
0x53: {  	_ =	shalt  }
0x54: {  	_ =	shalt  }
0x55: {  	_ =	shalt  }
0x56: {  	_ =	shalt  }
0x57: {  	_ =	shalt  }
0x58: {  	_ =	shalt  }
0x59: {  	_ =	shalt  }
0x5a: {  	_ =	shalt  }
0x5b: {  	_ =	shalt  }
0x5c: {  	_ =	shalt  }
0x5d: {  	_ =	shalt  }
0x5e: {  	_ =	shalt  }
0x5f: {  	_ =	shalt  }
0x60: {  	_ =	shalt  }
0x61: {  	_ =	shalt  }
0x62: {  	_ =	shalt  }
0x63: {  	_ =	shalt  }
0x64: {  	_ =	shalt  }
0x65: {  	_ =	shalt  }
0x66: {  	_ =	shalt  }
0x67: {  	_ =	shalt  }
0x68: {  	_ =	shalt  }
0x69: {  	_ =	shalt  }
0x6a: {  	_ =	shalt  }
0x6b: {  	_ =	shalt  }
0x6c: {  	_ =	shalt  }
0x6d: {  	_ =	shalt  }
0x6e: {  	_ =	shalt  }
0x6f: {  	_ =	shalt  }
0x70: {  	_ =	shalt  }
0x71: {  	_ =	shalt  }
0x72: {  	_ =	shalt  }
0x73: {  	_ =	shalt  }
0x74: {  	_ =	shalt  }
0x75: {  	_ =	shalt  }
0x76: {  	_ =	shalt  }
0x77: {  	_ =	shalt  }
0x78: {  	_ =	shalt  }
0x79: {  	_ =	shalt  }
0x7a: {  	_ =	shalt  }
0x7b: {  	_ =	shalt  }
0x7c: {  	_ =	shalt  }
0x7d: {  	_ =	shalt  }
0x7e: {  	_ =	shalt  }
0x7f: {  	_ =	shalt  }
0x80: {  	_ =	shalt  }
0x81: {  	_ =	shalt  }
0x82: {  	_ =	shalt  }
0x83: {  	_ =	shalt  }
0x84: {  	_ =	shalt  }
0x85: {  	_ =	shalt  }
0x86: {  	_ =	shalt  }
0x87: {  	_ =	shalt  }
.Lfunc_end0:
.L_simem_size_0:
called_computation.2_lowered:
.L_overlay_start_0:
0x88: {  	s2 =	sld [smem:$0x3FD9]  }
0x89: {  	s3 =	sld [smem:$0x3FFE];
	_ =	sdelay $0x1  }
0x8a: {  	s1 =	srdreg.scid  }
0x8b: {  	s0 =	sand.u32 $0x1, s1  }
0x8c: {  	s17 =	sshll.u32 s0, $0xA;
	s2 =	sadd.s32 s3, s2  }
0x8d: {  	s2 =	sadd.s32 s2, s17  }
0x8e: {  	[smem:$0x3FC4] =	sst s2  }
0x8f: {  	_ = 	snop  }
0x90: {  	s2 =	sld [smem:$0x3FD0];
	(tm) =	ssettm $0x1  }
0x91: {  	s18 =	sld [smem:$0x3FFB];
	_ =	sdelay $0x3  }
0x92: {  	_ =	strace s18  }
0x93: {  	s3 =	sld [smem:$0x3FFC];
	_ =	sdelay $0x3  }
0x94: {  	_ =	strace s3  }
0x95: {  	s3 =	sld [smem:$0x3FFD];
	_ =	sdelay $0x3  }
0x96: {  	_ =	strace s3  }
0x97: {  	_ =	strace $0x8FFFFFFF  }
0x98: {  	s19 =	sld [smem:$0x3FDB];
	_ =	sdelay $0x1  }
0x99: {  	s4 =	simm.s32 $_scs_section_size  }
0x9a: {  	s5 =	simm.s32 $_size__tile_overlayer_lowered;
	s6 =	simm.s32 $_tile_overlayer_lowered  }
0x9b: {  	s22 =	simm.s32 $0x1BFF;
	s21 =	sshll.u32 s6, $0x1;
	s3 =	sadd.s32 s4, s19  }
0x9c: {  	s7 =	simm.s32 $0x0;
	s20 =	sshll.u32 s5, $0x1;
	s5 =	sadd.s32 s21, s3  }
0x9d: {  	[timem:s7], [sflag:s22] =	dma.local [hbm:s5], s20  }
0x9e: {  	_ =	swait.ge [sflag:s22], s20  }
0x9f: {  	s4 =	ssub.s32 $0x0, s20;
	[sflag:s22] =	ssyncset.done $0x0  }
0xa0: {  	[sflag:s22] =	ssyncadd.s32 s4;
	_ =	sdelay $0x1  }
0xa1: {  	s23 =	simm.s32 $0x1B8B  }
0xa2: {  	_ =	swait.ge [sflag:s23], $0x1  }
0xa3: {  	[sflag:s23] =	ssyncset.done $0x0  }
0xa4: {  	s25 =	simm.s32 $0x1B8E;
	s24 =	sld [smem:$0x3FFE];
	[sflag:s23] =	ssyncadd.s32 $0xFFFFFFFF  }
0xa5: {  	s26 =	simm.s32 $execute0_lowered;
	[smem:$0x3FD2] =	sst s25  }
0xa6: {  	s5 =	sshll.u32 s26, $0x1;
	_ =	strace $0x8000004C;
	[dreg:$0x1] =	wrdreg $0xFFFFFFFF  }
0xa7: {  	s28 =	simm.s32 $_size_execute0_lowered;
	s3 =	sadd.s32 s3, s5;
	[dreg:$0x0] =	wrdreg $0x0  }
0xa8: {  	s5 =	sshll.u32 s28, $0x1;
	[dreg:$0x2] =	wrdreg s3  }
0xa9: {  	[dreg:$0x3] =	wrdreg s5  }
0xaa: {  	[dreg:$0x4] =	wrdreg $0xC0  }
0xab: {  	_ =	task [dreg:s7], $0x5FFFF  }
0xac: {  	[dreg:$0x1] =	wrdreg $0xFFFFFFFF  }
0xad: {  	[dreg:$0x0] =	wrdreg $0x60  }
0xae: {  	[dreg:$0x2] =	wrdreg s24  }
0xaf: {  	[dreg:$0x3] =	wrdreg s2  }
0xb0: {  	[dreg:$0x4] =	wrdreg $0xB8000  }
0xb1: {  	[dreg:$0x5] =	wrdreg $0x9  }
0xb2: {  	_ =	task.clear_ibuf [dreg:s7], $0x6FFFF;
	_ =	strace $0x9000004C  }
0xb3: {  	s29 =	simm.s32 $0x9;
	_ =	strace $0x8000004E  }
0xb4: {  	_ =	swait.ge [sflag:s29], $0x1  }
0xb5: {  	[sflag:s29] =	ssyncadd.s32 $0xFFFFFFFF  }
0xb6: {  	_ =	strace $0x9000004E  }
0xb7: {  	_ =	sfence  }
0xb8: {  	s30 =	sld [smem:$0x0];
	_ =	sdelay $0x2  }
0xb9: {  	s31 =	sshll.u32 s1, $0xD;
	s1 =	sshrl.u32 s1, $0x2  }
0xba: {  	s3 =	sand.u32 $0x4000, s31;
	s1 =	sadd.s32 s1, s30  }
0xbb: {  	s0 =	sor.u32 s3, s0;
	s1 =	sshll.u32 s1, $0x11  }
0xbc: {  	s0 =	sor.u32 s1, s0  }
0xbd: {  	s0 =	sadd.s32 $0x8F2B, s0  }
0xbe: {  	[sflag:s0] =	ssyncadd.remote.s32 $0x1  }
0xbf: {  	_ =	sfence.sel $0xFFFF  }
0xc0: {  	[dreg:$0x0] =	wrdreg $0xFFFFFFFF;
	(pc) =	sbr.abs _section_cstart, $3  }
0xc1: {  	[dreg:$0x1] =	wrdreg $0xFFFFFFFF  }
0xc2: {  	_ =	task.clear_ibuf [dreg:s7], $0x2FFFF;
	_ =	strace $0x9FFFFFFF  }
0xc3: {  	(tm) =	ssettm $0x7FFFFFFF  }
tec
execute0_lowered:
.L_overlay_start_1:
0x0: {  	(tag) =	ssettag $0x1  }
0x1: {  	s0 =	rddreg [dreg:$0x0]  }
0x2: {  	s2 =	rddreg [dreg:$0x1]  }
0x3: {  	s1 =	rddreg [dreg:$0x2]  }
0x4: {  	s3 =	simm.s32 $0x0;
	s10 =	stileid.u32;
	s5 =	srdreg.scid  }
0x5: {  	s28 =	simm.s32 $0x1;
	s29 =	simm.s32 $0x7800;
	s30 =	simm.s32 $0x2  }
0x6: {  	s31 =	simm.s32 $0x1C00;
	[smem:$0x7FF] =	sst s3;
	s8 =	smul.u32 $0x280, s10  }
0x7: {  	s4 =	sadd.s32 $0x5D400, s0;
	s12 =	sadd.s32 $0x2A00, s0;
	s6 =	smul.u32 $0x50000, s10  }
0x8: {  	s5 =	sand.u32 $0x1, s5;
	s7 =	sadd.s32 $0xCC00, s0;
	s21 =	smul.u32 $0x18, s10  }
0x9: {  	s0 =	sadd.s32 $0x85400, s0;
	s10 =	smul.u32 $0x88, s10;
	_ =	strace $0x8000004D  }
0xa: {  	[dreg:$0x4] =	wrdreg s7;
	s19 =	ssub.s32 $0x2, s5;
	p0 =	seq.s32 s5, $0x0  }
0xb: {  	s26 =	smul.u32 $0x2800, s5;
	s9 =	sshrl.u32 s19, $0x1;
	s6 =	sshrl.u32 s6, $0x2  }
0xc: {  	s17 =	sadd.s32 $0x80, s8;
	s18 =	sadd.s32 $0x100, s8;
	s11 =	sadd.s32 $0x880, s21  }
0xd: {  	s13 =	sadd.s32 $0x898, s21;
	s23 =	ssub.s32 s19, s9;
	s6 =	sadd.s32 s6, s1  }
0xe: {  	s20 =	sshll.u32 s17, $0x7;
	s14 =	sshll.u32 s18, $0x7;
	s19 =	sadd.s32 $0x180, s8  }
0xf: {  	s11 =	smov.u32 @p0 s10;
	s21 =	smov.u32 s13;
	s7 =	sadd.s32 s20, s1  }
0x10: {  	s15 =	sshll.u32 s19, $0x7;
	s20 =	sadd.s32 $0x200, s8;
	s22 =	sshll.u32 s11, $0x4  }
0x11: {  	s11 =	sadd.s32 $0x38, s10;
	s10 =	sadd.s32 $0x70, s10;
	s14 =	sadd.s32 s14, s1  }
0x12: {  	s8 =	sadd.s32 s8, s26;
	s23 =	smax.u32 s23, $0x1;
	s16 =	sshll.u32 s20, $0x7  }
0x13: {  	s21 =	smov.u32 @p0 s11;
	s24 =	sadd.s32 s12, s22;
	s9 =	sadd.s32 s2, s22  }
0x14: {  	s13 =	smov.u32 @p0 s10;
	s15 =	sadd.s32 s15, s1;
	[dreg:$0x5] =	wrdreg s24  }
0x15: {  	s22 =	sadd.s32 s26, s18;
	s8 =	sshll.u32 s8, $0x4;
	[dreg:$0x6] =	wrdreg s9  }
0x16: {  	s25 =	sshll.u32 s21, $0x4;
	s13 =	sshll.u32 s13, $0x4;
	s16 =	sadd.s32 s16, s1  }
0x17: {  	s9 =	sadd.s32 s26, s17;
	s24 =	sadd.s32 s26, s19;
	s17 =	simm.s32 $0x1C  }
0x18: {  	s18 =	sadd.s32 s0, s8;
	s10 =	sadd.s32 s12, s25;
	s11 =	sadd.s32 s2, s25  }
0x19: {  	s12 =	sadd.s32 s12, s13;
	s13 =	sadd.s32 s2, s13;
	s2 =	sadd.s32 s26, s20  }
.Ltmp0:
0x1a: {  	s17 =	simm.s32 @!p0 $0xC;
	s21 =	sshll.u32 s9, $0x4;
	(pc) =	sbr.rel .LBB2_1-.Ltmp0, $4  }
0x1b: {  	s25 =	sshll.u32 s22, $0x4;
	s26 =	sshll.u32 s24, $0x4;
	s24 =	simm.s32 $0x3800  }
0x1c: {  	p0 =	sne.s32 s5, $0x0;
	s19 =	sadd.s32 s0, s21;
	s20 =	sadd.s32 s0, s25  }
0x1d: {  	s2 =	sshll.u32 s2, $0x4;
	s21 =	sadd.s32 s0, s26;
	s25 =	simm.s32 $0x3  }
0x1e: {  	s26 =	simm.s32 $0x80;
	s22 =	sadd.s32 s0, s2;
	s0 =	simm.s32 $0x0  }
.LBB2_11:
0x1f: {  	[bflag:$0x0] =	sbarrier.arrive $0xFFFF  }
0x20: {  	[tilespmem:s24], [sflag:$0x3] =	stream.linear.gather [spmem:s6], $0x4000, $0x38;
	[tilespmem:$0x1F800] =	vst v63  }
0x21: {  	_ =	swait.ge [sflag:s25], $0x4000  }
0x22: {  	[sflag:s25] =	ssyncset.done $0x0  }
0x23: {  	[sflag:s25] =	ssyncadd.s32 $0xFFFFC000  }
0x24: {  	[hbm4b:s18+s3] =	stream.linear.scatter [tilespmem:s24], [sflag:$0x3], $0x4000, $0x38;
	[tilespmem:$0x1F800] =	vst v63  }
0x25: {  	_ =	swait.ge [sflag:s25], $0x4000  }
0x26: {  	[sflag:s25] =	ssyncset.done $0x0  }
0x27: {  	[sflag:s25] =	ssyncadd.s32 $0xFFFFC000  }
0x28: {  	[tilespmem:s24], [sflag:$0x3] =	stream.linear.gather [spmem:s7], $0x4000, $0x38;
	[tilespmem:$0x1F800] =	vst v63  }
0x29: {  	_ =	swait.ge [sflag:s25], $0x4000  }
0x2a: {  	[sflag:s25] =	ssyncset.done $0x0  }
0x2b: {  	[sflag:s25] =	ssyncadd.s32 $0xFFFFC000  }
0x2c: {  	[hbm4b:s19+s3] =	stream.linear.scatter [tilespmem:s24], [sflag:$0x3], $0x4000, $0x38;
	[tilespmem:$0x1F800] =	vst v63  }
0x2d: {  	_ =	swait.ge [sflag:s25], $0x4000  }
0x2e: {  	[sflag:s25] =	ssyncset.done $0x0  }
0x2f: {  	[sflag:s25] =	ssyncadd.s32 $0xFFFFC000  }
0x30: {  	[tilespmem:s24], [sflag:$0x3] =	stream.linear.gather [spmem:s14], $0x4000, $0x38;
	[tilespmem:$0x1F800] =	vst v63  }
0x31: {  	_ =	swait.ge [sflag:s25], $0x4000  }
0x32: {  	[sflag:s25] =	ssyncset.done $0x0  }
0x33: {  	[sflag:s25] =	ssyncadd.s32 $0xFFFFC000  }
0x34: {  	[hbm4b:s20+s3] =	stream.linear.scatter [tilespmem:s24], [sflag:$0x3], $0x4000, $0x38;
	[tilespmem:$0x1F800] =	vst v63  }
0x35: {  	_ =	swait.ge [sflag:s25], $0x4000  }
0x36: {  	[sflag:s25] =	ssyncset.done $0x0  }
0x37: {  	[sflag:s25] =	ssyncadd.s32 $0xFFFFC000  }
0x38: {  	[tilespmem:s24], [sflag:$0x3] =	stream.linear.gather [spmem:s15], $0x4000, $0x38;
	[tilespmem:$0x1F800] =	vst v63  }
0x39: {  	_ =	swait.ge [sflag:s25], $0x4000  }
0x3a: {  	[sflag:s25] =	ssyncset.done $0x0  }
0x3b: {  	[sflag:s25] =	ssyncadd.s32 $0xFFFFC000  }
0x3c: {  	[hbm4b:s21+s3] =	stream.linear.scatter [tilespmem:s24], [sflag:$0x3], $0x4000, $0x38;
	[tilespmem:$0x1F800] =	vst v63  }
0x3d: {  	_ =	swait.ge [sflag:s25], $0x4000  }
0x3e: {  	[sflag:s25] =	ssyncset.done $0x0  }
0x3f: {  	[sflag:s25] =	ssyncadd.s32 $0xFFFFC000  }
0x40: {  	[tilespmem:s24], [sflag:$0x3] =	stream.linear.gather [spmem:s16], $0x4000, $0x38;
	[tilespmem:$0x1F800] =	vst v63  }
0x41: {  	s0 =	sadd.s32 $0x1, s0;
	_ =	swait.ge [sflag:s25], $0x4000  }
0x42: {  	p1 =	sne.s32 s0, s23;
	[sflag:s25] =	ssyncset.done $0x0  }
.Ltmp1:
0x43: {  	[sflag:s25] =	ssyncadd.s32 $0xFFFFC000;
	(pc) =	sbr.rel @!p1 .LBB2_12-.Ltmp1, $4  }
0x44: {  	[hbm4b:s22+s3] =	stream.linear.scatter [tilespmem:s24], [sflag:$0x3], $0x4000, $0x38;
	[tilespmem:$0x1F800] =	vst v63  }
0x45: {  	_ =	swait.ge [sflag:s25], $0x4000  }
0x46: {  	[sflag:s25] =	ssyncset.done $0x0  }
0x47: {  	[sflag:s25] =	ssyncadd.s32 $0xFFFFC000  }
.LBB2_1:
0x48: {  	s2 =	rddreg [dreg:$0x4]  }
0x49: {  	[tilespmem:s24], [sflag:$0x3] =	stream.linear.gather [hbm4b:s2+s3], $0x4000, $0x38;
	[tilespmem:$0x1F800] =	vst v63  }
0x4a: {  	_ =	swait.ge [sflag:s25], $0x4000  }
0x4b: {  	[sflag:s25] =	ssyncset.done $0x0  }
0x4c: {  	[sflag:s25] =	ssyncadd.s32 $0xFFFFC000  }
0x4d: {  	[spmem:s6] =	stream.linear.scatter [tilespmem:s24], [sflag:$0x3], $0x4000, $0x38;
	[tilespmem:$0x1F800] =	vst v63  }
0x4e: {  	_ =	swait.ge [sflag:s25], $0x4000  }
0x4f: {  	[sflag:s25] =	ssyncset.done $0x0  }
0x50: {  	[sflag:s25] =	ssyncadd.s32 $0xFFFFC000  }
0x51: {  	[spmem:s7] =	stream.linear.scatter [tilespmem:s24], [sflag:$0x3], $0x4000, $0x38;
	[tilespmem:$0x1F800] =	vst v63  }
0x52: {  	_ =	swait.ge [sflag:s25], $0x4000  }
0x53: {  	[sflag:s25] =	ssyncset.done $0x0  }
0x54: {  	[sflag:s25] =	ssyncadd.s32 $0xFFFFC000  }
0x55: {  	[spmem:s14] =	stream.linear.scatter [tilespmem:s24], [sflag:$0x3], $0x4000, $0x38;
	[tilespmem:$0x1F800] =	vst v63  }
0x56: {  	_ =	swait.ge [sflag:s25], $0x4000  }
0x57: {  	[sflag:s25] =	ssyncset.done $0x0  }
0x58: {  	[sflag:s25] =	ssyncadd.s32 $0xFFFFC000  }
0x59: {  	[spmem:s15] =	stream.linear.scatter [tilespmem:s24], [sflag:$0x3], $0x4000, $0x38;
	[tilespmem:$0x1F800] =	vst v63  }
0x5a: {  	_ =	swait.ge [sflag:s25], $0x4000  }
0x5b: {  	[sflag:s25] =	ssyncset.done $0x0  }
0x5c: {  	[sflag:s25] =	ssyncadd.s32 $0xFFFFC000  }
0x5d: {  	[spmem:s16] =	stream.linear.scatter [tilespmem:s24], [sflag:$0x3], $0x4000, $0x38;
	[tilespmem:$0x1F800] =	vst v63  }
0x5e: {  	_ =	swait.ge [sflag:s25], $0x4000  }
0x5f: {  	[sflag:s25] =	ssyncset.done $0x0  }
0x60: {  	[sflag:s25] =	ssyncadd.s32 $0xFFFFC000  }
0x61: {  	[bflag:$0x0] =	sbarrier.arrive $0xFFFF  }
0x62: {  	s9 =	rddreg [dreg:$0x5]  }
0x63: {  	[tilespmem:s3], [sflag:$0x3] =	stream.linear.gather [hbm4b:s9+s3], $0x1C00, $0x38;
	[tilespmem:$0x1F800] =	vst v63  }
0x64: {  	_ =	swait.ge [sflag:s25], $0x1C00  }
0x65: {  	[sflag:s25] =	ssyncset.done $0x0  }
0x66: {  	s5 =	rddreg [dreg:$0x6];
	[sflag:s25] =	ssyncadd.s32 $0xFFFFE400  }
0x67: {  	[tilespmem:s31], [sflag:$0x3] =	stream.linear.gather [hbm4b:s5+s3], $0x1C00, $0x38;
	[tilespmem:$0x1F800] =	vst v63  }
0x68: {  	_ =	swait.ge [sflag:s25], $0x1C00  }
0x69: {  	[sflag:s25] =	ssyncset.done $0x0  }
0x6a: {  	[sflag:s25] =	ssyncadd.s32 $0xFFFFE400  }
0x6b: {  	[tilespmem:s24], [sflag:$0x1] =	stream.indirect.gather [hbm4b:s4+s26], $0x80, s3, s26, $0xb8;
	[tilespmem:$0x1F800] =	vst v63  }
0x6c: {  	_ =	swait.ge [sflag:s28], $0x4000  }
0x6d: {  	[sflag:s28] =	ssyncset.done $0x0  }
0x6e: {  	[sflag:s28] =	ssyncadd.s32 $0xFFFFC000  }
0x6f: {  	[spmem:s1] =	stream.indirect.scatter.add.f32 [tilespmem:s24], [sflag:$0x2], $0x80, s31, s26, $0xb8;
	[tilespmem:$0x1F800] =	vst v63  }
0x70: {  	s8 =	simm.s32 $0x80  }
0x71: {  	[tilespmem:s29], [sflag:$0x1] =	stream.indirect.gather [hbm4b:s4+s26], $0x80, s8, s26, $0xb8;
	[tilespmem:$0x1F800] =	vst v63  }
0x72: {  	_ =	swait.ge [sflag:s28], $0x4000  }
0x73: {  	[sflag:s28] =	ssyncset.done $0x0  }
0x74: {  	[sflag:s28] =	ssyncadd.s32 $0xFFFFC000  }
0x75: {  	p1 =	sne.s32 s17, $0x1;
	_ =	swait.ge [sflag:s30], $0x4000  }
.Ltmp2:
0x76: {  	[sflag:s30] =	ssyncset.done $0x0;
	(pc) =	sbr.rel @!p1 .LBB2_3-.Ltmp2, $4  }
0x77: {  	s9 =	simm.s32 $0x1C80;
	[sflag:s30] =	ssyncadd.s32 $0xFFFFC000  }
0x78: {  	[spmem:s1] =	stream.indirect.scatter.add.f32 [tilespmem:s29], [sflag:$0x3], $0x80, s9, s26, $0xb8;
	[tilespmem:$0x1F800] =	vst v63  }
0x79: {  	s2 =	sadd.s32 $0xFFFFFFFF, s17;
	_ =	swait.ge [sflag:s25], $0x4000  }
0x7a: {  	s5 =	simm.s32 $0x0;
	s8 =	simm.s32 $0x1C00;
	[sflag:s25] =	ssyncset.done $0x0  }
.LBB2_2:
0x7b: {  	[sflag:s25] =	ssyncadd.s32 $0xFFFFC000;
	s5 =	sadd.s32 $0x100, s5;
	s8 =	sadd.s32 $0x100, s8  }
0x7c: {  	[tilespmem:s24], [sflag:$0x1] =	stream.indirect.gather [hbm4b:s4+s26], $0x80, s5, s26, $0xb8;
	[tilespmem:$0x1F800] =	vst v63  }
0x7d: {  	p1 =	sne.s32 s2, $0x1;
	s2 =	sadd.s32 $0xFFFFFFFF, s2;
	_ =	swait.ge [sflag:s28], $0x4000  }
0x7e: {  	[sflag:s28] =	ssyncset.done $0x0  }
0x7f: {  	[sflag:s28] =	ssyncadd.s32 $0xFFFFC000  }
0x80: {  	[spmem:s1] =	stream.indirect.scatter.add.f32 [tilespmem:s24], [sflag:$0x2], $0x80, s8, s26, $0xb8;
	[tilespmem:$0x1F800] =	vst v63  }
0x81: {  	s9 =	sadd.s32 $0x80, s5  }
0x82: {  	[tilespmem:s29], [sflag:$0x1] =	stream.indirect.gather [hbm4b:s4+s26], $0x80, s9, s26, $0xb8;
	[tilespmem:$0x1F800] =	vst v63  }
0x83: {  	_ =	swait.ge [sflag:s28], $0x4000  }
0x84: {  	[sflag:s28] =	ssyncset.done $0x0  }
0x85: {  	[sflag:s28] =	ssyncadd.s32 $0xFFFFC000  }
0x86: {  	_ =	swait.ge [sflag:s30], $0x4000  }
.Ltmp3:
0x87: {  	[sflag:s30] =	ssyncset.done $0x0;
	(pc) =	sbr.rel @p1 .LBB2_2-.Ltmp3, $4  }
0x88: {  	s9 =	sadd.s32 $0x80, s8;
	[sflag:s30] =	ssyncadd.s32 $0xFFFFC000  }
0x89: {  	[spmem:s1] =	stream.indirect.scatter.add.f32 [tilespmem:s29], [sflag:$0x3], $0x80, s9, s26, $0xb8;
	[tilespmem:$0x1F800] =	vst v63  }
0x8a: {  	_ =	swait.ge [sflag:s25], $0x4000  }
0x8b: {  	[sflag:s25] =	ssyncset.done $0x0  }
.LBB2_3:
0x8c: {  	[sflag:s25] =	ssyncadd.s32 $0xFFFFC000;
	s2 =	simm.s32 $0x0  }
0x8d: {  	[tilespmem:s2], [sflag:$0x3] =	stream.linear.gather [hbm4b:s10+s2], $0x1C00, $0x38;
	[tilespmem:$0x1F800] =	vst v63  }
0x8e: {  	_ =	swait.ge [sflag:s25], $0x1C00  }
0x8f: {  	[sflag:s25] =	ssyncset.done $0x0  }
.Ltmp4:
0x90: {  	[sflag:s25] =	ssyncadd.s32 $0xFFFFE400;
	(pc) =	sbr.rel @p0 .LBB2_7-.Ltmp4, $4  }
0x91: {  	[tilespmem:s31], [sflag:$0x3] =	stream.linear.gather [hbm4b:s11+s2], $0x1C00, $0x38;
	[tilespmem:$0x1F800] =	vst v63  }
0x92: {  	_ =	swait.ge [sflag:s25], $0x1C00  }
0x93: {  	[sflag:s25] =	ssyncset.done $0x0  }
0x94: {  	[sflag:s25] =	ssyncadd.s32 $0xFFFFE400  }
0x95: {  	s5 =	simm.s32 $0x0  }
0x96: {  	[tilespmem:s24], [sflag:$0x1] =	stream.indirect.gather [hbm4b:s4+s26], $0x80, s5, s26, $0xb8;
	[tilespmem:$0x1F800] =	vst v63  }
0x97: {  	_ =	swait.ge [sflag:s28], $0x4000  }
0x98: {  	s31 =	smov.u32 s17;
	s17 =	smov.u32 s16;
	[sflag:s28] =	ssyncset.done $0x0  }
0x99: {  	s16 =	smov.u32 s15;
	s8 =	simm.s32 $0x1C00;
	[sflag:s28] =	ssyncadd.s32 $0xFFFFC000  }
0x9a: {  	[spmem:s1] =	stream.indirect.scatter.add.f32 [tilespmem:s24], [sflag:$0x2], $0x80, s8, s26, $0xb8;
	[tilespmem:$0x1F800] =	vst v63  }
0x9b: {  	s15 =	smov.u32 s14;
	s14 =	smov.u32 s7;
	s9 =	simm.s32 $0x80  }
0x9c: {  	[tilespmem:s29], [sflag:$0x1] =	stream.indirect.gather [hbm4b:s4+s26], $0x80, s9, s26, $0xb8;
	[tilespmem:$0x1F800] =	vst v63  }
0x9d: {  	s7 =	smov.u32 s6;
	s6 =	smov.u32 s23;
	_ =	swait.ge [sflag:s28], $0x4000  }
0x9e: {  	s23 =	smov.u32 s22;
	s22 =	smov.u32 s21;
	[sflag:s28] =	ssyncset.done $0x0  }
0x9f: {  	s21 =	smov.u32 s20;
	s20 =	smov.u32 s19;
	[sflag:s28] =	ssyncadd.s32 $0xFFFFC000  }
0xa0: {  	s19 =	smov.u32 s18;
	s18 =	smov.u32 s13;
	_ =	swait.ge [sflag:s30], $0x4000  }
0xa1: {  	s13 =	smov.u32 s12;
	s12 =	smov.u32 s11;
	[sflag:s30] =	ssyncset.done $0x0  }
0xa2: {  	s11 =	smov.u32 s10;
	s10 =	simm.s32 $0x1C80;
	[sflag:s30] =	ssyncadd.s32 $0xFFFFC000  }
0xa3: {  	[spmem:s1] =	stream.indirect.scatter.add.f32 [tilespmem:s29], [sflag:$0x3], $0x80, s10, s26, $0xb8;
	[tilespmem:$0x1F800] =	vst v63  }
0xa4: {  	_ =	swait.ge [sflag:s25], $0x4000  }
0xa5: {  	s5 =	simm.s32 $0x400;
	s8 =	simm.s32 $0x800;
	[sflag:s25] =	ssyncset.done $0x0  }
.LBB2_5:
0xa6: {  	s9 =	sshra.s32 s5, $0x2  }
0xa7: {  	[sflag:s25] =	ssyncadd.s32 $0xFFFFC000;
	s5 =	smov.u32 s8;
	s10 =	sadd.s32 $0x400, s8  }
0xa8: {  	[tilespmem:s24], [sflag:$0x1] =	stream.indirect.gather [hbm4b:s4+s26], $0x80, s9, s26, $0xb8;
	[tilespmem:$0x1F800] =	vst v63  }
0xa9: {  	p1 =	sne.s32 s8, $0x6C00;
	_ =	swait.ge [sflag:s28], $0x4000  }
0xaa: {  	[sflag:s28] =	ssyncset.done $0x0  }
0xab: {  	s8 =	sadd.s32 $0x1C00, s9;
	[sflag:s28] =	ssyncadd.s32 $0xFFFFC000  }
0xac: {  	[spmem:s1] =	stream.indirect.scatter.add.f32 [tilespmem:s24], [sflag:$0x2], $0x80, s8, s26, $0xb8;
	[tilespmem:$0x1F800] =	vst v63  }
0xad: {  	s8 =	sadd.s32 $0x80, s9  }
0xae: {  	[tilespmem:s29], [sflag:$0x1] =	stream.indirect.gather [hbm4b:s4+s26], $0x80, s8, s26, $0xb8;
	[tilespmem:$0x1F800] =	vst v63  }
0xaf: {  	_ =	swait.ge [sflag:s28], $0x4000  }
0xb0: {  	[sflag:s28] =	ssyncset.done $0x0  }
0xb1: {  	[sflag:s28] =	ssyncadd.s32 $0xFFFFC000  }
0xb2: {  	_ =	swait.ge [sflag:s30], $0x4000  }
.Ltmp5:
0xb3: {  	[sflag:s30] =	ssyncset.done $0x0;
	(pc) =	sbr.rel @p1 .LBB2_5-.Ltmp5, $4  }
0xb4: {  	s8 =	sadd.s32 $0x1C80, s9;
	[sflag:s30] =	ssyncadd.s32 $0xFFFFC000  }
0xb5: {  	[spmem:s1] =	stream.indirect.scatter.add.f32 [tilespmem:s29], [sflag:$0x3], $0x80, s8, s26, $0xb8;
	[tilespmem:$0x1F800] =	vst v63  }
0xb6: {  	_ =	swait.ge [sflag:s25], $0x4000  }
0xb7: {  	s8 =	smov.u32 s10;
	[sflag:s25] =	ssyncset.done $0x0  }
0xb8: {  	s5 =	sshra.s32 s5, $0x2;
	[sflag:s25] =	ssyncadd.s32 $0xFFFFC000  }
0xb9: {  	[tilespmem:s24], [sflag:$0x1] =	stream.indirect.gather [hbm4b:s4+s26], $0x80, s5, s26, $0xb8;
	[tilespmem:$0x1F800] =	vst v63  }
0xba: {  	_ =	swait.ge [sflag:s28], $0x4000  }
0xbb: {  	[sflag:s28] =	ssyncset.done $0x0  }
0xbc: {  	s8 =	sadd.s32 $0x1C00, s5;
	[sflag:s28] =	ssyncadd.s32 $0xFFFFC000  }
0xbd: {  	[spmem:s1] =	stream.indirect.scatter.add.f32 [tilespmem:s24], [sflag:$0x2], $0x80, s8, s26, $0xb8;
	[tilespmem:$0x1F800] =	vst v63  }
0xbe: {  	s10 =	sadd.s32 $0x80, s5  }
0xbf: {  	[tilespmem:s29], [sflag:$0x1] =	stream.indirect.gather [hbm4b:s4+s26], $0x80, s10, s26, $0xb8;
	[tilespmem:$0x1F800] =	vst v63  }
0xc0: {  	s5 =	sadd.s32 $0x1C80, s5;
	s10 =	smov.u32 s11;
	_ =	swait.ge [sflag:s28], $0x4000  }
0xc1: {  	s11 =	smov.u32 s12;
	s12 =	smov.u32 s13;
	[sflag:s28] =	ssyncset.done $0x0  }
0xc2: {  	s13 =	smov.u32 s18;
	s18 =	smov.u32 s19;
	[sflag:s28] =	ssyncadd.s32 $0xFFFFC000  }
0xc3: {  	s19 =	smov.u32 s20;
	s20 =	smov.u32 s21;
	_ =	swait.ge [sflag:s30], $0x4000  }
0xc4: {  	s21 =	smov.u32 s22;
	s22 =	smov.u32 s23;
	[sflag:s30] =	ssyncset.done $0x0  }
0xc5: {  	s23 =	smov.u32 s6;
	s6 =	smov.u32 s7;
	[sflag:s30] =	ssyncadd.s32 $0xFFFFC000  }
0xc6: {  	[spmem:s1] =	stream.indirect.scatter.add.f32 [tilespmem:s29], [sflag:$0x3], $0x80, s5, s26, $0xb8;
	[tilespmem:$0x1F800] =	vst v63  }
0xc7: {  	s7 =	smov.u32 s14;
	s14 =	smov.u32 s15;
	_ =	swait.ge [sflag:s25], $0x4000  }
0xc8: {  	s15 =	smov.u32 s16;
	s16 =	smov.u32 s17;
	[sflag:s25] =	ssyncset.done $0x0  }
0xc9: {  	s17 =	smov.u32 s31;
	s31 =	simm.s32 $0x1C00;
	[sflag:s25] =	ssyncadd.s32 $0xFFFFC000  }
.LBB2_7:
0xca: {  	[tilespmem:s2], [sflag:$0x3] =	stream.linear.gather [hbm4b:s12+s2], $0x1C00, $0x38;
	[tilespmem:$0x1F800] =	vst v63  }
0xcb: {  	_ =	swait.ge [sflag:s25], $0x1C00  }
0xcc: {  	[sflag:s25] =	ssyncset.done $0x0  }
.Ltmp6:
0xcd: {  	[sflag:s25] =	ssyncadd.s32 $0xFFFFE400;
	(pc) =	sbr.rel @p0 .LBB2_11-.Ltmp6, $4  }
0xce: {  	[tilespmem:s31], [sflag:$0x3] =	stream.linear.gather [hbm4b:s13+s2], $0x1C00, $0x38;
	[tilespmem:$0x1F800] =	vst v63  }
0xcf: {  	_ =	swait.ge [sflag:s25], $0x1C00  }
0xd0: {  	[sflag:s25] =	ssyncset.done $0x0  }
0xd1: {  	[sflag:s25] =	ssyncadd.s32 $0xFFFFE400  }
0xd2: {  	s2 =	simm.s32 $0x0  }
0xd3: {  	[tilespmem:s24], [sflag:$0x1] =	stream.indirect.gather [hbm4b:s4+s26], $0x80, s2, s26, $0xb8;
	[tilespmem:$0x1F800] =	vst v63  }
0xd4: {  	_ =	swait.ge [sflag:s28], $0x4000  }
0xd5: {  	[sflag:s28] =	ssyncset.done $0x0  }
0xd6: {  	s5 =	simm.s32 $0x1C00;
	[sflag:s28] =	ssyncadd.s32 $0xFFFFC000  }
0xd7: {  	[spmem:s1] =	stream.indirect.scatter.add.f32 [tilespmem:s24], [sflag:$0x2], $0x80, s5, s26, $0xb8;
	[tilespmem:$0x1F800] =	vst v63  }
0xd8: {  	s8 =	simm.s32 $0x80  }
0xd9: {  	[tilespmem:s29], [sflag:$0x1] =	stream.indirect.gather [hbm4b:s4+s26], $0x80, s8, s26, $0xb8;
	[tilespmem:$0x1F800] =	vst v63  }
0xda: {  	_ =	swait.ge [sflag:s28], $0x4000  }
0xdb: {  	[sflag:s28] =	ssyncset.done $0x0  }
0xdc: {  	[sflag:s28] =	ssyncadd.s32 $0xFFFFC000  }
0xdd: {  	_ =	swait.ge [sflag:s30], $0x4000  }
0xde: {  	[sflag:s30] =	ssyncset.done $0x0  }
0xdf: {  	s9 =	simm.s32 $0x1C80;
	[sflag:s30] =	ssyncadd.s32 $0xFFFFC000  }
0xe0: {  	[spmem:s1] =	stream.indirect.scatter.add.f32 [tilespmem:s29], [sflag:$0x3], $0x80, s9, s26, $0xb8;
	[tilespmem:$0x1F800] =	vst v63  }
0xe1: {  	_ =	swait.ge [sflag:s25], $0x4000  }
0xe2: {  	s2 =	simm.s32 $0x400;
	s5 =	simm.s32 $0x800;
	[sflag:s25] =	ssyncset.done $0x0  }
.LBB2_9:
0xe3: {  	s8 =	sshra.s32 s2, $0x2  }
0xe4: {  	[sflag:s25] =	ssyncadd.s32 $0xFFFFC000;
	s2 =	smov.u32 s5;
	s9 =	sadd.s32 $0x400, s5  }
0xe5: {  	[tilespmem:s24], [sflag:$0x1] =	stream.indirect.gather [hbm4b:s4+s26], $0x80, s8, s26, $0xb8;
	[tilespmem:$0x1F800] =	vst v63  }
0xe6: {  	p1 =	sne.s32 s5, $0x2C00;
	_ =	swait.ge [sflag:s28], $0x4000  }
0xe7: {  	[sflag:s28] =	ssyncset.done $0x0  }
0xe8: {  	s5 =	sadd.s32 $0x1C00, s8;
	[sflag:s28] =	ssyncadd.s32 $0xFFFFC000  }
0xe9: {  	[spmem:s1] =	stream.indirect.scatter.add.f32 [tilespmem:s24], [sflag:$0x2], $0x80, s5, s26, $0xb8;
	[tilespmem:$0x1F800] =	vst v63  }
0xea: {  	s5 =	sadd.s32 $0x80, s8  }
0xeb: {  	[tilespmem:s29], [sflag:$0x1] =	stream.indirect.gather [hbm4b:s4+s26], $0x80, s5, s26, $0xb8;
	[tilespmem:$0x1F800] =	vst v63  }
0xec: {  	_ =	swait.ge [sflag:s28], $0x4000  }
0xed: {  	[sflag:s28] =	ssyncset.done $0x0  }
0xee: {  	[sflag:s28] =	ssyncadd.s32 $0xFFFFC000  }
0xef: {  	_ =	swait.ge [sflag:s30], $0x4000  }
.Ltmp7:
0xf0: {  	[sflag:s30] =	ssyncset.done $0x0;
	(pc) =	sbr.rel @p1 .LBB2_9-.Ltmp7, $4  }
0xf1: {  	s5 =	sadd.s32 $0x1C80, s8;
	[sflag:s30] =	ssyncadd.s32 $0xFFFFC000  }
0xf2: {  	[spmem:s1] =	stream.indirect.scatter.add.f32 [tilespmem:s29], [sflag:$0x3], $0x80, s5, s26, $0xb8;
	[tilespmem:$0x1F800] =	vst v63  }
0xf3: {  	_ =	swait.ge [sflag:s25], $0x4000  }
0xf4: {  	s5 =	smov.u32 s9;
	[sflag:s25] =	ssyncset.done $0x0  }
0xf5: {  	s2 =	sshra.s32 s2, $0x2;
	[sflag:s25] =	ssyncadd.s32 $0xFFFFC000  }
0xf6: {  	[tilespmem:s24], [sflag:$0x1] =	stream.indirect.gather [hbm4b:s4+s26], $0x80, s2, s26, $0xb8;
	[tilespmem:$0x1F800] =	vst v63  }
0xf7: {  	_ =	swait.ge [sflag:s28], $0x4000  }
0xf8: {  	[sflag:s28] =	ssyncset.done $0x0  }
0xf9: {  	s5 =	sadd.s32 $0x1C00, s2;
	[sflag:s28] =	ssyncadd.s32 $0xFFFFC000  }
0xfa: {  	[spmem:s1] =	stream.indirect.scatter.add.f32 [tilespmem:s24], [sflag:$0x2], $0x80, s5, s26, $0xb8;
	[tilespmem:$0x1F800] =	vst v63  }
0xfb: {  	s9 =	sadd.s32 $0x80, s2  }
0xfc: {  	[tilespmem:s29], [sflag:$0x1] =	stream.indirect.gather [hbm4b:s4+s26], $0x80, s9, s26, $0xb8;
	[tilespmem:$0x1F800] =	vst v63  }
0xfd: {  	_ =	swait.ge [sflag:s28], $0x4000  }
0xfe: {  	[sflag:s28] =	ssyncset.done $0x0  }
0xff: {  	[sflag:s28] =	ssyncadd.s32 $0xFFFFC000  }
0x100: {  	_ =	swait.ge [sflag:s30], $0x4000  }
0x101: {  	[sflag:s30] =	ssyncset.done $0x0  }
.Ltmp8:
0x102: {  	s2 =	sadd.s32 $0x1C80, s2;
	[sflag:s30] =	ssyncadd.s32 $0xFFFFC000;
	(pc) =	sbr.rel .LBB2_11-.Ltmp8, $4  }
0x103: {  	[spmem:s1] =	stream.indirect.scatter.add.f32 [tilespmem:s29], [sflag:$0x3], $0x80, s2, s26, $0xb8;
	[tilespmem:$0x1F800] =	vst v63  }
0x104: {  	_ =	swait.ge [sflag:s25], $0x4000  }
0x105: {  	[sflag:s25] =	ssyncset.done $0x0  }
0x106: {  	[sflag:s25] =	ssyncadd.s32 $0xFFFFC000  }
.LBB2_12:
0x107: {  	_ =	sfence.sel $0x180000  }
0x108: {  	[bflag:$0x0] =	sbarrier.arrive $0xFFFF  }
0x109: {  	_ =	strace $0x9000004D  }
0x10a: {  	s0 =	stileid.u32;
	[bflag:$0x2] =	sbarrier.arrive $0xFFFF  }
0x10b: {  	p0 =	sne.s32 s0, $0x0;
	s0 =	rddreg [dreg:$0x3]  }
0x10c: {  	s0 =	sadd.s32 @!p0 $0x100000, s0  }
0x10d: {  	[sflag:s0] =	ssyncadd.tile.s32 @!p0 $0x1;
	_ =	shalt  }
.Lfunc_end2:
_tile_overlayer_lowered:
.L_overlay_start_2:
0x10e: {  	(tag) =	ssettag $0x2  }
0x10f: {  	s0 =	rddreg [dreg:$0x0];
	s2 =	stileid.u32  }
0x110: {  	s1 =	rddreg [dreg:$0x1];
	p0 =	sne.s32 s2, $0x0  }
0x111: {  	s3 =	rddreg [dreg:$0x2];
	[bflag:$0x3] =	sbarrier.arrive $0xFFFF;
	s2 =	simm.s32 @!p0 $0x1C03  }
0x112: {  	[timem:s3], [sflag:s2] =	dma.local @!p0 [hbm:s0], s1  }
0x113: {  	s0 =	simm.s32 @!p0 $0x3  }
0x114: {  	_ =	swait.ge @!p0 [sflag:s0], s1  }
0x115: {  	s1 =	ssub.s32 @!p0 $0x0, s1;
	[sflag:s0] =	ssyncset.done @!p0 $0x0  }
0x116: {  	[sflag:s0] =	ssyncadd.s32 @!p0 s1  }
0x117: {  	[bflag:$0x3] =	sbarrier.arrive $0xFFFF  }
0x118: {  	_ =	shalt  }

// kernel: kernel.8.cloned.1.call-start
scs
__scs_entry_jumppad:
0x0: {  	(pc) =	sbr.rel $0x88, $3  }
0x1: {  	(tag) =	ssettag $0x0;
	lr =	simm.s32 $0x1  }
0x2: {  	[smem:$0x3F9D] =	sst lr;
	_ =	strace $0xD0000000  }
0x3: {  	_ = 	snop  }
0x4: {  	_ = 	snop  }
0x5: {  	_ = 	snop  }
0x6: {  	_ = 	snop  }
0x7: {  	_ = 	snop  }
__scs_overlays_trampoline_lowered:
0x8: {  	[smem:$0x3FAC] =	sst s0  }
0x9: {  	[smem:$0x3FAD] =	sst s1  }
0xa: {  	[smem:$0x3FAE] =	sst s2  }
0xb: {  	[smem:$0x3FAF] =	sst s3  }
0xc: {  	[smem:$0x3FB0] =	sst s4  }
0xd: {  	[smem:$0x3FB1] =	sst s5  }
0xe: {  	[smem:$0x3FB2] =	sst s6  }
0xf: {  	[smem:$0x3FB3] =	sst s7  }
0x10: {  	[smem:$0x3FB4] =	sst s8  }
0x11: {  	[smem:$0x3FB5] =	sst s9;
	s0 =	simm.s32 @!p0 $0x0  }
0x12: {  	s1 =	sld [smem:$0x3F9B];
	s0 =	simm.s32 @p0 $0x1  }
0x13: {  	[smem:$0x3FB6] =	sst s0;
	s0 =	simm.s32 @!p1 $0x0  }
0x14: {  	s2 =	sld [smem:$0x3F9A];
	s0 =	simm.s32 @p1 $0x1  }
0x15: {  	[smem:$0x3FB7] =	sst s0;
	s0 =	simm.s32 @!p2 $0x0  }
0x16: {  	s3 =	sld [smem:$0x3FDB];
	s0 =	simm.s32 @p2 $0x1  }
0x17: {  	s4 =	simm.s32 $0x1BF5;
	[smem:$0x3FB9] =	sst s0  }
0x18: {  	s0 =	sld [smem:$0x3F9C];
	_ =	swait.ge [sflag:s4], $0x0  }
0x19: {  	s7 =	sld [smem:$0x3F9D]  }
0x1a: {  	s8 =	sadd.s32 $0xFFFFE003, lr  }
0x1b: {  	s9 =	sadd.s32 $0xFFFFFEF7, lr;
	s5 =	simm.s32 $0xFFFFFFFF;
	p2 =	slt.u32 s8, $0xFFFFF086  }
0x1c: {  	p1 =	slt.u32 s9, $0xF7A;
	s5 =	simm.s32 @!p2 $0x0  }
0x1d: {  	s5 =	simm.s32 @p1 $0x1;
	p0 =	seq.s32 s7, s2  }
0x1e: {  	s7 =	smul.u32 @!p0 $0xF7A, s2;
	p2 =	seq.s32 @!p0 s5, $0x0  }
0x1f: {  	s9 =	smul.u32 $0xF7A, s1;
	s8 =	simm.s32 @!p0 $0x1BF5;
	p2 =	por !p2, p0  }
0x20: {  	[sflag:s8] =	ssyncset.s32 @!p0 $0xFFFFF086;
	s6 =	sadd.s32 @!p0 s3, s7;
	s7 =	simm.s32 @!p0 $0x108  }
0x21: {  	s3 =	sadd.s32 s3, s9;
	s6 =	sadd.s32 @!p0 $0x88, s6;
	s7 =	simm.s32 @p2 $0x1082  }
0x22: {  	[simem:s7], [sflag:s8] =	dma.local @!p0 [hbm:s6], $0xF7A  }
0x23: {  	s9 =	sor.u32 $0xD0000000, s2;
	s6 =	simm.s32 $0x108;
	_ =	swait.ge @!p0 [sflag:s8], $0x0  }
0x24: {  	s3 =	sadd.s32 $0x88, s3;
	s6 =	simm.s32 @!p1 $0x1082;
	[sflag:s4] =	ssyncset.s32 $0xFFFFF086  }
0x25: {  	[simem:s6], [sflag:s4] =	dma.local [hbm:s3], $0xF7A  }
0x26: {  	[smem:$0x3F9D] =	sst s1;
	(tag) =	ssettag s2;
	_ =	strace s9  }
0x27: {  	s1 =	sld [smem:$0x3FAD]  }
0x28: {  	s2 =	sld [smem:$0x3FAE]  }
0x29: {  	s4 =	sld [smem:$0x3FB0]  }
0x2a: {  	p0 =	seq.s32 s5, $0x0;
	s5 =	sld [smem:$0x3FB1]  }
0x2b: {  	s6 =	sld [smem:$0x3FB2]  }
0x2c: {  	s7 =	sld [smem:$0x3FB3]  }
0x2d: {  	s3 =	simm.s32 $0x108;
	s8 =	sld [smem:$0x3FB4]  }
0x2e: {  	s3 =	simm.s32 @!p0 $0x1082;
	s9 =	sld [smem:$0x3FB5]  }
0x2f: {  	lr =	sadd.s32 s0, s3;
	s0 =	sld [smem:$0x3FAC]  }
0x30: {  	s3 =	sld [smem:$0x3FAF]  }
0x31: {  	[smem:$0x3FB8] =	sst s10  }
0x32: {  	s10 =	sld [smem:$0x3FB6];
	_ =	sdelay $0x3  }
0x33: {  	p0 =	seq.s32 s10, $0x1;
	s10 =	sld [smem:$0x3FB8];
	_ =	sdelay $0x3  }
0x34: {  	[smem:$0x3FB8] =	sst s10  }
0x35: {  	s10 =	sld [smem:$0x3FB7];
	_ =	sdelay $0x3  }
0x36: {  	p1 =	seq.s32 s10, $0x1;
	s10 =	sld [smem:$0x3FB8];
	_ =	sdelay $0x3  }
0x37: {  	[smem:$0x3FB8] =	sst s10  }
0x38: {  	s10 =	sld [smem:$0x3FB9]  }
0x39: {  	_ = 	snop;
	(pc) =	sbr.ind lr, $3  }
0x3a: {  	_ = 	snop  }
0x3b: {  	_ = 	snop  }
0x3c: {  	p2 =	seq.s32 s10, $0x1;
	s10 =	sld [smem:$0x3FB8]  }
0x3d: {  	_ =	shalt  }
0x3e: {  	_ =	shalt  }
0x3f: {  	_ =	shalt  }
0x40: {  	_ =	shalt  }
0x41: {  	_ =	shalt  }
0x42: {  	_ =	shalt  }
0x43: {  	_ =	shalt  }
0x44: {  	_ =	shalt  }
0x45: {  	_ =	shalt  }
0x46: {  	_ =	shalt  }
0x47: {  	_ =	shalt  }
0x48: {  	_ =	shalt  }
0x49: {  	_ =	shalt  }
0x4a: {  	_ =	shalt  }
0x4b: {  	_ =	shalt  }
0x4c: {  	_ =	shalt  }
0x4d: {  	_ =	shalt  }
0x4e: {  	_ =	shalt  }
0x4f: {  	_ =	shalt  }
0x50: {  	_ =	shalt  }
0x51: {  	_ =	shalt  }
0x52: {  	_ =	shalt  }
0x53: {  	_ =	shalt  }
0x54: {  	_ =	shalt  }
0x55: {  	_ =	shalt  }
0x56: {  	_ =	shalt  }
0x57: {  	_ =	shalt  }
0x58: {  	_ =	shalt  }
0x59: {  	_ =	shalt  }
0x5a: {  	_ =	shalt  }
0x5b: {  	_ =	shalt  }
0x5c: {  	_ =	shalt  }
0x5d: {  	_ =	shalt  }
0x5e: {  	_ =	shalt  }
0x5f: {  	_ =	shalt  }
0x60: {  	_ =	shalt  }
0x61: {  	_ =	shalt  }
0x62: {  	_ =	shalt  }
0x63: {  	_ =	shalt  }
0x64: {  	_ =	shalt  }
0x65: {  	_ =	shalt  }
0x66: {  	_ =	shalt  }
0x67: {  	_ =	shalt  }
0x68: {  	_ =	shalt  }
0x69: {  	_ =	shalt  }
0x6a: {  	_ =	shalt  }
0x6b: {  	_ =	shalt  }
0x6c: {  	_ =	shalt  }
0x6d: {  	_ =	shalt  }
0x6e: {  	_ =	shalt  }
0x6f: {  	_ =	shalt  }
0x70: {  	_ =	shalt  }
0x71: {  	_ =	shalt  }
0x72: {  	_ =	shalt  }
0x73: {  	_ =	shalt  }
0x74: {  	_ =	shalt  }
0x75: {  	_ =	shalt  }
0x76: {  	_ =	shalt  }
0x77: {  	_ =	shalt  }
0x78: {  	_ =	shalt  }
0x79: {  	_ =	shalt  }
0x7a: {  	_ =	shalt  }
0x7b: {  	_ =	shalt  }
0x7c: {  	_ =	shalt  }
0x7d: {  	_ =	shalt  }
0x7e: {  	_ =	shalt  }
0x7f: {  	_ =	shalt  }
0x80: {  	_ =	shalt  }
0x81: {  	_ =	shalt  }
0x82: {  	_ =	shalt  }
0x83: {  	_ =	shalt  }
0x84: {  	_ =	shalt  }
0x85: {  	_ =	shalt  }
0x86: {  	_ =	shalt  }
0x87: {  	_ =	shalt  }
.Lfunc_end0:
.L_simem_size_0:
called_computation_lowered:
.L_overlay_start_0:
0x88: {  	s2 =	sld [smem:$0x3FD9]  }
0x89: {  	s3 =	sld [smem:$0x3FFE];
	_ =	sdelay $0x1  }
0x8a: {  	s1 =	srdreg.scid  }
0x8b: {  	s0 =	sand.u32 $0x1, s1  }
0x8c: {  	s17 =	sshll.u32 s0, $0xA;
	s2 =	sadd.s32 s3, s2  }
0x8d: {  	s2 =	sadd.s32 s2, s17  }
0x8e: {  	[smem:$0x3FC4] =	sst s2  }
0x8f: {  	_ = 	snop  }
0x90: {  	s2 =	sld [smem:$0x3FD0];
	(tm) =	ssettm $0x1  }
0x91: {  	s18 =	sld [smem:$0x3FFB];
	_ =	sdelay $0x3  }
0x92: {  	_ =	strace s18  }
0x93: {  	s3 =	sld [smem:$0x3FFC];
	_ =	sdelay $0x3  }
0x94: {  	_ =	strace s3  }
0x95: {  	s3 =	sld [smem:$0x3FFD];
	_ =	sdelay $0x3  }
0x96: {  	_ =	strace s3  }
0x97: {  	_ =	strace $0x8FFFFFFF  }
0x98: {  	s19 =	sld [smem:$0x3FDB];
	_ =	sdelay $0x1  }
0x99: {  	s4 =	simm.s32 $_scs_section_size  }
0x9a: {  	s5 =	simm.s32 $_size__tile_overlayer_lowered;
	s6 =	simm.s32 $_tile_overlayer_lowered  }
0x9b: {  	s22 =	simm.s32 $0x1BFF;
	s21 =	sshll.u32 s6, $0x1;
	s3 =	sadd.s32 s4, s19  }
0x9c: {  	s7 =	simm.s32 $0x0;
	s20 =	sshll.u32 s5, $0x1;
	s5 =	sadd.s32 s21, s3  }
0x9d: {  	[timem:s7], [sflag:s22] =	dma.local [hbm:s5], s20  }
0x9e: {  	_ =	swait.ge [sflag:s22], s20  }
0x9f: {  	s4 =	ssub.s32 $0x0, s20;
	[sflag:s22] =	ssyncset.done $0x0  }
0xa0: {  	[sflag:s22] =	ssyncadd.s32 s4;
	_ =	sdelay $0x1  }
0xa1: {  	s23 =	simm.s32 $0x1B8B  }
0xa2: {  	_ =	swait.ge [sflag:s23], $0x1  }
0xa3: {  	[sflag:s23] =	ssyncset.done $0x0  }
0xa4: {  	s25 =	simm.s32 $0x1B8E;
	s24 =	sld [smem:$0x3FFE];
	[sflag:s23] =	ssyncadd.s32 $0xFFFFFFFF  }
0xa5: {  	s26 =	simm.s32 $execute0_lowered;
	[smem:$0x3FD2] =	sst s25  }
0xa6: {  	s5 =	sshll.u32 s26, $0x1;
	_ =	strace $0x80000046;
	[dreg:$0x1] =	wrdreg $0xFFFFFFFF  }
0xa7: {  	s28 =	simm.s32 $_size_execute0_lowered;
	s3 =	sadd.s32 s3, s5;
	[dreg:$0x0] =	wrdreg $0x0  }
0xa8: {  	s5 =	sshll.u32 s28, $0x1;
	[dreg:$0x2] =	wrdreg s3  }
0xa9: {  	[dreg:$0x3] =	wrdreg s5  }
0xaa: {  	[dreg:$0x4] =	wrdreg $0xC0  }
0xab: {  	_ =	task [dreg:s7], $0x5FFFF  }
0xac: {  	[dreg:$0x1] =	wrdreg $0xFFFFFFFF  }
0xad: {  	[dreg:$0x0] =	wrdreg $0x60  }
0xae: {  	[dreg:$0x2] =	wrdreg s24  }
0xaf: {  	[dreg:$0x3] =	wrdreg s2  }
0xb0: {  	[dreg:$0x4] =	wrdreg $0xB8000  }
0xb1: {  	[dreg:$0x5] =	wrdreg $0x9  }
0xb2: {  	_ =	task.clear_ibuf [dreg:s7], $0x6FFFF;
	_ =	strace $0x90000046  }
0xb3: {  	s29 =	simm.s32 $0x9;
	_ =	strace $0x80000048  }
0xb4: {  	_ =	swait.ge [sflag:s29], $0x1  }
0xb5: {  	[sflag:s29] =	ssyncadd.s32 $0xFFFFFFFF  }
0xb6: {  	_ =	strace $0x90000048  }
0xb7: {  	_ =	sfence  }
0xb8: {  	s30 =	sld [smem:$0x0];
	_ =	sdelay $0x2  }
0xb9: {  	s31 =	sshll.u32 s1, $0xD;
	s1 =	sshrl.u32 s1, $0x2  }
0xba: {  	s3 =	sand.u32 $0x4000, s31;
	s1 =	sadd.s32 s1, s30  }
0xbb: {  	s0 =	sor.u32 s3, s0;
	s1 =	sshll.u32 s1, $0x11  }
0xbc: {  	s0 =	sor.u32 s1, s0  }
0xbd: {  	s0 =	sadd.s32 $0x8F2B, s0  }
0xbe: {  	[sflag:s0] =	ssyncadd.remote.s32 $0x1  }
0xbf: {  	_ =	sfence.sel $0xFFFF  }
0xc0: {  	[dreg:$0x0] =	wrdreg $0xFFFFFFFF;
	(pc) =	sbr.abs _section_cstart, $3  }
0xc1: {  	[dreg:$0x1] =	wrdreg $0xFFFFFFFF  }
0xc2: {  	_ =	task.clear_ibuf [dreg:s7], $0x2FFFF;
	_ =	strace $0x9FFFFFFF  }
0xc3: {  	(tm) =	ssettm $0x7FFFFFFF  }
tec
execute0_lowered:
.L_overlay_start_1:
0x0: {  	(tag) =	ssettag $0x1  }
0x1: {  	s0 =	rddreg [dreg:$0x0]  }
0x2: {  	s2 =	rddreg [dreg:$0x1]  }
0x3: {  	s1 =	rddreg [dreg:$0x2]  }
0x4: {  	s3 =	simm.s32 $0x0;
	s10 =	stileid.u32;
	s5 =	srdreg.scid  }
0x5: {  	s28 =	simm.s32 $0x1;
	s29 =	simm.s32 $0x7800;
	s30 =	simm.s32 $0x2  }
0x6: {  	s31 =	simm.s32 $0x1C00;
	[smem:$0x7FF] =	sst s3;
	s8 =	smul.u32 $0x280, s10  }
0x7: {  	s4 =	sadd.s32 $0xD400, s0;
	s12 =	sadd.s32 $0x2A00, s0;
	s6 =	smul.u32 $0x50000, s10  }
0x8: {  	s5 =	sand.u32 $0x1, s5;
	s7 =	sadd.s32 $0xCC00, s0;
	s21 =	smul.u32 $0x18, s10  }
0x9: {  	s0 =	sadd.s32 $0x35400, s0;
	s10 =	smul.u32 $0x88, s10;
	_ =	strace $0x80000047  }
0xa: {  	[dreg:$0x4] =	wrdreg s7;
	s19 =	ssub.s32 $0x2, s5;
	p0 =	seq.s32 s5, $0x0  }
0xb: {  	s26 =	smul.u32 $0x2800, s5;
	s9 =	sshrl.u32 s19, $0x1;
	s6 =	sshrl.u32 s6, $0x2  }
0xc: {  	s17 =	sadd.s32 $0x80, s8;
	s18 =	sadd.s32 $0x100, s8;
	s11 =	sadd.s32 $0x880, s21  }
0xd: {  	s13 =	sadd.s32 $0x898, s21;
	s23 =	ssub.s32 s19, s9;
	s6 =	sadd.s32 s6, s1  }
0xe: {  	s20 =	sshll.u32 s17, $0x7;
	s14 =	sshll.u32 s18, $0x7;
	s19 =	sadd.s32 $0x180, s8  }
0xf: {  	s11 =	smov.u32 @p0 s10;
	s21 =	smov.u32 s13;
	s7 =	sadd.s32 s20, s1  }
0x10: {  	s15 =	sshll.u32 s19, $0x7;
	s20 =	sadd.s32 $0x200, s8;
	s22 =	sshll.u32 s11, $0x4  }
0x11: {  	s11 =	sadd.s32 $0x38, s10;
	s10 =	sadd.s32 $0x70, s10;
	s14 =	sadd.s32 s14, s1  }
0x12: {  	s8 =	sadd.s32 s8, s26;
	s23 =	smax.u32 s23, $0x1;
	s16 =	sshll.u32 s20, $0x7  }
0x13: {  	s21 =	smov.u32 @p0 s11;
	s24 =	sadd.s32 s12, s22;
	s9 =	sadd.s32 s2, s22  }
0x14: {  	s13 =	smov.u32 @p0 s10;
	s15 =	sadd.s32 s15, s1;
	[dreg:$0x5] =	wrdreg s24  }
0x15: {  	s22 =	sadd.s32 s26, s18;
	s8 =	sshll.u32 s8, $0x4;
	[dreg:$0x6] =	wrdreg s9  }
0x16: {  	s25 =	sshll.u32 s21, $0x4;
	s13 =	sshll.u32 s13, $0x4;
	s16 =	sadd.s32 s16, s1  }
0x17: {  	s9 =	sadd.s32 s26, s17;
	s24 =	sadd.s32 s26, s19;
	s17 =	simm.s32 $0x1C  }
0x18: {  	s18 =	sadd.s32 s0, s8;
	s10 =	sadd.s32 s12, s25;
	s11 =	sadd.s32 s2, s25  }
0x19: {  	s12 =	sadd.s32 s12, s13;
	s13 =	sadd.s32 s2, s13;
	s2 =	sadd.s32 s26, s20  }
.Ltmp0:
0x1a: {  	s17 =	simm.s32 @!p0 $0xC;
	s21 =	sshll.u32 s9, $0x4;
	(pc) =	sbr.rel .LBB2_1-.Ltmp0, $4  }
0x1b: {  	s25 =	sshll.u32 s22, $0x4;
	s26 =	sshll.u32 s24, $0x4;
	s24 =	simm.s32 $0x3800  }
0x1c: {  	p0 =	sne.s32 s5, $0x0;
	s19 =	sadd.s32 s0, s21;
	s20 =	sadd.s32 s0, s25  }
0x1d: {  	s2 =	sshll.u32 s2, $0x4;
	s21 =	sadd.s32 s0, s26;
	s25 =	simm.s32 $0x3  }
0x1e: {  	s26 =	simm.s32 $0x80;
	s22 =	sadd.s32 s0, s2;
	s0 =	simm.s32 $0x0  }
.LBB2_11:
0x1f: {  	[bflag:$0x0] =	sbarrier.arrive $0xFFFF  }
0x20: {  	[tilespmem:s24], [sflag:$0x3] =	stream.linear.gather [spmem:s6], $0x4000, $0x38;
	[tilespmem:$0x1F800] =	vst v63  }
0x21: {  	_ =	swait.ge [sflag:s25], $0x4000  }
0x22: {  	[sflag:s25] =	ssyncset.done $0x0  }
0x23: {  	[sflag:s25] =	ssyncadd.s32 $0xFFFFC000  }
0x24: {  	[hbm4b:s18+s3] =	stream.linear.scatter [tilespmem:s24], [sflag:$0x3], $0x4000, $0x38;
	[tilespmem:$0x1F800] =	vst v63  }
0x25: {  	_ =	swait.ge [sflag:s25], $0x4000  }
0x26: {  	[sflag:s25] =	ssyncset.done $0x0  }
0x27: {  	[sflag:s25] =	ssyncadd.s32 $0xFFFFC000  }
0x28: {  	[tilespmem:s24], [sflag:$0x3] =	stream.linear.gather [spmem:s7], $0x4000, $0x38;
	[tilespmem:$0x1F800] =	vst v63  }
0x29: {  	_ =	swait.ge [sflag:s25], $0x4000  }
0x2a: {  	[sflag:s25] =	ssyncset.done $0x0  }
0x2b: {  	[sflag:s25] =	ssyncadd.s32 $0xFFFFC000  }
0x2c: {  	[hbm4b:s19+s3] =	stream.linear.scatter [tilespmem:s24], [sflag:$0x3], $0x4000, $0x38;
	[tilespmem:$0x1F800] =	vst v63  }
0x2d: {  	_ =	swait.ge [sflag:s25], $0x4000  }
0x2e: {  	[sflag:s25] =	ssyncset.done $0x0  }
0x2f: {  	[sflag:s25] =	ssyncadd.s32 $0xFFFFC000  }
0x30: {  	[tilespmem:s24], [sflag:$0x3] =	stream.linear.gather [spmem:s14], $0x4000, $0x38;
	[tilespmem:$0x1F800] =	vst v63  }
0x31: {  	_ =	swait.ge [sflag:s25], $0x4000  }
0x32: {  	[sflag:s25] =	ssyncset.done $0x0  }
0x33: {  	[sflag:s25] =	ssyncadd.s32 $0xFFFFC000  }
0x34: {  	[hbm4b:s20+s3] =	stream.linear.scatter [tilespmem:s24], [sflag:$0x3], $0x4000, $0x38;
	[tilespmem:$0x1F800] =	vst v63  }
0x35: {  	_ =	swait.ge [sflag:s25], $0x4000  }
0x36: {  	[sflag:s25] =	ssyncset.done $0x0  }
0x37: {  	[sflag:s25] =	ssyncadd.s32 $0xFFFFC000  }
0x38: {  	[tilespmem:s24], [sflag:$0x3] =	stream.linear.gather [spmem:s15], $0x4000, $0x38;
	[tilespmem:$0x1F800] =	vst v63  }
0x39: {  	_ =	swait.ge [sflag:s25], $0x4000  }
0x3a: {  	[sflag:s25] =	ssyncset.done $0x0  }
0x3b: {  	[sflag:s25] =	ssyncadd.s32 $0xFFFFC000  }
0x3c: {  	[hbm4b:s21+s3] =	stream.linear.scatter [tilespmem:s24], [sflag:$0x3], $0x4000, $0x38;
	[tilespmem:$0x1F800] =	vst v63  }
0x3d: {  	_ =	swait.ge [sflag:s25], $0x4000  }
0x3e: {  	[sflag:s25] =	ssyncset.done $0x0  }
0x3f: {  	[sflag:s25] =	ssyncadd.s32 $0xFFFFC000  }
0x40: {  	[tilespmem:s24], [sflag:$0x3] =	stream.linear.gather [spmem:s16], $0x4000, $0x38;
	[tilespmem:$0x1F800] =	vst v63  }
0x41: {  	s0 =	sadd.s32 $0x1, s0;
	_ =	swait.ge [sflag:s25], $0x4000  }
0x42: {  	p1 =	sne.s32 s0, s23;
	[sflag:s25] =	ssyncset.done $0x0  }
.Ltmp1:
0x43: {  	[sflag:s25] =	ssyncadd.s32 $0xFFFFC000;
	(pc) =	sbr.rel @!p1 .LBB2_12-.Ltmp1, $4  }
0x44: {  	[hbm4b:s22+s3] =	stream.linear.scatter [tilespmem:s24], [sflag:$0x3], $0x4000, $0x38;
	[tilespmem:$0x1F800] =	vst v63  }
0x45: {  	_ =	swait.ge [sflag:s25], $0x4000  }
0x46: {  	[sflag:s25] =	ssyncset.done $0x0  }
0x47: {  	[sflag:s25] =	ssyncadd.s32 $0xFFFFC000  }
.LBB2_1:
0x48: {  	s2 =	rddreg [dreg:$0x4]  }
0x49: {  	[tilespmem:s24], [sflag:$0x3] =	stream.linear.gather [hbm4b:s2+s3], $0x4000, $0x38;
	[tilespmem:$0x1F800] =	vst v63  }
0x4a: {  	_ =	swait.ge [sflag:s25], $0x4000  }
0x4b: {  	[sflag:s25] =	ssyncset.done $0x0  }
0x4c: {  	[sflag:s25] =	ssyncadd.s32 $0xFFFFC000  }
0x4d: {  	[spmem:s6] =	stream.linear.scatter [tilespmem:s24], [sflag:$0x3], $0x4000, $0x38;
	[tilespmem:$0x1F800] =	vst v63  }
0x4e: {  	_ =	swait.ge [sflag:s25], $0x4000  }
0x4f: {  	[sflag:s25] =	ssyncset.done $0x0  }
0x50: {  	[sflag:s25] =	ssyncadd.s32 $0xFFFFC000  }
0x51: {  	[spmem:s7] =	stream.linear.scatter [tilespmem:s24], [sflag:$0x3], $0x4000, $0x38;
	[tilespmem:$0x1F800] =	vst v63  }
0x52: {  	_ =	swait.ge [sflag:s25], $0x4000  }
0x53: {  	[sflag:s25] =	ssyncset.done $0x0  }
0x54: {  	[sflag:s25] =	ssyncadd.s32 $0xFFFFC000  }
0x55: {  	[spmem:s14] =	stream.linear.scatter [tilespmem:s24], [sflag:$0x3], $0x4000, $0x38;
	[tilespmem:$0x1F800] =	vst v63  }
0x56: {  	_ =	swait.ge [sflag:s25], $0x4000  }
0x57: {  	[sflag:s25] =	ssyncset.done $0x0  }
0x58: {  	[sflag:s25] =	ssyncadd.s32 $0xFFFFC000  }
0x59: {  	[spmem:s15] =	stream.linear.scatter [tilespmem:s24], [sflag:$0x3], $0x4000, $0x38;
	[tilespmem:$0x1F800] =	vst v63  }
0x5a: {  	_ =	swait.ge [sflag:s25], $0x4000  }
0x5b: {  	[sflag:s25] =	ssyncset.done $0x0  }
0x5c: {  	[sflag:s25] =	ssyncadd.s32 $0xFFFFC000  }
0x5d: {  	[spmem:s16] =	stream.linear.scatter [tilespmem:s24], [sflag:$0x3], $0x4000, $0x38;
	[tilespmem:$0x1F800] =	vst v63  }
0x5e: {  	_ =	swait.ge [sflag:s25], $0x4000  }
0x5f: {  	[sflag:s25] =	ssyncset.done $0x0  }
0x60: {  	[sflag:s25] =	ssyncadd.s32 $0xFFFFC000  }
0x61: {  	[bflag:$0x0] =	sbarrier.arrive $0xFFFF  }
0x62: {  	s9 =	rddreg [dreg:$0x5]  }
0x63: {  	[tilespmem:s3], [sflag:$0x3] =	stream.linear.gather [hbm4b:s9+s3], $0x1C00, $0x38;
	[tilespmem:$0x1F800] =	vst v63  }
0x64: {  	_ =	swait.ge [sflag:s25], $0x1C00  }
0x65: {  	[sflag:s25] =	ssyncset.done $0x0  }
0x66: {  	s5 =	rddreg [dreg:$0x6];
	[sflag:s25] =	ssyncadd.s32 $0xFFFFE400  }
0x67: {  	[tilespmem:s31], [sflag:$0x3] =	stream.linear.gather [hbm4b:s5+s3], $0x1C00, $0x38;
	[tilespmem:$0x1F800] =	vst v63  }
0x68: {  	_ =	swait.ge [sflag:s25], $0x1C00  }
0x69: {  	[sflag:s25] =	ssyncset.done $0x0  }
0x6a: {  	[sflag:s25] =	ssyncadd.s32 $0xFFFFE400  }
0x6b: {  	[tilespmem:s24], [sflag:$0x1] =	stream.indirect.gather [hbm4b:s4+s26], $0x80, s3, s26, $0xb8;
	[tilespmem:$0x1F800] =	vst v63  }
0x6c: {  	_ =	swait.ge [sflag:s28], $0x4000  }
0x6d: {  	[sflag:s28] =	ssyncset.done $0x0  }
0x6e: {  	[sflag:s28] =	ssyncadd.s32 $0xFFFFC000  }
0x6f: {  	[spmem:s1] =	stream.indirect.scatter.add.f32 [tilespmem:s24], [sflag:$0x2], $0x80, s31, s26, $0xb8;
	[tilespmem:$0x1F800] =	vst v63  }
0x70: {  	s8 =	simm.s32 $0x80  }
0x71: {  	[tilespmem:s29], [sflag:$0x1] =	stream.indirect.gather [hbm4b:s4+s26], $0x80, s8, s26, $0xb8;
	[tilespmem:$0x1F800] =	vst v63  }
0x72: {  	_ =	swait.ge [sflag:s28], $0x4000  }
0x73: {  	[sflag:s28] =	ssyncset.done $0x0  }
0x74: {  	[sflag:s28] =	ssyncadd.s32 $0xFFFFC000  }
0x75: {  	p1 =	sne.s32 s17, $0x1;
	_ =	swait.ge [sflag:s30], $0x4000  }
.Ltmp2:
0x76: {  	[sflag:s30] =	ssyncset.done $0x0;
	(pc) =	sbr.rel @!p1 .LBB2_3-.Ltmp2, $4  }
0x77: {  	s9 =	simm.s32 $0x1C80;
	[sflag:s30] =	ssyncadd.s32 $0xFFFFC000  }
0x78: {  	[spmem:s1] =	stream.indirect.scatter.add.f32 [tilespmem:s29], [sflag:$0x3], $0x80, s9, s26, $0xb8;
	[tilespmem:$0x1F800] =	vst v63  }
0x79: {  	s2 =	sadd.s32 $0xFFFFFFFF, s17;
	_ =	swait.ge [sflag:s25], $0x4000  }
0x7a: {  	s5 =	simm.s32 $0x0;
	s8 =	simm.s32 $0x1C00;
	[sflag:s25] =	ssyncset.done $0x0  }
.LBB2_2:
0x7b: {  	[sflag:s25] =	ssyncadd.s32 $0xFFFFC000;
	s5 =	sadd.s32 $0x100, s5;
	s8 =	sadd.s32 $0x100, s8  }
0x7c: {  	[tilespmem:s24], [sflag:$0x1] =	stream.indirect.gather [hbm4b:s4+s26], $0x80, s5, s26, $0xb8;
	[tilespmem:$0x1F800] =	vst v63  }
0x7d: {  	p1 =	sne.s32 s2, $0x1;
	s2 =	sadd.s32 $0xFFFFFFFF, s2;
	_ =	swait.ge [sflag:s28], $0x4000  }
0x7e: {  	[sflag:s28] =	ssyncset.done $0x0  }
0x7f: {  	[sflag:s28] =	ssyncadd.s32 $0xFFFFC000  }
0x80: {  	[spmem:s1] =	stream.indirect.scatter.add.f32 [tilespmem:s24], [sflag:$0x2], $0x80, s8, s26, $0xb8;
	[tilespmem:$0x1F800] =	vst v63  }
0x81: {  	s9 =	sadd.s32 $0x80, s5  }
0x82: {  	[tilespmem:s29], [sflag:$0x1] =	stream.indirect.gather [hbm4b:s4+s26], $0x80, s9, s26, $0xb8;
	[tilespmem:$0x1F800] =	vst v63  }
0x83: {  	_ =	swait.ge [sflag:s28], $0x4000  }
0x84: {  	[sflag:s28] =	ssyncset.done $0x0  }
0x85: {  	[sflag:s28] =	ssyncadd.s32 $0xFFFFC000  }
0x86: {  	_ =	swait.ge [sflag:s30], $0x4000  }
.Ltmp3:
0x87: {  	[sflag:s30] =	ssyncset.done $0x0;
	(pc) =	sbr.rel @p1 .LBB2_2-.Ltmp3, $4  }
0x88: {  	s9 =	sadd.s32 $0x80, s8;
	[sflag:s30] =	ssyncadd.s32 $0xFFFFC000  }
0x89: {  	[spmem:s1] =	stream.indirect.scatter.add.f32 [tilespmem:s29], [sflag:$0x3], $0x80, s9, s26, $0xb8;
	[tilespmem:$0x1F800] =	vst v63  }
0x8a: {  	_ =	swait.ge [sflag:s25], $0x4000  }
0x8b: {  	[sflag:s25] =	ssyncset.done $0x0  }
.LBB2_3:
0x8c: {  	[sflag:s25] =	ssyncadd.s32 $0xFFFFC000;
	s2 =	simm.s32 $0x0  }
0x8d: {  	[tilespmem:s2], [sflag:$0x3] =	stream.linear.gather [hbm4b:s10+s2], $0x1C00, $0x38;
	[tilespmem:$0x1F800] =	vst v63  }
0x8e: {  	_ =	swait.ge [sflag:s25], $0x1C00  }
0x8f: {  	[sflag:s25] =	ssyncset.done $0x0  }
.Ltmp4:
0x90: {  	[sflag:s25] =	ssyncadd.s32 $0xFFFFE400;
	(pc) =	sbr.rel @p0 .LBB2_7-.Ltmp4, $4  }
0x91: {  	[tilespmem:s31], [sflag:$0x3] =	stream.linear.gather [hbm4b:s11+s2], $0x1C00, $0x38;
	[tilespmem:$0x1F800] =	vst v63  }
0x92: {  	_ =	swait.ge [sflag:s25], $0x1C00  }
0x93: {  	[sflag:s25] =	ssyncset.done $0x0  }
0x94: {  	[sflag:s25] =	ssyncadd.s32 $0xFFFFE400  }
0x95: {  	s5 =	simm.s32 $0x0  }
0x96: {  	[tilespmem:s24], [sflag:$0x1] =	stream.indirect.gather [hbm4b:s4+s26], $0x80, s5, s26, $0xb8;
	[tilespmem:$0x1F800] =	vst v63  }
0x97: {  	_ =	swait.ge [sflag:s28], $0x4000  }
0x98: {  	s31 =	smov.u32 s17;
	s17 =	smov.u32 s16;
	[sflag:s28] =	ssyncset.done $0x0  }
0x99: {  	s16 =	smov.u32 s15;
	s8 =	simm.s32 $0x1C00;
	[sflag:s28] =	ssyncadd.s32 $0xFFFFC000  }
0x9a: {  	[spmem:s1] =	stream.indirect.scatter.add.f32 [tilespmem:s24], [sflag:$0x2], $0x80, s8, s26, $0xb8;
	[tilespmem:$0x1F800] =	vst v63  }
0x9b: {  	s15 =	smov.u32 s14;
	s14 =	smov.u32 s7;
	s9 =	simm.s32 $0x80  }
0x9c: {  	[tilespmem:s29], [sflag:$0x1] =	stream.indirect.gather [hbm4b:s4+s26], $0x80, s9, s26, $0xb8;
	[tilespmem:$0x1F800] =	vst v63  }
0x9d: {  	s7 =	smov.u32 s6;
	s6 =	smov.u32 s23;
	_ =	swait.ge [sflag:s28], $0x4000  }
0x9e: {  	s23 =	smov.u32 s22;
	s22 =	smov.u32 s21;
	[sflag:s28] =	ssyncset.done $0x0  }
0x9f: {  	s21 =	smov.u32 s20;
	s20 =	smov.u32 s19;
	[sflag:s28] =	ssyncadd.s32 $0xFFFFC000  }
0xa0: {  	s19 =	smov.u32 s18;
	s18 =	smov.u32 s13;
	_ =	swait.ge [sflag:s30], $0x4000  }
0xa1: {  	s13 =	smov.u32 s12;
	s12 =	smov.u32 s11;
	[sflag:s30] =	ssyncset.done $0x0  }
0xa2: {  	s11 =	smov.u32 s10;
	s10 =	simm.s32 $0x1C80;
	[sflag:s30] =	ssyncadd.s32 $0xFFFFC000  }
0xa3: {  	[spmem:s1] =	stream.indirect.scatter.add.f32 [tilespmem:s29], [sflag:$0x3], $0x80, s10, s26, $0xb8;
	[tilespmem:$0x1F800] =	vst v63  }
0xa4: {  	_ =	swait.ge [sflag:s25], $0x4000  }
0xa5: {  	s5 =	simm.s32 $0x400;
	s8 =	simm.s32 $0x800;
	[sflag:s25] =	ssyncset.done $0x0  }
.LBB2_5:
0xa6: {  	s9 =	sshra.s32 s5, $0x2  }
0xa7: {  	[sflag:s25] =	ssyncadd.s32 $0xFFFFC000;
	s5 =	smov.u32 s8;
	s10 =	sadd.s32 $0x400, s8  }
0xa8: {  	[tilespmem:s24], [sflag:$0x1] =	stream.indirect.gather [hbm4b:s4+s26], $0x80, s9, s26, $0xb8;
	[tilespmem:$0x1F800] =	vst v63  }
0xa9: {  	p1 =	sne.s32 s8, $0x6C00;
	_ =	swait.ge [sflag:s28], $0x4000  }
0xaa: {  	[sflag:s28] =	ssyncset.done $0x0  }
0xab: {  	s8 =	sadd.s32 $0x1C00, s9;
	[sflag:s28] =	ssyncadd.s32 $0xFFFFC000  }
0xac: {  	[spmem:s1] =	stream.indirect.scatter.add.f32 [tilespmem:s24], [sflag:$0x2], $0x80, s8, s26, $0xb8;
	[tilespmem:$0x1F800] =	vst v63  }
0xad: {  	s8 =	sadd.s32 $0x80, s9  }
0xae: {  	[tilespmem:s29], [sflag:$0x1] =	stream.indirect.gather [hbm4b:s4+s26], $0x80, s8, s26, $0xb8;
	[tilespmem:$0x1F800] =	vst v63  }
0xaf: {  	_ =	swait.ge [sflag:s28], $0x4000  }
0xb0: {  	[sflag:s28] =	ssyncset.done $0x0  }
0xb1: {  	[sflag:s28] =	ssyncadd.s32 $0xFFFFC000  }
0xb2: {  	_ =	swait.ge [sflag:s30], $0x4000  }
.Ltmp5:
0xb3: {  	[sflag:s30] =	ssyncset.done $0x0;
	(pc) =	sbr.rel @p1 .LBB2_5-.Ltmp5, $4  }
0xb4: {  	s8 =	sadd.s32 $0x1C80, s9;
	[sflag:s30] =	ssyncadd.s32 $0xFFFFC000  }
0xb5: {  	[spmem:s1] =	stream.indirect.scatter.add.f32 [tilespmem:s29], [sflag:$0x3], $0x80, s8, s26, $0xb8;
	[tilespmem:$0x1F800] =	vst v63  }
0xb6: {  	_ =	swait.ge [sflag:s25], $0x4000  }
0xb7: {  	s8 =	smov.u32 s10;
	[sflag:s25] =	ssyncset.done $0x0  }
0xb8: {  	s5 =	sshra.s32 s5, $0x2;
	[sflag:s25] =	ssyncadd.s32 $0xFFFFC000  }
0xb9: {  	[tilespmem:s24], [sflag:$0x1] =	stream.indirect.gather [hbm4b:s4+s26], $0x80, s5, s26, $0xb8;
	[tilespmem:$0x1F800] =	vst v63  }
0xba: {  	_ =	swait.ge [sflag:s28], $0x4000  }
0xbb: {  	[sflag:s28] =	ssyncset.done $0x0  }
0xbc: {  	s8 =	sadd.s32 $0x1C00, s5;
	[sflag:s28] =	ssyncadd.s32 $0xFFFFC000  }
0xbd: {  	[spmem:s1] =	stream.indirect.scatter.add.f32 [tilespmem:s24], [sflag:$0x2], $0x80, s8, s26, $0xb8;
	[tilespmem:$0x1F800] =	vst v63  }
0xbe: {  	s10 =	sadd.s32 $0x80, s5  }
0xbf: {  	[tilespmem:s29], [sflag:$0x1] =	stream.indirect.gather [hbm4b:s4+s26], $0x80, s10, s26, $0xb8;
	[tilespmem:$0x1F800] =	vst v63  }
0xc0: {  	s5 =	sadd.s32 $0x1C80, s5;
	s10 =	smov.u32 s11;
	_ =	swait.ge [sflag:s28], $0x4000  }
0xc1: {  	s11 =	smov.u32 s12;
	s12 =	smov.u32 s13;
	[sflag:s28] =	ssyncset.done $0x0  }
0xc2: {  	s13 =	smov.u32 s18;
	s18 =	smov.u32 s19;
	[sflag:s28] =	ssyncadd.s32 $0xFFFFC000  }
0xc3: {  	s19 =	smov.u32 s20;
	s20 =	smov.u32 s21;
	_ =	swait.ge [sflag:s30], $0x4000  }
0xc4: {  	s21 =	smov.u32 s22;
	s22 =	smov.u32 s23;
	[sflag:s30] =	ssyncset.done $0x0  }
0xc5: {  	s23 =	smov.u32 s6;
	s6 =	smov.u32 s7;
	[sflag:s30] =	ssyncadd.s32 $0xFFFFC000  }
0xc6: {  	[spmem:s1] =	stream.indirect.scatter.add.f32 [tilespmem:s29], [sflag:$0x3], $0x80, s5, s26, $0xb8;
	[tilespmem:$0x1F800] =	vst v63  }
0xc7: {  	s7 =	smov.u32 s14;
	s14 =	smov.u32 s15;
	_ =	swait.ge [sflag:s25], $0x4000  }
0xc8: {  	s15 =	smov.u32 s16;
	s16 =	smov.u32 s17;
	[sflag:s25] =	ssyncset.done $0x0  }
0xc9: {  	s17 =	smov.u32 s31;
	s31 =	simm.s32 $0x1C00;
	[sflag:s25] =	ssyncadd.s32 $0xFFFFC000  }
.LBB2_7:
0xca: {  	[tilespmem:s2], [sflag:$0x3] =	stream.linear.gather [hbm4b:s12+s2], $0x1C00, $0x38;
	[tilespmem:$0x1F800] =	vst v63  }
0xcb: {  	_ =	swait.ge [sflag:s25], $0x1C00  }
0xcc: {  	[sflag:s25] =	ssyncset.done $0x0  }
.Ltmp6:
0xcd: {  	[sflag:s25] =	ssyncadd.s32 $0xFFFFE400;
	(pc) =	sbr.rel @p0 .LBB2_11-.Ltmp6, $4  }
0xce: {  	[tilespmem:s31], [sflag:$0x3] =	stream.linear.gather [hbm4b:s13+s2], $0x1C00, $0x38;
	[tilespmem:$0x1F800] =	vst v63  }
0xcf: {  	_ =	swait.ge [sflag:s25], $0x1C00  }
0xd0: {  	[sflag:s25] =	ssyncset.done $0x0  }
0xd1: {  	[sflag:s25] =	ssyncadd.s32 $0xFFFFE400  }
0xd2: {  	s2 =	simm.s32 $0x0  }
0xd3: {  	[tilespmem:s24], [sflag:$0x1] =	stream.indirect.gather [hbm4b:s4+s26], $0x80, s2, s26, $0xb8;
	[tilespmem:$0x1F800] =	vst v63  }
0xd4: {  	_ =	swait.ge [sflag:s28], $0x4000  }
0xd5: {  	[sflag:s28] =	ssyncset.done $0x0  }
0xd6: {  	s5 =	simm.s32 $0x1C00;
	[sflag:s28] =	ssyncadd.s32 $0xFFFFC000  }
0xd7: {  	[spmem:s1] =	stream.indirect.scatter.add.f32 [tilespmem:s24], [sflag:$0x2], $0x80, s5, s26, $0xb8;
	[tilespmem:$0x1F800] =	vst v63  }
0xd8: {  	s8 =	simm.s32 $0x80  }
0xd9: {  	[tilespmem:s29], [sflag:$0x1] =	stream.indirect.gather [hbm4b:s4+s26], $0x80, s8, s26, $0xb8;
	[tilespmem:$0x1F800] =	vst v63  }
0xda: {  	_ =	swait.ge [sflag:s28], $0x4000  }
0xdb: {  	[sflag:s28] =	ssyncset.done $0x0  }
0xdc: {  	[sflag:s28] =	ssyncadd.s32 $0xFFFFC000  }
0xdd: {  	_ =	swait.ge [sflag:s30], $0x4000  }
0xde: {  	[sflag:s30] =	ssyncset.done $0x0  }
0xdf: {  	s9 =	simm.s32 $0x1C80;
	[sflag:s30] =	ssyncadd.s32 $0xFFFFC000  }
0xe0: {  	[spmem:s1] =	stream.indirect.scatter.add.f32 [tilespmem:s29], [sflag:$0x3], $0x80, s9, s26, $0xb8;
	[tilespmem:$0x1F800] =	vst v63  }
0xe1: {  	_ =	swait.ge [sflag:s25], $0x4000  }
0xe2: {  	s2 =	simm.s32 $0x400;
	s5 =	simm.s32 $0x800;
	[sflag:s25] =	ssyncset.done $0x0  }
.LBB2_9:
0xe3: {  	s8 =	sshra.s32 s2, $0x2  }
0xe4: {  	[sflag:s25] =	ssyncadd.s32 $0xFFFFC000;
	s2 =	smov.u32 s5;
	s9 =	sadd.s32 $0x400, s5  }
0xe5: {  	[tilespmem:s24], [sflag:$0x1] =	stream.indirect.gather [hbm4b:s4+s26], $0x80, s8, s26, $0xb8;
	[tilespmem:$0x1F800] =	vst v63  }
0xe6: {  	p1 =	sne.s32 s5, $0x2C00;
	_ =	swait.ge [sflag:s28], $0x4000  }
0xe7: {  	[sflag:s28] =	ssyncset.done $0x0  }
0xe8: {  	s5 =	sadd.s32 $0x1C00, s8;
	[sflag:s28] =	ssyncadd.s32 $0xFFFFC000  }
0xe9: {  	[spmem:s1] =	stream.indirect.scatter.add.f32 [tilespmem:s24], [sflag:$0x2], $0x80, s5, s26, $0xb8;
	[tilespmem:$0x1F800] =	vst v63  }
0xea: {  	s5 =	sadd.s32 $0x80, s8  }
0xeb: {  	[tilespmem:s29], [sflag:$0x1] =	stream.indirect.gather [hbm4b:s4+s26], $0x80, s5, s26, $0xb8;
	[tilespmem:$0x1F800] =	vst v63  }
0xec: {  	_ =	swait.ge [sflag:s28], $0x4000  }
0xed: {  	[sflag:s28] =	ssyncset.done $0x0  }
0xee: {  	[sflag:s28] =	ssyncadd.s32 $0xFFFFC000  }
0xef: {  	_ =	swait.ge [sflag:s30], $0x4000  }
.Ltmp7:
0xf0: {  	[sflag:s30] =	ssyncset.done $0x0;
	(pc) =	sbr.rel @p1 .LBB2_9-.Ltmp7, $4  }
0xf1: {  	s5 =	sadd.s32 $0x1C80, s8;
	[sflag:s30] =	ssyncadd.s32 $0xFFFFC000  }
0xf2: {  	[spmem:s1] =	stream.indirect.scatter.add.f32 [tilespmem:s29], [sflag:$0x3], $0x80, s5, s26, $0xb8;
	[tilespmem:$0x1F800] =	vst v63  }
0xf3: {  	_ =	swait.ge [sflag:s25], $0x4000  }
0xf4: {  	s5 =	smov.u32 s9;
	[sflag:s25] =	ssyncset.done $0x0  }
0xf5: {  	s2 =	sshra.s32 s2, $0x2;
	[sflag:s25] =	ssyncadd.s32 $0xFFFFC000  }
0xf6: {  	[tilespmem:s24], [sflag:$0x1] =	stream.indirect.gather [hbm4b:s4+s26], $0x80, s2, s26, $0xb8;
	[tilespmem:$0x1F800] =	vst v63  }
0xf7: {  	_ =	swait.ge [sflag:s28], $0x4000  }
0xf8: {  	[sflag:s28] =	ssyncset.done $0x0  }
0xf9: {  	s5 =	sadd.s32 $0x1C00, s2;
	[sflag:s28] =	ssyncadd.s32 $0xFFFFC000  }
0xfa: {  	[spmem:s1] =	stream.indirect.scatter.add.f32 [tilespmem:s24], [sflag:$0x2], $0x80, s5, s26, $0xb8;
	[tilespmem:$0x1F800] =	vst v63  }
0xfb: {  	s9 =	sadd.s32 $0x80, s2  }
0xfc: {  	[tilespmem:s29], [sflag:$0x1] =	stream.indirect.gather [hbm4b:s4+s26], $0x80, s9, s26, $0xb8;
	[tilespmem:$0x1F800] =	vst v63  }
0xfd: {  	_ =	swait.ge [sflag:s28], $0x4000  }
0xfe: {  	[sflag:s28] =	ssyncset.done $0x0  }
0xff: {  	[sflag:s28] =	ssyncadd.s32 $0xFFFFC000  }
0x100: {  	_ =	swait.ge [sflag:s30], $0x4000  }
0x101: {  	[sflag:s30] =	ssyncset.done $0x0  }
.Ltmp8:
0x102: {  	s2 =	sadd.s32 $0x1C80, s2;
	[sflag:s30] =	ssyncadd.s32 $0xFFFFC000;
	(pc) =	sbr.rel .LBB2_11-.Ltmp8, $4  }
0x103: {  	[spmem:s1] =	stream.indirect.scatter.add.f32 [tilespmem:s29], [sflag:$0x3], $0x80, s2, s26, $0xb8;
	[tilespmem:$0x1F800] =	vst v63  }
0x104: {  	_ =	swait.ge [sflag:s25], $0x4000  }
0x105: {  	[sflag:s25] =	ssyncset.done $0x0  }
0x106: {  	[sflag:s25] =	ssyncadd.s32 $0xFFFFC000  }
.LBB2_12:
0x107: {  	_ =	sfence.sel $0x180000  }
0x108: {  	[bflag:$0x0] =	sbarrier.arrive $0xFFFF  }
0x109: {  	_ =	strace $0x90000047  }
0x10a: {  	s0 =	stileid.u32;
	[bflag:$0x2] =	sbarrier.arrive $0xFFFF  }
0x10b: {  	p0 =	sne.s32 s0, $0x0;
	s0 =	rddreg [dreg:$0x3]  }
0x10c: {  	s0 =	sadd.s32 @!p0 $0x100000, s0  }
0x10d: {  	[sflag:s0] =	ssyncadd.tile.s32 @!p0 $0x1;
	_ =	shalt  }
.Lfunc_end2:
_tile_overlayer_lowered:
.L_overlay_start_2:
0x10e: {  	(tag) =	ssettag $0x2  }
0x10f: {  	s0 =	rddreg [dreg:$0x0];
	s2 =	stileid.u32  }
0x110: {  	s1 =	rddreg [dreg:$0x1];
	p0 =	sne.s32 s2, $0x0  }
0x111: {  	s3 =	rddreg [dreg:$0x2];
	[bflag:$0x3] =	sbarrier.arrive $0xFFFF;
	s2 =	simm.s32 @!p0 $0x1C03  }
0x112: {  	[timem:s3], [sflag:s2] =	dma.local @!p0 [hbm:s0], s1  }
0x113: {  	s0 =	simm.s32 @!p0 $0x3  }
0x114: {  	_ =	swait.ge @!p0 [sflag:s0], s1  }
0x115: {  	s1 =	ssub.s32 @!p0 $0x0, s1;
	[sflag:s0] =	ssyncset.done @!p0 $0x0  }
0x116: {  	[sflag:s0] =	ssyncadd.s32 @!p0 s1  }
0x117: {  	[bflag:$0x3] =	sbarrier.arrive $0xFFFF  }
0x118: {  	_ =	shalt  }

</sc_bundles>
